<compile_context>
chip_gen: v7x
topology: tpu7x:2x2x1
jax: 0.10.2.dev20260603
libtpu: 0.0.44.dev20260713+nightly
codegen_flags: <defaults>
</compile_context>

<pallas_src>
import functools
import jax
import jax.numpy as jnp
from jax import lax
from jax.experimental import pallas as pl
from jax.experimental.pallas import tpu as pltpu
from jax.experimental.pallas import tpu_sc as plsc

NC, NS = 2, 16
NW = NC * NS
N = 10000
NP = 10240
RPT = NP // NS
E = 320000
EP = 327680
EPT = EP // NW
CH = 128
NCHUNK = EPT // CH
ECH = 128
ENCH = EPT // ECH
D = 128
G = 128
DEGW = 128
BR = 512
NB = NP // BR

_mesh = plsc.VectorSubcoreMesh(core_axis_name="c", subcore_axis_name="s",
                               num_cores=NC, num_subcores=NS)


@functools.partial(
    pl.kernel,
    out_type=jax.ShapeDtypeStruct((NC, NP, DEGW), jnp.float32),
    mesh=_mesh,
    scratch_types=[
        pltpu.VMEM((NCHUNK, CH), jnp.int32),
        pltpu.VMEM((CH, DEGW), jnp.float32),
        pltpu.VMEM_SHARED((NP, DEGW), jnp.float32),
    ],
)
def _sc_degree(dst_hbm, ones_hbm, zeros_hbm, deg_out, idx_v, ones_v, deg_sh):
    cid = lax.axis_index("c")
    sid = lax.axis_index("s")
    wid = sid * NC + cid
    pltpu.sync_copy(zeros_hbm, deg_sh.at[pl.ds(sid * RPT, RPT)])
    pltpu.sync_copy(dst_hbm.at[wid], idx_v)
    pltpu.sync_copy(ones_hbm, ones_v)
    plsc.subcore_barrier()

    def chunk(c, carry):
        pltpu.sync_copy(ones_v, deg_sh.at[idx_v.at[c]], add=True)
        return carry

    lax.fori_loop(0, NCHUNK, chunk, 0)
    plsc.subcore_barrier()
    pltpu.sync_copy(deg_sh.at[pl.ds(sid * RPT, RPT)],
                    deg_out.at[cid, pl.ds(sid * RPT, RPT)])


RING = 2
IDXR = 8
UNROLL = 8


@functools.partial(
    pl.kernel,
    out_type=jax.ShapeDtypeStruct((NC, NP, D), jnp.float32),
    mesh=_mesh,
    scratch_types=[
        pltpu.VMEM((IDXR, 2, ECH), jnp.int32),
        pltpu.VMEM((RING, ECH, D), jnp.float32),
        pltpu.VMEM_SHARED((NP, D), jnp.float32),
        pltpu.SemaphoreType.DMA((IDXR,)),
        pltpu.SemaphoreType.DMA((RING,)),
    ],
)
def _sc_edge_agg(y_hbm, e_hbm, zeros_hbm, acc_out,
                 idxr_v, stage_v, acc_sh, isem, gsem):
    cid = lax.axis_index("c")
    sid = lax.axis_index("s")
    wid = sid * NC + cid
    pltpu.sync_copy(zeros_hbm, acc_sh.at[pl.ds(sid * RPT, RPT)])
    for u in range(IDXR):
        pltpu.async_copy(e_hbm.at[wid, u], idxr_v.at[u], isem.at[u])
    plsc.subcore_barrier()
    for c in range(RING):
        pltpu.make_async_copy(e_hbm.at[wid, c], idxr_v.at[c],
                              isem.at[c]).wait()
        pltpu.async_copy(y_hbm.at[idxr_v.at[c, 0]], stage_v.at[c],
                         gsem.at[c])

    def group(g, carry):
        for k in range(UNROLL):
            c = g * UNROLL + k
            r = k % RING
            u = k % IDXR
            un = (k + RING) % IDXR
            pltpu.make_async_copy(y_hbm.at[idxr_v.at[u, 0]], stage_v.at[r],
                                  gsem.at[r]).wait()
            pltpu.sync_copy(stage_v.at[r], acc_sh.at[idxr_v.at[u, 1]],
                            add=True)
            @pl.when(c + RING < ENCH)
            def _():
                pltpu.make_async_copy(e_hbm.at[wid, un], idxr_v.at[un],
                                      isem.at[un]).wait()
                pltpu.async_copy(y_hbm.at[idxr_v.at[un, 0]], stage_v.at[r],
                                 gsem.at[r])
            @pl.when(c + IDXR < ENCH)
            def _():
                pltpu.async_copy(e_hbm.at[wid, c + IDXR], idxr_v.at[u],
                                 isem.at[u])
        return carry

    lax.fori_loop(0, ENCH // UNROLL, group, 0)
    plsc.subcore_barrier()
    pltpu.sync_copy(acc_sh.at[pl.ds(sid * RPT, RPT)],
                    acc_out.at[cid, pl.ds(sid * RPT, RPT)])


def _t1_body(x_ref, w_ref, y_ref):
    y_ref[...] = jnp.dot(x_ref[...], w_ref[...],
                         preferred_element_type=jnp.float32)


def _t1(x_p, W1):
    return pl.pallas_call(
        _t1_body,
        grid=(NB,),
        in_specs=[
            pl.BlockSpec((BR, D), lambda i: (i, 0)),
            pl.BlockSpec((D, D), lambda i: (0, 0)),
        ],
        out_specs=pl.BlockSpec((BR, D), lambda i: (i, 0)),
        out_shape=jax.ShapeDtypeStruct((NP, D), jnp.float32),
    )(x_p, W1)


def _t1b_body(xw_ref, degp_ref, y_ref):
    deg = degp_ref[0, :, :1] + degp_ref[1, :, :1] + 1.0
    y_ref[...] = lax.rsqrt(deg) * xw_ref[...]


def _t1b(xw, degp):
    return pl.pallas_call(
        _t1b_body,
        grid=(NB,),
        in_specs=[
            pl.BlockSpec((BR, D), lambda i: (i, 0)),
            pl.BlockSpec((NC, BR, DEGW), lambda i: (0, i, 0)),
        ],
        out_specs=pl.BlockSpec((BR, D), lambda i: (i, 0)),
        out_shape=jax.ShapeDtypeStruct((NP, D), jnp.float32),
    )(xw, degp)


def _t2_body(accp_ref, y1_ref, degp_ref, b_ref, w_ref, y2_ref):
    deg = degp_ref[0, :, :1] + degp_ref[1, :, :1] + 1.0
    dinv = lax.rsqrt(deg)
    a = accp_ref[0] + accp_ref[1] + y1_ref[...]
    h = dinv * a + b_ref[...]
    h = jnp.where(h > 0, h, jnp.exp(jnp.minimum(h, 0.0)) - 1.0)
    y2_ref[...] = dinv * jnp.dot(h, w_ref[...],
                                 preferred_element_type=jnp.float32)


def _t2(accp, y1, degp, b1, W2):
    return pl.pallas_call(
        _t2_body,
        grid=(NB,),
        in_specs=[
            pl.BlockSpec((NC, BR, D), lambda i: (0, i, 0)),
            pl.BlockSpec((BR, D), lambda i: (i, 0)),
            pl.BlockSpec((NC, BR, DEGW), lambda i: (0, i, 0)),
            pl.BlockSpec((1, D), lambda i: (0, 0)),
            pl.BlockSpec((D, D), lambda i: (0, 0)),
        ],
        out_specs=pl.BlockSpec((BR, D), lambda i: (i, 0)),
        out_shape=jax.ShapeDtypeStruct((NP, D), jnp.float32),
    )(accp, y1, degp, b1, W2)


def _t3_body(accp_ref, y2_ref, degp_ref, b_ref, batch_ref,
             fc1w_ref, fc1b_ref, fc2w_ref, fc2b_ref, out_ref,
             pool_acc, cnt_acc):
    i = pl.program_id(0)

    @pl.when(i == 0)
    def _():
        pool_acc[...] = jnp.zeros_like(pool_acc)
        cnt_acc[...] = jnp.zeros_like(cnt_acc)

    deg = degp_ref[0, :, :1] + degp_ref[1, :, :1] + 1.0
    dinv = lax.rsqrt(deg)
    h2 = dinv * (accp_ref[0] + accp_ref[1] + y2_ref[...]) + b_ref[...]
    gids = lax.broadcasted_iota(jnp.int32, (BR, G), 1)
    onehot = (batch_ref[...] == gids).astype(jnp.float32)
    dn = (((0,), (0,)), ((), ()))
    pool_acc[...] += lax.dot_general(onehot, h2, dn,
                                     preferred_element_type=jnp.float32)
    cnt_acc[...] += lax.dot_general(onehot, jnp.ones((BR, 1), jnp.float32),
                                    dn, preferred_element_type=jnp.float32)

    @pl.when(i == NB - 1)
    def _():
        pooled = pool_acc[...] / jnp.maximum(cnt_acc[...], 1.0)
        z = jnp.dot(pooled, fc1w_ref[...],
                    preferred_element_type=jnp.float32) + fc1b_ref[...]
        z = jnp.maximum(z, 0.0)
        z = jnp.dot(z, fc2w_ref[...],
                    preferred_element_type=jnp.float32) + fc2b_ref[...]
        col = lax.broadcasted_iota(jnp.int32, (G, D), 1)
        valid = col < 10
        zm = jnp.where(valid, z, -1e30)
        m = jnp.max(zm, axis=1, keepdims=True)
        ex = jnp.where(valid, jnp.exp(zm - m), 0.0)
        s = jnp.sum(ex, axis=1, keepdims=True)
        out_ref[...] = z - m - jnp.log(s)


def _t3(accp, y2, degp, b2, batch_p, fc1w, fc1b, fc2w, fc2b):
    return pl.pallas_call(
        _t3_body,
        grid=(NB,),
        in_specs=[
            pl.BlockSpec((NC, BR, D), lambda i: (0, i, 0)),
            pl.BlockSpec((BR, D), lambda i: (i, 0)),
            pl.BlockSpec((NC, BR, DEGW), lambda i: (0, i, 0)),
            pl.BlockSpec((1, D), lambda i: (0, 0)),
            pl.BlockSpec((BR, 1), lambda i: (i, 0)),
            pl.BlockSpec((D, D), lambda i: (0, 0)),
            pl.BlockSpec((1, D), lambda i: (0, 0)),
            pl.BlockSpec((D, D), lambda i: (0, 0)),
            pl.BlockSpec((1, D), lambda i: (0, 0)),
        ],
        out_specs=pl.BlockSpec((G, D), lambda i: (0, 0)),
        out_shape=jax.ShapeDtypeStruct((G, D), jnp.float32),
        scratch_shapes=[
            pltpu.VMEM((G, D), jnp.float32),
            pltpu.VMEM((G, 1), jnp.float32),
        ],
    )(accp, y2, degp, b2, batch_p, fc1w, fc1b, fc2w, fc2b)


def kernel(x, edge_index, batch, W1, b1, W2, b2, fc1_W, fc1_b, fc2_W, fc2_b):
    f32 = jnp.float32
    x_p = jnp.zeros((NP, D), f32).at[:N].set(x)
    src = edge_index[0]
    dst = edge_index[1]
    src_p = jnp.concatenate([src, jnp.full((EP - E,), N, jnp.int32)])
    dst_p = jnp.concatenate([dst, jnp.full((EP - E,), NP - 1, jnp.int32)])
    e_r = jnp.stack([src_p.reshape(NW, ENCH, ECH),
                     dst_p.reshape(NW, ENCH, ECH)], axis=2)
    dst_rd = dst_p.reshape(NW, NCHUNK, CH)
    batch_p = jnp.full((NP, 1), G, jnp.int32).at[:N, 0].set(batch)

    ones_rows = jnp.ones((CH, DEGW), f32)
    zeros_deg = jnp.zeros((RPT, DEGW), f32)
    zeros_acc = jnp.zeros((RPT, D), f32)

    b1r = b1.reshape(1, D)
    b2r = b2.reshape(1, D)
    fc1w_p = jnp.zeros((D, D), f32).at[:, :20].set(fc1_W)
    fc1b_p = jnp.zeros((1, D), f32).at[0, :20].set(fc1_b)
    fc2w_p = jnp.zeros((D, D), f32).at[:20, :10].set(fc2_W)
    fc2b_p = jnp.zeros((1, D), f32).at[0, :10].set(fc2_b)

    xw = _t1(x_p, W1)
    degp = _sc_degree(dst_rd, ones_rows, zeros_deg)
    y1 = _t1b(xw, degp)
    acc1 = _sc_edge_agg(y1, e_r, zeros_acc)
    y2 = _t2(acc1, y1, degp, b1r, W2)
    acc2 = _sc_edge_agg(y2, e_r, zeros_acc)
    out = _t3(acc2, y2, degp, b2r, batch_p, fc1w_p, fc1b_p, fc2w_p, fc2b_p)
    return out[:, :10]

# --- scband reference (transcript-rebuilt; emitter-appended) ---
"""Pipeline reference for scband-gcn-11647951307429 (READ-ONLY COPY).

The authoritative reference and input builder live on the scoring server;
editing this copy changes nothing except your own understanding.
"""

import jax, jax.numpy as jnp
import numpy as np

N_NODES = 10000
N_EDGES = 320000
D_IN = 128
D_HID = 128
D_OUT = 10
N_GRAPHS = 128


def gcn_conv(x, edge_index, W, b, n_nodes):
    # x' = D^{-1/2} (A + I) D^{-1/2} X W + b  (PyG GCNConv, add_self_loops=True)
    src = edge_index[0]
    dst = edge_index[1]
    loop = jnp.arange(n_nodes, dtype=src.dtype)
    src = jnp.concatenate([src, loop])
    dst = jnp.concatenate([dst, loop])
    deg = jnp.zeros((n_nodes,), dtype=x.dtype).at[dst].add(1.0)
    deg_inv_sqrt = jnp.where(deg > 0, jax.lax.rsqrt(jnp.maximum(deg, 1e-12)), 0.0)
    norm = deg_inv_sqrt[src] * deg_inv_sqrt[dst]
    xw = x @ W
    msg = jnp.take(xw, src, axis=0) * norm[:, None]
    out = jnp.zeros((n_nodes, W.shape[1]), dtype=x.dtype).at[dst].add(msg)
    return out + b


def setup_inputs(seed: int = 0) -> dict:
    key = jax.random.key(seed)
    ks = jax.random.split(key, 12)
    x = jax.random.normal(ks[0], (N_NODES, D_IN), dtype=jnp.float32)
    edge_index = jax.random.randint(ks[1], (2, N_EDGES), 0, N_NODES, dtype=jnp.int32)
    batch = jnp.sort(jax.random.randint(ks[2], (N_NODES,), 0, N_GRAPHS, dtype=jnp.int32))
    W1 = jax.random.normal(ks[3], (D_IN, D_HID), dtype=jnp.float32) * (1.0 / np.sqrt(D_IN))
    b1 = jnp.zeros((D_HID,), dtype=jnp.float32)
    W2 = jax.random.normal(ks[4], (D_HID, D_HID), dtype=jnp.float32) * (1.0 / np.sqrt(D_HID))
    b2 = jnp.zeros((D_HID,), dtype=jnp.float32)
    fc1_W = jax.random.normal(ks[5], (D_HID, 20), dtype=jnp.float32) * (1.0 / np.sqrt(D_HID))
    fc1_b = jnp.zeros((20,), dtype=jnp.float32)
    fc2_W = jax.random.normal(ks[6], (20, D_OUT), dtype=jnp.float32) * (1.0 / np.sqrt(20))
    fc2_b = jnp.zeros((D_OUT,), dtype=jnp.float32)
    return {"x": x, "edge_index": edge_index, "batch": batch, "W1": W1, "b1": b1,
            "W2": W2, "b2": b2, "fc1_W": fc1_W, "fc1_b": fc1_b, "fc2_W": fc2_W, "fc2_b": fc2_b}


def reference(x, edge_index, batch, W1, b1, W2, b2, fc1_W, fc1_b, fc2_W, fc2_b):
    n_nodes = x.shape[0]
    # eval mode: dropout layers are identity
    h = gcn_conv(x, edge_index, W1, b1, n_nodes)
    h = jax.nn.elu(h)
    h = gcn_conv(h, edge_index, W2, b2, n_nodes)
    # global_mean_pool over batch assignment
    sums = jnp.zeros((N_GRAPHS, h.shape[1]), dtype=h.dtype).at[batch].add(h)
    counts = jnp.zeros((N_GRAPHS,), dtype=h.dtype).at[batch].add(1.0)
    pooled = sums / jnp.maximum(counts, 1.0)[:, None]
    z = jax.nn.relu(pooled @ fc1_W + fc1_b)
    z = z @ fc2_W + fc2_b
    return jax.nn.log_softmax(z, axis=1)

if __name__ == "__main__":
    import jax
    _d = setup_inputs()
    print(jax.jit(kernel)(*tuple(_d.values())))

</pallas_src>

<mosaic_0001>
#map = affine_map<(d0, d1) -> (0, 0)>
#map1 = affine_map<(d0, d1) -> (0, 0, 0, 0)>
#map2 = affine_map<(d0, d1) -> (0, 0, 0)>
module attributes {stable_mosaic.version = 14 : i64} {
  func.func @_sc_edge_agg(%arg0: i32, %arg1: i32, %arg2: memref<10240x128xf32, #tpu.memory_space<hbm>>, %arg3: memref<32x80x2x128xi32, #tpu.memory_space<hbm>>, %arg4: memref<640x128xf32, #tpu.memory_space<hbm>>, %arg5: memref<2x10240x128xf32, #tpu.memory_space<hbm>>, %arg6: memref<8x2x128xi32, #tpu.memory_space<vmem>>, %arg7: memref<2x128x128xf32, #tpu.memory_space<vmem>>, %arg8: memref<10240x128xf32, #tpu.memory_space<vmem_shared>>, %arg9: memref<8x!tpu.dma_semaphore, #tpu.memory_space<semaphore_mem>>, %arg10: memref<2x!tpu.dma_semaphore, #tpu.memory_space<semaphore_mem>>) attributes {dimension_semantics = [#tpu.dimension_semantics<core_parallel>, #tpu.dimension_semantics<subcore_parallel>], iteration_bounds = array<i64: 2, 16>, scalar_prefetch = 0 : i64, scratch_operands = 5 : i64, tpu.core_type = #tpu.core_type<sc_vector_subcore>, window_params = [{transform_indices = #map}, {transform_indices = #map1}, {transform_indices = #map}, {transform_indices = #map2}]} {
    %mul3A = arith.constant 2 : i32
    %mul3A_0 = arith.muli %arg1, %mul3A : i32
    %add3A = arith.addi %mul3A_0, %arg0 : i32
    %mul3A_1 = arith.constant 640 : i32
    %mul3A_2 = arith.muli %arg1, %mul3A_1 : i32
    "tpu.region"() ({
      %run_scoped3A = tpu.sem_alloc : memref<!tpu.dma_semaphore, #tpu.memory_space<semaphore_mem>>
      %dma_start3A_253 = arith.constant 0 : i32
      %dma_start3A_254 = tpu.memref_slice %arg8[%mul3A_2, %dma_start3A_253] : memref<10240x128xf32, #tpu.memory_space<vmem_shared>> -> memref<640x128xf32, #tpu.memory_space<vmem_shared>>
      tpu.enqueue_dma source(%arg4 : memref<640x128xf32, #tpu.memory_space<hbm>>) target(%dma_start3A_254 : memref<640x128xf32, #tpu.memory_space<vmem_shared>>) target_semaphore(%run_scoped3A : memref<!tpu.dma_semaphore, #tpu.memory_space<semaphore_mem>>)
      %dma_wait3A_255 = arith.constant 0 : i32
      %dma_wait3A_256 = tpu.memref_slice %arg8[%mul3A_2, %dma_wait3A_255] : memref<10240x128xf32, #tpu.memory_space<vmem_shared>> -> memref<640x128xf32, #tpu.memory_space<vmem_shared>>
      tpu.wait_dma2 semaphore(%run_scoped3A : memref<!tpu.dma_semaphore, #tpu.memory_space<semaphore_mem>>) src(%arg4 : memref<640x128xf32, #tpu.memory_space<hbm>>) dst(%dma_wait3A_256 : memref<640x128xf32, #tpu.memory_space<vmem_shared>>)
      tpu.yield
    }) : () -> ()
    %dma_start3A = arith.constant 0 : i32
    %dma_start3A_3 = arith.constant 0 : i32
    %dma_start3A_4 = arith.constant 0 : i32
    %dma_start3A_5 = arith.constant 0 : i32
    %dma_start3A_6 = arith.constant 0 : i32
    %dma_start3A_7 = tpu.memref_slice %arg6[%dma_start3A_3, %dma_start3A_5, %dma_start3A_6] : memref<8x2x128xi32, #tpu.memory_space<vmem>> -> memref<1x2x128xi32, #tpu.memory_space<vmem>>
    %dma_start3A_8 = tpu.memref_squeeze %dma_start3A_7 : memref<1x2x128xi32, #tpu.memory_space<vmem>> -> memref<2x128xi32, #tpu.memory_space<vmem>>
    %dma_start3A_9 = arith.constant 0 : i32
    %dma_start3A_10 = arith.constant 0 : i32
    %dma_start3A_11 = tpu.memref_slice %arg3[%add3A, %dma_start3A, %dma_start3A_9, %dma_start3A_10] : memref<32x80x2x128xi32, #tpu.memory_space<hbm>> -> memref<1x1x2x128xi32, #tpu.memory_space<hbm>>
    %dma_start3A_12 = tpu.memref_squeeze %dma_start3A_11 : memref<1x1x2x128xi32, #tpu.memory_space<hbm>> -> memref<2x128xi32, #tpu.memory_space<hbm>>
    %dma_start3A_13 = tpu.memref_slice %arg9[%dma_start3A_4] : memref<8x!tpu.dma_semaphore, #tpu.memory_space<semaphore_mem>> -> memref<1x!tpu.dma_semaphore, #tpu.memory_space<semaphore_mem>>
    %dma_start3A_14 = tpu.memref_squeeze %dma_start3A_13 : memref<1x!tpu.dma_semaphore, #tpu.memory_space<semaphore_mem>> -> memref<!tpu.dma_semaphore, #tpu.memory_space<semaphore_mem>>
    %dma_start3A_15 = arith.constant 0 : i32
    %dma_start3A_16 = arith.constant 0 : i32
    %dma_start3A_17 = tpu.memref_slice %arg6[%dma_start3A_3, %dma_start3A_15, %dma_start3A_16] : memref<8x2x128xi32, #tpu.memory_space<vmem>> -> memref<1x2x128xi32, #tpu.memory_space<vmem>>
    %dma_start3A_18 = tpu.memref_squeeze %dma_start3A_17 : memref<1x2x128xi32, #tpu.memory_space<vmem>> -> memref<2x128xi32, #tpu.memory_space<vmem>>
    %dma_start3A_19 = arith.constant 0 : i32
    %dma_start3A_20 = arith.constant 0 : i32
    %dma_start3A_21 = tpu.memref_slice %arg3[%add3A, %dma_start3A, %dma_start3A_19, %dma_start3A_20] : memref<32x80x2x128xi32, #tpu.memory_space<hbm>> -> memref<1x1x2x128xi32, #tpu.memory_space<hbm>>
    %dma_start3A_22 = tpu.memref_squeeze %dma_start3A_21 : memref<1x1x2x128xi32, #tpu.memory_space<hbm>> -> memref<2x128xi32, #tpu.memory_space<hbm>>
    tpu.enqueue_dma source(%dma_start3A_22 : memref<2x128xi32, #tpu.memory_space<hbm>>) target(%dma_start3A_18 : memref<2x128xi32, #tpu.memory_space<vmem>>) target_semaphore(%dma_start3A_14 : memref<!tpu.dma_semaphore, #tpu.memory_space<semaphore_mem>>)
    %dma_start3A_23 = arith.constant 1 : i32
    %dma_start3A_24 = arith.constant 1 : i32
    %dma_start3A_25 = arith.constant 1 : i32
    %dma_start3A_26 = arith.constant 0 : i32
    %dma_start3A_27 = arith.constant 0 : i32
    %dma_start3A_28 = tpu.memref_slice %arg6[%dma_start3A_24, %dma_start3A_26, %dma_start3A_27] : memref<8x2x128xi32, #tpu.memory_space<vmem>> -> memref<1x2x128xi32, #tpu.memory_space<vmem>>
    %dma_start3A_29 = tpu.memref_squeeze %dma_start3A_28 : memref<1x2x128xi32, #tpu.memory_space<vmem>> -> memref<2x128xi32, #tpu.memory_space<vmem>>
    %dma_start3A_30 = arith.constant 0 : i32
    %dma_start3A_31 = arith.constant 0 : i32
    %dma_start3A_32 = tpu.memref_slice %arg3[%add3A, %dma_start3A_23, %dma_start3A_30, %dma_start3A_31] : memref<32x80x2x128xi32, #tpu.memory_space<hbm>> -> memref<1x1x2x128xi32, #tpu.memory_space<hbm>>
    %dma_start3A_33 = tpu.memref_squeeze %dma_start3A_32 : memref<1x1x2x128xi32, #tpu.memory_space<hbm>> -> memref<2x128xi32, #tpu.memory_space<hbm>>
    %dma_start3A_34 = tpu.memref_slice %arg9[%dma_start3A_25] : memref<8x!tpu.dma_semaphore, #tpu.memory_space<semaphore_mem>> -> memref<1x!tpu.dma_semaphore, #tpu.memory_space<semaphore_mem>>
    %dma_start3A_35 = tpu.memref_squeeze %dma_start3A_34 : memref<1x!tpu.dma_semaphore, #tpu.memory_space<semaphore_mem>> -> memref<!tpu.dma_semaphore, #tpu.memory_space<semaphore_mem>>
    %dma_start3A_36 = arith.constant 0 : i32
    %dma_start3A_37 = arith.constant 0 : i32
    %dma_start3A_38 = tpu.memref_slice %arg6[%dma_start3A_24, %dma_start3A_36, %dma_start3A_37] : memref<8x2x128xi32, #tpu.memory_space<vmem>> -> memref<1x2x128xi32, #tpu.memory_space<vmem>>
    %dma_start3A_39 = tpu.memref_squeeze %dma_start3A_38 : memref<1x2x128xi32, #tpu.memory_space<vmem>> -> memref<2x128xi32, #tpu.memory_space<vmem>>
    %dma_start3A_40 = arith.constant 0 : i32
    %dma_start3A_41 = arith.constant 0 : i32
    %dma_start3A_42 = tpu.memref_slice %arg3[%add3A, %dma_start3A_23, %dma_start3A_40, %dma_start3A_41] : memref<32x80x2x128xi32, #tpu.memory_space<hbm>> -> memref<1x1x2x128xi32, #tpu.memory_space<hbm>>
    %dma_start3A_43 = tpu.memref_squeeze %dma_start3A_42 : memref<1x1x2x128xi32, #tpu.memory_space<hbm>> -> memref<2x128xi32, #tpu.memory_space<hbm>>
    tpu.enqueue_dma source(%dma_start3A_43 : memref<2x128xi32, #tpu.memory_space<hbm>>) target(%dma_start3A_39 : memref<2x128xi32, #tpu.memory_space<vmem>>) target_semaphore(%dma_start3A_35 : memref<!tpu.dma_semaphore, #tpu.memory_space<semaphore_mem>>)
    %dma_start3A_44 = arith.constant 2 : i32
    %dma_start3A_45 = arith.constant 2 : i32
    %dma_start3A_46 = arith.constant 2 : i32
    %dma_start3A_47 = arith.constant 0 : i32
    %dma_start3A_48 = arith.constant 0 : i32
    %dma_start3A_49 = tpu.memref_slice %arg6[%dma_start3A_45, %dma_start3A_47, %dma_start3A_48] : memref<8x2x128xi32, #tpu.memory_space<vmem>> -> memref<1x2x128xi32, #tpu.memory_space<vmem>>
    %dma_start3A_50 = tpu.memref_squeeze %dma_start3A_49 : memref<1x2x128xi32, #tpu.memory_space<vmem>> -> memref<2x128xi32, #tpu.memory_space<vmem>>
    %dma_start3A_51 = arith.constant 0 : i32
    %dma_start3A_52 = arith.constant 0 : i32
    %dma_start3A_53 = tpu.memref_slice %arg3[%add3A, %dma_start3A_44, %dma_start3A_51, %dma_start3A_52] : memref<32x80x2x128xi32, #tpu.memory_space<hbm>> -> memref<1x1x2x128xi32, #tpu.memory_space<hbm>>
    %dma_start3A_54 = tpu.memref_squeeze %dma_start3A_53 : memref<1x1x2x128xi32, #tpu.memory_space<hbm>> -> memref<2x128xi32, #tpu.memory_space<hbm>>
    %dma_start3A_55 = tpu.memref_slice %arg9[%dma_start3A_46] : memref<8x!tpu.dma_semaphore, #tpu.memory_space<semaphore_mem>> -> memref<1x!tpu.dma_semaphore, #tpu.memory_space<semaphore_mem>>
    %dma_start3A_56 = tpu.memref_squeeze %dma_start3A_55 : memref<1x!tpu.dma_semaphore, #tpu.memory_space<semaphore_mem>> -> memref<!tpu.dma_semaphore, #tpu.memory_space<semaphore_mem>>
    %dma_start3A_57 = arith.constant 0 : i32
    %dma_start3A_58 = arith.constant 0 : i32
    %dma_start3A_59 = tpu.memref_slice %arg6[%dma_start3A_45, %dma_start3A_57, %dma_start3A_58] : memref<8x2x128xi32, #tpu.memory_space<vmem>> -> memref<1x2x128xi32, #tpu.memory_space<vmem>>
    %dma_start3A_60 = tpu.memref_squeeze %dma_start3A_59 : memref<1x2x128xi32, #tpu.memory_space<vmem>> -> memref<2x128xi32, #tpu.memory_space<vmem>>
    %dma_start3A_61 = arith.constant 0 : i32
    %dma_start3A_62 = arith.constant 0 : i32
    %dma_start3A_63 = tpu.memref_slice %arg3[%add3A, %dma_start3A_44, %dma_start3A_61, %dma_start3A_62] : memref<32x80x2x128xi32, #tpu.memory_space<hbm>> -> memref<1x1x2x128xi32, #tpu.memory_space<hbm>>
    %dma_start3A_64 = tpu.memref_squeeze %dma_start3A_63 : memref<1x1x2x128xi32, #tpu.memory_space<hbm>> -> memref<2x128xi32, #tpu.memory_space<hbm>>
    tpu.enqueue_dma source(%dma_start3A_64 : memref<2x128xi32, #tpu.memory_space<hbm>>) target(%dma_start3A_60 : memref<2x128xi32, #tpu.memory_space<vmem>>) target_semaphore(%dma_start3A_56 : memref<!tpu.dma_semaphore, #tpu.memory_space<semaphore_mem>>)
    %dma_start3A_65 = arith.constant 3 : i32
    %dma_start3A_66 = arith.constant 3 : i32
    %dma_start3A_67 = arith.constant 3 : i32
    %dma_start3A_68 = arith.constant 0 : i32
    %dma_start3A_69 = arith.constant 0 : i32
    %dma_start3A_70 = tpu.memref_slice %arg6[%dma_start3A_66, %dma_start3A_68, %dma_start3A_69] : memref<8x2x128xi32, #tpu.memory_space<vmem>> -> memref<1x2x128xi32, #tpu.memory_space<vmem>>
    %dma_start3A_71 = tpu.memref_squeeze %dma_start3A_70 : memref<1x2x128xi32, #tpu.memory_space<vmem>> -> memref<2x128xi32, #tpu.memory_space<vmem>>
    %dma_start3A_72 = arith.constant 0 : i32
    %dma_start3A_73 = arith.constant 0 : i32
    %dma_start3A_74 = tpu.memref_slice %arg3[%add3A, %dma_start3A_65, %dma_start3A_72, %dma_start3A_73] : memref<32x80x2x128xi32, #tpu.memory_space<hbm>> -> memref<1x1x2x128xi32, #tpu.memory_space<hbm>>
    %dma_start3A_75 = tpu.memref_squeeze %dma_start3A_74 : memref<1x1x2x128xi32, #tpu.memory_space<hbm>> -> memref<2x128xi32, #tpu.memory_space<hbm>>
    %dma_start3A_76 = tpu.memref_slice %arg9[%dma_start3A_67] : memref<8x!tpu.dma_semaphore, #tpu.memory_space<semaphore_mem>> -> memref<1x!tpu.dma_semaphore, #tpu.memory_space<semaphore_mem>>
    %dma_start3A_77 = tpu.memref_squeeze %dma_start3A_76 : memref<1x!tpu.dma_semaphore, #tpu.memory_space<semaphore_mem>> -> memref<!tpu.dma_semaphore, #tpu.memory_space<semaphore_mem>>
    %dma_start3A_78 = arith.constant 0 : i32
    %dma_start3A_79 = arith.constant 0 : i32
    %dma_start3A_80 = tpu.memref_slice %arg6[%dma_start3A_66, %dma_start3A_78, %dma_start3A_79] : memref<8x2x128xi32, #tpu.memory_space<vmem>> -> memref<1x2x128xi32, #tpu.memory_space<vmem>>
    %dma_start3A_81 = tpu.memref_squeeze %dma_start3A_80 : memref<1x2x128xi32, #tpu.memory_space<vmem>> -> memref<2x128xi32, #tpu.memory_space<vmem>>
    %dma_start3A_82 = arith.constant 0 : i32
    %dma_start3A_83 = arith.constant 0 : i32
    %dma_start3A_84 = tpu.memref_slice %arg3[%add3A, %dma_start3A_65, %dma_start3A_82, %dma_start3A_83] : memref<32x80x2x128xi32, #tpu.memory_space<hbm>> -> memref<1x1x2x128xi32, #tpu.memory_space<hbm>>
    %dma_start3A_85 = tpu.memref_squeeze %dma_start3A_84 : memref<1x1x2x128xi32, #tpu.memory_space<hbm>> -> memref<2x128xi32, #tpu.memory_space<hbm>>
    tpu.enqueue_dma source(%dma_start3A_85 : memref<2x128xi32, #tpu.memory_space<hbm>>) target(%dma_start3A_81 : memref<2x128xi32, #tpu.memory_space<vmem>>) target_semaphore(%dma_start3A_77 : memref<!tpu.dma_semaphore, #tpu.memory_space<semaphore_mem>>)
    %dma_start3A_86 = arith.constant 4 : i32
    %dma_start3A_87 = arith.constant 4 : i32
    %dma_start3A_88 = arith.constant 4 : i32
    %dma_start3A_89 = arith.constant 0 : i32
    %dma_start3A_90 = arith.constant 0 : i32
    %dma_start3A_91 = tpu.memref_slice %arg6[%dma_start3A_87, %dma_start3A_89, %dma_start3A_90] : memref<8x2x128xi32, #tpu.memory_space<vmem>> -> memref<1x2x128xi32, #tpu.memory_space<vmem>>
    %dma_start3A_92 = tpu.memref_squeeze %dma_start3A_91 : memref<1x2x128xi32, #tpu.memory_space<vmem>> -> memref<2x128xi32, #tpu.memory_space<vmem>>
    %dma_start3A_93 = arith.constant 0 : i32
    %dma_start3A_94 = arith.constant 0 : i32
    %dma_start3A_95 = tpu.memref_slice %arg3[%add3A, %dma_start3A_86, %dma_start3A_93, %dma_start3A_94] : memref<32x80x2x128xi32, #tpu.memory_space<hbm>> -> memref<1x1x2x128xi32, #tpu.memory_space<hbm>>
    %dma_start3A_96 = tpu.memref_squeeze %dma_start3A_95 : memref<1x1x2x128xi32, #tpu.memory_space<hbm>> -> memref<2x128xi32, #tpu.memory_space<hbm>>
    %dma_start3A_97 = tpu.memref_slice %arg9[%dma_start3A_88] : memref<8x!tpu.dma_semaphore, #tpu.memory_space<semaphore_mem>> -> memref<1x!tpu.dma_semaphore, #tpu.memory_space<semaphore_mem>>
    %dma_start3A_98 = tpu.memref_squeeze %dma_start3A_97 : memref<1x!tpu.dma_semaphore, #tpu.memory_space<semaphore_mem>> -> memref<!tpu.dma_semaphore, #tpu.memory_space<semaphore_mem>>
    %dma_start3A_99 = arith.constant 0 : i32
    %dma_start3A_100 = arith.constant 0 : i32
    %dma_start3A_101 = tpu.memref_slice %arg6[%dma_start3A_87, %dma_start3A_99, %dma_start3A_100] : memref<8x2x128xi32, #tpu.memory_space<vmem>> -> memref<1x2x128xi32, #tpu.memory_space<vmem>>
    %dma_start3A_102 = tpu.memref_squeeze %dma_start3A_101 : memref<1x2x128xi32, #tpu.memory_space<vmem>> -> memref<2x128xi32, #tpu.memory_space<vmem>>
    %dma_start3A_103 = arith.constant 0 : i32
    %dma_start3A_104 = arith.constant 0 : i32
    %dma_start3A_105 = tpu.memref_slice %arg3[%add3A, %dma_start3A_86, %dma_start3A_103, %dma_start3A_104] : memref<32x80x2x128xi32, #tpu.memory_space<hbm>> -> memref<1x1x2x128xi32, #tpu.memory_space<hbm>>
    %dma_start3A_106 = tpu.memref_squeeze %dma_start3A_105 : memref<1x1x2x128xi32, #tpu.memory_space<hbm>> -> memref<2x128xi32, #tpu.memory_space<hbm>>
    tpu.enqueue_dma source(%dma_start3A_106 : memref<2x128xi32, #tpu.memory_space<hbm>>) target(%dma_start3A_102 : memref<2x128xi32, #tpu.memory_space<vmem>>) target_semaphore(%dma_start3A_98 : memref<!tpu.dma_semaphore, #tpu.memory_space<semaphore_mem>>)
    %dma_start3A_107 = arith.constant 5 : i32
    %dma_start3A_108 = arith.constant 5 : i32
    %dma_start3A_109 = arith.constant 5 : i32
    %dma_start3A_110 = arith.constant 0 : i32
    %dma_start3A_111 = arith.constant 0 : i32
    %dma_start3A_112 = tpu.memref_slice %arg6[%dma_start3A_108, %dma_start3A_110, %dma_start3A_111] : memref<8x2x128xi32, #tpu.memory_space<vmem>> -> memref<1x2x128xi32, #tpu.memory_space<vmem>>
    %dma_start3A_113 = tpu.memref_squeeze %dma_start3A_112 : memref<1x2x128xi32, #tpu.memory_space<vmem>> -> memref<2x128xi32, #tpu.memory_space<vmem>>
    %dma_start3A_114 = arith.constant 0 : i32
    %dma_start3A_115 = arith.constant 0 : i32
    %dma_start3A_116 = tpu.memref_slice %arg3[%add3A, %dma_start3A_107, %dma_start3A_114, %dma_start3A_115] : memref<32x80x2x128xi32, #tpu.memory_space<hbm>> -> memref<1x1x2x128xi32, #tpu.memory_space<hbm>>
    %dma_start3A_117 = tpu.memref_squeeze %dma_start3A_116 : memref<1x1x2x128xi32, #tpu.memory_space<hbm>> -> memref<2x128xi32, #tpu.memory_space<hbm>>
    %dma_start3A_118 = tpu.memref_slice %arg9[%dma_start3A_109] : memref<8x!tpu.dma_semaphore, #tpu.memory_space<semaphore_mem>> -> memref<1x!tpu.dma_semaphore, #tpu.memory_space<semaphore_mem>>
    %dma_start3A_119 = tpu.memref_squeeze %dma_start3A_118 : memref<1x!tpu.dma_semaphore, #tpu.memory_space<semaphore_mem>> -> memref<!tpu.dma_semaphore, #tpu.memory_space<semaphore_mem>>
    %dma_start3A_120 = arith.constant 0 : i32
    %dma_start3A_121 = arith.constant 0 : i32
    %dma_start3A_122 = tpu.memref_slice %arg6[%dma_start3A_108, %dma_start3A_120, %dma_start3A_121] : memref<8x2x128xi32, #tpu.memory_space<vmem>> -> memref<1x2x128xi32, #tpu.memory_space<vmem>>
    %dma_start3A_123 = tpu.memref_squeeze %dma_start3A_122 : memref<1x2x128xi32, #tpu.memory_space<vmem>> -> memref<2x128xi32, #tpu.memory_space<vmem>>
    %dma_start3A_124 = arith.constant 0 : i32
    %dma_start3A_125 = arith.constant 0 : i32
    %dma_start3A_126 = tpu.memref_slice %arg3[%add3A, %dma_start3A_107, %dma_start3A_124, %dma_start3A_125] : memref<32x80x2x128xi32, #tpu.memory_space<hbm>> -> memref<1x1x2x128xi32, #tpu.memory_space<hbm>>
    %dma_start3A_127 = tpu.memref_squeeze %dma_start3A_126 : memref<1x1x2x128xi32, #tpu.memory_space<hbm>> -> memref<2x128xi32, #tpu.memory_space<hbm>>
    tpu.enqueue_dma source(%dma_start3A_127 : memref<2x128xi32, #tpu.memory_space<hbm>>) target(%dma_start3A_123 : memref<2x128xi32, #tpu.memory_space<vmem>>) target_semaphore(%dma_start3A_119 : memref<!tpu.dma_semaphore, #tpu.memory_space<semaphore_mem>>)
    %dma_start3A_128 = arith.constant 6 : i32
    %dma_start3A_129 = arith.constant 6 : i32
    %dma_start3A_130 = arith.constant 6 : i32
    %dma_start3A_131 = arith.constant 0 : i32
    %dma_start3A_132 = arith.constant 0 : i32
    %dma_start3A_133 = tpu.memref_slice %arg6[%dma_start3A_129, %dma_start3A_131, %dma_start3A_132] : memref<8x2x128xi32, #tpu.memory_space<vmem>> -> memref<1x2x128xi32, #tpu.memory_space<vmem>>
    %dma_start3A_134 = tpu.memref_squeeze %dma_start3A_133 : memref<1x2x128xi32, #tpu.memory_space<vmem>> -> memref<2x128xi32, #tpu.memory_space<vmem>>
    %dma_start3A_135 = arith.constant 0 : i32
    %dma_start3A_136 = arith.constant 0 : i32
    %dma_start3A_137 = tpu.memref_slice %arg3[%add3A, %dma_start3A_128, %dma_start3A_135, %dma_start3A_136] : memref<32x80x2x128xi32, #tpu.memory_space<hbm>> -> memref<1x1x2x128xi32, #tpu.memory_space<hbm>>
    %dma_start3A_138 = tpu.memref_squeeze %dma_start3A_137 : memref<1x1x2x128xi32, #tpu.memory_space<hbm>> -> memref<2x128xi32, #tpu.memory_space<hbm>>
    %dma_start3A_139 = tpu.memref_slice %arg9[%dma_start3A_130] : memref<8x!tpu.dma_semaphore, #tpu.memory_space<semaphore_mem>> -> memref<1x!tpu.dma_semaphore, #tpu.memory_space<semaphore_mem>>
    %dma_start3A_140 = tpu.memref_squeeze %dma_start3A_139 : memref<1x!tpu.dma_semaphore, #tpu.memory_space<semaphore_mem>> -> memref<!tpu.dma_semaphore, #tpu.memory_space<semaphore_mem>>
    %dma_start3A_141 = arith.constant 0 : i32
    %dma_start3A_142 = arith.constant 0 : i32
    %dma_start3A_143 = tpu.memref_slice %arg6[%dma_start3A_129, %dma_start3A_141, %dma_start3A_142] : memref<8x2x128xi32, #tpu.memory_space<vmem>> -> memref<1x2x128xi32, #tpu.memory_space<vmem>>
    %dma_start3A_144 = tpu.memref_squeeze %dma_start3A_143 : memref<1x2x128xi32, #tpu.memory_space<vmem>> -> memref<2x128xi32, #tpu.memory_space<vmem>>
    %dma_start3A_145 = arith.constant 0 : i32
    %dma_start3A_146 = arith.constant 0 : i32
    %dma_start3A_147 = tpu.memref_slice %arg3[%add3A, %dma_start3A_128, %dma_start3A_145, %dma_start3A_146] : memref<32x80x2x128xi32, #tpu.memory_space<hbm>> -> memref<1x1x2x128xi32, #tpu.memory_space<hbm>>
    %dma_start3A_148 = tpu.memref_squeeze %dma_start3A_147 : memref<1x1x2x128xi32, #tpu.memory_space<hbm>> -> memref<2x128xi32, #tpu.memory_space<hbm>>
    tpu.enqueue_dma source(%dma_start3A_148 : memref<2x128xi32, #tpu.memory_space<hbm>>) target(%dma_start3A_144 : memref<2x128xi32, #tpu.memory_space<vmem>>) target_semaphore(%dma_start3A_140 : memref<!tpu.dma_semaphore, #tpu.memory_space<semaphore_mem>>)
    %dma_start3A_149 = arith.constant 7 : i32
    %dma_start3A_150 = arith.constant 7 : i32
    %dma_start3A_151 = arith.constant 7 : i32
    %dma_start3A_152 = arith.constant 0 : i32
    %dma_start3A_153 = arith.constant 0 : i32
    %dma_start3A_154 = tpu.memref_slice %arg6[%dma_start3A_150, %dma_start3A_152, %dma_start3A_153] : memref<8x2x128xi32, #tpu.memory_space<vmem>> -> memref<1x2x128xi32, #tpu.memory_space<vmem>>
    %dma_start3A_155 = tpu.memref_squeeze %dma_start3A_154 : memref<1x2x128xi32, #tpu.memory_space<vmem>> -> memref<2x128xi32, #tpu.memory_space<vmem>>
    %dma_start3A_156 = arith.constant 0 : i32
    %dma_start3A_157 = arith.constant 0 : i32
    %dma_start3A_158 = tpu.memref_slice %arg3[%add3A, %dma_start3A_149, %dma_start3A_156, %dma_start3A_157] : memref<32x80x2x128xi32, #tpu.memory_space<hbm>> -> memref<1x1x2x128xi32, #tpu.memory_space<hbm>>
    %dma_start3A_159 = tpu.memref_squeeze %dma_start3A_158 : memref<1x1x2x128xi32, #tpu.memory_space<hbm>> -> memref<2x128xi32, #tpu.memory_space<hbm>>
    %dma_start3A_160 = tpu.memref_slice %arg9[%dma_start3A_151] : memref<8x!tpu.dma_semaphore, #tpu.memory_space<semaphore_mem>> -> memref<1x!tpu.dma_semaphore, #tpu.memory_space<semaphore_mem>>
    %dma_start3A_161 = tpu.memref_squeeze %dma_start3A_160 : memref<1x!tpu.dma_semaphore, #tpu.memory_space<semaphore_mem>> -> memref<!tpu.dma_semaphore, #tpu.memory_space<semaphore_mem>>
    %dma_start3A_162 = arith.constant 0 : i32
    %dma_start3A_163 = arith.constant 0 : i32
    %dma_start3A_164 = tpu.memref_slice %arg6[%dma_start3A_150, %dma_start3A_162, %dma_start3A_163] : memref<8x2x128xi32, #tpu.memory_space<vmem>> -> memref<1x2x128xi32, #tpu.memory_space<vmem>>
    %dma_start3A_165 = tpu.memref_squeeze %dma_start3A_164 : memref<1x2x128xi32, #tpu.memory_space<vmem>> -> memref<2x128xi32, #tpu.memory_space<vmem>>
    %dma_start3A_166 = arith.constant 0 : i32
    %dma_start3A_167 = arith.constant 0 : i32
    %dma_start3A_168 = tpu.memref_slice %arg3[%add3A, %dma_start3A_149, %dma_start3A_166, %dma_start3A_167] : memref<32x80x2x128xi32, #tpu.memory_space<hbm>> -> memref<1x1x2x128xi32, #tpu.memory_space<hbm>>
    %dma_start3A_169 = tpu.memref_squeeze %dma_start3A_168 : memref<1x1x2x128xi32, #tpu.memory_space<hbm>> -> memref<2x128xi32, #tpu.memory_space<hbm>>
    tpu.enqueue_dma source(%dma_start3A_169 : memref<2x128xi32, #tpu.memory_space<hbm>>) target(%dma_start3A_165 : memref<2x128xi32, #tpu.memory_space<vmem>>) target_semaphore(%dma_start3A_161 : memref<!tpu.dma_semaphore, #tpu.memory_space<semaphore_mem>>)
    %barrier3A = arith.constant 0 : index
    tpu.barrier barrier_id(%barrier3A)
    %dma_wait3A = arith.constant 0 : i32
    %dma_wait3A_170 = arith.constant 0 : i32
    %dma_wait3A_171 = arith.constant 0 : i32
    %dma_wait3A_172 = arith.constant 0 : i32
    %dma_wait3A_173 = arith.constant 0 : i32
    %dma_wait3A_174 = tpu.memref_slice %arg6[%dma_wait3A_170, %dma_wait3A_172, %dma_wait3A_173] : memref<8x2x128xi32, #tpu.memory_space<vmem>> -> memref<1x2x128xi32, #tpu.memory_space<vmem>>
    %dma_wait3A_175 = tpu.memref_squeeze %dma_wait3A_174 : memref<1x2x128xi32, #tpu.memory_space<vmem>> -> memref<2x128xi32, #tpu.memory_space<vmem>>
    %dma_wait3A_176 = arith.constant 0 : i32
    %dma_wait3A_177 = arith.constant 0 : i32
    %dma_wait3A_178 = tpu.memref_slice %arg3[%add3A, %dma_wait3A, %dma_wait3A_176, %dma_wait3A_177] : memref<32x80x2x128xi32, #tpu.memory_space<hbm>> -> memref<1x1x2x128xi32, #tpu.memory_space<hbm>>
    %dma_wait3A_179 = tpu.memref_squeeze %dma_wait3A_178 : memref<1x1x2x128xi32, #tpu.memory_space<hbm>> -> memref<2x128xi32, #tpu.memory_space<hbm>>
    %dma_wait3A_180 = tpu.memref_slice %arg9[%dma_wait3A_171] : memref<8x!tpu.dma_semaphore, #tpu.memory_space<semaphore_mem>> -> memref<1x!tpu.dma_semaphore, #tpu.memory_space<semaphore_mem>>
    %dma_wait3A_181 = tpu.memref_squeeze %dma_wait3A_180 : memref<1x!tpu.dma_semaphore, #tpu.memory_space<semaphore_mem>> -> memref<!tpu.dma_semaphore, #tpu.memory_space<semaphore_mem>>
    %dma_wait3A_182 = arith.constant 0 : i32
    %dma_wait3A_183 = arith.constant 0 : i32
    %dma_wait3A_184 = tpu.memref_slice %arg6[%dma_wait3A_170, %dma_wait3A_182, %dma_wait3A_183] : memref<8x2x128xi32, #tpu.memory_space<vmem>> -> memref<1x2x128xi32, #tpu.memory_space<vmem>>
    %dma_wait3A_185 = tpu.memref_squeeze %dma_wait3A_184 : memref<1x2x128xi32, #tpu.memory_space<vmem>> -> memref<2x128xi32, #tpu.memory_space<vmem>>
    %dma_wait3A_186 = arith.constant 0 : i32
    %dma_wait3A_187 = arith.constant 0 : i32
    %dma_wait3A_188 = tpu.memref_slice %arg3[%add3A, %dma_wait3A, %dma_wait3A_186, %dma_wait3A_187] : memref<32x80x2x128xi32, #tpu.memory_space<hbm>> -> memref<1x1x2x128xi32, #tpu.memory_space<hbm>>
    %dma_wait3A_189 = tpu.memref_squeeze %dma_wait3A_188 : memref<1x1x2x128xi32, #tpu.memory_space<hbm>> -> memref<2x128xi32, #tpu.memory_space<hbm>>
    tpu.wait_dma2 semaphore(%dma_wait3A_181 : memref<!tpu.dma_semaphore, #tpu.memory_space<semaphore_mem>>) src(%dma_wait3A_189 : memref<2x128xi32, #tpu.memory_space<hbm>>) dst(%dma_wait3A_185 : memref<2x128xi32, #tpu.memory_space<vmem>>)
    %dma_start3A_190 = arith.constant 0 : i32
    %dma_start3A_191 = arith.constant 0 : i32
    %dma_start3A_192 = arith.constant 0 : i32
    %dma_start3A_193 = arith.constant 0 : i32
    %dma_start3A_194 = arith.constant 0 : i32
    %dma_start3A_195 = arith.constant 0 : i32
    %dma_start3A_196 = tpu.memref_slice %arg7[%dma_start3A_192, %dma_start3A_194, %dma_start3A_195] : memref<2x128x128xf32, #tpu.memory_space<vmem>> -> memref<1x128x128xf32, #tpu.memory_space<vmem>>
    %dma_start3A_197 = tpu.memref_squeeze %dma_start3A_196 : memref<1x128x128xf32, #tpu.memory_space<vmem>> -> memref<128x128xf32, #tpu.memory_space<vmem>>
    %dma_start3A_198 = arith.constant 0 : i32
    %dma_start3A_199 = tpu.memref_slice %arg6[%dma_start3A_190, %dma_start3A_191, %dma_start3A_198] : memref<8x2x128xi32, #tpu.memory_space<vmem>> -> memref<1x1x128xi32, #tpu.memory_space<vmem>>
    %dma_start3A_200 = tpu.memref_squeeze %dma_start3A_199 : memref<1x1x128xi32, #tpu.memory_space<vmem>> -> memref<128xi32, #tpu.memory_space<vmem>>
    %dma_start3A_201 = arith.constant 0 : i32
    %dma_start3A_202 = arith.constant 0 : i32
    %dma_start3A_203 = tpu.memref_slice %arg2[%dma_start3A_201, %dma_start3A_202] : memref<10240x128xf32, #tpu.memory_space<hbm>> -> memref<10240x128xf32, #tpu.memory_space<hbm>>
    %dma_start3A_204 = tpu.memref_slice %arg10[%dma_start3A_193] : memref<2x!tpu.dma_semaphore, #tpu.memory_space<semaphore_mem>> -> memref<1x!tpu.dma_semaphore, #tpu.memory_space<semaphore_mem>>
    %dma_start3A_205 = tpu.memref_squeeze %dma_start3A_204 : memref<1x!tpu.dma_semaphore, #tpu.memory_space<semaphore_mem>> -> memref<!tpu.dma_semaphore, #tpu.memory_space<semaphore_mem>>
    tpu.enqueue_indirect_dma source(%dma_start3A_203 : memref<10240x128xf32, #tpu.memory_space<hbm>>) target(%dma_start3A_197 : memref<128x128xf32, #tpu.memory_space<vmem>>) offsets(%dma_start3A_200 : memref<128xi32, #tpu.memory_space<vmem>>) semaphore(%dma_start3A_205 : memref<!tpu.dma_semaphore, #tpu.memory_space<semaphore_mem>>)
    %dma_wait3A_206 = arith.constant 1 : i32
    %dma_wait3A_207 = arith.constant 1 : i32
    %dma_wait3A_208 = arith.constant 1 : i32
    %dma_wait3A_209 = arith.constant 0 : i32
    %dma_wait3A_210 = arith.constant 0 : i32
    %dma_wait3A_211 = tpu.memref_slice %arg6[%dma_wait3A_207, %dma_wait3A_209, %dma_wait3A_210] : memref<8x2x128xi32, #tpu.memory_space<vmem>> -> memref<1x2x128xi32, #tpu.memory_space<vmem>>
    %dma_wait3A_212 = tpu.memref_squeeze %dma_wait3A_211 : memref<1x2x128xi32, #tpu.memory_space<vmem>> -> memref<2x128xi32, #tpu.memory_space<vmem>>
    %dma_wait3A_213 = arith.constant 0 : i32
    %dma_wait3A_214 = arith.constant 0 : i32
    %dma_wait3A_215 = tpu.memref_slice %arg3[%add3A, %dma_wait3A_206, %dma_wait3A_213, %dma_wait3A_214] : memref<32x80x2x128xi32, #tpu.memory_space<hbm>> -> memref<1x1x2x128xi32, #tpu.memory_space<hbm>>
    %dma_wait3A_216 = tpu.memref_squeeze %dma_wait3A_215 : memref<1x1x2x128xi32, #tpu.memory_space<hbm>> -> memref<2x128xi32, #tpu.memory_space<hbm>>
    %dma_wait3A_217 = tpu.memref_slice %arg9[%dma_wait3A_208] : memref<8x!tpu.dma_semaphore, #tpu.memory_space<semaphore_mem>> -> memref<1x!tpu.dma_semaphore, #tpu.memory_space<semaphore_mem>>
    %dma_wait3A_218 = tpu.memref_squeeze %dma_wait3A_217 : memref<1x!tpu.dma_semaphore, #tpu.memory_space<semaphore_mem>> -> memref<!tpu.dma_semaphore, #tpu.memory_space<semaphore_mem>>
    %dma_wait3A_219 = arith.constant 0 : i32
    %dma_wait3A_220 = arith.constant 0 : i32
    %dma_wait3A_221 = tpu.memref_slice %arg6[%dma_wait3A_207, %dma_wait3A_219, %dma_wait3A_220] : memref<8x2x128xi32, #tpu.memory_space<vmem>> -> memref<1x2x128xi32, #tpu.memory_space<vmem>>
    %dma_wait3A_222 = tpu.memref_squeeze %dma_wait3A_221 : memref<1x2x128xi32, #tpu.memory_space<vmem>> -> memref<2x128xi32, #tpu.memory_space<vmem>>
    %dma_wait3A_223 = arith.constant 0 : i32
    %dma_wait3A_224 = arith.constant 0 : i32
    %dma_wait3A_225 = tpu.memref_slice %arg3[%add3A, %dma_wait3A_206, %dma_wait3A_223, %dma_wait3A_224] : memref<32x80x2x128xi32, #tpu.memory_space<hbm>> -> memref<1x1x2x128xi32, #tpu.memory_space<hbm>>
    %dma_wait3A_226 = tpu.memref_squeeze %dma_wait3A_225 : memref<1x1x2x128xi32, #tpu.memory_space<hbm>> -> memref<2x128xi32, #tpu.memory_space<hbm>>
    tpu.wait_dma2 semaphore(%dma_wait3A_218 : memref<!tpu.dma_semaphore, #tpu.memory_space<semaphore_mem>>) src(%dma_wait3A_226 : memref<2x128xi32, #tpu.memory_space<hbm>>) dst(%dma_wait3A_222 : memref<2x128xi32, #tpu.memory_space<vmem>>)
    %dma_start3A_227 = arith.constant 1 : i32
    %dma_start3A_228 = arith.constant 0 : i32
    %dma_start3A_229 = arith.constant 1 : i32
    %dma_start3A_230 = arith.constant 1 : i32
    %dma_start3A_231 = arith.constant 0 : i32
    %dma_start3A_232 = arith.constant 0 : i32
    %dma_start3A_233 = tpu.memref_slice %arg7[%dma_start3A_229, %dma_start3A_231, %dma_start3A_232] : memref<2x128x128xf32, #tpu.memory_space<vmem>> -> memref<1x128x128xf32, #tpu.memory_space<vmem>>
    %dma_start3A_234 = tpu.memref_squeeze %dma_start3A_233 : memref<1x128x128xf32, #tpu.memory_space<vmem>> -> memref<128x128xf32, #tpu.memory_space<vmem>>
    %dma_start3A_235 = arith.constant 0 : i32
    %dma_start3A_236 = tpu.memref_slice %arg6[%dma_start3A_227, %dma_start3A_228, %dma_start3A_235] : memref<8x2x128xi32, #tpu.memory_space<vmem>> -> memref<1x1x128xi32, #tpu.memory_space<vmem>>
    %dma_start3A_237 = tpu.memref_squeeze %dma_start3A_236 : memref<1x1x128xi32, #tpu.memory_space<vmem>> -> memref<128xi32, #tpu.memory_space<vmem>>
    %dma_start3A_238 = arith.constant 0 : i32
    %dma_start3A_239 = arith.constant 0 : i32
    %dma_start3A_240 = tpu.memref_slice %arg2[%dma_start3A_238, %dma_start3A_239] : memref<10240x128xf32, #tpu.memory_space<hbm>> -> memref<10240x128xf32, #tpu.memory_space<hbm>>
    %dma_start3A_241 = tpu.memref_slice %arg10[%dma_start3A_230] : memref<2x!tpu.dma_semaphore, #tpu.memory_space<semaphore_mem>> -> memref<1x!tpu.dma_semaphore, #tpu.memory_space<semaphore_mem>>
    %dma_start3A_242 = tpu.memref_squeeze %dma_start3A_241 : memref<1x!tpu.dma_semaphore, #tpu.memory_space<semaphore_mem>> -> memref<!tpu.dma_semaphore, #tpu.memory_space<semaphore_mem>>
    tpu.enqueue_indirect_dma source(%dma_start3A_240 : memref<10240x128xf32, #tpu.memory_space<hbm>>) target(%dma_start3A_234 : memref<128x128xf32, #tpu.memory_space<vmem>>) offsets(%dma_start3A_237 : memref<128xi32, #tpu.memory_space<vmem>>) semaphore(%dma_start3A_242 : memref<!tpu.dma_semaphore, #tpu.memory_space<semaphore_mem>>)
    %scan3A = arith.constant 0 : i32
    %scan3A_243 = arith.constant 0 : i32
    %scan3A_244 = arith.constant 10 : i32
    %scan3A_245 = arith.addi %scan3A_243, %scan3A_244 : i32
    %scan3A_246 = arith.constant 1 : i32
    scf.for %scan3A_253 = %scan3A_243 to %scan3A_245 step %scan3A_246  : i32 {
      %mul3A_254 = arith.constant 8 : i32
      %mul3A_255 = arith.muli %scan3A_253, %mul3A_254 : i32
      %add3A_256 = arith.constant 0 : i32
      %add3A_257 = arith.addi %mul3A_255, %add3A_256 : i32
      %dma_wait3A_258 = arith.constant 0 : i32
      %dma_wait3A_259 = arith.constant 0 : i32
      %dma_wait3A_260 = arith.constant 0 : i32
      %dma_wait3A_261 = arith.constant 0 : i32
      %dma_wait3A_262 = arith.constant 0 : i32
      %dma_wait3A_263 = arith.constant 0 : i32
      %dma_wait3A_264 = tpu.memref_slice %arg7[%dma_wait3A_260, %dma_wait3A_262, %dma_wait3A_263] : memref<2x128x128xf32, #tpu.memory_space<vmem>> -> memref<1x128x128xf32, #tpu.memory_space<vmem>>
      %dma_wait3A_265 = tpu.memref_squeeze %dma_wait3A_264 : memref<1x128x128xf32, #tpu.memory_space<vmem>> -> memref<128x128xf32, #tpu.memory_space<vmem>>
      %dma_wait3A_266 = arith.constant 0 : i32
      %dma_wait3A_267 = tpu.memref_slice %arg6[%dma_wait3A_258, %dma_wait3A_259, %dma_wait3A_266] : memref<8x2x128xi32, #tpu.memory_space<vmem>> -> memref<1x1x128xi32, #tpu.memory_space<vmem>>
      %dma_wait3A_268 = tpu.memref_squeeze %dma_wait3A_267 : memref<1x1x128xi32, #tpu.memory_space<vmem>> -> memref<128xi32, #tpu.memory_space<vmem>>
      %dma_wait3A_269 = arith.constant 0 : i32
      %dma_wait3A_270 = arith.constant 0 : i32
      %dma_wait3A_271 = tpu.memref_slice %arg2[%dma_wait3A_269, %dma_wait3A_270] : memref<10240x128xf32, #tpu.memory_space<hbm>> -> memref<10240x128xf32, #tpu.memory_space<hbm>>
      %dma_wait3A_272 = tpu.memref_slice %arg10[%dma_wait3A_261] : memref<2x!tpu.dma_semaphore, #tpu.memory_space<semaphore_mem>> -> memref<1x!tpu.dma_semaphore, #tpu.memory_space<semaphore_mem>>
      %dma_wait3A_273 = tpu.memref_squeeze %dma_wait3A_272 : memref<1x!tpu.dma_semaphore, #tpu.memory_space<semaphore_mem>> -> memref<!tpu.dma_semaphore, #tpu.memory_space<semaphore_mem>>
      tpu.wait_indirect_dma semaphore(%dma_wait3A_273 : memref<!tpu.dma_semaphore, #tpu.memory_space<semaphore_mem>>) src(%dma_wait3A_271 : memref<10240x128xf32, #tpu.memory_space<hbm>>) dst(%dma_wait3A_265 : memref<128x128xf32, #tpu.memory_space<vmem>>)
      %run_scoped3A = arith.constant 0 : i32
      %run_scoped3A_274 = arith.constant 0 : i32
      %run_scoped3A_275 = arith.constant 1 : i32
      "tpu.region"() ({
        %run_scoped3A_546 = tpu.sem_alloc : memref<!tpu.dma_semaphore, #tpu.memory_space<semaphore_mem>>
        %dma_start3A_547 = arith.constant 0 : i32
        %dma_start3A_548 = arith.constant 0 : i32
        %dma_start3A_549 = tpu.memref_slice %arg7[%run_scoped3A, %dma_start3A_547, %dma_start3A_548] : memref<2x128x128xf32, #tpu.memory_space<vmem>> -> memref<1x128x128xf32, #tpu.memory_space<vmem>>
        %dma_start3A_550 = tpu.memref_squeeze %dma_start3A_549 : memref<1x128x128xf32, #tpu.memory_space<vmem>> -> memref<128x128xf32, #tpu.memory_space<vmem>>
        %dma_start3A_551 = arith.constant 0 : i32
        %dma_start3A_552 = tpu.memref_slice %arg6[%run_scoped3A_274, %run_scoped3A_275, %dma_start3A_551] : memref<8x2x128xi32, #tpu.memory_space<vmem>> -> memref<1x1x128xi32, #tpu.memory_space<vmem>>
        %dma_start3A_553 = tpu.memref_squeeze %dma_start3A_552 : memref<1x1x128xi32, #tpu.memory_space<vmem>> -> memref<128xi32, #tpu.memory_space<vmem>>
        %dma_start3A_554 = arith.constant 0 : i32
        %dma_start3A_555 = arith.constant 0 : i32
        %dma_start3A_556 = tpu.memref_slice %arg8[%dma_start3A_554, %dma_start3A_555] : memref<10240x128xf32, #tpu.memory_space<vmem_shared>> -> memref<10240x128xf32, #tpu.memory_space<vmem_shared>>
        tpu.enqueue_indirect_dma source(%dma_start3A_550 : memref<128x128xf32, #tpu.memory_space<vmem>>) target(%dma_start3A_556 : memref<10240x128xf32, #tpu.memory_space<vmem_shared>>) offsets(%dma_start3A_553 : memref<128xi32, #tpu.memory_space<vmem>>) semaphore(%run_scoped3A_546 : memref<!tpu.dma_semaphore, #tpu.memory_space<semaphore_mem>>) {add = true}
        %dma_wait3A_557 = arith.constant 0 : i32
        %dma_wait3A_558 = arith.constant 0 : i32
        %dma_wait3A_559 = tpu.memref_slice %arg7[%run_scoped3A, %dma_wait3A_557, %dma_wait3A_558] : memref<2x128x128xf32, #tpu.memory_space<vmem>> -> memref<1x128x128xf32, #tpu.memory_space<vmem>>
        %dma_wait3A_560 = tpu.memref_squeeze %dma_wait3A_559 : memref<1x128x128xf32, #tpu.memory_space<vmem>> -> memref<128x128xf32, #tpu.memory_space<vmem>>
        %dma_wait3A_561 = arith.constant 0 : i32
        %dma_wait3A_562 = tpu.memref_slice %arg6[%run_scoped3A_274, %run_scoped3A_275, %dma_wait3A_561] : memref<8x2x128xi32, #tpu.memory_space<vmem>> -> memref<1x1x128xi32, #tpu.memory_space<vmem>>
        %dma_wait3A_563 = tpu.memref_squeeze %dma_wait3A_562 : memref<1x1x128xi32, #tpu.memory_space<vmem>> -> memref<128xi32, #tpu.memory_space<vmem>>
        %dma_wait3A_564 = arith.constant 0 : i32
        %dma_wait3A_565 = arith.constant 0 : i32
        %dma_wait3A_566 = tpu.memref_slice %arg8[%dma_wait3A_564, %dma_wait3A_565] : memref<10240x128xf32, #tpu.memory_space<vmem_shared>> -> memref<10240x128xf32, #tpu.memory_space<vmem_shared>>
        tpu.wait_indirect_dma semaphore(%run_scoped3A_546 : memref<!tpu.dma_semaphore, #tpu.memory_space<semaphore_mem>>) src(%dma_wait3A_560 : memref<128x128xf32, #tpu.memory_space<vmem>>) dst(%dma_wait3A_566 : memref<10240x128xf32, #tpu.memory_space<vmem_shared>>)
        tpu.yield
      }) : () -> ()
      %add3A_276 = arith.constant 2 : i32
      %add3A_277 = arith.addi %add3A_257, %add3A_276 : i32
      %lt3A = arith.constant 80 : i32
      %lt3A_278 = arith.cmpi slt, %add3A_277, %lt3A : i32
      %convert_element_type3A = arith.extui %lt3A_278 : i1 to i32
      %cond3A = arith.constant 0 : i32
      %cond3A_279 = arith.cmpi ne, %convert_element_type3A, %cond3A : i32
      scf.if %cond3A_279 {
        %dma_wait3A_546 = arith.constant 2 : i32
        %dma_wait3A_547 = arith.constant 2 : i32
        %dma_wait3A_548 = arith.constant 2 : i32
        %dma_wait3A_549 = arith.constant 0 : i32
        %dma_wait3A_550 = arith.constant 0 : i32
        %dma_wait3A_551 = tpu.memref_slice %arg6[%dma_wait3A_547, %dma_wait3A_549, %dma_wait3A_550] : memref<8x2x128xi32, #tpu.memory_space<vmem>> -> memref<1x2x128xi32, #tpu.memory_space<vmem>>
        %dma_wait3A_552 = tpu.memref_squeeze %dma_wait3A_551 : memref<1x2x128xi32, #tpu.memory_space<vmem>> -> memref<2x128xi32, #tpu.memory_space<vmem>>
        %dma_wait3A_553 = arith.constant 0 : i32
        %dma_wait3A_554 = arith.constant 0 : i32
        %dma_wait3A_555 = tpu.memref_slice %arg3[%add3A, %dma_wait3A_546, %dma_wait3A_553, %dma_wait3A_554] : memref<32x80x2x128xi32, #tpu.memory_space<hbm>> -> memref<1x1x2x128xi32, #tpu.memory_space<hbm>>
        %dma_wait3A_556 = tpu.memref_squeeze %dma_wait3A_555 : memref<1x1x2x128xi32, #tpu.memory_space<hbm>> -> memref<2x128xi32, #tpu.memory_space<hbm>>
        %dma_wait3A_557 = tpu.memref_slice %arg9[%dma_wait3A_548] : memref<8x!tpu.dma_semaphore, #tpu.memory_space<semaphore_mem>> -> memref<1x!tpu.dma_semaphore, #tpu.memory_space<semaphore_mem>>
        %dma_wait3A_558 = tpu.memref_squeeze %dma_wait3A_557 : memref<1x!tpu.dma_semaphore, #tpu.memory_space<semaphore_mem>> -> memref<!tpu.dma_semaphore, #tpu.memory_space<semaphore_mem>>
        %dma_wait3A_559 = arith.constant 0 : i32
        %dma_wait3A_560 = arith.constant 0 : i32
        %dma_wait3A_561 = tpu.memref_slice %arg6[%dma_wait3A_547, %dma_wait3A_559, %dma_wait3A_560] : memref<8x2x128xi32, #tpu.memory_space<vmem>> -> memref<1x2x128xi32, #tpu.memory_space<vmem>>
        %dma_wait3A_562 = tpu.memref_squeeze %dma_wait3A_561 : memref<1x2x128xi32, #tpu.memory_space<vmem>> -> memref<2x128xi32, #tpu.memory_space<vmem>>
        %dma_wait3A_563 = arith.constant 0 : i32
        %dma_wait3A_564 = arith.constant 0 : i32
        %dma_wait3A_565 = tpu.memref_slice %arg3[%add3A, %dma_wait3A_546, %dma_wait3A_563, %dma_wait3A_564] : memref<32x80x2x128xi32, #tpu.memory_space<hbm>> -> memref<1x1x2x128xi32, #tpu.memory_space<hbm>>
        %dma_wait3A_566 = tpu.memref_squeeze %dma_wait3A_565 : memref<1x1x2x128xi32, #tpu.memory_space<hbm>> -> memref<2x128xi32, #tpu.memory_space<hbm>>
        tpu.wait_dma2 semaphore(%dma_wait3A_558 : memref<!tpu.dma_semaphore, #tpu.memory_space<semaphore_mem>>) src(%dma_wait3A_566 : memref<2x128xi32, #tpu.memory_space<hbm>>) dst(%dma_wait3A_562 : memref<2x128xi32, #tpu.memory_space<vmem>>)
        %dma_start3A_567 = arith.constant 2 : i32
        %dma_start3A_568 = arith.constant 0 : i32
        %dma_start3A_569 = arith.constant 0 : i32
        %dma_start3A_570 = arith.constant 0 : i32
        %dma_start3A_571 = arith.constant 0 : i32
        %dma_start3A_572 = arith.constant 0 : i32
        %dma_start3A_573 = tpu.memref_slice %arg7[%dma_start3A_569, %dma_start3A_571, %dma_start3A_572] : memref<2x128x128xf32, #tpu.memory_space<vmem>> -> memref<1x128x128xf32, #tpu.memory_space<vmem>>
        %dma_start3A_574 = tpu.memref_squeeze %dma_start3A_573 : memref<1x128x128xf32, #tpu.memory_space<vmem>> -> memref<128x128xf32, #tpu.memory_space<vmem>>
        %dma_start3A_575 = arith.constant 0 : i32
        %dma_start3A_576 = tpu.memref_slice %arg6[%dma_start3A_567, %dma_start3A_568, %dma_start3A_575] : memref<8x2x128xi32, #tpu.memory_space<vmem>> -> memref<1x1x128xi32, #tpu.memory_space<vmem>>
        %dma_start3A_577 = tpu.memref_squeeze %dma_start3A_576 : memref<1x1x128xi32, #tpu.memory_space<vmem>> -> memref<128xi32, #tpu.memory_space<vmem>>
        %dma_start3A_578 = arith.constant 0 : i32
        %dma_start3A_579 = arith.constant 0 : i32
        %dma_start3A_580 = tpu.memref_slice %arg2[%dma_start3A_578, %dma_start3A_579] : memref<10240x128xf32, #tpu.memory_space<hbm>> -> memref<10240x128xf32, #tpu.memory_space<hbm>>
        %dma_start3A_581 = tpu.memref_slice %arg10[%dma_start3A_570] : memref<2x!tpu.dma_semaphore, #tpu.memory_space<semaphore_mem>> -> memref<1x!tpu.dma_semaphore, #tpu.memory_space<semaphore_mem>>
        %dma_start3A_582 = tpu.memref_squeeze %dma_start3A_581 : memref<1x!tpu.dma_semaphore, #tpu.memory_space<semaphore_mem>> -> memref<!tpu.dma_semaphore, #tpu.memory_space<semaphore_mem>>
        tpu.enqueue_indirect_dma source(%dma_start3A_580 : memref<10240x128xf32, #tpu.memory_space<hbm>>) target(%dma_start3A_574 : memref<128x128xf32, #tpu.memory_space<vmem>>) offsets(%dma_start3A_577 : memref<128xi32, #tpu.memory_space<vmem>>) semaphore(%dma_start3A_582 : memref<!tpu.dma_semaphore, #tpu.memory_space<semaphore_mem>>)
      } else {
      }
      %add3A_280 = arith.constant 8 : i32
      %add3A_281 = arith.addi %add3A_257, %add3A_280 : i32
      %lt3A_282 = arith.constant 80 : i32
      %lt3A_283 = arith.cmpi slt, %add3A_281, %lt3A_282 : i32
      %convert_element_type3A_284 = arith.extui %lt3A_283 : i1 to i32
      %cond3A_285 = arith.constant 0 : i32
      %cond3A_286 = arith.cmpi ne, %convert_element_type3A_284, %cond3A_285 : i32
      scf.if %cond3A_286 {
        %add3A_546 = arith.constant 8 : i32
        %add3A_547 = arith.addi %add3A_257, %add3A_546 : i32
        %dma_start3A_548 = arith.constant 0 : i32
        %dma_start3A_549 = arith.constant 0 : i32
        %dma_start3A_550 = arith.constant 0 : i32
        %dma_start3A_551 = arith.constant 0 : i32
        %dma_start3A_552 = tpu.memref_slice %arg6[%dma_start3A_548, %dma_start3A_550, %dma_start3A_551] : memref<8x2x128xi32, #tpu.memory_space<vmem>> -> memref<1x2x128xi32, #tpu.memory_space<vmem>>
        %dma_start3A_553 = tpu.memref_squeeze %dma_start3A_552 : memref<1x2x128xi32, #tpu.memory_space<vmem>> -> memref<2x128xi32, #tpu.memory_space<vmem>>
        %dma_start3A_554 = arith.constant 0 : i32
        %dma_start3A_555 = arith.constant 0 : i32
        %dma_start3A_556 = tpu.memref_slice %arg3[%add3A, %add3A_547, %dma_start3A_554, %dma_start3A_555] : memref<32x80x2x128xi32, #tpu.memory_space<hbm>> -> memref<1x1x2x128xi32, #tpu.memory_space<hbm>>
        %dma_start3A_557 = tpu.memref_squeeze %dma_start3A_556 : memref<1x1x2x128xi32, #tpu.memory_space<hbm>> -> memref<2x128xi32, #tpu.memory_space<hbm>>
        %dma_start3A_558 = tpu.memref_slice %arg9[%dma_start3A_549] : memref<8x!tpu.dma_semaphore, #tpu.memory_space<semaphore_mem>> -> memref<1x!tpu.dma_semaphore, #tpu.memory_space<semaphore_mem>>
        %dma_start3A_559 = tpu.memref_squeeze %dma_start3A_558 : memref<1x!tpu.dma_semaphore, #tpu.memory_space<semaphore_mem>> -> memref<!tpu.dma_semaphore, #tpu.memory_space<semaphore_mem>>
        %dma_start3A_560 = arith.constant 0 : i32
        %dma_start3A_561 = arith.constant 0 : i32
        %dma_start3A_562 = tpu.memref_slice %arg6[%dma_start3A_548, %dma_start3A_560, %dma_start3A_561] : memref<8x2x128xi32, #tpu.memory_space<vmem>> -> memref<1x2x128xi32, #tpu.memory_space<vmem>>
        %dma_start3A_563 = tpu.memref_squeeze %dma_start3A_562 : memref<1x2x128xi32, #tpu.memory_space<vmem>> -> memref<2x128xi32, #tpu.memory_space<vmem>>
        %dma_start3A_564 = arith.constant 0 : i32
        %dma_start3A_565 = arith.constant 0 : i32
        %dma_start3A_566 = tpu.memref_slice %arg3[%add3A, %add3A_547, %dma_start3A_564, %dma_start3A_565] : memref<32x80x2x128xi32, #tpu.memory_space<hbm>> -> memref<1x1x2x128xi32, #tpu.memory_space<hbm>>
        %dma_start3A_567 = tpu.memref_squeeze %dma_start3A_566 : memref<1x1x2x128xi32, #tpu.memory_space<hbm>> -> memref<2x128xi32, #tpu.memory_space<hbm>>
        tpu.enqueue_dma source(%dma_start3A_567 : memref<2x128xi32, #tpu.memory_space<hbm>>) target(%dma_start3A_563 : memref<2x128xi32, #tpu.memory_space<vmem>>) target_semaphore(%dma_start3A_559 : memref<!tpu.dma_semaphore, #tpu.memory_space<semaphore_mem>>)
      } else {
      }
      %mul3A_287 = arith.constant 8 : i32
      %mul3A_288 = arith.muli %scan3A_253, %mul3A_287 : i32
      %add3A_289 = arith.constant 1 : i32
      %add3A_290 = arith.addi %mul3A_288, %add3A_289 : i32
      %dma_wait3A_291 = arith.constant 1 : i32
      %dma_wait3A_292 = arith.constant 0 : i32
      %dma_wait3A_293 = arith.constant 1 : i32
      %dma_wait3A_294 = arith.constant 1 : i32
      %dma_wait3A_295 = arith.constant 0 : i32
      %dma_wait3A_296 = arith.constant 0 : i32
      %dma_wait3A_297 = tpu.memref_slice %arg7[%dma_wait3A_293, %dma_wait3A_295, %dma_wait3A_296] : memref<2x128x128xf32, #tpu.memory_space<vmem>> -> memref<1x128x128xf32, #tpu.memory_space<vmem>>
      %dma_wait3A_298 = tpu.memref_squeeze %dma_wait3A_297 : memref<1x128x128xf32, #tpu.memory_space<vmem>> -> memref<128x128xf32, #tpu.memory_space<vmem>>
      %dma_wait3A_299 = arith.constant 0 : i32
      %dma_wait3A_300 = tpu.memref_slice %arg6[%dma_wait3A_291, %dma_wait3A_292, %dma_wait3A_299] : memref<8x2x128xi32, #tpu.memory_space<vmem>> -> memref<1x1x128xi32, #tpu.memory_space<vmem>>
      %dma_wait3A_301 = tpu.memref_squeeze %dma_wait3A_300 : memref<1x1x128xi32, #tpu.memory_space<vmem>> -> memref<128xi32, #tpu.memory_space<vmem>>
      %dma_wait3A_302 = arith.constant 0 : i32
      %dma_wait3A_303 = arith.constant 0 : i32
      %dma_wait3A_304 = tpu.memref_slice %arg2[%dma_wait3A_302, %dma_wait3A_303] : memref<10240x128xf32, #tpu.memory_space<hbm>> -> memref<10240x128xf32, #tpu.memory_space<hbm>>
      %dma_wait3A_305 = tpu.memref_slice %arg10[%dma_wait3A_294] : memref<2x!tpu.dma_semaphore, #tpu.memory_space<semaphore_mem>> -> memref<1x!tpu.dma_semaphore, #tpu.memory_space<semaphore_mem>>
      %dma_wait3A_306 = tpu.memref_squeeze %dma_wait3A_305 : memref<1x!tpu.dma_semaphore, #tpu.memory_space<semaphore_mem>> -> memref<!tpu.dma_semaphore, #tpu.memory_space<semaphore_mem>>
      tpu.wait_indirect_dma semaphore(%dma_wait3A_306 : memref<!tpu.dma_semaphore, #tpu.memory_space<semaphore_mem>>) src(%dma_wait3A_304 : memref<10240x128xf32, #tpu.memory_space<hbm>>) dst(%dma_wait3A_298 : memref<128x128xf32, #tpu.memory_space<vmem>>)
      %run_scoped3A_307 = arith.constant 1 : i32
      %run_scoped3A_308 = arith.constant 1 : i32
      %run_scoped3A_309 = arith.constant 1 : i32
      "tpu.region"() ({
        %run_scoped3A_546 = tpu.sem_alloc : memref<!tpu.dma_semaphore, #tpu.memory_space<semaphore_mem>>
        %dma_start3A_547 = arith.constant 0 : i32
        %dma_start3A_548 = arith.constant 0 : i32
        %dma_start3A_549 = tpu.memref_slice %arg7[%run_scoped3A_307, %dma_start3A_547, %dma_start3A_548] : memref<2x128x128xf32, #tpu.memory_space<vmem>> -> memref<1x128x128xf32, #tpu.memory_space<vmem>>
        %dma_start3A_550 = tpu.memref_squeeze %dma_start3A_549 : memref<1x128x128xf32, #tpu.memory_space<vmem>> -> memref<128x128xf32, #tpu.memory_space<vmem>>
        %dma_start3A_551 = arith.constant 0 : i32
        %dma_start3A_552 = tpu.memref_slice %arg6[%run_scoped3A_308, %run_scoped3A_309, %dma_start3A_551] : memref<8x2x128xi32, #tpu.memory_space<vmem>> -> memref<1x1x128xi32, #tpu.memory_space<vmem>>
        %dma_start3A_553 = tpu.memref_squeeze %dma_start3A_552 : memref<1x1x128xi32, #tpu.memory_space<vmem>> -> memref<128xi32, #tpu.memory_space<vmem>>
        %dma_start3A_554 = arith.constant 0 : i32
        %dma_start3A_555 = arith.constant 0 : i32
        %dma_start3A_556 = tpu.memref_slice %arg8[%dma_start3A_554, %dma_start3A_555] : memref<10240x128xf32, #tpu.memory_space<vmem_shared>> -> memref<10240x128xf32, #tpu.memory_space<vmem_shared>>
        tpu.enqueue_indirect_dma source(%dma_start3A_550 : memref<128x128xf32, #tpu.memory_space<vmem>>) target(%dma_start3A_556 : memref<10240x128xf32, #tpu.memory_space<vmem_shared>>) offsets(%dma_start3A_553 : memref<128xi32, #tpu.memory_space<vmem>>) semaphore(%run_scoped3A_546 : memref<!tpu.dma_semaphore, #tpu.memory_space<semaphore_mem>>) {add = true}
        %dma_wait3A_557 = arith.constant 0 : i32
        %dma_wait3A_558 = arith.constant 0 : i32
        %dma_wait3A_559 = tpu.memref_slice %arg7[%run_scoped3A_307, %dma_wait3A_557, %dma_wait3A_558] : memref<2x128x128xf32, #tpu.memory_space<vmem>> -> memref<1x128x128xf32, #tpu.memory_space<vmem>>
        %dma_wait3A_560 = tpu.memref_squeeze %dma_wait3A_559 : memref<1x128x128xf32, #tpu.memory_space<vmem>> -> memref<128x128xf32, #tpu.memory_space<vmem>>
        %dma_wait3A_561 = arith.constant 0 : i32
        %dma_wait3A_562 = tpu.memref_slice %arg6[%run_scoped3A_308, %run_scoped3A_309, %dma_wait3A_561] : memref<8x2x128xi32, #tpu.memory_space<vmem>> -> memref<1x1x128xi32, #tpu.memory_space<vmem>>
        %dma_wait3A_563 = tpu.memref_squeeze %dma_wait3A_562 : memref<1x1x128xi32, #tpu.memory_space<vmem>> -> memref<128xi32, #tpu.memory_space<vmem>>
        %dma_wait3A_564 = arith.constant 0 : i32
        %dma_wait3A_565 = arith.constant 0 : i32
        %dma_wait3A_566 = tpu.memref_slice %arg8[%dma_wait3A_564, %dma_wait3A_565] : memref<10240x128xf32, #tpu.memory_space<vmem_shared>> -> memref<10240x128xf32, #tpu.memory_space<vmem_shared>>
        tpu.wait_indirect_dma semaphore(%run_scoped3A_546 : memref<!tpu.dma_semaphore, #tpu.memory_space<semaphore_mem>>) src(%dma_wait3A_560 : memref<128x128xf32, #tpu.memory_space<vmem>>) dst(%dma_wait3A_566 : memref<10240x128xf32, #tpu.memory_space<vmem_shared>>)
        tpu.yield
      }) : () -> ()
      %add3A_310 = arith.constant 2 : i32
      %add3A_311 = arith.addi %add3A_290, %add3A_310 : i32
      %lt3A_312 = arith.constant 80 : i32
      %lt3A_313 = arith.cmpi slt, %add3A_311, %lt3A_312 : i32
      %convert_element_type3A_314 = arith.extui %lt3A_313 : i1 to i32
      %cond3A_315 = arith.constant 0 : i32
      %cond3A_316 = arith.cmpi ne, %convert_element_type3A_314, %cond3A_315 : i32
      scf.if %cond3A_316 {
        %dma_wait3A_546 = arith.constant 3 : i32
        %dma_wait3A_547 = arith.constant 3 : i32
        %dma_wait3A_548 = arith.constant 3 : i32
        %dma_wait3A_549 = arith.constant 0 : i32
        %dma_wait3A_550 = arith.constant 0 : i32
        %dma_wait3A_551 = tpu.memref_slice %arg6[%dma_wait3A_547, %dma_wait3A_549, %dma_wait3A_550] : memref<8x2x128xi32, #tpu.memory_space<vmem>> -> memref<1x2x128xi32, #tpu.memory_space<vmem>>
        %dma_wait3A_552 = tpu.memref_squeeze %dma_wait3A_551 : memref<1x2x128xi32, #tpu.memory_space<vmem>> -> memref<2x128xi32, #tpu.memory_space<vmem>>
        %dma_wait3A_553 = arith.constant 0 : i32
        %dma_wait3A_554 = arith.constant 0 : i32
        %dma_wait3A_555 = tpu.memref_slice %arg3[%add3A, %dma_wait3A_546, %dma_wait3A_553, %dma_wait3A_554] : memref<32x80x2x128xi32, #tpu.memory_space<hbm>> -> memref<1x1x2x128xi32, #tpu.memory_space<hbm>>
        %dma_wait3A_556 = tpu.memref_squeeze %dma_wait3A_555 : memref<1x1x2x128xi32, #tpu.memory_space<hbm>> -> memref<2x128xi32, #tpu.memory_space<hbm>>
        %dma_wait3A_557 = tpu.memref_slice %arg9[%dma_wait3A_548] : memref<8x!tpu.dma_semaphore, #tpu.memory_space<semaphore_mem>> -> memref<1x!tpu.dma_semaphore, #tpu.memory_space<semaphore_mem>>
        %dma_wait3A_558 = tpu.memref_squeeze %dma_wait3A_557 : memref<1x!tpu.dma_semaphore, #tpu.memory_space<semaphore_mem>> -> memref<!tpu.dma_semaphore, #tpu.memory_space<semaphore_mem>>
        %dma_wait3A_559 = arith.constant 0 : i32
        %dma_wait3A_560 = arith.constant 0 : i32
        %dma_wait3A_561 = tpu.memref_slice %arg6[%dma_wait3A_547, %dma_wait3A_559, %dma_wait3A_560] : memref<8x2x128xi32, #tpu.memory_space<vmem>> -> memref<1x2x128xi32, #tpu.memory_space<vmem>>
        %dma_wait3A_562 = tpu.memref_squeeze %dma_wait3A_561 : memref<1x2x128xi32, #tpu.memory_space<vmem>> -> memref<2x128xi32, #tpu.memory_space<vmem>>
        %dma_wait3A_563 = arith.constant 0 : i32
        %dma_wait3A_564 = arith.constant 0 : i32
        %dma_wait3A_565 = tpu.memref_slice %arg3[%add3A, %dma_wait3A_546, %dma_wait3A_563, %dma_wait3A_564] : memref<32x80x2x128xi32, #tpu.memory_space<hbm>> -> memref<1x1x2x128xi32, #tpu.memory_space<hbm>>
        %dma_wait3A_566 = tpu.memref_squeeze %dma_wait3A_565 : memref<1x1x2x128xi32, #tpu.memory_space<hbm>> -> memref<2x128xi32, #tpu.memory_space<hbm>>
        tpu.wait_dma2 semaphore(%dma_wait3A_558 : memref<!tpu.dma_semaphore, #tpu.memory_space<semaphore_mem>>) src(%dma_wait3A_566 : memref<2x128xi32, #tpu.memory_space<hbm>>) dst(%dma_wait3A_562 : memref<2x128xi32, #tpu.memory_space<vmem>>)
        %dma_start3A_567 = arith.constant 3 : i32
        %dma_start3A_568 = arith.constant 0 : i32
        %dma_start3A_569 = arith.constant 1 : i32
        %dma_start3A_570 = arith.constant 1 : i32
        %dma_start3A_571 = arith.constant 0 : i32
        %dma_start3A_572 = arith.constant 0 : i32
        %dma_start3A_573 = tpu.memref_slice %arg7[%dma_start3A_569, %dma_start3A_571, %dma_start3A_572] : memref<2x128x128xf32, #tpu.memory_space<vmem>> -> memref<1x128x128xf32, #tpu.memory_space<vmem>>
        %dma_start3A_574 = tpu.memref_squeeze %dma_start3A_573 : memref<1x128x128xf32, #tpu.memory_space<vmem>> -> memref<128x128xf32, #tpu.memory_space<vmem>>
        %dma_start3A_575 = arith.constant 0 : i32
        %dma_start3A_576 = tpu.memref_slice %arg6[%dma_start3A_567, %dma_start3A_568, %dma_start3A_575] : memref<8x2x128xi32, #tpu.memory_space<vmem>> -> memref<1x1x128xi32, #tpu.memory_space<vmem>>
        %dma_start3A_577 = tpu.memref_squeeze %dma_start3A_576 : memref<1x1x128xi32, #tpu.memory_space<vmem>> -> memref<128xi32, #tpu.memory_space<vmem>>
        %dma_start3A_578 = arith.constant 0 : i32
        %dma_start3A_579 = arith.constant 0 : i32
        %dma_start3A_580 = tpu.memref_slice %arg2[%dma_start3A_578, %dma_start3A_579] : memref<10240x128xf32, #tpu.memory_space<hbm>> -> memref<10240x128xf32, #tpu.memory_space<hbm>>
        %dma_start3A_581 = tpu.memref_slice %arg10[%dma_start3A_570] : memref<2x!tpu.dma_semaphore, #tpu.memory_space<semaphore_mem>> -> memref<1x!tpu.dma_semaphore, #tpu.memory_space<semaphore_mem>>
        %dma_start3A_582 = tpu.memref_squeeze %dma_start3A_581 : memref<1x!tpu.dma_semaphore, #tpu.memory_space<semaphore_mem>> -> memref<!tpu.dma_semaphore, #tpu.memory_space<semaphore_mem>>
        tpu.enqueue_indirect_dma source(%dma_start3A_580 : memref<10240x128xf32, #tpu.memory_space<hbm>>) target(%dma_start3A_574 : memref<128x128xf32, #tpu.memory_space<vmem>>) offsets(%dma_start3A_577 : memref<128xi32, #tpu.memory_space<vmem>>) semaphore(%dma_start3A_582 : memref<!tpu.dma_semaphore, #tpu.memory_space<semaphore_mem>>)
      } else {
      }
      %add3A_317 = arith.constant 8 : i32
      %add3A_318 = arith.addi %add3A_290, %add3A_317 : i32
      %lt3A_319 = arith.constant 80 : i32
      %lt3A_320 = arith.cmpi slt, %add3A_318, %lt3A_319 : i32
      %convert_element_type3A_321 = arith.extui %lt3A_320 : i1 to i32
      %cond3A_322 = arith.constant 0 : i32
      %cond3A_323 = arith.cmpi ne, %convert_element_type3A_321, %cond3A_322 : i32
      scf.if %cond3A_323 {
        %add3A_546 = arith.constant 8 : i32
        %add3A_547 = arith.addi %add3A_290, %add3A_546 : i32
        %dma_start3A_548 = arith.constant 1 : i32
        %dma_start3A_549 = arith.constant 1 : i32
        %dma_start3A_550 = arith.constant 0 : i32
        %dma_start3A_551 = arith.constant 0 : i32
        %dma_start3A_552 = tpu.memref_slice %arg6[%dma_start3A_548, %dma_start3A_550, %dma_start3A_551] : memref<8x2x128xi32, #tpu.memory_space<vmem>> -> memref<1x2x128xi32, #tpu.memory_space<vmem>>
        %dma_start3A_553 = tpu.memref_squeeze %dma_start3A_552 : memref<1x2x128xi32, #tpu.memory_space<vmem>> -> memref<2x128xi32, #tpu.memory_space<vmem>>
        %dma_start3A_554 = arith.constant 0 : i32
        %dma_start3A_555 = arith.constant 0 : i32
        %dma_start3A_556 = tpu.memref_slice %arg3[%add3A, %add3A_547, %dma_start3A_554, %dma_start3A_555] : memref<32x80x2x128xi32, #tpu.memory_space<hbm>> -> memref<1x1x2x128xi32, #tpu.memory_space<hbm>>
        %dma_start3A_557 = tpu.memref_squeeze %dma_start3A_556 : memref<1x1x2x128xi32, #tpu.memory_space<hbm>> -> memref<2x128xi32, #tpu.memory_space<hbm>>
        %dma_start3A_558 = tpu.memref_slice %arg9[%dma_start3A_549] : memref<8x!tpu.dma_semaphore, #tpu.memory_space<semaphore_mem>> -> memref<1x!tpu.dma_semaphore, #tpu.memory_space<semaphore_mem>>
        %dma_start3A_559 = tpu.memref_squeeze %dma_start3A_558 : memref<1x!tpu.dma_semaphore, #tpu.memory_space<semaphore_mem>> -> memref<!tpu.dma_semaphore, #tpu.memory_space<semaphore_mem>>
        %dma_start3A_560 = arith.constant 0 : i32
        %dma_start3A_561 = arith.constant 0 : i32
        %dma_start3A_562 = tpu.memref_slice %arg6[%dma_start3A_548, %dma_start3A_560, %dma_start3A_561] : memref<8x2x128xi32, #tpu.memory_space<vmem>> -> memref<1x2x128xi32, #tpu.memory_space<vmem>>
        %dma_start3A_563 = tpu.memref_squeeze %dma_start3A_562 : memref<1x2x128xi32, #tpu.memory_space<vmem>> -> memref<2x128xi32, #tpu.memory_space<vmem>>
        %dma_start3A_564 = arith.constant 0 : i32
        %dma_start3A_565 = arith.constant 0 : i32
        %dma_start3A_566 = tpu.memref_slice %arg3[%add3A, %add3A_547, %dma_start3A_564, %dma_start3A_565] : memref<32x80x2x128xi32, #tpu.memory_space<hbm>> -> memref<1x1x2x128xi32, #tpu.memory_space<hbm>>
        %dma_start3A_567 = tpu.memref_squeeze %dma_start3A_566 : memref<1x1x2x128xi32, #tpu.memory_space<hbm>> -> memref<2x128xi32, #tpu.memory_space<hbm>>
        tpu.enqueue_dma source(%dma_start3A_567 : memref<2x128xi32, #tpu.memory_space<hbm>>) target(%dma_start3A_563 : memref<2x128xi32, #tpu.memory_space<vmem>>) target_semaphore(%dma_start3A_559 : memref<!tpu.dma_semaphore, #tpu.memory_space<semaphore_mem>>)
      } else {
      }
      %mul3A_324 = arith.constant 8 : i32
      %mul3A_325 = arith.muli %scan3A_253, %mul3A_324 : i32
      %add3A_326 = arith.constant 2 : i32
      %add3A_327 = arith.addi %mul3A_325, %add3A_326 : i32
      %dma_wait3A_328 = arith.constant 2 : i32
      %dma_wait3A_329 = arith.constant 0 : i32
      %dma_wait3A_330 = arith.constant 0 : i32
      %dma_wait3A_331 = arith.constant 0 : i32
      %dma_wait3A_332 = arith.constant 0 : i32
      %dma_wait3A_333 = arith.constant 0 : i32
      %dma_wait3A_334 = tpu.memref_slice %arg7[%dma_wait3A_330, %dma_wait3A_332, %dma_wait3A_333] : memref<2x128x128xf32, #tpu.memory_space<vmem>> -> memref<1x128x128xf32, #tpu.memory_space<vmem>>
      %dma_wait3A_335 = tpu.memref_squeeze %dma_wait3A_334 : memref<1x128x128xf32, #tpu.memory_space<vmem>> -> memref<128x128xf32, #tpu.memory_space<vmem>>
      %dma_wait3A_336 = arith.constant 0 : i32
      %dma_wait3A_337 = tpu.memref_slice %arg6[%dma_wait3A_328, %dma_wait3A_329, %dma_wait3A_336] : memref<8x2x128xi32, #tpu.memory_space<vmem>> -> memref<1x1x128xi32, #tpu.memory_space<vmem>>
      %dma_wait3A_338 = tpu.memref_squeeze %dma_wait3A_337 : memref<1x1x128xi32, #tpu.memory_space<vmem>> -> memref<128xi32, #tpu.memory_space<vmem>>
      %dma_wait3A_339 = arith.constant 0 : i32
      %dma_wait3A_340 = arith.constant 0 : i32
      %dma_wait3A_341 = tpu.memref_slice %arg2[%dma_wait3A_339, %dma_wait3A_340] : memref<10240x128xf32, #tpu.memory_space<hbm>> -> memref<10240x128xf32, #tpu.memory_space<hbm>>
      %dma_wait3A_342 = tpu.memref_slice %arg10[%dma_wait3A_331] : memref<2x!tpu.dma_semaphore, #tpu.memory_space<semaphore_mem>> -> memref<1x!tpu.dma_semaphore, #tpu.memory_space<semaphore_mem>>
      %dma_wait3A_343 = tpu.memref_squeeze %dma_wait3A_342 : memref<1x!tpu.dma_semaphore, #tpu.memory_space<semaphore_mem>> -> memref<!tpu.dma_semaphore, #tpu.memory_space<semaphore_mem>>
      tpu.wait_indirect_dma semaphore(%dma_wait3A_343 : memref<!tpu.dma_semaphore, #tpu.memory_space<semaphore_mem>>) src(%dma_wait3A_341 : memref<10240x128xf32, #tpu.memory_space<hbm>>) dst(%dma_wait3A_335 : memref<128x128xf32, #tpu.memory_space<vmem>>)
      %run_scoped3A_344 = arith.constant 0 : i32
      %run_scoped3A_345 = arith.constant 2 : i32
      %run_scoped3A_346 = arith.constant 1 : i32
      "tpu.region"() ({
        %run_scoped3A_546 = tpu.sem_alloc : memref<!tpu.dma_semaphore, #tpu.memory_space<semaphore_mem>>
        %dma_start3A_547 = arith.constant 0 : i32
        %dma_start3A_548 = arith.constant 0 : i32
        %dma_start3A_549 = tpu.memref_slice %arg7[%run_scoped3A_344, %dma_start3A_547, %dma_start3A_548] : memref<2x128x128xf32, #tpu.memory_space<vmem>> -> memref<1x128x128xf32, #tpu.memory_space<vmem>>
        %dma_start3A_550 = tpu.memref_squeeze %dma_start3A_549 : memref<1x128x128xf32, #tpu.memory_space<vmem>> -> memref<128x128xf32, #tpu.memory_space<vmem>>
        %dma_start3A_551 = arith.constant 0 : i32
        %dma_start3A_552 = tpu.memref_slice %arg6[%run_scoped3A_345, %run_scoped3A_346, %dma_start3A_551] : memref<8x2x128xi32, #tpu.memory_space<vmem>> -> memref<1x1x128xi32, #tpu.memory_space<vmem>>
        %dma_start3A_553 = tpu.memref_squeeze %dma_start3A_552 : memref<1x1x128xi32, #tpu.memory_space<vmem>> -> memref<128xi32, #tpu.memory_space<vmem>>
        %dma_start3A_554 = arith.constant 0 : i32
        %dma_start3A_555 = arith.constant 0 : i32
        %dma_start3A_556 = tpu.memref_slice %arg8[%dma_start3A_554, %dma_start3A_555] : memref<10240x128xf32, #tpu.memory_space<vmem_shared>> -> memref<10240x128xf32, #tpu.memory_space<vmem_shared>>
        tpu.enqueue_indirect_dma source(%dma_start3A_550 : memref<128x128xf32, #tpu.memory_space<vmem>>) target(%dma_start3A_556 : memref<10240x128xf32, #tpu.memory_space<vmem_shared>>) offsets(%dma_start3A_553 : memref<128xi32, #tpu.memory_space<vmem>>) semaphore(%run_scoped3A_546 : memref<!tpu.dma_semaphore, #tpu.memory_space<semaphore_mem>>) {add = true}
        %dma_wait3A_557 = arith.constant 0 : i32
        %dma_wait3A_558 = arith.constant 0 : i32
        %dma_wait3A_559 = tpu.memref_slice %arg7[%run_scoped3A_344, %dma_wait3A_557, %dma_wait3A_558] : memref<2x128x128xf32, #tpu.memory_space<vmem>> -> memref<1x128x128xf32, #tpu.memory_space<vmem>>
        %dma_wait3A_560 = tpu.memref_squeeze %dma_wait3A_559 : memref<1x128x128xf32, #tpu.memory_space<vmem>> -> memref<128x128xf32, #tpu.memory_space<vmem>>
        %dma_wait3A_561 = arith.constant 0 : i32
        %dma_wait3A_562 = tpu.memref_slice %arg6[%run_scoped3A_345, %run_scoped3A_346, %dma_wait3A_561] : memref<8x2x128xi32, #tpu.memory_space<vmem>> -> memref<1x1x128xi32, #tpu.memory_space<vmem>>
        %dma_wait3A_563 = tpu.memref_squeeze %dma_wait3A_562 : memref<1x1x128xi32, #tpu.memory_space<vmem>> -> memref<128xi32, #tpu.memory_space<vmem>>
        %dma_wait3A_564 = arith.constant 0 : i32
        %dma_wait3A_565 = arith.constant 0 : i32
        %dma_wait3A_566 = tpu.memref_slice %arg8[%dma_wait3A_564, %dma_wait3A_565] : memref<10240x128xf32, #tpu.memory_space<vmem_shared>> -> memref<10240x128xf32, #tpu.memory_space<vmem_shared>>
        tpu.wait_indirect_dma semaphore(%run_scoped3A_546 : memref<!tpu.dma_semaphore, #tpu.memory_space<semaphore_mem>>) src(%dma_wait3A_560 : memref<128x128xf32, #tpu.memory_space<vmem>>) dst(%dma_wait3A_566 : memref<10240x128xf32, #tpu.memory_space<vmem_shared>>)
        tpu.yield
      }) : () -> ()
      %add3A_347 = arith.constant 2 : i32
      %add3A_348 = arith.addi %add3A_327, %add3A_347 : i32
      %lt3A_349 = arith.constant 80 : i32
      %lt3A_350 = arith.cmpi slt, %add3A_348, %lt3A_349 : i32
      %convert_element_type3A_351 = arith.extui %lt3A_350 : i1 to i32
      %cond3A_352 = arith.constant 0 : i32
      %cond3A_353 = arith.cmpi ne, %convert_element_type3A_351, %cond3A_352 : i32
      scf.if %cond3A_353 {
        %dma_wait3A_546 = arith.constant 4 : i32
        %dma_wait3A_547 = arith.constant 4 : i32
        %dma_wait3A_548 = arith.constant 4 : i32
        %dma_wait3A_549 = arith.constant 0 : i32
        %dma_wait3A_550 = arith.constant 0 : i32
        %dma_wait3A_551 = tpu.memref_slice %arg6[%dma_wait3A_547, %dma_wait3A_549, %dma_wait3A_550] : memref<8x2x128xi32, #tpu.memory_space<vmem>> -> memref<1x2x128xi32, #tpu.memory_space<vmem>>
        %dma_wait3A_552 = tpu.memref_squeeze %dma_wait3A_551 : memref<1x2x128xi32, #tpu.memory_space<vmem>> -> memref<2x128xi32, #tpu.memory_space<vmem>>
        %dma_wait3A_553 = arith.constant 0 : i32
        %dma_wait3A_554 = arith.constant 0 : i32
        %dma_wait3A_555 = tpu.memref_slice %arg3[%add3A, %dma_wait3A_546, %dma_wait3A_553, %dma_wait3A_554] : memref<32x80x2x128xi32, #tpu.memory_space<hbm>> -> memref<1x1x2x128xi32, #tpu.memory_space<hbm>>
        %dma_wait3A_556 = tpu.memref_squeeze %dma_wait3A_555 : memref<1x1x2x128xi32, #tpu.memory_space<hbm>> -> memref<2x128xi32, #tpu.memory_space<hbm>>
        %dma_wait3A_557 = tpu.memref_slice %arg9[%dma_wait3A_548] : memref<8x!tpu.dma_semaphore, #tpu.memory_space<semaphore_mem>> -> memref<1x!tpu.dma_semaphore, #tpu.memory_space<semaphore_mem>>
        %dma_wait3A_558 = tpu.memref_squeeze %dma_wait3A_557 : memref<1x!tpu.dma_semaphore, #tpu.memory_space<semaphore_mem>> -> memref<!tpu.dma_semaphore, #tpu.memory_space<semaphore_mem>>
        %dma_wait3A_559 = arith.constant 0 : i32
        %dma_wait3A_560 = arith.constant 0 : i32
        %dma_wait3A_561 = tpu.memref_slice %arg6[%dma_wait3A_547, %dma_wait3A_559, %dma_wait3A_560] : memref<8x2x128xi32, #tpu.memory_space<vmem>> -> memref<1x2x128xi32, #tpu.memory_space<vmem>>
        %dma_wait3A_562 = tpu.memref_squeeze %dma_wait3A_561 : memref<1x2x128xi32, #tpu.memory_space<vmem>> -> memref<2x128xi32, #tpu.memory_space<vmem>>
        %dma_wait3A_563 = arith.constant 0 : i32
        %dma_wait3A_564 = arith.constant 0 : i32
        %dma_wait3A_565 = tpu.memref_slice %arg3[%add3A, %dma_wait3A_546, %dma_wait3A_563, %dma_wait3A_564] : memref<32x80x2x128xi32, #tpu.memory_space<hbm>> -> memref<1x1x2x128xi32, #tpu.memory_space<hbm>>
        %dma_wait3A_566 = tpu.memref_squeeze %dma_wait3A_565 : memref<1x1x2x128xi32, #tpu.memory_space<hbm>> -> memref<2x128xi32, #tpu.memory_space<hbm>>
        tpu.wait_dma2 semaphore(%dma_wait3A_558 : memref<!tpu.dma_semaphore, #tpu.memory_space<semaphore_mem>>) src(%dma_wait3A_566 : memref<2x128xi32, #tpu.memory_space<hbm>>) dst(%dma_wait3A_562 : memref<2x128xi32, #tpu.memory_space<vmem>>)
        %dma_start3A_567 = arith.constant 4 : i32
        %dma_start3A_568 = arith.constant 0 : i32
        %dma_start3A_569 = arith.constant 0 : i32
        %dma_start3A_570 = arith.constant 0 : i32
        %dma_start3A_571 = arith.constant 0 : i32
        %dma_start3A_572 = arith.constant 0 : i32
        %dma_start3A_573 = tpu.memref_slice %arg7[%dma_start3A_569, %dma_start3A_571, %dma_start3A_572] : memref<2x128x128xf32, #tpu.memory_space<vmem>> -> memref<1x128x128xf32, #tpu.memory_space<vmem>>
        %dma_start3A_574 = tpu.memref_squeeze %dma_start3A_573 : memref<1x128x128xf32, #tpu.memory_space<vmem>> -> memref<128x128xf32, #tpu.memory_space<vmem>>
        %dma_start3A_575 = arith.constant 0 : i32
        %dma_start3A_576 = tpu.memref_slice %arg6[%dma_start3A_567, %dma_start3A_568, %dma_start3A_575] : memref<8x2x128xi32, #tpu.memory_space<vmem>> -> memref<1x1x128xi32, #tpu.memory_space<vmem>>
        %dma_start3A_577 = tpu.memref_squeeze %dma_start3A_576 : memref<1x1x128xi32, #tpu.memory_space<vmem>> -> memref<128xi32, #tpu.memory_space<vmem>>
        %dma_start3A_578 = arith.constant 0 : i32
        %dma_start3A_579 = arith.constant 0 : i32
        %dma_start3A_580 = tpu.memref_slice %arg2[%dma_start3A_578, %dma_start3A_579] : memref<10240x128xf32, #tpu.memory_space<hbm>> -> memref<10240x128xf32, #tpu.memory_space<hbm>>
        %dma_start3A_581 = tpu.memref_slice %arg10[%dma_start3A_570] : memref<2x!tpu.dma_semaphore, #tpu.memory_space<semaphore_mem>> -> memref<1x!tpu.dma_semaphore, #tpu.memory_space<semaphore_mem>>
        %dma_start3A_582 = tpu.memref_squeeze %dma_start3A_581 : memref<1x!tpu.dma_semaphore, #tpu.memory_space<semaphore_mem>> -> memref<!tpu.dma_semaphore, #tpu.memory_space<semaphore_mem>>
        tpu.enqueue_indirect_dma source(%dma_start3A_580 : memref<10240x128xf32, #tpu.memory_space<hbm>>) target(%dma_start3A_574 : memref<128x128xf32, #tpu.memory_space<vmem>>) offsets(%dma_start3A_577 : memref<128xi32, #tpu.memory_space<vmem>>) semaphore(%dma_start3A_582 : memref<!tpu.dma_semaphore, #tpu.memory_space<semaphore_mem>>)
      } else {
      }
      %add3A_354 = arith.constant 8 : i32
      %add3A_355 = arith.addi %add3A_327, %add3A_354 : i32
      %lt3A_356 = arith.constant 80 : i32
      %lt3A_357 = arith.cmpi slt, %add3A_355, %lt3A_356 : i32
      %convert_element_type3A_358 = arith.extui %lt3A_357 : i1 to i32
      %cond3A_359 = arith.constant 0 : i32
      %cond3A_360 = arith.cmpi ne, %convert_element_type3A_358, %cond3A_359 : i32
      scf.if %cond3A_360 {
        %add3A_546 = arith.constant 8 : i32
        %add3A_547 = arith.addi %add3A_327, %add3A_546 : i32
        %dma_start3A_548 = arith.constant 2 : i32
        %dma_start3A_549 = arith.constant 2 : i32
        %dma_start3A_550 = arith.constant 0 : i32
        %dma_start3A_551 = arith.constant 0 : i32
        %dma_start3A_552 = tpu.memref_slice %arg6[%dma_start3A_548, %dma_start3A_550, %dma_start3A_551] : memref<8x2x128xi32, #tpu.memory_space<vmem>> -> memref<1x2x128xi32, #tpu.memory_space<vmem>>
        %dma_start3A_553 = tpu.memref_squeeze %dma_start3A_552 : memref<1x2x128xi32, #tpu.memory_space<vmem>> -> memref<2x128xi32, #tpu.memory_space<vmem>>
        %dma_start3A_554 = arith.constant 0 : i32
        %dma_start3A_555 = arith.constant 0 : i32
        %dma_start3A_556 = tpu.memref_slice %arg3[%add3A, %add3A_547, %dma_start3A_554, %dma_start3A_555] : memref<32x80x2x128xi32, #tpu.memory_space<hbm>> -> memref<1x1x2x128xi32, #tpu.memory_space<hbm>>
        %dma_start3A_557 = tpu.memref_squeeze %dma_start3A_556 : memref<1x1x2x128xi32, #tpu.memory_space<hbm>> -> memref<2x128xi32, #tpu.memory_space<hbm>>
        %dma_start3A_558 = tpu.memref_slice %arg9[%dma_start3A_549] : memref<8x!tpu.dma_semaphore, #tpu.memory_space<semaphore_mem>> -> memref<1x!tpu.dma_semaphore, #tpu.memory_space<semaphore_mem>>
        %dma_start3A_559 = tpu.memref_squeeze %dma_start3A_558 : memref<1x!tpu.dma_semaphore, #tpu.memory_space<semaphore_mem>> -> memref<!tpu.dma_semaphore, #tpu.memory_space<semaphore_mem>>
        %dma_start3A_560 = arith.constant 0 : i32
        %dma_start3A_561 = arith.constant 0 : i32
        %dma_start3A_562 = tpu.memref_slice %arg6[%dma_start3A_548, %dma_start3A_560, %dma_start3A_561] : memref<8x2x128xi32, #tpu.memory_space<vmem>> -> memref<1x2x128xi32, #tpu.memory_space<vmem>>
        %dma_start3A_563 = tpu.memref_squeeze %dma_start3A_562 : memref<1x2x128xi32, #tpu.memory_space<vmem>> -> memref<2x128xi32, #tpu.memory_space<vmem>>
        %dma_start3A_564 = arith.constant 0 : i32
        %dma_start3A_565 = arith.constant 0 : i32
        %dma_start3A_566 = tpu.memref_slice %arg3[%add3A, %add3A_547, %dma_start3A_564, %dma_start3A_565] : memref<32x80x2x128xi32, #tpu.memory_space<hbm>> -> memref<1x1x2x128xi32, #tpu.memory_space<hbm>>
        %dma_start3A_567 = tpu.memref_squeeze %dma_start3A_566 : memref<1x1x2x128xi32, #tpu.memory_space<hbm>> -> memref<2x128xi32, #tpu.memory_space<hbm>>
        tpu.enqueue_dma source(%dma_start3A_567 : memref<2x128xi32, #tpu.memory_space<hbm>>) target(%dma_start3A_563 : memref<2x128xi32, #tpu.memory_space<vmem>>) target_semaphore(%dma_start3A_559 : memref<!tpu.dma_semaphore, #tpu.memory_space<semaphore_mem>>)
      } else {
      }
      %mul3A_361 = arith.constant 8 : i32
      %mul3A_362 = arith.muli %scan3A_253, %mul3A_361 : i32
      %add3A_363 = arith.constant 3 : i32
      %add3A_364 = arith.addi %mul3A_362, %add3A_363 : i32
      %dma_wait3A_365 = arith.constant 3 : i32
      %dma_wait3A_366 = arith.constant 0 : i32
      %dma_wait3A_367 = arith.constant 1 : i32
      %dma_wait3A_368 = arith.constant 1 : i32
      %dma_wait3A_369 = arith.constant 0 : i32
      %dma_wait3A_370 = arith.constant 0 : i32
      %dma_wait3A_371 = tpu.memref_slice %arg7[%dma_wait3A_367, %dma_wait3A_369, %dma_wait3A_370] : memref<2x128x128xf32, #tpu.memory_space<vmem>> -> memref<1x128x128xf32, #tpu.memory_space<vmem>>
      %dma_wait3A_372 = tpu.memref_squeeze %dma_wait3A_371 : memref<1x128x128xf32, #tpu.memory_space<vmem>> -> memref<128x128xf32, #tpu.memory_space<vmem>>
      %dma_wait3A_373 = arith.constant 0 : i32
      %dma_wait3A_374 = tpu.memref_slice %arg6[%dma_wait3A_365, %dma_wait3A_366, %dma_wait3A_373] : memref<8x2x128xi32, #tpu.memory_space<vmem>> -> memref<1x1x128xi32, #tpu.memory_space<vmem>>
      %dma_wait3A_375 = tpu.memref_squeeze %dma_wait3A_374 : memref<1x1x128xi32, #tpu.memory_space<vmem>> -> memref<128xi32, #tpu.memory_space<vmem>>
      %dma_wait3A_376 = arith.constant 0 : i32
      %dma_wait3A_377 = arith.constant 0 : i32
      %dma_wait3A_378 = tpu.memref_slice %arg2[%dma_wait3A_376, %dma_wait3A_377] : memref<10240x128xf32, #tpu.memory_space<hbm>> -> memref<10240x128xf32, #tpu.memory_space<hbm>>
      %dma_wait3A_379 = tpu.memref_slice %arg10[%dma_wait3A_368] : memref<2x!tpu.dma_semaphore, #tpu.memory_space<semaphore_mem>> -> memref<1x!tpu.dma_semaphore, #tpu.memory_space<semaphore_mem>>
      %dma_wait3A_380 = tpu.memref_squeeze %dma_wait3A_379 : memref<1x!tpu.dma_semaphore, #tpu.memory_space<semaphore_mem>> -> memref<!tpu.dma_semaphore, #tpu.memory_space<semaphore_mem>>
      tpu.wait_indirect_dma semaphore(%dma_wait3A_380 : memref<!tpu.dma_semaphore, #tpu.memory_space<semaphore_mem>>) src(%dma_wait3A_378 : memref<10240x128xf32, #tpu.memory_space<hbm>>) dst(%dma_wait3A_372 : memref<128x128xf32, #tpu.memory_space<vmem>>)
      %run_scoped3A_381 = arith.constant 1 : i32
      %run_scoped3A_382 = arith.constant 3 : i32
      %run_scoped3A_383 = arith.constant 1 : i32
      "tpu.region"() ({
        %run_scoped3A_546 = tpu.sem_alloc : memref<!tpu.dma_semaphore, #tpu.memory_space<semaphore_mem>>
        %dma_start3A_547 = arith.constant 0 : i32
        %dma_start3A_548 = arith.constant 0 : i32
        %dma_start3A_549 = tpu.memref_slice %arg7[%run_scoped3A_381, %dma_start3A_547, %dma_start3A_548] : memref<2x128x128xf32, #tpu.memory_space<vmem>> -> memref<1x128x128xf32, #tpu.memory_space<vmem>>
        %dma_start3A_550 = tpu.memref_squeeze %dma_start3A_549 : memref<1x128x128xf32, #tpu.memory_space<vmem>> -> memref<128x128xf32, #tpu.memory_space<vmem>>
        %dma_start3A_551 = arith.constant 0 : i32
        %dma_start3A_552 = tpu.memref_slice %arg6[%run_scoped3A_382, %run_scoped3A_383, %dma_start3A_551] : memref<8x2x128xi32, #tpu.memory_space<vmem>> -> memref<1x1x128xi32, #tpu.memory_space<vmem>>
        %dma_start3A_553 = tpu.memref_squeeze %dma_start3A_552 : memref<1x1x128xi32, #tpu.memory_space<vmem>> -> memref<128xi32, #tpu.memory_space<vmem>>
        %dma_start3A_554 = arith.constant 0 : i32
        %dma_start3A_555 = arith.constant 0 : i32
        %dma_start3A_556 = tpu.memref_slice %arg8[%dma_start3A_554, %dma_start3A_555] : memref<10240x128xf32, #tpu.memory_space<vmem_shared>> -> memref<10240x128xf32, #tpu.memory_space<vmem_shared>>
        tpu.enqueue_indirect_dma source(%dma_start3A_550 : memref<128x128xf32, #tpu.memory_space<vmem>>) target(%dma_start3A_556 : memref<10240x128xf32, #tpu.memory_space<vmem_shared>>) offsets(%dma_start3A_553 : memref<128xi32, #tpu.memory_space<vmem>>) semaphore(%run_scoped3A_546 : memref<!tpu.dma_semaphore, #tpu.memory_space<semaphore_mem>>) {add = true}
        %dma_wait3A_557 = arith.constant 0 : i32
        %dma_wait3A_558 = arith.constant 0 : i32
        %dma_wait3A_559 = tpu.memref_slice %arg7[%run_scoped3A_381, %dma_wait3A_557, %dma_wait3A_558] : memref<2x128x128xf32, #tpu.memory_space<vmem>> -> memref<1x128x128xf32, #tpu.memory_space<vmem>>
        %dma_wait3A_560 = tpu.memref_squeeze %dma_wait3A_559 : memref<1x128x128xf32, #tpu.memory_space<vmem>> -> memref<128x128xf32, #tpu.memory_space<vmem>>
        %dma_wait3A_561 = arith.constant 0 : i32
        %dma_wait3A_562 = tpu.memref_slice %arg6[%run_scoped3A_382, %run_scoped3A_383, %dma_wait3A_561] : memref<8x2x128xi32, #tpu.memory_space<vmem>> -> memref<1x1x128xi32, #tpu.memory_space<vmem>>
        %dma_wait3A_563 = tpu.memref_squeeze %dma_wait3A_562 : memref<1x1x128xi32, #tpu.memory_space<vmem>> -> memref<128xi32, #tpu.memory_space<vmem>>
        %dma_wait3A_564 = arith.constant 0 : i32
        %dma_wait3A_565 = arith.constant 0 : i32
        %dma_wait3A_566 = tpu.memref_slice %arg8[%dma_wait3A_564, %dma_wait3A_565] : memref<10240x128xf32, #tpu.memory_space<vmem_shared>> -> memref<10240x128xf32, #tpu.memory_space<vmem_shared>>
        tpu.wait_indirect_dma semaphore(%run_scoped3A_546 : memref<!tpu.dma_semaphore, #tpu.memory_space<semaphore_mem>>) src(%dma_wait3A_560 : memref<128x128xf32, #tpu.memory_space<vmem>>) dst(%dma_wait3A_566 : memref<10240x128xf32, #tpu.memory_space<vmem_shared>>)
        tpu.yield
      }) : () -> ()
      %add3A_384 = arith.constant 2 : i32
      %add3A_385 = arith.addi %add3A_364, %add3A_384 : i32
      %lt3A_386 = arith.constant 80 : i32
      %lt3A_387 = arith.cmpi slt, %add3A_385, %lt3A_386 : i32
      %convert_element_type3A_388 = arith.extui %lt3A_387 : i1 to i32
      %cond3A_389 = arith.constant 0 : i32
      %cond3A_390 = arith.cmpi ne, %convert_element_type3A_388, %cond3A_389 : i32
      scf.if %cond3A_390 {
        %dma_wait3A_546 = arith.constant 5 : i32
        %dma_wait3A_547 = arith.constant 5 : i32
        %dma_wait3A_548 = arith.constant 5 : i32
        %dma_wait3A_549 = arith.constant 0 : i32
        %dma_wait3A_550 = arith.constant 0 : i32
        %dma_wait3A_551 = tpu.memref_slice %arg6[%dma_wait3A_547, %dma_wait3A_549, %dma_wait3A_550] : memref<8x2x128xi32, #tpu.memory_space<vmem>> -> memref<1x2x128xi32, #tpu.memory_space<vmem>>
        %dma_wait3A_552 = tpu.memref_squeeze %dma_wait3A_551 : memref<1x2x128xi32, #tpu.memory_space<vmem>> -> memref<2x128xi32, #tpu.memory_space<vmem>>
        %dma_wait3A_553 = arith.constant 0 : i32
        %dma_wait3A_554 = arith.constant 0 : i32
        %dma_wait3A_555 = tpu.memref_slice %arg3[%add3A, %dma_wait3A_546, %dma_wait3A_553, %dma_wait3A_554] : memref<32x80x2x128xi32, #tpu.memory_space<hbm>> -> memref<1x1x2x128xi32, #tpu.memory_space<hbm>>
        %dma_wait3A_556 = tpu.memref_squeeze %dma_wait3A_555 : memref<1x1x2x128xi32, #tpu.memory_space<hbm>> -> memref<2x128xi32, #tpu.memory_space<hbm>>
        %dma_wait3A_557 = tpu.memref_slice %arg9[%dma_wait3A_548] : memref<8x!tpu.dma_semaphore, #tpu.memory_space<semaphore_mem>> -> memref<1x!tpu.dma_semaphore, #tpu.memory_space<semaphore_mem>>
        %dma_wait3A_558 = tpu.memref_squeeze %dma_wait3A_557 : memref<1x!tpu.dma_semaphore, #tpu.memory_space<semaphore_mem>> -> memref<!tpu.dma_semaphore, #tpu.memory_space<semaphore_mem>>
        %dma_wait3A_559 = arith.constant 0 : i32
        %dma_wait3A_560 = arith.constant 0 : i32
        %dma_wait3A_561 = tpu.memref_slice %arg6[%dma_wait3A_547, %dma_wait3A_559, %dma_wait3A_560] : memref<8x2x128xi32, #tpu.memory_space<vmem>> -> memref<1x2x128xi32, #tpu.memory_space<vmem>>
        %dma_wait3A_562 = tpu.memref_squeeze %dma_wait3A_561 : memref<1x2x128xi32, #tpu.memory_space<vmem>> -> memref<2x128xi32, #tpu.memory_space<vmem>>
        %dma_wait3A_563 = arith.constant 0 : i32
        %dma_wait3A_564 = arith.constant 0 : i32
        %dma_wait3A_565 = tpu.memref_slice %arg3[%add3A, %dma_wait3A_546, %dma_wait3A_563, %dma_wait3A_564] : memref<32x80x2x128xi32, #tpu.memory_space<hbm>> -> memref<1x1x2x128xi32, #tpu.memory_space<hbm>>
        %dma_wait3A_566 = tpu.memref_squeeze %dma_wait3A_565 : memref<1x1x2x128xi32, #tpu.memory_space<hbm>> -> memref<2x128xi32, #tpu.memory_space<hbm>>
        tpu.wait_dma2 semaphore(%dma_wait3A_558 : memref<!tpu.dma_semaphore, #tpu.memory_space<semaphore_mem>>) src(%dma_wait3A_566 : memref<2x128xi32, #tpu.memory_space<hbm>>) dst(%dma_wait3A_562 : memref<2x128xi32, #tpu.memory_space<vmem>>)
        %dma_start3A_567 = arith.constant 5 : i32
        %dma_start3A_568 = arith.constant 0 : i32
        %dma_start3A_569 = arith.constant 1 : i32
        %dma_start3A_570 = arith.constant 1 : i32
        %dma_start3A_571 = arith.constant 0 : i32
        %dma_start3A_572 = arith.constant 0 : i32
        %dma_start3A_573 = tpu.memref_slice %arg7[%dma_start3A_569, %dma_start3A_571, %dma_start3A_572] : memref<2x128x128xf32, #tpu.memory_space<vmem>> -> memref<1x128x128xf32, #tpu.memory_space<vmem>>
        %dma_start3A_574 = tpu.memref_squeeze %dma_start3A_573 : memref<1x128x128xf32, #tpu.memory_space<vmem>> -> memref<128x128xf32, #tpu.memory_space<vmem>>
        %dma_start3A_575 = arith.constant 0 : i32
        %dma_start3A_576 = tpu.memref_slice %arg6[%dma_start3A_567, %dma_start3A_568, %dma_start3A_575] : memref<8x2x128xi32, #tpu.memory_space<vmem>> -> memref<1x1x128xi32, #tpu.memory_space<vmem>>
        %dma_start3A_577 = tpu.memref_squeeze %dma_start3A_576 : memref<1x1x128xi32, #tpu.memory_space<vmem>> -> memref<128xi32, #tpu.memory_space<vmem>>
        %dma_start3A_578 = arith.constant 0 : i32
        %dma_start3A_579 = arith.constant 0 : i32
        %dma_start3A_580 = tpu.memref_slice %arg2[%dma_start3A_578, %dma_start3A_579] : memref<10240x128xf32, #tpu.memory_space<hbm>> -> memref<10240x128xf32, #tpu.memory_space<hbm>>
        %dma_start3A_581 = tpu.memref_slice %arg10[%dma_start3A_570] : memref<2x!tpu.dma_semaphore, #tpu.memory_space<semaphore_mem>> -> memref<1x!tpu.dma_semaphore, #tpu.memory_space<semaphore_mem>>
        %dma_start3A_582 = tpu.memref_squeeze %dma_start3A_581 : memref<1x!tpu.dma_semaphore, #tpu.memory_space<semaphore_mem>> -> memref<!tpu.dma_semaphore, #tpu.memory_space<semaphore_mem>>
        tpu.enqueue_indirect_dma source(%dma_start3A_580 : memref<10240x128xf32, #tpu.memory_space<hbm>>) target(%dma_start3A_574 : memref<128x128xf32, #tpu.memory_space<vmem>>) offsets(%dma_start3A_577 : memref<128xi32, #tpu.memory_space<vmem>>) semaphore(%dma_start3A_582 : memref<!tpu.dma_semaphore, #tpu.memory_space<semaphore_mem>>)
      } else {
      }
      %add3A_391 = arith.constant 8 : i32
      %add3A_392 = arith.addi %add3A_364, %add3A_391 : i32
      %lt3A_393 = arith.constant 80 : i32
      %lt3A_394 = arith.cmpi slt, %add3A_392, %lt3A_393 : i32
      %convert_element_type3A_395 = arith.extui %lt3A_394 : i1 to i32
      %cond3A_396 = arith.constant 0 : i32
      %cond3A_397 = arith.cmpi ne, %convert_element_type3A_395, %cond3A_396 : i32
      scf.if %cond3A_397 {
        %add3A_546 = arith.constant 8 : i32
        %add3A_547 = arith.addi %add3A_364, %add3A_546 : i32
        %dma_start3A_548 = arith.constant 3 : i32
        %dma_start3A_549 = arith.constant 3 : i32
        %dma_start3A_550 = arith.constant 0 : i32
        %dma_start3A_551 = arith.constant 0 : i32
        %dma_start3A_552 = tpu.memref_slice %arg6[%dma_start3A_548, %dma_start3A_550, %dma_start3A_551] : memref<8x2x128xi32, #tpu.memory_space<vmem>> -> memref<1x2x128xi32, #tpu.memory_space<vmem>>
        %dma_start3A_553 = tpu.memref_squeeze %dma_start3A_552 : memref<1x2x128xi32, #tpu.memory_space<vmem>> -> memref<2x128xi32, #tpu.memory_space<vmem>>
        %dma_start3A_554 = arith.constant 0 : i32
        %dma_start3A_555 = arith.constant 0 : i32
        %dma_start3A_556 = tpu.memref_slice %arg3[%add3A, %add3A_547, %dma_start3A_554, %dma_start3A_555] : memref<32x80x2x128xi32, #tpu.memory_space<hbm>> -> memref<1x1x2x128xi32, #tpu.memory_space<hbm>>
        %dma_start3A_557 = tpu.memref_squeeze %dma_start3A_556 : memref<1x1x2x128xi32, #tpu.memory_space<hbm>> -> memref<2x128xi32, #tpu.memory_space<hbm>>
        %dma_start3A_558 = tpu.memref_slice %arg9[%dma_start3A_549] : memref<8x!tpu.dma_semaphore, #tpu.memory_space<semaphore_mem>> -> memref<1x!tpu.dma_semaphore, #tpu.memory_space<semaphore_mem>>
        %dma_start3A_559 = tpu.memref_squeeze %dma_start3A_558 : memref<1x!tpu.dma_semaphore, #tpu.memory_space<semaphore_mem>> -> memref<!tpu.dma_semaphore, #tpu.memory_space<semaphore_mem>>
        %dma_start3A_560 = arith.constant 0 : i32
        %dma_start3A_561 = arith.constant 0 : i32
        %dma_start3A_562 = tpu.memref_slice %arg6[%dma_start3A_548, %dma_start3A_560, %dma_start3A_561] : memref<8x2x128xi32, #tpu.memory_space<vmem>> -> memref<1x2x128xi32, #tpu.memory_space<vmem>>
        %dma_start3A_563 = tpu.memref_squeeze %dma_start3A_562 : memref<1x2x128xi32, #tpu.memory_space<vmem>> -> memref<2x128xi32, #tpu.memory_space<vmem>>
        %dma_start3A_564 = arith.constant 0 : i32
        %dma_start3A_565 = arith.constant 0 : i32
        %dma_start3A_566 = tpu.memref_slice %arg3[%add3A, %add3A_547, %dma_start3A_564, %dma_start3A_565] : memref<32x80x2x128xi32, #tpu.memory_space<hbm>> -> memref<1x1x2x128xi32, #tpu.memory_space<hbm>>
        %dma_start3A_567 = tpu.memref_squeeze %dma_start3A_566 : memref<1x1x2x128xi32, #tpu.memory_space<hbm>> -> memref<2x128xi32, #tpu.memory_space<hbm>>
        tpu.enqueue_dma source(%dma_start3A_567 : memref<2x128xi32, #tpu.memory_space<hbm>>) target(%dma_start3A_563 : memref<2x128xi32, #tpu.memory_space<vmem>>) target_semaphore(%dma_start3A_559 : memref<!tpu.dma_semaphore, #tpu.memory_space<semaphore_mem>>)
      } else {
      }
      %mul3A_398 = arith.constant 8 : i32
      %mul3A_399 = arith.muli %scan3A_253, %mul3A_398 : i32
      %add3A_400 = arith.constant 4 : i32
      %add3A_401 = arith.addi %mul3A_399, %add3A_400 : i32
      %dma_wait3A_402 = arith.constant 4 : i32
      %dma_wait3A_403 = arith.constant 0 : i32
      %dma_wait3A_404 = arith.constant 0 : i32
      %dma_wait3A_405 = arith.constant 0 : i32
      %dma_wait3A_406 = arith.constant 0 : i32
      %dma_wait3A_407 = arith.constant 0 : i32
      %dma_wait3A_408 = tpu.memref_slice %arg7[%dma_wait3A_404, %dma_wait3A_406, %dma_wait3A_407] : memref<2x128x128xf32, #tpu.memory_space<vmem>> -> memref<1x128x128xf32, #tpu.memory_space<vmem>>
      %dma_wait3A_409 = tpu.memref_squeeze %dma_wait3A_408 : memref<1x128x128xf32, #tpu.memory_space<vmem>> -> memref<128x128xf32, #tpu.memory_space<vmem>>
      %dma_wait3A_410 = arith.constant 0 : i32
      %dma_wait3A_411 = tpu.memref_slice %arg6[%dma_wait3A_402, %dma_wait3A_403, %dma_wait3A_410] : memref<8x2x128xi32, #tpu.memory_space<vmem>> -> memref<1x1x128xi32, #tpu.memory_space<vmem>>
      %dma_wait3A_412 = tpu.memref_squeeze %dma_wait3A_411 : memref<1x1x128xi32, #tpu.memory_space<vmem>> -> memref<128xi32, #tpu.memory_space<vmem>>
      %dma_wait3A_413 = arith.constant 0 : i32
      %dma_wait3A_414 = arith.constant 0 : i32
      %dma_wait3A_415 = tpu.memref_slice %arg2[%dma_wait3A_413, %dma_wait3A_414] : memref<10240x128xf32, #tpu.memory_space<hbm>> -> memref<10240x128xf32, #tpu.memory_space<hbm>>
      %dma_wait3A_416 = tpu.memref_slice %arg10[%dma_wait3A_405] : memref<2x!tpu.dma_semaphore, #tpu.memory_space<semaphore_mem>> -> memref<1x!tpu.dma_semaphore, #tpu.memory_space<semaphore_mem>>
      %dma_wait3A_417 = tpu.memref_squeeze %dma_wait3A_416 : memref<1x!tpu.dma_semaphore, #tpu.memory_space<semaphore_mem>> -> memref<!tpu.dma_semaphore, #tpu.memory_space<semaphore_mem>>
      tpu.wait_indirect_dma semaphore(%dma_wait3A_417 : memref<!tpu.dma_semaphore, #tpu.memory_space<semaphore_mem>>) src(%dma_wait3A_415 : memref<10240x128xf32, #tpu.memory_space<hbm>>) dst(%dma_wait3A_409 : memref<128x128xf32, #tpu.memory_space<vmem>>)
      %run_scoped3A_418 = arith.constant 0 : i32
      %run_scoped3A_419 = arith.constant 4 : i32
      %run_scoped3A_420 = arith.constant 1 : i32
      "tpu.region"() ({
        %run_scoped3A_546 = tpu.sem_alloc : memref<!tpu.dma_semaphore, #tpu.memory_space<semaphore_mem>>
        %dma_start3A_547 = arith.constant 0 : i32
        %dma_start3A_548 = arith.constant 0 : i32
        %dma_start3A_549 = tpu.memref_slice %arg7[%run_scoped3A_418, %dma_start3A_547, %dma_start3A_548] : memref<2x128x128xf32, #tpu.memory_space<vmem>> -> memref<1x128x128xf32, #tpu.memory_space<vmem>>
        %dma_start3A_550 = tpu.memref_squeeze %dma_start3A_549 : memref<1x128x128xf32, #tpu.memory_space<vmem>> -> memref<128x128xf32, #tpu.memory_space<vmem>>
        %dma_start3A_551 = arith.constant 0 : i32
        %dma_start3A_552 = tpu.memref_slice %arg6[%run_scoped3A_419, %run_scoped3A_420, %dma_start3A_551] : memref<8x2x128xi32, #tpu.memory_space<vmem>> -> memref<1x1x128xi32, #tpu.memory_space<vmem>>
        %dma_start3A_553 = tpu.memref_squeeze %dma_start3A_552 : memref<1x1x128xi32, #tpu.memory_space<vmem>> -> memref<128xi32, #tpu.memory_space<vmem>>
        %dma_start3A_554 = arith.constant 0 : i32
        %dma_start3A_555 = arith.constant 0 : i32
        %dma_start3A_556 = tpu.memref_slice %arg8[%dma_start3A_554, %dma_start3A_555] : memref<10240x128xf32, #tpu.memory_space<vmem_shared>> -> memref<10240x128xf32, #tpu.memory_space<vmem_shared>>
        tpu.enqueue_indirect_dma source(%dma_start3A_550 : memref<128x128xf32, #tpu.memory_space<vmem>>) target(%dma_start3A_556 : memref<10240x128xf32, #tpu.memory_space<vmem_shared>>) offsets(%dma_start3A_553 : memref<128xi32, #tpu.memory_space<vmem>>) semaphore(%run_scoped3A_546 : memref<!tpu.dma_semaphore, #tpu.memory_space<semaphore_mem>>) {add = true}
        %dma_wait3A_557 = arith.constant 0 : i32
        %dma_wait3A_558 = arith.constant 0 : i32
        %dma_wait3A_559 = tpu.memref_slice %arg7[%run_scoped3A_418, %dma_wait3A_557, %dma_wait3A_558] : memref<2x128x128xf32, #tpu.memory_space<vmem>> -> memref<1x128x128xf32, #tpu.memory_space<vmem>>
        %dma_wait3A_560 = tpu.memref_squeeze %dma_wait3A_559 : memref<1x128x128xf32, #tpu.memory_space<vmem>> -> memref<128x128xf32, #tpu.memory_space<vmem>>
        %dma_wait3A_561 = arith.constant 0 : i32
        %dma_wait3A_562 = tpu.memref_slice %arg6[%run_scoped3A_419, %run_scoped3A_420, %dma_wait3A_561] : memref<8x2x128xi32, #tpu.memory_space<vmem>> -> memref<1x1x128xi32, #tpu.memory_space<vmem>>
        %dma_wait3A_563 = tpu.memref_squeeze %dma_wait3A_562 : memref<1x1x128xi32, #tpu.memory_space<vmem>> -> memref<128xi32, #tpu.memory_space<vmem>>
        %dma_wait3A_564 = arith.constant 0 : i32
        %dma_wait3A_565 = arith.constant 0 : i32
        %dma_wait3A_566 = tpu.memref_slice %arg8[%dma_wait3A_564, %dma_wait3A_565] : memref<10240x128xf32, #tpu.memory_space<vmem_shared>> -> memref<10240x128xf32, #tpu.memory_space<vmem_shared>>
        tpu.wait_indirect_dma semaphore(%run_scoped3A_546 : memref<!tpu.dma_semaphore, #tpu.memory_space<semaphore_mem>>) src(%dma_wait3A_560 : memref<128x128xf32, #tpu.memory_space<vmem>>) dst(%dma_wait3A_566 : memref<10240x128xf32, #tpu.memory_space<vmem_shared>>)
        tpu.yield
      }) : () -> ()
      %add3A_421 = arith.constant 2 : i32
      %add3A_422 = arith.addi %add3A_401, %add3A_421 : i32
      %lt3A_423 = arith.constant 80 : i32
      %lt3A_424 = arith.cmpi slt, %add3A_422, %lt3A_423 : i32
      %convert_element_type3A_425 = arith.extui %lt3A_424 : i1 to i32
      %cond3A_426 = arith.constant 0 : i32
      %cond3A_427 = arith.cmpi ne, %convert_element_type3A_425, %cond3A_426 : i32
      scf.if %cond3A_427 {
        %dma_wait3A_546 = arith.constant 6 : i32
        %dma_wait3A_547 = arith.constant 6 : i32
        %dma_wait3A_548 = arith.constant 6 : i32
        %dma_wait3A_549 = arith.constant 0 : i32
        %dma_wait3A_550 = arith.constant 0 : i32
        %dma_wait3A_551 = tpu.memref_slice %arg6[%dma_wait3A_547, %dma_wait3A_549, %dma_wait3A_550] : memref<8x2x128xi32, #tpu.memory_space<vmem>> -> memref<1x2x128xi32, #tpu.memory_space<vmem>>
        %dma_wait3A_552 = tpu.memref_squeeze %dma_wait3A_551 : memref<1x2x128xi32, #tpu.memory_space<vmem>> -> memref<2x128xi32, #tpu.memory_space<vmem>>
        %dma_wait3A_553 = arith.constant 0 : i32
        %dma_wait3A_554 = arith.constant 0 : i32
        %dma_wait3A_555 = tpu.memref_slice %arg3[%add3A, %dma_wait3A_546, %dma_wait3A_553, %dma_wait3A_554] : memref<32x80x2x128xi32, #tpu.memory_space<hbm>> -> memref<1x1x2x128xi32, #tpu.memory_space<hbm>>
        %dma_wait3A_556 = tpu.memref_squeeze %dma_wait3A_555 : memref<1x1x2x128xi32, #tpu.memory_space<hbm>> -> memref<2x128xi32, #tpu.memory_space<hbm>>
        %dma_wait3A_557 = tpu.memref_slice %arg9[%dma_wait3A_548] : memref<8x!tpu.dma_semaphore, #tpu.memory_space<semaphore_mem>> -> memref<1x!tpu.dma_semaphore, #tpu.memory_space<semaphore_mem>>
        %dma_wait3A_558 = tpu.memref_squeeze %dma_wait3A_557 : memref<1x!tpu.dma_semaphore, #tpu.memory_space<semaphore_mem>> -> memref<!tpu.dma_semaphore, #tpu.memory_space<semaphore_mem>>
        %dma_wait3A_559 = arith.constant 0 : i32
        %dma_wait3A_560 = arith.constant 0 : i32
        %dma_wait3A_561 = tpu.memref_slice %arg6[%dma_wait3A_547, %dma_wait3A_559, %dma_wait3A_560] : memref<8x2x128xi32, #tpu.memory_space<vmem>> -> memref<1x2x128xi32, #tpu.memory_space<vmem>>
        %dma_wait3A_562 = tpu.memref_squeeze %dma_wait3A_561 : memref<1x2x128xi32, #tpu.memory_space<vmem>> -> memref<2x128xi32, #tpu.memory_space<vmem>>
        %dma_wait3A_563 = arith.constant 0 : i32
        %dma_wait3A_564 = arith.constant 0 : i32
        %dma_wait3A_565 = tpu.memref_slice %arg3[%add3A, %dma_wait3A_546, %dma_wait3A_563, %dma_wait3A_564] : memref<32x80x2x128xi32, #tpu.memory_space<hbm>> -> memref<1x1x2x128xi32, #tpu.memory_space<hbm>>
        %dma_wait3A_566 = tpu.memref_squeeze %dma_wait3A_565 : memref<1x1x2x128xi32, #tpu.memory_space<hbm>> -> memref<2x128xi32, #tpu.memory_space<hbm>>
        tpu.wait_dma2 semaphore(%dma_wait3A_558 : memref<!tpu.dma_semaphore, #tpu.memory_space<semaphore_mem>>) src(%dma_wait3A_566 : memref<2x128xi32, #tpu.memory_space<hbm>>) dst(%dma_wait3A_562 : memref<2x128xi32, #tpu.memory_space<vmem>>)
        %dma_start3A_567 = arith.constant 6 : i32
        %dma_start3A_568 = arith.constant 0 : i32
        %dma_start3A_569 = arith.constant 0 : i32
        %dma_start3A_570 = arith.constant 0 : i32
        %dma_start3A_571 = arith.constant 0 : i32
        %dma_start3A_572 = arith.constant 0 : i32
        %dma_start3A_573 = tpu.memref_slice %arg7[%dma_start3A_569, %dma_start3A_571, %dma_start3A_572] : memref<2x128x128xf32, #tpu.memory_space<vmem>> -> memref<1x128x128xf32, #tpu.memory_space<vmem>>
        %dma_start3A_574 = tpu.memref_squeeze %dma_start3A_573 : memref<1x128x128xf32, #tpu.memory_space<vmem>> -> memref<128x128xf32, #tpu.memory_space<vmem>>
        %dma_start3A_575 = arith.constant 0 : i32
        %dma_start3A_576 = tpu.memref_slice %arg6[%dma_start3A_567, %dma_start3A_568, %dma_start3A_575] : memref<8x2x128xi32, #tpu.memory_space<vmem>> -> memref<1x1x128xi32, #tpu.memory_space<vmem>>
        %dma_start3A_577 = tpu.memref_squeeze %dma_start3A_576 : memref<1x1x128xi32, #tpu.memory_space<vmem>> -> memref<128xi32, #tpu.memory_space<vmem>>
        %dma_start3A_578 = arith.constant 0 : i32
        %dma_start3A_579 = arith.constant 0 : i32
        %dma_start3A_580 = tpu.memref_slice %arg2[%dma_start3A_578, %dma_start3A_579] : memref<10240x128xf32, #tpu.memory_space<hbm>> -> memref<10240x128xf32, #tpu.memory_space<hbm>>
        %dma_start3A_581 = tpu.memref_slice %arg10[%dma_start3A_570] : memref<2x!tpu.dma_semaphore, #tpu.memory_space<semaphore_mem>> -> memref<1x!tpu.dma_semaphore, #tpu.memory_space<semaphore_mem>>
        %dma_start3A_582 = tpu.memref_squeeze %dma_start3A_581 : memref<1x!tpu.dma_semaphore, #tpu.memory_space<semaphore_mem>> -> memref<!tpu.dma_semaphore, #tpu.memory_space<semaphore_mem>>
        tpu.enqueue_indirect_dma source(%dma_start3A_580 : memref<10240x128xf32, #tpu.memory_space<hbm>>) target(%dma_start3A_574 : memref<128x128xf32, #tpu.memory_space<vmem>>) offsets(%dma_start3A_577 : memref<128xi32, #tpu.memory_space<vmem>>) semaphore(%dma_start3A_582 : memref<!tpu.dma_semaphore, #tpu.memory_space<semaphore_mem>>)
      } else {
      }
      %add3A_428 = arith.constant 8 : i32
      %add3A_429 = arith.addi %add3A_401, %add3A_428 : i32
      %lt3A_430 = arith.constant 80 : i32
      %lt3A_431 = arith.cmpi slt, %add3A_429, %lt3A_430 : i32
      %convert_element_type3A_432 = arith.extui %lt3A_431 : i1 to i32
      %cond3A_433 = arith.constant 0 : i32
      %cond3A_434 = arith.cmpi ne, %convert_element_type3A_432, %cond3A_433 : i32
      scf.if %cond3A_434 {
        %add3A_546 = arith.constant 8 : i32
        %add3A_547 = arith.addi %add3A_401, %add3A_546 : i32
        %dma_start3A_548 = arith.constant 4 : i32
        %dma_start3A_549 = arith.constant 4 : i32
        %dma_start3A_550 = arith.constant 0 : i32
        %dma_start3A_551 = arith.constant 0 : i32
        %dma_start3A_552 = tpu.memref_slice %arg6[%dma_start3A_548, %dma_start3A_550, %dma_start3A_551] : memref<8x2x128xi32, #tpu.memory_space<vmem>> -> memref<1x2x128xi32, #tpu.memory_space<vmem>>
        %dma_start3A_553 = tpu.memref_squeeze %dma_start3A_552 : memref<1x2x128xi32, #tpu.memory_space<vmem>> -> memref<2x128xi32, #tpu.memory_space<vmem>>
        %dma_start3A_554 = arith.constant 0 : i32
        %dma_start3A_555 = arith.constant 0 : i32
        %dma_start3A_556 = tpu.memref_slice %arg3[%add3A, %add3A_547, %dma_start3A_554, %dma_start3A_555] : memref<32x80x2x128xi32, #tpu.memory_space<hbm>> -> memref<1x1x2x128xi32, #tpu.memory_space<hbm>>
        %dma_start3A_557 = tpu.memref_squeeze %dma_start3A_556 : memref<1x1x2x128xi32, #tpu.memory_space<hbm>> -> memref<2x128xi32, #tpu.memory_space<hbm>>
        %dma_start3A_558 = tpu.memref_slice %arg9[%dma_start3A_549] : memref<8x!tpu.dma_semaphore, #tpu.memory_space<semaphore_mem>> -> memref<1x!tpu.dma_semaphore, #tpu.memory_space<semaphore_mem>>
        %dma_start3A_559 = tpu.memref_squeeze %dma_start3A_558 : memref<1x!tpu.dma_semaphore, #tpu.memory_space<semaphore_mem>> -> memref<!tpu.dma_semaphore, #tpu.memory_space<semaphore_mem>>
        %dma_start3A_560 = arith.constant 0 : i32
        %dma_start3A_561 = arith.constant 0 : i32
        %dma_start3A_562 = tpu.memref_slice %arg6[%dma_start3A_548, %dma_start3A_560, %dma_start3A_561] : memref<8x2x128xi32, #tpu.memory_space<vmem>> -> memref<1x2x128xi32, #tpu.memory_space<vmem>>
        %dma_start3A_563 = tpu.memref_squeeze %dma_start3A_562 : memref<1x2x128xi32, #tpu.memory_space<vmem>> -> memref<2x128xi32, #tpu.memory_space<vmem>>
        %dma_start3A_564 = arith.constant 0 : i32
        %dma_start3A_565 = arith.constant 0 : i32
        %dma_start3A_566 = tpu.memref_slice %arg3[%add3A, %add3A_547, %dma_start3A_564, %dma_start3A_565] : memref<32x80x2x128xi32, #tpu.memory_space<hbm>> -> memref<1x1x2x128xi32, #tpu.memory_space<hbm>>
        %dma_start3A_567 = tpu.memref_squeeze %dma_start3A_566 : memref<1x1x2x128xi32, #tpu.memory_space<hbm>> -> memref<2x128xi32, #tpu.memory_space<hbm>>
        tpu.enqueue_dma source(%dma_start3A_567 : memref<2x128xi32, #tpu.memory_space<hbm>>) target(%dma_start3A_563 : memref<2x128xi32, #tpu.memory_space<vmem>>) target_semaphore(%dma_start3A_559 : memref<!tpu.dma_semaphore, #tpu.memory_space<semaphore_mem>>)
      } else {
      }
      %mul3A_435 = arith.constant 8 : i32
      %mul3A_436 = arith.muli %scan3A_253, %mul3A_435 : i32
      %add3A_437 = arith.constant 5 : i32
      %add3A_438 = arith.addi %mul3A_436, %add3A_437 : i32
      %dma_wait3A_439 = arith.constant 5 : i32
      %dma_wait3A_440 = arith.constant 0 : i32
      %dma_wait3A_441 = arith.constant 1 : i32
      %dma_wait3A_442 = arith.constant 1 : i32
      %dma_wait3A_443 = arith.constant 0 : i32
      %dma_wait3A_444 = arith.constant 0 : i32
      %dma_wait3A_445 = tpu.memref_slice %arg7[%dma_wait3A_441, %dma_wait3A_443, %dma_wait3A_444] : memref<2x128x128xf32, #tpu.memory_space<vmem>> -> memref<1x128x128xf32, #tpu.memory_space<vmem>>
      %dma_wait3A_446 = tpu.memref_squeeze %dma_wait3A_445 : memref<1x128x128xf32, #tpu.memory_space<vmem>> -> memref<128x128xf32, #tpu.memory_space<vmem>>
      %dma_wait3A_447 = arith.constant 0 : i32
      %dma_wait3A_448 = tpu.memref_slice %arg6[%dma_wait3A_439, %dma_wait3A_440, %dma_wait3A_447] : memref<8x2x128xi32, #tpu.memory_space<vmem>> -> memref<1x1x128xi32, #tpu.memory_space<vmem>>
      %dma_wait3A_449 = tpu.memref_squeeze %dma_wait3A_448 : memref<1x1x128xi32, #tpu.memory_space<vmem>> -> memref<128xi32, #tpu.memory_space<vmem>>
      %dma_wait3A_450 = arith.constant 0 : i32
      %dma_wait3A_451 = arith.constant 0 : i32
      %dma_wait3A_452 = tpu.memref_slice %arg2[%dma_wait3A_450, %dma_wait3A_451] : memref<10240x128xf32, #tpu.memory_space<hbm>> -> memref<10240x128xf32, #tpu.memory_space<hbm>>
      %dma_wait3A_453 = tpu.memref_slice %arg10[%dma_wait3A_442] : memref<2x!tpu.dma_semaphore, #tpu.memory_space<semaphore_mem>> -> memref<1x!tpu.dma_semaphore, #tpu.memory_space<semaphore_mem>>
      %dma_wait3A_454 = tpu.memref_squeeze %dma_wait3A_453 : memref<1x!tpu.dma_semaphore, #tpu.memory_space<semaphore_mem>> -> memref<!tpu.dma_semaphore, #tpu.memory_space<semaphore_mem>>
      tpu.wait_indirect_dma semaphore(%dma_wait3A_454 : memref<!tpu.dma_semaphore, #tpu.memory_space<semaphore_mem>>) src(%dma_wait3A_452 : memref<10240x128xf32, #tpu.memory_space<hbm>>) dst(%dma_wait3A_446 : memref<128x128xf32, #tpu.memory_space<vmem>>)
      %run_scoped3A_455 = arith.constant 1 : i32
      %run_scoped3A_456 = arith.constant 5 : i32
      %run_scoped3A_457 = arith.constant 1 : i32
      "tpu.region"() ({
        %run_scoped3A_546 = tpu.sem_alloc : memref<!tpu.dma_semaphore, #tpu.memory_space<semaphore_mem>>
        %dma_start3A_547 = arith.constant 0 : i32
        %dma_start3A_548 = arith.constant 0 : i32
        %dma_start3A_549 = tpu.memref_slice %arg7[%run_scoped3A_455, %dma_start3A_547, %dma_start3A_548] : memref<2x128x128xf32, #tpu.memory_space<vmem>> -> memref<1x128x128xf32, #tpu.memory_space<vmem>>
        %dma_start3A_550 = tpu.memref_squeeze %dma_start3A_549 : memref<1x128x128xf32, #tpu.memory_space<vmem>> -> memref<128x128xf32, #tpu.memory_space<vmem>>
        %dma_start3A_551 = arith.constant 0 : i32
        %dma_start3A_552 = tpu.memref_slice %arg6[%run_scoped3A_456, %run_scoped3A_457, %dma_start3A_551] : memref<8x2x128xi32, #tpu.memory_space<vmem>> -> memref<1x1x128xi32, #tpu.memory_space<vmem>>
        %dma_start3A_553 = tpu.memref_squeeze %dma_start3A_552 : memref<1x1x128xi32, #tpu.memory_space<vmem>> -> memref<128xi32, #tpu.memory_space<vmem>>
        %dma_start3A_554 = arith.constant 0 : i32
        %dma_start3A_555 = arith.constant 0 : i32
        %dma_start3A_556 = tpu.memref_slice %arg8[%dma_start3A_554, %dma_start3A_555] : memref<10240x128xf32, #tpu.memory_space<vmem_shared>> -> memref<10240x128xf32, #tpu.memory_space<vmem_shared>>
        tpu.enqueue_indirect_dma source(%dma_start3A_550 : memref<128x128xf32, #tpu.memory_space<vmem>>) target(%dma_start3A_556 : memref<10240x128xf32, #tpu.memory_space<vmem_shared>>) offsets(%dma_start3A_553 : memref<128xi32, #tpu.memory_space<vmem>>) semaphore(%run_scoped3A_546 : memref<!tpu.dma_semaphore, #tpu.memory_space<semaphore_mem>>) {add = true}
        %dma_wait3A_557 = arith.constant 0 : i32
        %dma_wait3A_558 = arith.constant 0 : i32
        %dma_wait3A_559 = tpu.memref_slice %arg7[%run_scoped3A_455, %dma_wait3A_557, %dma_wait3A_558] : memref<2x128x128xf32, #tpu.memory_space<vmem>> -> memref<1x128x128xf32, #tpu.memory_space<vmem>>
        %dma_wait3A_560 = tpu.memref_squeeze %dma_wait3A_559 : memref<1x128x128xf32, #tpu.memory_space<vmem>> -> memref<128x128xf32, #tpu.memory_space<vmem>>
        %dma_wait3A_561 = arith.constant 0 : i32
        %dma_wait3A_562 = tpu.memref_slice %arg6[%run_scoped3A_456, %run_scoped3A_457, %dma_wait3A_561] : memref<8x2x128xi32, #tpu.memory_space<vmem>> -> memref<1x1x128xi32, #tpu.memory_space<vmem>>
        %dma_wait3A_563 = tpu.memref_squeeze %dma_wait3A_562 : memref<1x1x128xi32, #tpu.memory_space<vmem>> -> memref<128xi32, #tpu.memory_space<vmem>>
        %dma_wait3A_564 = arith.constant 0 : i32
        %dma_wait3A_565 = arith.constant 0 : i32
        %dma_wait3A_566 = tpu.memref_slice %arg8[%dma_wait3A_564, %dma_wait3A_565] : memref<10240x128xf32, #tpu.memory_space<vmem_shared>> -> memref<10240x128xf32, #tpu.memory_space<vmem_shared>>
        tpu.wait_indirect_dma semaphore(%run_scoped3A_546 : memref<!tpu.dma_semaphore, #tpu.memory_space<semaphore_mem>>) src(%dma_wait3A_560 : memref<128x128xf32, #tpu.memory_space<vmem>>) dst(%dma_wait3A_566 : memref<10240x128xf32, #tpu.memory_space<vmem_shared>>)
        tpu.yield
      }) : () -> ()
      %add3A_458 = arith.constant 2 : i32
      %add3A_459 = arith.addi %add3A_438, %add3A_458 : i32
      %lt3A_460 = arith.constant 80 : i32
      %lt3A_461 = arith.cmpi slt, %add3A_459, %lt3A_460 : i32
      %convert_element_type3A_462 = arith.extui %lt3A_461 : i1 to i32
      %cond3A_463 = arith.constant 0 : i32
      %cond3A_464 = arith.cmpi ne, %convert_element_type3A_462, %cond3A_463 : i32
      scf.if %cond3A_464 {
        %dma_wait3A_546 = arith.constant 7 : i32
        %dma_wait3A_547 = arith.constant 7 : i32
        %dma_wait3A_548 = arith.constant 7 : i32
        %dma_wait3A_549 = arith.constant 0 : i32
        %dma_wait3A_550 = arith.constant 0 : i32
        %dma_wait3A_551 = tpu.memref_slice %arg6[%dma_wait3A_547, %dma_wait3A_549, %dma_wait3A_550] : memref<8x2x128xi32, #tpu.memory_space<vmem>> -> memref<1x2x128xi32, #tpu.memory_space<vmem>>
        %dma_wait3A_552 = tpu.memref_squeeze %dma_wait3A_551 : memref<1x2x128xi32, #tpu.memory_space<vmem>> -> memref<2x128xi32, #tpu.memory_space<vmem>>
        %dma_wait3A_553 = arith.constant 0 : i32
        %dma_wait3A_554 = arith.constant 0 : i32
        %dma_wait3A_555 = tpu.memref_slice %arg3[%add3A, %dma_wait3A_546, %dma_wait3A_553, %dma_wait3A_554] : memref<32x80x2x128xi32, #tpu.memory_space<hbm>> -> memref<1x1x2x128xi32, #tpu.memory_space<hbm>>
        %dma_wait3A_556 = tpu.memref_squeeze %dma_wait3A_555 : memref<1x1x2x128xi32, #tpu.memory_space<hbm>> -> memref<2x128xi32, #tpu.memory_space<hbm>>
        %dma_wait3A_557 = tpu.memref_slice %arg9[%dma_wait3A_548] : memref<8x!tpu.dma_semaphore, #tpu.memory_space<semaphore_mem>> -> memref<1x!tpu.dma_semaphore, #tpu.memory_space<semaphore_mem>>
        %dma_wait3A_558 = tpu.memref_squeeze %dma_wait3A_557 : memref<1x!tpu.dma_semaphore, #tpu.memory_space<semaphore_mem>> -> memref<!tpu.dma_semaphore, #tpu.memory_space<semaphore_mem>>
        %dma_wait3A_559 = arith.constant 0 : i32
        %dma_wait3A_560 = arith.constant 0 : i32
        %dma_wait3A_561 = tpu.memref_slice %arg6[%dma_wait3A_547, %dma_wait3A_559, %dma_wait3A_560] : memref<8x2x128xi32, #tpu.memory_space<vmem>> -> memref<1x2x128xi32, #tpu.memory_space<vmem>>
        %dma_wait3A_562 = tpu.memref_squeeze %dma_wait3A_561 : memref<1x2x128xi32, #tpu.memory_space<vmem>> -> memref<2x128xi32, #tpu.memory_space<vmem>>
        %dma_wait3A_563 = arith.constant 0 : i32
        %dma_wait3A_564 = arith.constant 0 : i32
        %dma_wait3A_565 = tpu.memref_slice %arg3[%add3A, %dma_wait3A_546, %dma_wait3A_563, %dma_wait3A_564] : memref<32x80x2x128xi32, #tpu.memory_space<hbm>> -> memref<1x1x2x128xi32, #tpu.memory_space<hbm>>
        %dma_wait3A_566 = tpu.memref_squeeze %dma_wait3A_565 : memref<1x1x2x128xi32, #tpu.memory_space<hbm>> -> memref<2x128xi32, #tpu.memory_space<hbm>>
        tpu.wait_dma2 semaphore(%dma_wait3A_558 : memref<!tpu.dma_semaphore, #tpu.memory_space<semaphore_mem>>) src(%dma_wait3A_566 : memref<2x128xi32, #tpu.memory_space<hbm>>) dst(%dma_wait3A_562 : memref<2x128xi32, #tpu.memory_space<vmem>>)
        %dma_start3A_567 = arith.constant 7 : i32
        %dma_start3A_568 = arith.constant 0 : i32
        %dma_start3A_569 = arith.constant 1 : i32
        %dma_start3A_570 = arith.constant 1 : i32
        %dma_start3A_571 = arith.constant 0 : i32
        %dma_start3A_572 = arith.constant 0 : i32
        %dma_start3A_573 = tpu.memref_slice %arg7[%dma_start3A_569, %dma_start3A_571, %dma_start3A_572] : memref<2x128x128xf32, #tpu.memory_space<vmem>> -> memref<1x128x128xf32, #tpu.memory_space<vmem>>
        %dma_start3A_574 = tpu.memref_squeeze %dma_start3A_573 : memref<1x128x128xf32, #tpu.memory_space<vmem>> -> memref<128x128xf32, #tpu.memory_space<vmem>>
        %dma_start3A_575 = arith.constant 0 : i32
        %dma_start3A_576 = tpu.memref_slice %arg6[%dma_start3A_567, %dma_start3A_568, %dma_start3A_575] : memref<8x2x128xi32, #tpu.memory_space<vmem>> -> memref<1x1x128xi32, #tpu.memory_space<vmem>>
        %dma_start3A_577 = tpu.memref_squeeze %dma_start3A_576 : memref<1x1x128xi32, #tpu.memory_space<vmem>> -> memref<128xi32, #tpu.memory_space<vmem>>
        %dma_start3A_578 = arith.constant 0 : i32
        %dma_start3A_579 = arith.constant 0 : i32
        %dma_start3A_580 = tpu.memref_slice %arg2[%dma_start3A_578, %dma_start3A_579] : memref<10240x128xf32, #tpu.memory_space<hbm>> -> memref<10240x128xf32, #tpu.memory_space<hbm>>
        %dma_start3A_581 = tpu.memref_slice %arg10[%dma_start3A_570] : memref<2x!tpu.dma_semaphore, #tpu.memory_space<semaphore_mem>> -> memref<1x!tpu.dma_semaphore, #tpu.memory_space<semaphore_mem>>
        %dma_start3A_582 = tpu.memref_squeeze %dma_start3A_581 : memref<1x!tpu.dma_semaphore, #tpu.memory_space<semaphore_mem>> -> memref<!tpu.dma_semaphore, #tpu.memory_space<semaphore_mem>>
        tpu.enqueue_indirect_dma source(%dma_start3A_580 : memref<10240x128xf32, #tpu.memory_space<hbm>>) target(%dma_start3A_574 : memref<128x128xf32, #tpu.memory_space<vmem>>) offsets(%dma_start3A_577 : memref<128xi32, #tpu.memory_space<vmem>>) semaphore(%dma_start3A_582 : memref<!tpu.dma_semaphore, #tpu.memory_space<semaphore_mem>>)
      } else {
      }
      %add3A_465 = arith.constant 8 : i32
      %add3A_466 = arith.addi %add3A_438, %add3A_465 : i32
      %lt3A_467 = arith.constant 80 : i32
      %lt3A_468 = arith.cmpi slt, %add3A_466, %lt3A_467 : i32
      %convert_element_type3A_469 = arith.extui %lt3A_468 : i1 to i32
      %cond3A_470 = arith.constant 0 : i32
      %cond3A_471 = arith.cmpi ne, %convert_element_type3A_469, %cond3A_470 : i32
      scf.if %cond3A_471 {
        %add3A_546 = arith.constant 8 : i32
        %add3A_547 = arith.addi %add3A_438, %add3A_546 : i32
        %dma_start3A_548 = arith.constant 5 : i32
        %dma_start3A_549 = arith.constant 5 : i32
        %dma_start3A_550 = arith.constant 0 : i32
        %dma_start3A_551 = arith.constant 0 : i32
        %dma_start3A_552 = tpu.memref_slice %arg6[%dma_start3A_548, %dma_start3A_550, %dma_start3A_551] : memref<8x2x128xi32, #tpu.memory_space<vmem>> -> memref<1x2x128xi32, #tpu.memory_space<vmem>>
        %dma_start3A_553 = tpu.memref_squeeze %dma_start3A_552 : memref<1x2x128xi32, #tpu.memory_space<vmem>> -> memref<2x128xi32, #tpu.memory_space<vmem>>
        %dma_start3A_554 = arith.constant 0 : i32
        %dma_start3A_555 = arith.constant 0 : i32
        %dma_start3A_556 = tpu.memref_slice %arg3[%add3A, %add3A_547, %dma_start3A_554, %dma_start3A_555] : memref<32x80x2x128xi32, #tpu.memory_space<hbm>> -> memref<1x1x2x128xi32, #tpu.memory_space<hbm>>
        %dma_start3A_557 = tpu.memref_squeeze %dma_start3A_556 : memref<1x1x2x128xi32, #tpu.memory_space<hbm>> -> memref<2x128xi32, #tpu.memory_space<hbm>>
        %dma_start3A_558 = tpu.memref_slice %arg9[%dma_start3A_549] : memref<8x!tpu.dma_semaphore, #tpu.memory_space<semaphore_mem>> -> memref<1x!tpu.dma_semaphore, #tpu.memory_space<semaphore_mem>>
        %dma_start3A_559 = tpu.memref_squeeze %dma_start3A_558 : memref<1x!tpu.dma_semaphore, #tpu.memory_space<semaphore_mem>> -> memref<!tpu.dma_semaphore, #tpu.memory_space<semaphore_mem>>
        %dma_start3A_560 = arith.constant 0 : i32
        %dma_start3A_561 = arith.constant 0 : i32
        %dma_start3A_562 = tpu.memref_slice %arg6[%dma_start3A_548, %dma_start3A_560, %dma_start3A_561] : memref<8x2x128xi32, #tpu.memory_space<vmem>> -> memref<1x2x128xi32, #tpu.memory_space<vmem>>
        %dma_start3A_563 = tpu.memref_squeeze %dma_start3A_562 : memref<1x2x128xi32, #tpu.memory_space<vmem>> -> memref<2x128xi32, #tpu.memory_space<vmem>>
        %dma_start3A_564 = arith.constant 0 : i32
        %dma_start3A_565 = arith.constant 0 : i32
        %dma_start3A_566 = tpu.memref_slice %arg3[%add3A, %add3A_547, %dma_start3A_564, %dma_start3A_565] : memref<32x80x2x128xi32, #tpu.memory_space<hbm>> -> memref<1x1x2x128xi32, #tpu.memory_space<hbm>>
        %dma_start3A_567 = tpu.memref_squeeze %dma_start3A_566 : memref<1x1x2x128xi32, #tpu.memory_space<hbm>> -> memref<2x128xi32, #tpu.memory_space<hbm>>
        tpu.enqueue_dma source(%dma_start3A_567 : memref<2x128xi32, #tpu.memory_space<hbm>>) target(%dma_start3A_563 : memref<2x128xi32, #tpu.memory_space<vmem>>) target_semaphore(%dma_start3A_559 : memref<!tpu.dma_semaphore, #tpu.memory_space<semaphore_mem>>)
      } else {
      }
      %mul3A_472 = arith.constant 8 : i32
      %mul3A_473 = arith.muli %scan3A_253, %mul3A_472 : i32
      %add3A_474 = arith.constant 6 : i32
      %add3A_475 = arith.addi %mul3A_473, %add3A_474 : i32
      %dma_wait3A_476 = arith.constant 6 : i32
      %dma_wait3A_477 = arith.constant 0 : i32
      %dma_wait3A_478 = arith.constant 0 : i32
      %dma_wait3A_479 = arith.constant 0 : i32
      %dma_wait3A_480 = arith.constant 0 : i32
      %dma_wait3A_481 = arith.constant 0 : i32
      %dma_wait3A_482 = tpu.memref_slice %arg7[%dma_wait3A_478, %dma_wait3A_480, %dma_wait3A_481] : memref<2x128x128xf32, #tpu.memory_space<vmem>> -> memref<1x128x128xf32, #tpu.memory_space<vmem>>
      %dma_wait3A_483 = tpu.memref_squeeze %dma_wait3A_482 : memref<1x128x128xf32, #tpu.memory_space<vmem>> -> memref<128x128xf32, #tpu.memory_space<vmem>>
      %dma_wait3A_484 = arith.constant 0 : i32
      %dma_wait3A_485 = tpu.memref_slice %arg6[%dma_wait3A_476, %dma_wait3A_477, %dma_wait3A_484] : memref<8x2x128xi32, #tpu.memory_space<vmem>> -> memref<1x1x128xi32, #tpu.memory_space<vmem>>
      %dma_wait3A_486 = tpu.memref_squeeze %dma_wait3A_485 : memref<1x1x128xi32, #tpu.memory_space<vmem>> -> memref<128xi32, #tpu.memory_space<vmem>>
      %dma_wait3A_487 = arith.constant 0 : i32
      %dma_wait3A_488 = arith.constant 0 : i32
      %dma_wait3A_489 = tpu.memref_slice %arg2[%dma_wait3A_487, %dma_wait3A_488] : memref<10240x128xf32, #tpu.memory_space<hbm>> -> memref<10240x128xf32, #tpu.memory_space<hbm>>
      %dma_wait3A_490 = tpu.memref_slice %arg10[%dma_wait3A_479] : memref<2x!tpu.dma_semaphore, #tpu.memory_space<semaphore_mem>> -> memref<1x!tpu.dma_semaphore, #tpu.memory_space<semaphore_mem>>
      %dma_wait3A_491 = tpu.memref_squeeze %dma_wait3A_490 : memref<1x!tpu.dma_semaphore, #tpu.memory_space<semaphore_mem>> -> memref<!tpu.dma_semaphore, #tpu.memory_space<semaphore_mem>>
      tpu.wait_indirect_dma semaphore(%dma_wait3A_491 : memref<!tpu.dma_semaphore, #tpu.memory_space<semaphore_mem>>) src(%dma_wait3A_489 : memref<10240x128xf32, #tpu.memory_space<hbm>>) dst(%dma_wait3A_483 : memref<128x128xf32, #tpu.memory_space<vmem>>)
      %run_scoped3A_492 = arith.constant 0 : i32
      %run_scoped3A_493 = arith.constant 6 : i32
      %run_scoped3A_494 = arith.constant 1 : i32
      "tpu.region"() ({
        %run_scoped3A_546 = tpu.sem_alloc : memref<!tpu.dma_semaphore, #tpu.memory_space<semaphore_mem>>
        %dma_start3A_547 = arith.constant 0 : i32
        %dma_start3A_548 = arith.constant 0 : i32
        %dma_start3A_549 = tpu.memref_slice %arg7[%run_scoped3A_492, %dma_start3A_547, %dma_start3A_548] : memref<2x128x128xf32, #tpu.memory_space<vmem>> -> memref<1x128x128xf32, #tpu.memory_space<vmem>>
        %dma_start3A_550 = tpu.memref_squeeze %dma_start3A_549 : memref<1x128x128xf32, #tpu.memory_space<vmem>> -> memref<128x128xf32, #tpu.memory_space<vmem>>
        %dma_start3A_551 = arith.constant 0 : i32
        %dma_start3A_552 = tpu.memref_slice %arg6[%run_scoped3A_493, %run_scoped3A_494, %dma_start3A_551] : memref<8x2x128xi32, #tpu.memory_space<vmem>> -> memref<1x1x128xi32, #tpu.memory_space<vmem>>
        %dma_start3A_553 = tpu.memref_squeeze %dma_start3A_552 : memref<1x1x128xi32, #tpu.memory_space<vmem>> -> memref<128xi32, #tpu.memory_space<vmem>>
        %dma_start3A_554 = arith.constant 0 : i32
        %dma_start3A_555 = arith.constant 0 : i32
        %dma_start3A_556 = tpu.memref_slice %arg8[%dma_start3A_554, %dma_start3A_555] : memref<10240x128xf32, #tpu.memory_space<vmem_shared>> -> memref<10240x128xf32, #tpu.memory_space<vmem_shared>>
        tpu.enqueue_indirect_dma source(%dma_start3A_550 : memref<128x128xf32, #tpu.memory_space<vmem>>) target(%dma_start3A_556 : memref<10240x128xf32, #tpu.memory_space<vmem_shared>>) offsets(%dma_start3A_553 : memref<128xi32, #tpu.memory_space<vmem>>) semaphore(%run_scoped3A_546 : memref<!tpu.dma_semaphore, #tpu.memory_space<semaphore_mem>>) {add = true}
        %dma_wait3A_557 = arith.constant 0 : i32
        %dma_wait3A_558 = arith.constant 0 : i32
        %dma_wait3A_559 = tpu.memref_slice %arg7[%run_scoped3A_492, %dma_wait3A_557, %dma_wait3A_558] : memref<2x128x128xf32, #tpu.memory_space<vmem>> -> memref<1x128x128xf32, #tpu.memory_space<vmem>>
        %dma_wait3A_560 = tpu.memref_squeeze %dma_wait3A_559 : memref<1x128x128xf32, #tpu.memory_space<vmem>> -> memref<128x128xf32, #tpu.memory_space<vmem>>
        %dma_wait3A_561 = arith.constant 0 : i32
        %dma_wait3A_562 = tpu.memref_slice %arg6[%run_scoped3A_493, %run_scoped3A_494, %dma_wait3A_561] : memref<8x2x128xi32, #tpu.memory_space<vmem>> -> memref<1x1x128xi32, #tpu.memory_space<vmem>>
        %dma_wait3A_563 = tpu.memref_squeeze %dma_wait3A_562 : memref<1x1x128xi32, #tpu.memory_space<vmem>> -> memref<128xi32, #tpu.memory_space<vmem>>
        %dma_wait3A_564 = arith.constant 0 : i32
        %dma_wait3A_565 = arith.constant 0 : i32
        %dma_wait3A_566 = tpu.memref_slice %arg8[%dma_wait3A_564, %dma_wait3A_565] : memref<10240x128xf32, #tpu.memory_space<vmem_shared>> -> memref<10240x128xf32, #tpu.memory_space<vmem_shared>>
        tpu.wait_indirect_dma semaphore(%run_scoped3A_546 : memref<!tpu.dma_semaphore, #tpu.memory_space<semaphore_mem>>) src(%dma_wait3A_560 : memref<128x128xf32, #tpu.memory_space<vmem>>) dst(%dma_wait3A_566 : memref<10240x128xf32, #tpu.memory_space<vmem_shared>>)
        tpu.yield
      }) : () -> ()
      %add3A_495 = arith.constant 2 : i32
      %add3A_496 = arith.addi %add3A_475, %add3A_495 : i32
      %lt3A_497 = arith.constant 80 : i32
      %lt3A_498 = arith.cmpi slt, %add3A_496, %lt3A_497 : i32
      %convert_element_type3A_499 = arith.extui %lt3A_498 : i1 to i32
      %cond3A_500 = arith.constant 0 : i32
      %cond3A_501 = arith.cmpi ne, %convert_element_type3A_499, %cond3A_500 : i32
      scf.if %cond3A_501 {
        %dma_wait3A_546 = arith.constant 0 : i32
        %dma_wait3A_547 = arith.constant 0 : i32
        %dma_wait3A_548 = arith.constant 0 : i32
        %dma_wait3A_549 = arith.constant 0 : i32
        %dma_wait3A_550 = arith.constant 0 : i32
        %dma_wait3A_551 = tpu.memref_slice %arg6[%dma_wait3A_547, %dma_wait3A_549, %dma_wait3A_550] : memref<8x2x128xi32, #tpu.memory_space<vmem>> -> memref<1x2x128xi32, #tpu.memory_space<vmem>>
        %dma_wait3A_552 = tpu.memref_squeeze %dma_wait3A_551 : memref<1x2x128xi32, #tpu.memory_space<vmem>> -> memref<2x128xi32, #tpu.memory_space<vmem>>
        %dma_wait3A_553 = arith.constant 0 : i32
        %dma_wait3A_554 = arith.constant 0 : i32
        %dma_wait3A_555 = tpu.memref_slice %arg3[%add3A, %dma_wait3A_546, %dma_wait3A_553, %dma_wait3A_554] : memref<32x80x2x128xi32, #tpu.memory_space<hbm>> -> memref<1x1x2x128xi32, #tpu.memory_space<hbm>>
        %dma_wait3A_556 = tpu.memref_squeeze %dma_wait3A_555 : memref<1x1x2x128xi32, #tpu.memory_space<hbm>> -> memref<2x128xi32, #tpu.memory_space<hbm>>
        %dma_wait3A_557 = tpu.memref_slice %arg9[%dma_wait3A_548] : memref<8x!tpu.dma_semaphore, #tpu.memory_space<semaphore_mem>> -> memref<1x!tpu.dma_semaphore, #tpu.memory_space<semaphore_mem>>
        %dma_wait3A_558 = tpu.memref_squeeze %dma_wait3A_557 : memref<1x!tpu.dma_semaphore, #tpu.memory_space<semaphore_mem>> -> memref<!tpu.dma_semaphore, #tpu.memory_space<semaphore_mem>>
        %dma_wait3A_559 = arith.constant 0 : i32
        %dma_wait3A_560 = arith.constant 0 : i32
        %dma_wait3A_561 = tpu.memref_slice %arg6[%dma_wait3A_547, %dma_wait3A_559, %dma_wait3A_560] : memref<8x2x128xi32, #tpu.memory_space<vmem>> -> memref<1x2x128xi32, #tpu.memory_space<vmem>>
        %dma_wait3A_562 = tpu.memref_squeeze %dma_wait3A_561 : memref<1x2x128xi32, #tpu.memory_space<vmem>> -> memref<2x128xi32, #tpu.memory_space<vmem>>
        %dma_wait3A_563 = arith.constant 0 : i32
        %dma_wait3A_564 = arith.constant 0 : i32
        %dma_wait3A_565 = tpu.memref_slice %arg3[%add3A, %dma_wait3A_546, %dma_wait3A_563, %dma_wait3A_564] : memref<32x80x2x128xi32, #tpu.memory_space<hbm>> -> memref<1x1x2x128xi32, #tpu.memory_space<hbm>>
        %dma_wait3A_566 = tpu.memref_squeeze %dma_wait3A_565 : memref<1x1x2x128xi32, #tpu.memory_space<hbm>> -> memref<2x128xi32, #tpu.memory_space<hbm>>
        tpu.wait_dma2 semaphore(%dma_wait3A_558 : memref<!tpu.dma_semaphore, #tpu.memory_space<semaphore_mem>>) src(%dma_wait3A_566 : memref<2x128xi32, #tpu.memory_space<hbm>>) dst(%dma_wait3A_562 : memref<2x128xi32, #tpu.memory_space<vmem>>)
        %dma_start3A_567 = arith.constant 0 : i32
        %dma_start3A_568 = arith.constant 0 : i32
        %dma_start3A_569 = arith.constant 0 : i32
        %dma_start3A_570 = arith.constant 0 : i32
        %dma_start3A_571 = arith.constant 0 : i32
        %dma_start3A_572 = arith.constant 0 : i32
        %dma_start3A_573 = tpu.memref_slice %arg7[%dma_start3A_569, %dma_start3A_571, %dma_start3A_572] : memref<2x128x128xf32, #tpu.memory_space<vmem>> -> memref<1x128x128xf32, #tpu.memory_space<vmem>>
        %dma_start3A_574 = tpu.memref_squeeze %dma_start3A_573 : memref<1x128x128xf32, #tpu.memory_space<vmem>> -> memref<128x128xf32, #tpu.memory_space<vmem>>
        %dma_start3A_575 = arith.constant 0 : i32
        %dma_start3A_576 = tpu.memref_slice %arg6[%dma_start3A_567, %dma_start3A_568, %dma_start3A_575] : memref<8x2x128xi32, #tpu.memory_space<vmem>> -> memref<1x1x128xi32, #tpu.memory_space<vmem>>
        %dma_start3A_577 = tpu.memref_squeeze %dma_start3A_576 : memref<1x1x128xi32, #tpu.memory_space<vmem>> -> memref<128xi32, #tpu.memory_space<vmem>>
        %dma_start3A_578 = arith.constant 0 : i32
        %dma_start3A_579 = arith.constant 0 : i32
        %dma_start3A_580 = tpu.memref_slice %arg2[%dma_start3A_578, %dma_start3A_579] : memref<10240x128xf32, #tpu.memory_space<hbm>> -> memref<10240x128xf32, #tpu.memory_space<hbm>>
        %dma_start3A_581 = tpu.memref_slice %arg10[%dma_start3A_570] : memref<2x!tpu.dma_semaphore, #tpu.memory_space<semaphore_mem>> -> memref<1x!tpu.dma_semaphore, #tpu.memory_space<semaphore_mem>>
        %dma_start3A_582 = tpu.memref_squeeze %dma_start3A_581 : memref<1x!tpu.dma_semaphore, #tpu.memory_space<semaphore_mem>> -> memref<!tpu.dma_semaphore, #tpu.memory_space<semaphore_mem>>
        tpu.enqueue_indirect_dma source(%dma_start3A_580 : memref<10240x128xf32, #tpu.memory_space<hbm>>) target(%dma_start3A_574 : memref<128x128xf32, #tpu.memory_space<vmem>>) offsets(%dma_start3A_577 : memref<128xi32, #tpu.memory_space<vmem>>) semaphore(%dma_start3A_582 : memref<!tpu.dma_semaphore, #tpu.memory_space<semaphore_mem>>)
      } else {
      }
      %add3A_502 = arith.constant 8 : i32
      %add3A_503 = arith.addi %add3A_475, %add3A_502 : i32
      %lt3A_504 = arith.constant 80 : i32
      %lt3A_505 = arith.cmpi slt, %add3A_503, %lt3A_504 : i32
      %convert_element_type3A_506 = arith.extui %lt3A_505 : i1 to i32
      %cond3A_507 = arith.constant 0 : i32
      %cond3A_508 = arith.cmpi ne, %convert_element_type3A_506, %cond3A_507 : i32
      scf.if %cond3A_508 {
        %add3A_546 = arith.constant 8 : i32
        %add3A_547 = arith.addi %add3A_475, %add3A_546 : i32
        %dma_start3A_548 = arith.constant 6 : i32
        %dma_start3A_549 = arith.constant 6 : i32
        %dma_start3A_550 = arith.constant 0 : i32
        %dma_start3A_551 = arith.constant 0 : i32
        %dma_start3A_552 = tpu.memref_slice %arg6[%dma_start3A_548, %dma_start3A_550, %dma_start3A_551] : memref<8x2x128xi32, #tpu.memory_space<vmem>> -> memref<1x2x128xi32, #tpu.memory_space<vmem>>
        %dma_start3A_553 = tpu.memref_squeeze %dma_start3A_552 : memref<1x2x128xi32, #tpu.memory_space<vmem>> -> memref<2x128xi32, #tpu.memory_space<vmem>>
        %dma_start3A_554 = arith.constant 0 : i32
        %dma_start3A_555 = arith.constant 0 : i32
        %dma_start3A_556 = tpu.memref_slice %arg3[%add3A, %add3A_547, %dma_start3A_554, %dma_start3A_555] : memref<32x80x2x128xi32, #tpu.memory_space<hbm>> -> memref<1x1x2x128xi32, #tpu.memory_space<hbm>>
        %dma_start3A_557 = tpu.memref_squeeze %dma_start3A_556 : memref<1x1x2x128xi32, #tpu.memory_space<hbm>> -> memref<2x128xi32, #tpu.memory_space<hbm>>
        %dma_start3A_558 = tpu.memref_slice %arg9[%dma_start3A_549] : memref<8x!tpu.dma_semaphore, #tpu.memory_space<semaphore_mem>> -> memref<1x!tpu.dma_semaphore, #tpu.memory_space<semaphore_mem>>
        %dma_start3A_559 = tpu.memref_squeeze %dma_start3A_558 : memref<1x!tpu.dma_semaphore, #tpu.memory_space<semaphore_mem>> -> memref<!tpu.dma_semaphore, #tpu.memory_space<semaphore_mem>>
        %dma_start3A_560 = arith.constant 0 : i32
        %dma_start3A_561 = arith.constant 0 : i32
        %dma_start3A_562 = tpu.memref_slice %arg6[%dma_start3A_548, %dma_start3A_560, %dma_start3A_561] : memref<8x2x128xi32, #tpu.memory_space<vmem>> -> memref<1x2x128xi32, #tpu.memory_space<vmem>>
        %dma_start3A_563 = tpu.memref_squeeze %dma_start3A_562 : memref<1x2x128xi32, #tpu.memory_space<vmem>> -> memref<2x128xi32, #tpu.memory_space<vmem>>
        %dma_start3A_564 = arith.constant 0 : i32
        %dma_start3A_565 = arith.constant 0 : i32
        %dma_start3A_566 = tpu.memref_slice %arg3[%add3A, %add3A_547, %dma_start3A_564, %dma_start3A_565] : memref<32x80x2x128xi32, #tpu.memory_space<hbm>> -> memref<1x1x2x128xi32, #tpu.memory_space<hbm>>
        %dma_start3A_567 = tpu.memref_squeeze %dma_start3A_566 : memref<1x1x2x128xi32, #tpu.memory_space<hbm>> -> memref<2x128xi32, #tpu.memory_space<hbm>>
        tpu.enqueue_dma source(%dma_start3A_567 : memref<2x128xi32, #tpu.memory_space<hbm>>) target(%dma_start3A_563 : memref<2x128xi32, #tpu.memory_space<vmem>>) target_semaphore(%dma_start3A_559 : memref<!tpu.dma_semaphore, #tpu.memory_space<semaphore_mem>>)
      } else {
      }
      %mul3A_509 = arith.constant 8 : i32
      %mul3A_510 = arith.muli %scan3A_253, %mul3A_509 : i32
      %add3A_511 = arith.constant 7 : i32
      %add3A_512 = arith.addi %mul3A_510, %add3A_511 : i32
      %dma_wait3A_513 = arith.constant 7 : i32
      %dma_wait3A_514 = arith.constant 0 : i32
      %dma_wait3A_515 = arith.constant 1 : i32
      %dma_wait3A_516 = arith.constant 1 : i32
      %dma_wait3A_517 = arith.constant 0 : i32
      %dma_wait3A_518 = arith.constant 0 : i32
      %dma_wait3A_519 = tpu.memref_slice %arg7[%dma_wait3A_515, %dma_wait3A_517, %dma_wait3A_518] : memref<2x128x128xf32, #tpu.memory_space<vmem>> -> memref<1x128x128xf32, #tpu.memory_space<vmem>>
      %dma_wait3A_520 = tpu.memref_squeeze %dma_wait3A_519 : memref<1x128x128xf32, #tpu.memory_space<vmem>> -> memref<128x128xf32, #tpu.memory_space<vmem>>
      %dma_wait3A_521 = arith.constant 0 : i32
      %dma_wait3A_522 = tpu.memref_slice %arg6[%dma_wait3A_513, %dma_wait3A_514, %dma_wait3A_521] : memref<8x2x128xi32, #tpu.memory_space<vmem>> -> memref<1x1x128xi32, #tpu.memory_space<vmem>>
      %dma_wait3A_523 = tpu.memref_squeeze %dma_wait3A_522 : memref<1x1x128xi32, #tpu.memory_space<vmem>> -> memref<128xi32, #tpu.memory_space<vmem>>
      %dma_wait3A_524 = arith.constant 0 : i32
      %dma_wait3A_525 = arith.constant 0 : i32
      %dma_wait3A_526 = tpu.memref_slice %arg2[%dma_wait3A_524, %dma_wait3A_525] : memref<10240x128xf32, #tpu.memory_space<hbm>> -> memref<10240x128xf32, #tpu.memory_space<hbm>>
      %dma_wait3A_527 = tpu.memref_slice %arg10[%dma_wait3A_516] : memref<2x!tpu.dma_semaphore, #tpu.memory_space<semaphore_mem>> -> memref<1x!tpu.dma_semaphore, #tpu.memory_space<semaphore_mem>>
      %dma_wait3A_528 = tpu.memref_squeeze %dma_wait3A_527 : memref<1x!tpu.dma_semaphore, #tpu.memory_space<semaphore_mem>> -> memref<!tpu.dma_semaphore, #tpu.memory_space<semaphore_mem>>
      tpu.wait_indirect_dma semaphore(%dma_wait3A_528 : memref<!tpu.dma_semaphore, #tpu.memory_space<semaphore_mem>>) src(%dma_wait3A_526 : memref<10240x128xf32, #tpu.memory_space<hbm>>) dst(%dma_wait3A_520 : memref<128x128xf32, #tpu.memory_space<vmem>>)
      %run_scoped3A_529 = arith.constant 1 : i32
      %run_scoped3A_530 = arith.constant 7 : i32
      %run_scoped3A_531 = arith.constant 1 : i32
      "tpu.region"() ({
        %run_scoped3A_546 = tpu.sem_alloc : memref<!tpu.dma_semaphore, #tpu.memory_space<semaphore_mem>>
        %dma_start3A_547 = arith.constant 0 : i32
        %dma_start3A_548 = arith.constant 0 : i32
        %dma_start3A_549 = tpu.memref_slice %arg7[%run_scoped3A_529, %dma_start3A_547, %dma_start3A_548] : memref<2x128x128xf32, #tpu.memory_space<vmem>> -> memref<1x128x128xf32, #tpu.memory_space<vmem>>
        %dma_start3A_550 = tpu.memref_squeeze %dma_start3A_549 : memref<1x128x128xf32, #tpu.memory_space<vmem>> -> memref<128x128xf32, #tpu.memory_space<vmem>>
        %dma_start3A_551 = arith.constant 0 : i32
        %dma_start3A_552 = tpu.memref_slice %arg6[%run_scoped3A_530, %run_scoped3A_531, %dma_start3A_551] : memref<8x2x128xi32, #tpu.memory_space<vmem>> -> memref<1x1x128xi32, #tpu.memory_space<vmem>>
        %dma_start3A_553 = tpu.memref_squeeze %dma_start3A_552 : memref<1x1x128xi32, #tpu.memory_space<vmem>> -> memref<128xi32, #tpu.memory_space<vmem>>
        %dma_start3A_554 = arith.constant 0 : i32
        %dma_start3A_555 = arith.constant 0 : i32
        %dma_start3A_556 = tpu.memref_slice %arg8[%dma_start3A_554, %dma_start3A_555] : memref<10240x128xf32, #tpu.memory_space<vmem_shared>> -> memref<10240x128xf32, #tpu.memory_space<vmem_shared>>
        tpu.enqueue_indirect_dma source(%dma_start3A_550 : memref<128x128xf32, #tpu.memory_space<vmem>>) target(%dma_start3A_556 : memref<10240x128xf32, #tpu.memory_space<vmem_shared>>) offsets(%dma_start3A_553 : memref<128xi32, #tpu.memory_space<vmem>>) semaphore(%run_scoped3A_546 : memref<!tpu.dma_semaphore, #tpu.memory_space<semaphore_mem>>) {add = true}
        %dma_wait3A_557 = arith.constant 0 : i32
        %dma_wait3A_558 = arith.constant 0 : i32
        %dma_wait3A_559 = tpu.memref_slice %arg7[%run_scoped3A_529, %dma_wait3A_557, %dma_wait3A_558] : memref<2x128x128xf32, #tpu.memory_space<vmem>> -> memref<1x128x128xf32, #tpu.memory_space<vmem>>
        %dma_wait3A_560 = tpu.memref_squeeze %dma_wait3A_559 : memref<1x128x128xf32, #tpu.memory_space<vmem>> -> memref<128x128xf32, #tpu.memory_space<vmem>>
        %dma_wait3A_561 = arith.constant 0 : i32
        %dma_wait3A_562 = tpu.memref_slice %arg6[%run_scoped3A_530, %run_scoped3A_531, %dma_wait3A_561] : memref<8x2x128xi32, #tpu.memory_space<vmem>> -> memref<1x1x128xi32, #tpu.memory_space<vmem>>
        %dma_wait3A_563 = tpu.memref_squeeze %dma_wait3A_562 : memref<1x1x128xi32, #tpu.memory_space<vmem>> -> memref<128xi32, #tpu.memory_space<vmem>>
        %dma_wait3A_564 = arith.constant 0 : i32
        %dma_wait3A_565 = arith.constant 0 : i32
        %dma_wait3A_566 = tpu.memref_slice %arg8[%dma_wait3A_564, %dma_wait3A_565] : memref<10240x128xf32, #tpu.memory_space<vmem_shared>> -> memref<10240x128xf32, #tpu.memory_space<vmem_shared>>
        tpu.wait_indirect_dma semaphore(%run_scoped3A_546 : memref<!tpu.dma_semaphore, #tpu.memory_space<semaphore_mem>>) src(%dma_wait3A_560 : memref<128x128xf32, #tpu.memory_space<vmem>>) dst(%dma_wait3A_566 : memref<10240x128xf32, #tpu.memory_space<vmem_shared>>)
        tpu.yield
      }) : () -> ()
      %add3A_532 = arith.constant 2 : i32
      %add3A_533 = arith.addi %add3A_512, %add3A_532 : i32
      %lt3A_534 = arith.constant 80 : i32
      %lt3A_535 = arith.cmpi slt, %add3A_533, %lt3A_534 : i32
      %convert_element_type3A_536 = arith.extui %lt3A_535 : i1 to i32
      %cond3A_537 = arith.constant 0 : i32
      %cond3A_538 = arith.cmpi ne, %convert_element_type3A_536, %cond3A_537 : i32
      scf.if %cond3A_538 {
        %dma_wait3A_546 = arith.constant 1 : i32
        %dma_wait3A_547 = arith.constant 1 : i32
        %dma_wait3A_548 = arith.constant 1 : i32
        %dma_wait3A_549 = arith.constant 0 : i32
        %dma_wait3A_550 = arith.constant 0 : i32
        %dma_wait3A_551 = tpu.memref_slice %arg6[%dma_wait3A_547, %dma_wait3A_549, %dma_wait3A_550] : memref<8x2x128xi32, #tpu.memory_space<vmem>> -> memref<1x2x128xi32, #tpu.memory_space<vmem>>
        %dma_wait3A_552 = tpu.memref_squeeze %dma_wait3A_551 : memref<1x2x128xi32, #tpu.memory_space<vmem>> -> memref<2x128xi32, #tpu.memory_space<vmem>>
        %dma_wait3A_553 = arith.constant 0 : i32
        %dma_wait3A_554 = arith.constant 0 : i32
        %dma_wait3A_555 = tpu.memref_slice %arg3[%add3A, %dma_wait3A_546, %dma_wait3A_553, %dma_wait3A_554] : memref<32x80x2x128xi32, #tpu.memory_space<hbm>> -> memref<1x1x2x128xi32, #tpu.memory_space<hbm>>
        %dma_wait3A_556 = tpu.memref_squeeze %dma_wait3A_555 : memref<1x1x2x128xi32, #tpu.memory_space<hbm>> -> memref<2x128xi32, #tpu.memory_space<hbm>>
        %dma_wait3A_557 = tpu.memref_slice %arg9[%dma_wait3A_548] : memref<8x!tpu.dma_semaphore, #tpu.memory_space<semaphore_mem>> -> memref<1x!tpu.dma_semaphore, #tpu.memory_space<semaphore_mem>>
        %dma_wait3A_558 = tpu.memref_squeeze %dma_wait3A_557 : memref<1x!tpu.dma_semaphore, #tpu.memory_space<semaphore_mem>> -> memref<!tpu.dma_semaphore, #tpu.memory_space<semaphore_mem>>
        %dma_wait3A_559 = arith.constant 0 : i32
        %dma_wait3A_560 = arith.constant 0 : i32
        %dma_wait3A_561 = tpu.memref_slice %arg6[%dma_wait3A_547, %dma_wait3A_559, %dma_wait3A_560] : memref<8x2x128xi32, #tpu.memory_space<vmem>> -> memref<1x2x128xi32, #tpu.memory_space<vmem>>
        %dma_wait3A_562 = tpu.memref_squeeze %dma_wait3A_561 : memref<1x2x128xi32, #tpu.memory_space<vmem>> -> memref<2x128xi32, #tpu.memory_space<vmem>>
        %dma_wait3A_563 = arith.constant 0 : i32
        %dma_wait3A_564 = arith.constant 0 : i32
        %dma_wait3A_565 = tpu.memref_slice %arg3[%add3A, %dma_wait3A_546, %dma_wait3A_563, %dma_wait3A_564] : memref<32x80x2x128xi32, #tpu.memory_space<hbm>> -> memref<1x1x2x128xi32, #tpu.memory_space<hbm>>
        %dma_wait3A_566 = tpu.memref_squeeze %dma_wait3A_565 : memref<1x1x2x128xi32, #tpu.memory_space<hbm>> -> memref<2x128xi32, #tpu.memory_space<hbm>>
        tpu.wait_dma2 semaphore(%dma_wait3A_558 : memref<!tpu.dma_semaphore, #tpu.memory_space<semaphore_mem>>) src(%dma_wait3A_566 : memref<2x128xi32, #tpu.memory_space<hbm>>) dst(%dma_wait3A_562 : memref<2x128xi32, #tpu.memory_space<vmem>>)
        %dma_start3A_567 = arith.constant 1 : i32
        %dma_start3A_568 = arith.constant 0 : i32
        %dma_start3A_569 = arith.constant 1 : i32
        %dma_start3A_570 = arith.constant 1 : i32
        %dma_start3A_571 = arith.constant 0 : i32
        %dma_start3A_572 = arith.constant 0 : i32
        %dma_start3A_573 = tpu.memref_slice %arg7[%dma_start3A_569, %dma_start3A_571, %dma_start3A_572] : memref<2x128x128xf32, #tpu.memory_space<vmem>> -> memref<1x128x128xf32, #tpu.memory_space<vmem>>
        %dma_start3A_574 = tpu.memref_squeeze %dma_start3A_573 : memref<1x128x128xf32, #tpu.memory_space<vmem>> -> memref<128x128xf32, #tpu.memory_space<vmem>>
        %dma_start3A_575 = arith.constant 0 : i32
        %dma_start3A_576 = tpu.memref_slice %arg6[%dma_start3A_567, %dma_start3A_568, %dma_start3A_575] : memref<8x2x128xi32, #tpu.memory_space<vmem>> -> memref<1x1x128xi32, #tpu.memory_space<vmem>>
        %dma_start3A_577 = tpu.memref_squeeze %dma_start3A_576 : memref<1x1x128xi32, #tpu.memory_space<vmem>> -> memref<128xi32, #tpu.memory_space<vmem>>
        %dma_start3A_578 = arith.constant 0 : i32
        %dma_start3A_579 = arith.constant 0 : i32
        %dma_start3A_580 = tpu.memref_slice %arg2[%dma_start3A_578, %dma_start3A_579] : memref<10240x128xf32, #tpu.memory_space<hbm>> -> memref<10240x128xf32, #tpu.memory_space<hbm>>
        %dma_start3A_581 = tpu.memref_slice %arg10[%dma_start3A_570] : memref<2x!tpu.dma_semaphore, #tpu.memory_space<semaphore_mem>> -> memref<1x!tpu.dma_semaphore, #tpu.memory_space<semaphore_mem>>
        %dma_start3A_582 = tpu.memref_squeeze %dma_start3A_581 : memref<1x!tpu.dma_semaphore, #tpu.memory_space<semaphore_mem>> -> memref<!tpu.dma_semaphore, #tpu.memory_space<semaphore_mem>>
        tpu.enqueue_indirect_dma source(%dma_start3A_580 : memref<10240x128xf32, #tpu.memory_space<hbm>>) target(%dma_start3A_574 : memref<128x128xf32, #tpu.memory_space<vmem>>) offsets(%dma_start3A_577 : memref<128xi32, #tpu.memory_space<vmem>>) semaphore(%dma_start3A_582 : memref<!tpu.dma_semaphore, #tpu.memory_space<semaphore_mem>>)
      } else {
      }
      %add3A_539 = arith.constant 8 : i32
      %add3A_540 = arith.addi %add3A_512, %add3A_539 : i32
      %lt3A_541 = arith.constant 80 : i32
      %lt3A_542 = arith.cmpi slt, %add3A_540, %lt3A_541 : i32
      %convert_element_type3A_543 = arith.extui %lt3A_542 : i1 to i32
      %cond3A_544 = arith.constant 0 : i32
      %cond3A_545 = arith.cmpi ne, %convert_element_type3A_543, %cond3A_544 : i32
      scf.if %cond3A_545 {
        %add3A_546 = arith.constant 8 : i32
        %add3A_547 = arith.addi %add3A_512, %add3A_546 : i32
        %dma_start3A_548 = arith.constant 7 : i32
        %dma_start3A_549 = arith.constant 7 : i32
        %dma_start3A_550 = arith.constant 0 : i32
        %dma_start3A_551 = arith.constant 0 : i32
        %dma_start3A_552 = tpu.memref_slice %arg6[%dma_start3A_548, %dma_start3A_550, %dma_start3A_551] : memref<8x2x128xi32, #tpu.memory_space<vmem>> -> memref<1x2x128xi32, #tpu.memory_space<vmem>>
        %dma_start3A_553 = tpu.memref_squeeze %dma_start3A_552 : memref<1x2x128xi32, #tpu.memory_space<vmem>> -> memref<2x128xi32, #tpu.memory_space<vmem>>
        %dma_start3A_554 = arith.constant 0 : i32
        %dma_start3A_555 = arith.constant 0 : i32
        %dma_start3A_556 = tpu.memref_slice %arg3[%add3A, %add3A_547, %dma_start3A_554, %dma_start3A_555] : memref<32x80x2x128xi32, #tpu.memory_space<hbm>> -> memref<1x1x2x128xi32, #tpu.memory_space<hbm>>
        %dma_start3A_557 = tpu.memref_squeeze %dma_start3A_556 : memref<1x1x2x128xi32, #tpu.memory_space<hbm>> -> memref<2x128xi32, #tpu.memory_space<hbm>>
        %dma_start3A_558 = tpu.memref_slice %arg9[%dma_start3A_549] : memref<8x!tpu.dma_semaphore, #tpu.memory_space<semaphore_mem>> -> memref<1x!tpu.dma_semaphore, #tpu.memory_space<semaphore_mem>>
        %dma_start3A_559 = tpu.memref_squeeze %dma_start3A_558 : memref<1x!tpu.dma_semaphore, #tpu.memory_space<semaphore_mem>> -> memref<!tpu.dma_semaphore, #tpu.memory_space<semaphore_mem>>
        %dma_start3A_560 = arith.constant 0 : i32
        %dma_start3A_561 = arith.constant 0 : i32
        %dma_start3A_562 = tpu.memref_slice %arg6[%dma_start3A_548, %dma_start3A_560, %dma_start3A_561] : memref<8x2x128xi32, #tpu.memory_space<vmem>> -> memref<1x2x128xi32, #tpu.memory_space<vmem>>
        %dma_start3A_563 = tpu.memref_squeeze %dma_start3A_562 : memref<1x2x128xi32, #tpu.memory_space<vmem>> -> memref<2x128xi32, #tpu.memory_space<vmem>>
        %dma_start3A_564 = arith.constant 0 : i32
        %dma_start3A_565 = arith.constant 0 : i32
        %dma_start3A_566 = tpu.memref_slice %arg3[%add3A, %add3A_547, %dma_start3A_564, %dma_start3A_565] : memref<32x80x2x128xi32, #tpu.memory_space<hbm>> -> memref<1x1x2x128xi32, #tpu.memory_space<hbm>>
        %dma_start3A_567 = tpu.memref_squeeze %dma_start3A_566 : memref<1x1x2x128xi32, #tpu.memory_space<hbm>> -> memref<2x128xi32, #tpu.memory_space<hbm>>
        tpu.enqueue_dma source(%dma_start3A_567 : memref<2x128xi32, #tpu.memory_space<hbm>>) target(%dma_start3A_563 : memref<2x128xi32, #tpu.memory_space<vmem>>) target_semaphore(%dma_start3A_559 : memref<!tpu.dma_semaphore, #tpu.memory_space<semaphore_mem>>)
      } else {
      }
    }
    %scan3A_247 = arith.constant 10 : i32
    %barrier3A_248 = arith.constant 0 : index
    tpu.barrier barrier_id(%barrier3A_248)
    %mul3A_249 = arith.constant 640 : i32
    %mul3A_250 = arith.muli %arg1, %mul3A_249 : i32
    %mul3A_251 = arith.constant 640 : i32
    %mul3A_252 = arith.muli %arg1, %mul3A_251 : i32
    "tpu.region"() ({
      %run_scoped3A = tpu.sem_alloc : memref<!tpu.dma_semaphore, #tpu.memory_space<semaphore_mem>>
      %dma_start3A_253 = arith.constant 0 : i32
      %dma_start3A_254 = tpu.memref_slice %arg5[%arg0, %mul3A_252, %dma_start3A_253] : memref<2x10240x128xf32, #tpu.memory_space<hbm>> -> memref<1x640x128xf32, #tpu.memory_space<hbm>>
      %dma_start3A_255 = tpu.memref_squeeze %dma_start3A_254 : memref<1x640x128xf32, #tpu.memory_space<hbm>> -> memref<640x128xf32, #tpu.memory_space<hbm>>
      %dma_start3A_256 = arith.constant 0 : i32
      %dma_start3A_257 = tpu.memref_slice %arg8[%mul3A_250, %dma_start3A_256] : memref<10240x128xf32, #tpu.memory_space<vmem_shared>> -> memref<640x128xf32, #tpu.memory_space<vmem_shared>>
      tpu.enqueue_dma source(%dma_start3A_257 : memref<640x128xf32, #tpu.memory_space<vmem_shared>>) target(%dma_start3A_255 : memref<640x128xf32, #tpu.memory_space<hbm>>) target_semaphore(%run_scoped3A : memref<!tpu.dma_semaphore, #tpu.memory_space<semaphore_mem>>)
      %dma_wait3A_258 = arith.constant 0 : i32
      %dma_wait3A_259 = tpu.memref_slice %arg5[%arg0, %mul3A_252, %dma_wait3A_258] : memref<2x10240x128xf32, #tpu.memory_space<hbm>> -> memref<1x640x128xf32, #tpu.memory_space<hbm>>
      %dma_wait3A_260 = tpu.memref_squeeze %dma_wait3A_259 : memref<1x640x128xf32, #tpu.memory_space<hbm>> -> memref<640x128xf32, #tpu.memory_space<hbm>>
      %dma_wait3A_261 = arith.constant 0 : i32
      %dma_wait3A_262 = tpu.memref_slice %arg8[%mul3A_250, %dma_wait3A_261] : memref<10240x128xf32, #tpu.memory_space<vmem_shared>> -> memref<640x128xf32, #tpu.memory_space<vmem_shared>>
      tpu.wait_dma2 semaphore(%run_scoped3A : memref<!tpu.dma_semaphore, #tpu.memory_space<semaphore_mem>>) src(%dma_wait3A_262 : memref<640x128xf32, #tpu.memory_space<vmem_shared>>) dst(%dma_wait3A_260 : memref<640x128xf32, #tpu.memory_space<hbm>>)
      tpu.yield
    }) : () -> ()
    return
  }
}

#map = affine_map<(d0, d1) -> (0, 0, 0)>
#map1 = affine_map<(d0, d1) -> (0, 0)>
module attributes {stable_mosaic.version = 14 : i64} {
  func.func @_sc_degree(%arg0: i32, %arg1: i32, %arg2: memref<32x80x128xi32, #tpu.memory_space<hbm>>, %arg3: memref<128x128xf32, #tpu.memory_space<hbm>>, %arg4: memref<640x128xf32, #tpu.memory_space<hbm>>, %arg5: memref<2x10240x128xf32, #tpu.memory_space<hbm>>, %arg6: memref<80x128xi32, #tpu.memory_space<vmem>>, %arg7: memref<128x128xf32, #tpu.memory_space<vmem>>, %arg8: memref<10240x128xf32, #tpu.memory_space<vmem_shared>>) attributes {dimension_semantics = [#tpu.dimension_semantics<core_parallel>, #tpu.dimension_semantics<subcore_parallel>], iteration_bounds = array<i64: 2, 16>, scalar_prefetch = 0 : i64, scratch_operands = 3 : i64, tpu.core_type = #tpu.core_type<sc_vector_subcore>, window_params = [{transform_indices = #map}, {transform_indices = #map1}, {transform_indices = #map1}, {transform_indices = #map}]} {
    %mul3A = arith.constant 2 : i32
    %mul3A_0 = arith.muli %arg1, %mul3A : i32
    %add3A = arith.addi %mul3A_0, %arg0 : i32
    %mul3A_1 = arith.constant 640 : i32
    %mul3A_2 = arith.muli %arg1, %mul3A_1 : i32
    "tpu.region"() ({
      %run_scoped3A = tpu.sem_alloc : memref<!tpu.dma_semaphore, #tpu.memory_space<semaphore_mem>>
      %dma_start3A = arith.constant 0 : i32
      %dma_start3A_13 = tpu.memref_slice %arg8[%mul3A_2, %dma_start3A] : memref<10240x128xf32, #tpu.memory_space<vmem_shared>> -> memref<640x128xf32, #tpu.memory_space<vmem_shared>>
      tpu.enqueue_dma source(%arg4 : memref<640x128xf32, #tpu.memory_space<hbm>>) target(%dma_start3A_13 : memref<640x128xf32, #tpu.memory_space<vmem_shared>>) target_semaphore(%run_scoped3A : memref<!tpu.dma_semaphore, #tpu.memory_space<semaphore_mem>>)
      %dma_wait3A = arith.constant 0 : i32
      %dma_wait3A_14 = tpu.memref_slice %arg8[%mul3A_2, %dma_wait3A] : memref<10240x128xf32, #tpu.memory_space<vmem_shared>> -> memref<640x128xf32, #tpu.memory_space<vmem_shared>>
      tpu.wait_dma2 semaphore(%run_scoped3A : memref<!tpu.dma_semaphore, #tpu.memory_space<semaphore_mem>>) src(%arg4 : memref<640x128xf32, #tpu.memory_space<hbm>>) dst(%dma_wait3A_14 : memref<640x128xf32, #tpu.memory_space<vmem_shared>>)
      tpu.yield
    }) : () -> ()
    "tpu.region"() ({
      %run_scoped3A = tpu.sem_alloc : memref<!tpu.dma_semaphore, #tpu.memory_space<semaphore_mem>>
      %dma_start3A = arith.constant 0 : i32
      %dma_start3A_13 = arith.constant 0 : i32
      %dma_start3A_14 = tpu.memref_slice %arg2[%add3A, %dma_start3A, %dma_start3A_13] : memref<32x80x128xi32, #tpu.memory_space<hbm>> -> memref<1x80x128xi32, #tpu.memory_space<hbm>>
      %dma_start3A_15 = tpu.memref_squeeze %dma_start3A_14 : memref<1x80x128xi32, #tpu.memory_space<hbm>> -> memref<80x128xi32, #tpu.memory_space<hbm>>
      %dma_start3A_16 = arith.constant 0 : i32
      %dma_start3A_17 = arith.constant 0 : i32
      %dma_start3A_18 = tpu.memref_slice %arg2[%add3A, %dma_start3A_16, %dma_start3A_17] : memref<32x80x128xi32, #tpu.memory_space<hbm>> -> memref<1x80x128xi32, #tpu.memory_space<hbm>>
      %dma_start3A_19 = tpu.memref_squeeze %dma_start3A_18 : memref<1x80x128xi32, #tpu.memory_space<hbm>> -> memref<80x128xi32, #tpu.memory_space<hbm>>
      tpu.enqueue_dma source(%dma_start3A_19 : memref<80x128xi32, #tpu.memory_space<hbm>>) target(%arg6 : memref<80x128xi32, #tpu.memory_space<vmem>>) target_semaphore(%run_scoped3A : memref<!tpu.dma_semaphore, #tpu.memory_space<semaphore_mem>>)
      %dma_wait3A = arith.constant 0 : i32
      %dma_wait3A_20 = arith.constant 0 : i32
      %dma_wait3A_21 = tpu.memref_slice %arg2[%add3A, %dma_wait3A, %dma_wait3A_20] : memref<32x80x128xi32, #tpu.memory_space<hbm>> -> memref<1x80x128xi32, #tpu.memory_space<hbm>>
      %dma_wait3A_22 = tpu.memref_squeeze %dma_wait3A_21 : memref<1x80x128xi32, #tpu.memory_space<hbm>> -> memref<80x128xi32, #tpu.memory_space<hbm>>
      %dma_wait3A_23 = arith.constant 0 : i32
      %dma_wait3A_24 = arith.constant 0 : i32
      %dma_wait3A_25 = tpu.memref_slice %arg2[%add3A, %dma_wait3A_23, %dma_wait3A_24] : memref<32x80x128xi32, #tpu.memory_space<hbm>> -> memref<1x80x128xi32, #tpu.memory_space<hbm>>
      %dma_wait3A_26 = tpu.memref_squeeze %dma_wait3A_25 : memref<1x80x128xi32, #tpu.memory_space<hbm>> -> memref<80x128xi32, #tpu.memory_space<hbm>>
      tpu.wait_dma2 semaphore(%run_scoped3A : memref<!tpu.dma_semaphore, #tpu.memory_space<semaphore_mem>>) src(%dma_wait3A_26 : memref<80x128xi32, #tpu.memory_space<hbm>>) dst(%arg6 : memref<80x128xi32, #tpu.memory_space<vmem>>)
      tpu.yield
    }) : () -> ()
    "tpu.region"() ({
      %run_scoped3A = tpu.sem_alloc : memref<!tpu.dma_semaphore, #tpu.memory_space<semaphore_mem>>
      tpu.enqueue_dma source(%arg3 : memref<128x128xf32, #tpu.memory_space<hbm>>) target(%arg7 : memref<128x128xf32, #tpu.memory_space<vmem>>) target_semaphore(%run_scoped3A : memref<!tpu.dma_semaphore, #tpu.memory_space<semaphore_mem>>)
      tpu.wait_dma2 semaphore(%run_scoped3A : memref<!tpu.dma_semaphore, #tpu.memory_space<semaphore_mem>>) src(%arg3 : memref<128x128xf32, #tpu.memory_space<hbm>>) dst(%arg7 : memref<128x128xf32, #tpu.memory_space<vmem>>)
      tpu.yield
    }) : () -> ()
    %barrier3A = arith.constant 0 : index
    tpu.barrier barrier_id(%barrier3A)
    %scan3A = arith.constant 0 : i32
    %scan3A_3 = arith.constant 0 : i32
    %scan3A_4 = arith.constant 80 : i32
    %scan3A_5 = arith.addi %scan3A_3, %scan3A_4 : i32
    %scan3A_6 = arith.constant 1 : i32
    scf.for %scan3A_13 = %scan3A_3 to %scan3A_5 step %scan3A_6  : i32 {
      "tpu.region"() ({
        %run_scoped3A = tpu.sem_alloc : memref<!tpu.dma_semaphore, #tpu.memory_space<semaphore_mem>>
        %dma_start3A = arith.constant 0 : i32
        %dma_start3A_14 = tpu.memref_slice %arg6[%scan3A_13, %dma_start3A] : memref<80x128xi32, #tpu.memory_space<vmem>> -> memref<1x128xi32, #tpu.memory_space<vmem>>
        %dma_start3A_15 = tpu.memref_squeeze %dma_start3A_14 : memref<1x128xi32, #tpu.memory_space<vmem>> -> memref<128xi32, #tpu.memory_space<vmem>>
        %dma_start3A_16 = arith.constant 0 : i32
        %dma_start3A_17 = arith.constant 0 : i32
        %dma_start3A_18 = tpu.memref_slice %arg8[%dma_start3A_16, %dma_start3A_17] : memref<10240x128xf32, #tpu.memory_space<vmem_shared>> -> memref<10240x128xf32, #tpu.memory_space<vmem_shared>>
        tpu.enqueue_indirect_dma source(%arg7 : memref<128x128xf32, #tpu.memory_space<vmem>>) target(%dma_start3A_18 : memref<10240x128xf32, #tpu.memory_space<vmem_shared>>) offsets(%dma_start3A_15 : memref<128xi32, #tpu.memory_space<vmem>>) semaphore(%run_scoped3A : memref<!tpu.dma_semaphore, #tpu.memory_space<semaphore_mem>>) {add = true}
        %dma_wait3A = arith.constant 0 : i32
        %dma_wait3A_19 = tpu.memref_slice %arg6[%scan3A_13, %dma_wait3A] : memref<80x128xi32, #tpu.memory_space<vmem>> -> memref<1x128xi32, #tpu.memory_space<vmem>>
        %dma_wait3A_20 = tpu.memref_squeeze %dma_wait3A_19 : memref<1x128xi32, #tpu.memory_space<vmem>> -> memref<128xi32, #tpu.memory_space<vmem>>
        %dma_wait3A_21 = arith.constant 0 : i32
        %dma_wait3A_22 = arith.constant 0 : i32
        %dma_wait3A_23 = tpu.memref_slice %arg8[%dma_wait3A_21, %dma_wait3A_22] : memref<10240x128xf32, #tpu.memory_space<vmem_shared>> -> memref<10240x128xf32, #tpu.memory_space<vmem_shared>>
        tpu.wait_indirect_dma semaphore(%run_scoped3A : memref<!tpu.dma_semaphore, #tpu.memory_space<semaphore_mem>>) src(%arg7 : memref<128x128xf32, #tpu.memory_space<vmem>>) dst(%dma_wait3A_23 : memref<10240x128xf32, #tpu.memory_space<vmem_shared>>)
        tpu.yield
      }) : () -> ()
    }
    %scan3A_7 = arith.constant 80 : i32
    %barrier3A_8 = arith.constant 0 : index
    tpu.barrier barrier_id(%barrier3A_8)
    %mul3A_9 = arith.constant 640 : i32
    %mul3A_10 = arith.muli %arg1, %mul3A_9 : i32
    %mul3A_11 = arith.constant 640 : i32
    %mul3A_12 = arith.muli %arg1, %mul3A_11 : i32
    "tpu.region"() ({
      %run_scoped3A = tpu.sem_alloc : memref<!tpu.dma_semaphore, #tpu.memory_space<semaphore_mem>>
      %dma_start3A = arith.constant 0 : i32
      %dma_start3A_13 = tpu.memref_slice %arg5[%arg0, %mul3A_12, %dma_start3A] : memref<2x10240x128xf32, #tpu.memory_space<hbm>> -> memref<1x640x128xf32, #tpu.memory_space<hbm>>
      %dma_start3A_14 = tpu.memref_squeeze %dma_start3A_13 : memref<1x640x128xf32, #tpu.memory_space<hbm>> -> memref<640x128xf32, #tpu.memory_space<hbm>>
      %dma_start3A_15 = arith.constant 0 : i32
      %dma_start3A_16 = tpu.memref_slice %arg8[%mul3A_10, %dma_start3A_15] : memref<10240x128xf32, #tpu.memory_space<vmem_shared>> -> memref<640x128xf32, #tpu.memory_space<vmem_shared>>
      tpu.enqueue_dma source(%dma_start3A_16 : memref<640x128xf32, #tpu.memory_space<vmem_shared>>) target(%dma_start3A_14 : memref<640x128xf32, #tpu.memory_space<hbm>>) target_semaphore(%run_scoped3A : memref<!tpu.dma_semaphore, #tpu.memory_space<semaphore_mem>>)
      %dma_wait3A = arith.constant 0 : i32
      %dma_wait3A_17 = tpu.memref_slice %arg5[%arg0, %mul3A_12, %dma_wait3A] : memref<2x10240x128xf32, #tpu.memory_space<hbm>> -> memref<1x640x128xf32, #tpu.memory_space<hbm>>
      %dma_wait3A_18 = tpu.memref_squeeze %dma_wait3A_17 : memref<1x640x128xf32, #tpu.memory_space<hbm>> -> memref<640x128xf32, #tpu.memory_space<hbm>>
      %dma_wait3A_19 = arith.constant 0 : i32
      %dma_wait3A_20 = tpu.memref_slice %arg8[%mul3A_10, %dma_wait3A_19] : memref<10240x128xf32, #tpu.memory_space<vmem_shared>> -> memref<640x128xf32, #tpu.memory_space<vmem_shared>>
      tpu.wait_dma2 semaphore(%run_scoped3A : memref<!tpu.dma_semaphore, #tpu.memory_space<semaphore_mem>>) src(%dma_wait3A_20 : memref<640x128xf32, #tpu.memory_space<vmem_shared>>) dst(%dma_wait3A_18 : memref<640x128xf32, #tpu.memory_space<hbm>>)
      tpu.yield
    }) : () -> ()
    return
  }
}

#map = affine_map<(d0, d1) -> (0, 0)>
#map1 = affine_map<(d0, d1) -> (0, 0, 0, 0)>
#map2 = affine_map<(d0, d1) -> (0, 0, 0)>
module attributes {stable_mosaic.version = 14 : i64} {
  func.func @_sc_edge_agg(%arg0: i32, %arg1: i32, %arg2: memref<10240x128xf32, #tpu.memory_space<hbm>>, %arg3: memref<32x80x2x128xi32, #tpu.memory_space<hbm>>, %arg4: memref<640x128xf32, #tpu.memory_space<hbm>>, %arg5: memref<2x10240x128xf32, #tpu.memory_space<hbm>>, %arg6: memref<8x2x128xi32, #tpu.memory_space<vmem>>, %arg7: memref<2x128x128xf32, #tpu.memory_space<vmem>>, %arg8: memref<10240x128xf32, #tpu.memory_space<vmem_shared>>, %arg9: memref<8x!tpu.dma_semaphore, #tpu.memory_space<semaphore_mem>>, %arg10: memref<2x!tpu.dma_semaphore, #tpu.memory_space<semaphore_mem>>) attributes {dimension_semantics = [#tpu.dimension_semantics<core_parallel>, #tpu.dimension_semantics<subcore_parallel>], iteration_bounds = array<i64: 2, 16>, scalar_prefetch = 0 : i64, scratch_operands = 5 : i64, tpu.core_type = #tpu.core_type<sc_vector_subcore>, window_params = [{transform_indices = #map}, {transform_indices = #map1}, {transform_indices = #map}, {transform_indices = #map2}]} {
    %mul3A = arith.constant 2 : i32
    %mul3A_0 = arith.muli %arg1, %mul3A : i32
    %add3A = arith.addi %mul3A_0, %arg0 : i32
    %mul3A_1 = arith.constant 640 : i32
    %mul3A_2 = arith.muli %arg1, %mul3A_1 : i32
    "tpu.region"() ({
      %run_scoped3A = tpu.sem_alloc : memref<!tpu.dma_semaphore, #tpu.memory_space<semaphore_mem>>
      %dma_start3A_253 = arith.constant 0 : i32
      %dma_start3A_254 = tpu.memref_slice %arg8[%mul3A_2, %dma_start3A_253] : memref<10240x128xf32, #tpu.memory_space<vmem_shared>> -> memref<640x128xf32, #tpu.memory_space<vmem_shared>>
      tpu.enqueue_dma source(%arg4 : memref<640x128xf32, #tpu.memory_space<hbm>>) target(%dma_start3A_254 : memref<640x128xf32, #tpu.memory_space<vmem_shared>>) target_semaphore(%run_scoped3A : memref<!tpu.dma_semaphore, #tpu.memory_space<semaphore_mem>>)
      %dma_wait3A_255 = arith.constant 0 : i32
      %dma_wait3A_256 = tpu.memref_slice %arg8[%mul3A_2, %dma_wait3A_255] : memref<10240x128xf32, #tpu.memory_space<vmem_shared>> -> memref<640x128xf32, #tpu.memory_space<vmem_shared>>
      tpu.wait_dma2 semaphore(%run_scoped3A : memref<!tpu.dma_semaphore, #tpu.memory_space<semaphore_mem>>) src(%arg4 : memref<640x128xf32, #tpu.memory_space<hbm>>) dst(%dma_wait3A_256 : memref<640x128xf32, #tpu.memory_space<vmem_shared>>)
      tpu.yield
    }) : () -> ()
    %dma_start3A = arith.constant 0 : i32
    %dma_start3A_3 = arith.constant 0 : i32
    %dma_start3A_4 = arith.constant 0 : i32
    %dma_start3A_5 = arith.constant 0 : i32
    %dma_start3A_6 = arith.constant 0 : i32
    %dma_start3A_7 = tpu.memref_slice %arg6[%dma_start3A_3, %dma_start3A_5, %dma_start3A_6] : memref<8x2x128xi32, #tpu.memory_space<vmem>> -> memref<1x2x128xi32, #tpu.memory_space<vmem>>
    %dma_start3A_8 = tpu.memref_squeeze %dma_start3A_7 : memref<1x2x128xi32, #tpu.memory_space<vmem>> -> memref<2x128xi32, #tpu.memory_space<vmem>>
    %dma_start3A_9 = arith.constant 0 : i32
    %dma_start3A_10 = arith.constant 0 : i32
    %dma_start3A_11 = tpu.memref_slice %arg3[%add3A, %dma_start3A, %dma_start3A_9, %dma_start3A_10] : memref<32x80x2x128xi32, #tpu.memory_space<hbm>> -> memref<1x1x2x128xi32, #tpu.memory_space<hbm>>
    %dma_start3A_12 = tpu.memref_squeeze %dma_start3A_11 : memref<1x1x2x128xi32, #tpu.memory_space<hbm>> -> memref<2x128xi32, #tpu.memory_space<hbm>>
    %dma_start3A_13 = tpu.memref_slice %arg9[%dma_start3A_4] : memref<8x!tpu.dma_semaphore, #tpu.memory_space<semaphore_mem>> -> memref<1x!tpu.dma_semaphore, #tpu.memory_space<semaphore_mem>>
    %dma_start3A_14 = tpu.memref_squeeze %dma_start3A_13 : memref<1x!tpu.dma_semaphore, #tpu.memory_space<semaphore_mem>> -> memref<!tpu.dma_semaphore, #tpu.memory_space<semaphore_mem>>
    %dma_start3A_15 = arith.constant 0 : i32
    %dma_start3A_16 = arith.constant 0 : i32
    %dma_start3A_17 = tpu.memref_slice %arg6[%dma_start3A_3, %dma_start3A_15, %dma_start3A_16] : memref<8x2x128xi32, #tpu.memory_space<vmem>> -> memref<1x2x128xi32, #tpu.memory_space<vmem>>
    %dma_start3A_18 = tpu.memref_squeeze %dma_start3A_17 : memref<1x2x128xi32, #tpu.memory_space<vmem>> -> memref<2x128xi32, #tpu.memory_space<vmem>>
    %dma_start3A_19 = arith.constant 0 : i32
    %dma_start3A_20 = arith.constant 0 : i32
    %dma_start3A_21 = tpu.memref_slice %arg3[%add3A, %dma_start3A, %dma_start3A_19, %dma_start3A_20] : memref<32x80x2x128xi32, #tpu.memory_space<hbm>> -> memref<1x1x2x128xi32, #tpu.memory_space<hbm>>
    %dma_start3A_22 = tpu.memref_squeeze %dma_start3A_21 : memref<1x1x2x128xi32, #tpu.memory_space<hbm>> -> memref<2x128xi32, #tpu.memory_space<hbm>>
    tpu.enqueue_dma source(%dma_start3A_22 : memref<2x128xi32, #tpu.memory_space<hbm>>) target(%dma_start3A_18 : memref<2x128xi32, #tpu.memory_space<vmem>>) target_semaphore(%dma_start3A_14 : memref<!tpu.dma_semaphore, #tpu.memory_space<semaphore_mem>>)
    %dma_start3A_23 = arith.constant 1 : i32
    %dma_start3A_24 = arith.constant 1 : i32
    %dma_start3A_25 = arith.constant 1 : i32
    %dma_start3A_26 = arith.constant 0 : i32
    %dma_start3A_27 = arith.constant 0 : i32
    %dma_start3A_28 = tpu.memref_slice %arg6[%dma_start3A_24, %dma_start3A_26, %dma_start3A_27] : memref<8x2x128xi32, #tpu.memory_space<vmem>> -> memref<1x2x128xi32, #tpu.memory_space<vmem>>
    %dma_start3A_29 = tpu.memref_squeeze %dma_start3A_28 : memref<1x2x128xi32, #tpu.memory_space<vmem>> -> memref<2x128xi32, #tpu.memory_space<vmem>>
    %dma_start3A_30 = arith.constant 0 : i32
    %dma_start3A_31 = arith.constant 0 : i32
    %dma_start3A_32 = tpu.memref_slice %arg3[%add3A, %dma_start3A_23, %dma_start3A_30, %dma_start3A_31] : memref<32x80x2x128xi32, #tpu.memory_space<hbm>> -> memref<1x1x2x128xi32, #tpu.memory_space<hbm>>
    %dma_start3A_33 = tpu.memref_squeeze %dma_start3A_32 : memref<1x1x2x128xi32, #tpu.memory_space<hbm>> -> memref<2x128xi32, #tpu.memory_space<hbm>>
    %dma_start3A_34 = tpu.memref_slice %arg9[%dma_start3A_25] : memref<8x!tpu.dma_semaphore, #tpu.memory_space<semaphore_mem>> -> memref<1x!tpu.dma_semaphore, #tpu.memory_space<semaphore_mem>>
    %dma_start3A_35 = tpu.memref_squeeze %dma_start3A_34 : memref<1x!tpu.dma_semaphore, #tpu.memory_space<semaphore_mem>> -> memref<!tpu.dma_semaphore, #tpu.memory_space<semaphore_mem>>
    %dma_start3A_36 = arith.constant 0 : i32
    %dma_start3A_37 = arith.constant 0 : i32
    %dma_start3A_38 = tpu.memref_slice %arg6[%dma_start3A_24, %dma_start3A_36, %dma_start3A_37] : memref<8x2x128xi32, #tpu.memory_space<vmem>> -> memref<1x2x128xi32, #tpu.memory_space<vmem>>
    %dma_start3A_39 = tpu.memref_squeeze %dma_start3A_38 : memref<1x2x128xi32, #tpu.memory_space<vmem>> -> memref<2x128xi32, #tpu.memory_space<vmem>>
    %dma_start3A_40 = arith.constant 0 : i32
    %dma_start3A_41 = arith.constant 0 : i32
    %dma_start3A_42 = tpu.memref_slice %arg3[%add3A, %dma_start3A_23, %dma_start3A_40, %dma_start3A_41] : memref<32x80x2x128xi32, #tpu.memory_space<hbm>> -> memref<1x1x2x128xi32, #tpu.memory_space<hbm>>
    %dma_start3A_43 = tpu.memref_squeeze %dma_start3A_42 : memref<1x1x2x128xi32, #tpu.memory_space<hbm>> -> memref<2x128xi32, #tpu.memory_space<hbm>>
    tpu.enqueue_dma source(%dma_start3A_43 : memref<2x128xi32, #tpu.memory_space<hbm>>) target(%dma_start3A_39 : memref<2x128xi32, #tpu.memory_space<vmem>>) target_semaphore(%dma_start3A_35 : memref<!tpu.dma_semaphore, #tpu.memory_space<semaphore_mem>>)
    %dma_start3A_44 = arith.constant 2 : i32
    %dma_start3A_45 = arith.constant 2 : i32
    %dma_start3A_46 = arith.constant 2 : i32
    %dma_start3A_47 = arith.constant 0 : i32
    %dma_start3A_48 = arith.constant 0 : i32
    %dma_start3A_49 = tpu.memref_slice %arg6[%dma_start3A_45, %dma_start3A_47, %dma_start3A_48] : memref<8x2x128xi32, #tpu.memory_space<vmem>> -> memref<1x2x128xi32, #tpu.memory_space<vmem>>
    %dma_start3A_50 = tpu.memref_squeeze %dma_start3A_49 : memref<1x2x128xi32, #tpu.memory_space<vmem>> -> memref<2x128xi32, #tpu.memory_space<vmem>>
    %dma_start3A_51 = arith.constant 0 : i32
    %dma_start3A_52 = arith.constant 0 : i32
    %dma_start3A_53 = tpu.memref_slice %arg3[%add3A, %dma_start3A_44, %dma_start3A_51, %dma_start3A_52] : memref<32x80x2x128xi32, #tpu.memory_space<hbm>> -> memref<1x1x2x128xi32, #tpu.memory_space<hbm>>
    %dma_start3A_54 = tpu.memref_squeeze %dma_start3A_53 : memref<1x1x2x128xi32, #tpu.memory_space<hbm>> -> memref<2x128xi32, #tpu.memory_space<hbm>>
    %dma_start3A_55 = tpu.memref_slice %arg9[%dma_start3A_46] : memref<8x!tpu.dma_semaphore, #tpu.memory_space<semaphore_mem>> -> memref<1x!tpu.dma_semaphore, #tpu.memory_space<semaphore_mem>>
    %dma_start3A_56 = tpu.memref_squeeze %dma_start3A_55 : memref<1x!tpu.dma_semaphore, #tpu.memory_space<semaphore_mem>> -> memref<!tpu.dma_semaphore, #tpu.memory_space<semaphore_mem>>
    %dma_start3A_57 = arith.constant 0 : i32
    %dma_start3A_58 = arith.constant 0 : i32
    %dma_start3A_59 = tpu.memref_slice %arg6[%dma_start3A_45, %dma_start3A_57, %dma_start3A_58] : memref<8x2x128xi32, #tpu.memory_space<vmem>> -> memref<1x2x128xi32, #tpu.memory_space<vmem>>
    %dma_start3A_60 = tpu.memref_squeeze %dma_start3A_59 : memref<1x2x128xi32, #tpu.memory_space<vmem>> -> memref<2x128xi32, #tpu.memory_space<vmem>>
    %dma_start3A_61 = arith.constant 0 : i32
    %dma_start3A_62 = arith.constant 0 : i32
    %dma_start3A_63 = tpu.memref_slice %arg3[%add3A, %dma_start3A_44, %dma_start3A_61, %dma_start3A_62] : memref<32x80x2x128xi32, #tpu.memory_space<hbm>> -> memref<1x1x2x128xi32, #tpu.memory_space<hbm>>
    %dma_start3A_64 = tpu.memref_squeeze %dma_start3A_63 : memref<1x1x2x128xi32, #tpu.memory_space<hbm>> -> memref<2x128xi32, #tpu.memory_space<hbm>>
    tpu.enqueue_dma source(%dma_start3A_64 : memref<2x128xi32, #tpu.memory_space<hbm>>) target(%dma_start3A_60 : memref<2x128xi32, #tpu.memory_space<vmem>>) target_semaphore(%dma_start3A_56 : memref<!tpu.dma_semaphore, #tpu.memory_space<semaphore_mem>>)
    %dma_start3A_65 = arith.constant 3 : i32
    %dma_start3A_66 = arith.constant 3 : i32
    %dma_start3A_67 = arith.constant 3 : i32
    %dma_start3A_68 = arith.constant 0 : i32
    %dma_start3A_69 = arith.constant 0 : i32
    %dma_start3A_70 = tpu.memref_slice %arg6[%dma_start3A_66, %dma_start3A_68, %dma_start3A_69] : memref<8x2x128xi32, #tpu.memory_space<vmem>> -> memref<1x2x128xi32, #tpu.memory_space<vmem>>
    %dma_start3A_71 = tpu.memref_squeeze %dma_start3A_70 : memref<1x2x128xi32, #tpu.memory_space<vmem>> -> memref<2x128xi32, #tpu.memory_space<vmem>>
    %dma_start3A_72 = arith.constant 0 : i32
    %dma_start3A_73 = arith.constant 0 : i32
    %dma_start3A_74 = tpu.memref_slice %arg3[%add3A, %dma_start3A_65, %dma_start3A_72, %dma_start3A_73] : memref<32x80x2x128xi32, #tpu.memory_space<hbm>> -> memref<1x1x2x128xi32, #tpu.memory_space<hbm>>
    %dma_start3A_75 = tpu.memref_squeeze %dma_start3A_74 : memref<1x1x2x128xi32, #tpu.memory_space<hbm>> -> memref<2x128xi32, #tpu.memory_space<hbm>>
    %dma_start3A_76 = tpu.memref_slice %arg9[%dma_start3A_67] : memref<8x!tpu.dma_semaphore, #tpu.memory_space<semaphore_mem>> -> memref<1x!tpu.dma_semaphore, #tpu.memory_space<semaphore_mem>>
    %dma_start3A_77 = tpu.memref_squeeze %dma_start3A_76 : memref<1x!tpu.dma_semaphore, #tpu.memory_space<semaphore_mem>> -> memref<!tpu.dma_semaphore, #tpu.memory_space<semaphore_mem>>
    %dma_start3A_78 = arith.constant 0 : i32
    %dma_start3A_79 = arith.constant 0 : i32
    %dma_start3A_80 = tpu.memref_slice %arg6[%dma_start3A_66, %dma_start3A_78, %dma_start3A_79] : memref<8x2x128xi32, #tpu.memory_space<vmem>> -> memref<1x2x128xi32, #tpu.memory_space<vmem>>
    %dma_start3A_81 = tpu.memref_squeeze %dma_start3A_80 : memref<1x2x128xi32, #tpu.memory_space<vmem>> -> memref<2x128xi32, #tpu.memory_space<vmem>>
    %dma_start3A_82 = arith.constant 0 : i32
    %dma_start3A_83 = arith.constant 0 : i32
    %dma_start3A_84 = tpu.memref_slice %arg3[%add3A, %dma_start3A_65, %dma_start3A_82, %dma_start3A_83] : memref<32x80x2x128xi32, #tpu.memory_space<hbm>> -> memref<1x1x2x128xi32, #tpu.memory_space<hbm>>
    %dma_start3A_85 = tpu.memref_squeeze %dma_start3A_84 : memref<1x1x2x128xi32, #tpu.memory_space<hbm>> -> memref<2x128xi32, #tpu.memory_space<hbm>>
    tpu.enqueue_dma source(%dma_start3A_85 : memref<2x128xi32, #tpu.memory_space<hbm>>) target(%dma_start3A_81 : memref<2x128xi32, #tpu.memory_space<vmem>>) target_semaphore(%dma_start3A_77 : memref<!tpu.dma_semaphore, #tpu.memory_space<semaphore_mem>>)
    %dma_start3A_86 = arith.constant 4 : i32
    %dma_start3A_87 = arith.constant 4 : i32
    %dma_start3A_88 = arith.constant 4 : i32
    %dma_start3A_89 = arith.constant 0 : i32
    %dma_start3A_90 = arith.constant 0 : i32
    %dma_start3A_91 = tpu.memref_slice %arg6[%dma_start3A_87, %dma_start3A_89, %dma_start3A_90] : memref<8x2x128xi32, #tpu.memory_space<vmem>> -> memref<1x2x128xi32, #tpu.memory_space<vmem>>
    %dma_start3A_92 = tpu.memref_squeeze %dma_start3A_91 : memref<1x2x128xi32, #tpu.memory_space<vmem>> -> memref<2x128xi32, #tpu.memory_space<vmem>>
    %dma_start3A_93 = arith.constant 0 : i32
    %dma_start3A_94 = arith.constant 0 : i32
    %dma_start3A_95 = tpu.memref_slice %arg3[%add3A, %dma_start3A_86, %dma_start3A_93, %dma_start3A_94] : memref<32x80x2x128xi32, #tpu.memory_space<hbm>> -> memref<1x1x2x128xi32, #tpu.memory_space<hbm>>
    %dma_start3A_96 = tpu.memref_squeeze %dma_start3A_95 : memref<1x1x2x128xi32, #tpu.memory_space<hbm>> -> memref<2x128xi32, #tpu.memory_space<hbm>>
    %dma_start3A_97 = tpu.memref_slice %arg9[%dma_start3A_88] : memref<8x!tpu.dma_semaphore, #tpu.memory_space<semaphore_mem>> -> memref<1x!tpu.dma_semaphore, #tpu.memory_space<semaphore_mem>>
    %dma_start3A_98 = tpu.memref_squeeze %dma_start3A_97 : memref<1x!tpu.dma_semaphore, #tpu.memory_space<semaphore_mem>> -> memref<!tpu.dma_semaphore, #tpu.memory_space<semaphore_mem>>
    %dma_start3A_99 = arith.constant 0 : i32
    %dma_start3A_100 = arith.constant 0 : i32
    %dma_start3A_101 = tpu.memref_slice %arg6[%dma_start3A_87, %dma_start3A_99, %dma_start3A_100] : memref<8x2x128xi32, #tpu.memory_space<vmem>> -> memref<1x2x128xi32, #tpu.memory_space<vmem>>
    %dma_start3A_102 = tpu.memref_squeeze %dma_start3A_101 : memref<1x2x128xi32, #tpu.memory_space<vmem>> -> memref<2x128xi32, #tpu.memory_space<vmem>>
    %dma_start3A_103 = arith.constant 0 : i32
    %dma_start3A_104 = arith.constant 0 : i32
    %dma_start3A_105 = tpu.memref_slice %arg3[%add3A, %dma_start3A_86, %dma_start3A_103, %dma_start3A_104] : memref<32x80x2x128xi32, #tpu.memory_space<hbm>> -> memref<1x1x2x128xi32, #tpu.memory_space<hbm>>
    %dma_start3A_106 = tpu.memref_squeeze %dma_start3A_105 : memref<1x1x2x128xi32, #tpu.memory_space<hbm>> -> memref<2x128xi32, #tpu.memory_space<hbm>>
    tpu.enqueue_dma source(%dma_start3A_106 : memref<2x128xi32, #tpu.memory_space<hbm>>) target(%dma_start3A_102 : memref<2x128xi32, #tpu.memory_space<vmem>>) target_semaphore(%dma_start3A_98 : memref<!tpu.dma_semaphore, #tpu.memory_space<semaphore_mem>>)
    %dma_start3A_107 = arith.constant 5 : i32
    %dma_start3A_108 = arith.constant 5 : i32
    %dma_start3A_109 = arith.constant 5 : i32
    %dma_start3A_110 = arith.constant 0 : i32
    %dma_start3A_111 = arith.constant 0 : i32
    %dma_start3A_112 = tpu.memref_slice %arg6[%dma_start3A_108, %dma_start3A_110, %dma_start3A_111] : memref<8x2x128xi32, #tpu.memory_space<vmem>> -> memref<1x2x128xi32, #tpu.memory_space<vmem>>
    %dma_start3A_113 = tpu.memref_squeeze %dma_start3A_112 : memref<1x2x128xi32, #tpu.memory_space<vmem>> -> memref<2x128xi32, #tpu.memory_space<vmem>>
    %dma_start3A_114 = arith.constant 0 : i32
    %dma_start3A_115 = arith.constant 0 : i32
    %dma_start3A_116 = tpu.memref_slice %arg3[%add3A, %dma_start3A_107, %dma_start3A_114, %dma_start3A_115] : memref<32x80x2x128xi32, #tpu.memory_space<hbm>> -> memref<1x1x2x128xi32, #tpu.memory_space<hbm>>
    %dma_start3A_117 = tpu.memref_squeeze %dma_start3A_116 : memref<1x1x2x128xi32, #tpu.memory_space<hbm>> -> memref<2x128xi32, #tpu.memory_space<hbm>>
    %dma_start3A_118 = tpu.memref_slice %arg9[%dma_start3A_109] : memref<8x!tpu.dma_semaphore, #tpu.memory_space<semaphore_mem>> -> memref<1x!tpu.dma_semaphore, #tpu.memory_space<semaphore_mem>>
    %dma_start3A_119 = tpu.memref_squeeze %dma_start3A_118 : memref<1x!tpu.dma_semaphore, #tpu.memory_space<semaphore_mem>> -> memref<!tpu.dma_semaphore, #tpu.memory_space<semaphore_mem>>
    %dma_start3A_120 = arith.constant 0 : i32
    %dma_start3A_121 = arith.constant 0 : i32
    %dma_start3A_122 = tpu.memref_slice %arg6[%dma_start3A_108, %dma_start3A_120, %dma_start3A_121] : memref<8x2x128xi32, #tpu.memory_space<vmem>> -> memref<1x2x128xi32, #tpu.memory_space<vmem>>
    %dma_start3A_123 = tpu.memref_squeeze %dma_start3A_122 : memref<1x2x128xi32, #tpu.memory_space<vmem>> -> memref<2x128xi32, #tpu.memory_space<vmem>>
    %dma_start3A_124 = arith.constant 0 : i32
    %dma_start3A_125 = arith.constant 0 : i32
    %dma_start3A_126 = tpu.memref_slice %arg3[%add3A, %dma_start3A_107, %dma_start3A_124, %dma_start3A_125] : memref<32x80x2x128xi32, #tpu.memory_space<hbm>> -> memref<1x1x2x128xi32, #tpu.memory_space<hbm>>
    %dma_start3A_127 = tpu.memref_squeeze %dma_start3A_126 : memref<1x1x2x128xi32, #tpu.memory_space<hbm>> -> memref<2x128xi32, #tpu.memory_space<hbm>>
    tpu.enqueue_dma source(%dma_start3A_127 : memref<2x128xi32, #tpu.memory_space<hbm>>) target(%dma_start3A_123 : memref<2x128xi32, #tpu.memory_space<vmem>>) target_semaphore(%dma_start3A_119 : memref<!tpu.dma_semaphore, #tpu.memory_space<semaphore_mem>>)
    %dma_start3A_128 = arith.constant 6 : i32
    %dma_start3A_129 = arith.constant 6 : i32
    %dma_start3A_130 = arith.constant 6 : i32
    %dma_start3A_131 = arith.constant 0 : i32
    %dma_start3A_132 = arith.constant 0 : i32
    %dma_start3A_133 = tpu.memref_slice %arg6[%dma_start3A_129, %dma_start3A_131, %dma_start3A_132] : memref<8x2x128xi32, #tpu.memory_space<vmem>> -> memref<1x2x128xi32, #tpu.memory_space<vmem>>
    %dma_start3A_134 = tpu.memref_squeeze %dma_start3A_133 : memref<1x2x128xi32, #tpu.memory_space<vmem>> -> memref<2x128xi32, #tpu.memory_space<vmem>>
    %dma_start3A_135 = arith.constant 0 : i32
    %dma_start3A_136 = arith.constant 0 : i32
    %dma_start3A_137 = tpu.memref_slice %arg3[%add3A, %dma_start3A_128, %dma_start3A_135, %dma_start3A_136] : memref<32x80x2x128xi32, #tpu.memory_space<hbm>> -> memref<1x1x2x128xi32, #tpu.memory_space<hbm>>
    %dma_start3A_138 = tpu.memref_squeeze %dma_start3A_137 : memref<1x1x2x128xi32, #tpu.memory_space<hbm>> -> memref<2x128xi32, #tpu.memory_space<hbm>>
    %dma_start3A_139 = tpu.memref_slice %arg9[%dma_start3A_130] : memref<8x!tpu.dma_semaphore, #tpu.memory_space<semaphore_mem>> -> memref<1x!tpu.dma_semaphore, #tpu.memory_space<semaphore_mem>>
    %dma_start3A_140 = tpu.memref_squeeze %dma_start3A_139 : memref<1x!tpu.dma_semaphore, #tpu.memory_space<semaphore_mem>> -> memref<!tpu.dma_semaphore, #tpu.memory_space<semaphore_mem>>
    %dma_start3A_141 = arith.constant 0 : i32
    %dma_start3A_142 = arith.constant 0 : i32
    %dma_start3A_143 = tpu.memref_slice %arg6[%dma_start3A_129, %dma_start3A_141, %dma_start3A_142] : memref<8x2x128xi32, #tpu.memory_space<vmem>> -> memref<1x2x128xi32, #tpu.memory_space<vmem>>
    %dma_start3A_144 = tpu.memref_squeeze %dma_start3A_143 : memref<1x2x128xi32, #tpu.memory_space<vmem>> -> memref<2x128xi32, #tpu.memory_space<vmem>>
    %dma_start3A_145 = arith.constant 0 : i32
    %dma_start3A_146 = arith.constant 0 : i32
    %dma_start3A_147 = tpu.memref_slice %arg3[%add3A, %dma_start3A_128, %dma_start3A_145, %dma_start3A_146] : memref<32x80x2x128xi32, #tpu.memory_space<hbm>> -> memref<1x1x2x128xi32, #tpu.memory_space<hbm>>
    %dma_start3A_148 = tpu.memref_squeeze %dma_start3A_147 : memref<1x1x2x128xi32, #tpu.memory_space<hbm>> -> memref<2x128xi32, #tpu.memory_space<hbm>>
    tpu.enqueue_dma source(%dma_start3A_148 : memref<2x128xi32, #tpu.memory_space<hbm>>) target(%dma_start3A_144 : memref<2x128xi32, #tpu.memory_space<vmem>>) target_semaphore(%dma_start3A_140 : memref<!tpu.dma_semaphore, #tpu.memory_space<semaphore_mem>>)
    %dma_start3A_149 = arith.constant 7 : i32
    %dma_start3A_150 = arith.constant 7 : i32
    %dma_start3A_151 = arith.constant 7 : i32
    %dma_start3A_152 = arith.constant 0 : i32
    %dma_start3A_153 = arith.constant 0 : i32
    %dma_start3A_154 = tpu.memref_slice %arg6[%dma_start3A_150, %dma_start3A_152, %dma_start3A_153] : memref<8x2x128xi32, #tpu.memory_space<vmem>> -> memref<1x2x128xi32, #tpu.memory_space<vmem>>
    %dma_start3A_155 = tpu.memref_squeeze %dma_start3A_154 : memref<1x2x128xi32, #tpu.memory_space<vmem>> -> memref<2x128xi32, #tpu.memory_space<vmem>>
    %dma_start3A_156 = arith.constant 0 : i32
    %dma_start3A_157 = arith.constant 0 : i32
    %dma_start3A_158 = tpu.memref_slice %arg3[%add3A, %dma_start3A_149, %dma_start3A_156, %dma_start3A_157] : memref<32x80x2x128xi32, #tpu.memory_space<hbm>> -> memref<1x1x2x128xi32, #tpu.memory_space<hbm>>
    %dma_start3A_159 = tpu.memref_squeeze %dma_start3A_158 : memref<1x1x2x128xi32, #tpu.memory_space<hbm>> -> memref<2x128xi32, #tpu.memory_space<hbm>>
    %dma_start3A_160 = tpu.memref_slice %arg9[%dma_start3A_151] : memref<8x!tpu.dma_semaphore, #tpu.memory_space<semaphore_mem>> -> memref<1x!tpu.dma_semaphore, #tpu.memory_space<semaphore_mem>>
    %dma_start3A_161 = tpu.memref_squeeze %dma_start3A_160 : memref<1x!tpu.dma_semaphore, #tpu.memory_space<semaphore_mem>> -> memref<!tpu.dma_semaphore, #tpu.memory_space<semaphore_mem>>
    %dma_start3A_162 = arith.constant 0 : i32
    %dma_start3A_163 = arith.constant 0 : i32
    %dma_start3A_164 = tpu.memref_slice %arg6[%dma_start3A_150, %dma_start3A_162, %dma_start3A_163] : memref<8x2x128xi32, #tpu.memory_space<vmem>> -> memref<1x2x128xi32, #tpu.memory_space<vmem>>
    %dma_start3A_165 = tpu.memref_squeeze %dma_start3A_164 : memref<1x2x128xi32, #tpu.memory_space<vmem>> -> memref<2x128xi32, #tpu.memory_space<vmem>>
    %dma_start3A_166 = arith.constant 0 : i32
    %dma_start3A_167 = arith.constant 0 : i32
    %dma_start3A_168 = tpu.memref_slice %arg3[%add3A, %dma_start3A_149, %dma_start3A_166, %dma_start3A_167] : memref<32x80x2x128xi32, #tpu.memory_space<hbm>> -> memref<1x1x2x128xi32, #tpu.memory_space<hbm>>
    %dma_start3A_169 = tpu.memref_squeeze %dma_start3A_168 : memref<1x1x2x128xi32, #tpu.memory_space<hbm>> -> memref<2x128xi32, #tpu.memory_space<hbm>>
    tpu.enqueue_dma source(%dma_start3A_169 : memref<2x128xi32, #tpu.memory_space<hbm>>) target(%dma_start3A_165 : memref<2x128xi32, #tpu.memory_space<vmem>>) target_semaphore(%dma_start3A_161 : memref<!tpu.dma_semaphore, #tpu.memory_space<semaphore_mem>>)
    %barrier3A = arith.constant 0 : index
    tpu.barrier barrier_id(%barrier3A)
    %dma_wait3A = arith.constant 0 : i32
    %dma_wait3A_170 = arith.constant 0 : i32
    %dma_wait3A_171 = arith.constant 0 : i32
    %dma_wait3A_172 = arith.constant 0 : i32
    %dma_wait3A_173 = arith.constant 0 : i32
    %dma_wait3A_174 = tpu.memref_slice %arg6[%dma_wait3A_170, %dma_wait3A_172, %dma_wait3A_173] : memref<8x2x128xi32, #tpu.memory_space<vmem>> -> memref<1x2x128xi32, #tpu.memory_space<vmem>>
    %dma_wait3A_175 = tpu.memref_squeeze %dma_wait3A_174 : memref<1x2x128xi32, #tpu.memory_space<vmem>> -> memref<2x128xi32, #tpu.memory_space<vmem>>
    %dma_wait3A_176 = arith.constant 0 : i32
    %dma_wait3A_177 = arith.constant 0 : i32
    %dma_wait3A_178 = tpu.memref_slice %arg3[%add3A, %dma_wait3A, %dma_wait3A_176, %dma_wait3A_177] : memref<32x80x2x128xi32, #tpu.memory_space<hbm>> -> memref<1x1x2x128xi32, #tpu.memory_space<hbm>>
    %dma_wait3A_179 = tpu.memref_squeeze %dma_wait3A_178 : memref<1x1x2x128xi32, #tpu.memory_space<hbm>> -> memref<2x128xi32, #tpu.memory_space<hbm>>
    %dma_wait3A_180 = tpu.memref_slice %arg9[%dma_wait3A_171] : memref<8x!tpu.dma_semaphore, #tpu.memory_space<semaphore_mem>> -> memref<1x!tpu.dma_semaphore, #tpu.memory_space<semaphore_mem>>
    %dma_wait3A_181 = tpu.memref_squeeze %dma_wait3A_180 : memref<1x!tpu.dma_semaphore, #tpu.memory_space<semaphore_mem>> -> memref<!tpu.dma_semaphore, #tpu.memory_space<semaphore_mem>>
    %dma_wait3A_182 = arith.constant 0 : i32
    %dma_wait3A_183 = arith.constant 0 : i32
    %dma_wait3A_184 = tpu.memref_slice %arg6[%dma_wait3A_170, %dma_wait3A_182, %dma_wait3A_183] : memref<8x2x128xi32, #tpu.memory_space<vmem>> -> memref<1x2x128xi32, #tpu.memory_space<vmem>>
    %dma_wait3A_185 = tpu.memref_squeeze %dma_wait3A_184 : memref<1x2x128xi32, #tpu.memory_space<vmem>> -> memref<2x128xi32, #tpu.memory_space<vmem>>
    %dma_wait3A_186 = arith.constant 0 : i32
    %dma_wait3A_187 = arith.constant 0 : i32
    %dma_wait3A_188 = tpu.memref_slice %arg3[%add3A, %dma_wait3A, %dma_wait3A_186, %dma_wait3A_187] : memref<32x80x2x128xi32, #tpu.memory_space<hbm>> -> memref<1x1x2x128xi32, #tpu.memory_space<hbm>>
    %dma_wait3A_189 = tpu.memref_squeeze %dma_wait3A_188 : memref<1x1x2x128xi32, #tpu.memory_space<hbm>> -> memref<2x128xi32, #tpu.memory_space<hbm>>
    tpu.wait_dma2 semaphore(%dma_wait3A_181 : memref<!tpu.dma_semaphore, #tpu.memory_space<semaphore_mem>>) src(%dma_wait3A_189 : memref<2x128xi32, #tpu.memory_space<hbm>>) dst(%dma_wait3A_185 : memref<2x128xi32, #tpu.memory_space<vmem>>)
    %dma_start3A_190 = arith.constant 0 : i32
    %dma_start3A_191 = arith.constant 0 : i32
    %dma_start3A_192 = arith.constant 0 : i32
    %dma_start3A_193 = arith.constant 0 : i32
    %dma_start3A_194 = arith.constant 0 : i32
    %dma_start3A_195 = arith.constant 0 : i32
    %dma_start3A_196 = tpu.memref_slice %arg7[%dma_start3A_192, %dma_start3A_194, %dma_start3A_195] : memref<2x128x128xf32, #tpu.memory_space<vmem>> -> memref<1x128x128xf32, #tpu.memory_space<vmem>>
    %dma_start3A_197 = tpu.memref_squeeze %dma_start3A_196 : memref<1x128x128xf32, #tpu.memory_space<vmem>> -> memref<128x128xf32, #tpu.memory_space<vmem>>
    %dma_start3A_198 = arith.constant 0 : i32
    %dma_start3A_199 = tpu.memref_slice %arg6[%dma_start3A_190, %dma_start3A_191, %dma_start3A_198] : memref<8x2x128xi32, #tpu.memory_space<vmem>> -> memref<1x1x128xi32, #tpu.memory_space<vmem>>
    %dma_start3A_200 = tpu.memref_squeeze %dma_start3A_199 : memref<1x1x128xi32, #tpu.memory_space<vmem>> -> memref<128xi32, #tpu.memory_space<vmem>>
    %dma_start3A_201 = arith.constant 0 : i32
    %dma_start3A_202 = arith.constant 0 : i32
    %dma_start3A_203 = tpu.memref_slice %arg2[%dma_start3A_201, %dma_start3A_202] : memref<10240x128xf32, #tpu.memory_space<hbm>> -> memref<10240x128xf32, #tpu.memory_space<hbm>>
    %dma_start3A_204 = tpu.memref_slice %arg10[%dma_start3A_193] : memref<2x!tpu.dma_semaphore, #tpu.memory_space<semaphore_mem>> -> memref<1x!tpu.dma_semaphore, #tpu.memory_space<semaphore_mem>>
    %dma_start3A_205 = tpu.memref_squeeze %dma_start3A_204 : memref<1x!tpu.dma_semaphore, #tpu.memory_space<semaphore_mem>> -> memref<!tpu.dma_semaphore, #tpu.memory_space<semaphore_mem>>
    tpu.enqueue_indirect_dma source(%dma_start3A_203 : memref<10240x128xf32, #tpu.memory_space<hbm>>) target(%dma_start3A_197 : memref<128x128xf32, #tpu.memory_space<vmem>>) offsets(%dma_start3A_200 : memref<128xi32, #tpu.memory_space<vmem>>) semaphore(%dma_start3A_205 : memref<!tpu.dma_semaphore, #tpu.memory_space<semaphore_mem>>)
    %dma_wait3A_206 = arith.constant 1 : i32
    %dma_wait3A_207 = arith.constant 1 : i32
    %dma_wait3A_208 = arith.constant 1 : i32
    %dma_wait3A_209 = arith.constant 0 : i32
    %dma_wait3A_210 = arith.constant 0 : i32
    %dma_wait3A_211 = tpu.memref_slice %arg6[%dma_wait3A_207, %dma_wait3A_209, %dma_wait3A_210] : memref<8x2x128xi32, #tpu.memory_space<vmem>> -> memref<1x2x128xi32, #tpu.memory_space<vmem>>
    %dma_wait3A_212 = tpu.memref_squeeze %dma_wait3A_211 : memref<1x2x128xi32, #tpu.memory_space<vmem>> -> memref<2x128xi32, #tpu.memory_space<vmem>>
    %dma_wait3A_213 = arith.constant 0 : i32
    %dma_wait3A_214 = arith.constant 0 : i32
    %dma_wait3A_215 = tpu.memref_slice %arg3[%add3A, %dma_wait3A_206, %dma_wait3A_213, %dma_wait3A_214] : memref<32x80x2x128xi32, #tpu.memory_space<hbm>> -> memref<1x1x2x128xi32, #tpu.memory_space<hbm>>
    %dma_wait3A_216 = tpu.memref_squeeze %dma_wait3A_215 : memref<1x1x2x128xi32, #tpu.memory_space<hbm>> -> memref<2x128xi32, #tpu.memory_space<hbm>>
    %dma_wait3A_217 = tpu.memref_slice %arg9[%dma_wait3A_208] : memref<8x!tpu.dma_semaphore, #tpu.memory_space<semaphore_mem>> -> memref<1x!tpu.dma_semaphore, #tpu.memory_space<semaphore_mem>>
    %dma_wait3A_218 = tpu.memref_squeeze %dma_wait3A_217 : memref<1x!tpu.dma_semaphore, #tpu.memory_space<semaphore_mem>> -> memref<!tpu.dma_semaphore, #tpu.memory_space<semaphore_mem>>
    %dma_wait3A_219 = arith.constant 0 : i32
    %dma_wait3A_220 = arith.constant 0 : i32
    %dma_wait3A_221 = tpu.memref_slice %arg6[%dma_wait3A_207, %dma_wait3A_219, %dma_wait3A_220] : memref<8x2x128xi32, #tpu.memory_space<vmem>> -> memref<1x2x128xi32, #tpu.memory_space<vmem>>
    %dma_wait3A_222 = tpu.memref_squeeze %dma_wait3A_221 : memref<1x2x128xi32, #tpu.memory_space<vmem>> -> memref<2x128xi32, #tpu.memory_space<vmem>>
    %dma_wait3A_223 = arith.constant 0 : i32
    %dma_wait3A_224 = arith.constant 0 : i32
    %dma_wait3A_225 = tpu.memref_slice %arg3[%add3A, %dma_wait3A_206, %dma_wait3A_223, %dma_wait3A_224] : memref<32x80x2x128xi32, #tpu.memory_space<hbm>> -> memref<1x1x2x128xi32, #tpu.memory_space<hbm>>
    %dma_wait3A_226 = tpu.memref_squeeze %dma_wait3A_225 : memref<1x1x2x128xi32, #tpu.memory_space<hbm>> -> memref<2x128xi32, #tpu.memory_space<hbm>>
    tpu.wait_dma2 semaphore(%dma_wait3A_218 : memref<!tpu.dma_semaphore, #tpu.memory_space<semaphore_mem>>) src(%dma_wait3A_226 : memref<2x128xi32, #tpu.memory_space<hbm>>) dst(%dma_wait3A_222 : memref<2x128xi32, #tpu.memory_space<vmem>>)
    %dma_start3A_227 = arith.constant 1 : i32
    %dma_start3A_228 = arith.constant 0 : i32
    %dma_start3A_229 = arith.constant 1 : i32
    %dma_start3A_230 = arith.constant 1 : i32
    %dma_start3A_231 = arith.constant 0 : i32
    %dma_start3A_232 = arith.constant 0 : i32
    %dma_start3A_233 = tpu.memref_slice %arg7[%dma_start3A_229, %dma_start3A_231, %dma_start3A_232] : memref<2x128x128xf32, #tpu.memory_space<vmem>> -> memref<1x128x128xf32, #tpu.memory_space<vmem>>
    %dma_start3A_234 = tpu.memref_squeeze %dma_start3A_233 : memref<1x128x128xf32, #tpu.memory_space<vmem>> -> memref<128x128xf32, #tpu.memory_space<vmem>>
    %dma_start3A_235 = arith.constant 0 : i32
    %dma_start3A_236 = tpu.memref_slice %arg6[%dma_start3A_227, %dma_start3A_228, %dma_start3A_235] : memref<8x2x128xi32, #tpu.memory_space<vmem>> -> memref<1x1x128xi32, #tpu.memory_space<vmem>>
    %dma_start3A_237 = tpu.memref_squeeze %dma_start3A_236 : memref<1x1x128xi32, #tpu.memory_space<vmem>> -> memref<128xi32, #tpu.memory_space<vmem>>
    %dma_start3A_238 = arith.constant 0 : i32
    %dma_start3A_239 = arith.constant 0 : i32
    %dma_start3A_240 = tpu.memref_slice %arg2[%dma_start3A_238, %dma_start3A_239] : memref<10240x128xf32, #tpu.memory_space<hbm>> -> memref<10240x128xf32, #tpu.memory_space<hbm>>
    %dma_start3A_241 = tpu.memref_slice %arg10[%dma_start3A_230] : memref<2x!tpu.dma_semaphore, #tpu.memory_space<semaphore_mem>> -> memref<1x!tpu.dma_semaphore, #tpu.memory_space<semaphore_mem>>
    %dma_start3A_242 = tpu.memref_squeeze %dma_start3A_241 : memref<1x!tpu.dma_semaphore, #tpu.memory_space<semaphore_mem>> -> memref<!tpu.dma_semaphore, #tpu.memory_space<semaphore_mem>>
    tpu.enqueue_indirect_dma source(%dma_start3A_240 : memref<10240x128xf32, #tpu.memory_space<hbm>>) target(%dma_start3A_234 : memref<128x128xf32, #tpu.memory_space<vmem>>) offsets(%dma_start3A_237 : memref<128xi32, #tpu.memory_space<vmem>>) semaphore(%dma_start3A_242 : memref<!tpu.dma_semaphore, #tpu.memory_space<semaphore_mem>>)
    %scan3A = arith.constant 0 : i32
    %scan3A_243 = arith.constant 0 : i32
    %scan3A_244 = arith.constant 10 : i32
    %scan3A_245 = arith.addi %scan3A_243, %scan3A_244 : i32
    %scan3A_246 = arith.constant 1 : i32
    scf.for %scan3A_253 = %scan3A_243 to %scan3A_245 step %scan3A_246  : i32 {
      %mul3A_254 = arith.constant 8 : i32
      %mul3A_255 = arith.muli %scan3A_253, %mul3A_254 : i32
      %add3A_256 = arith.constant 0 : i32
      %add3A_257 = arith.addi %mul3A_255, %add3A_256 : i32
      %dma_wait3A_258 = arith.constant 0 : i32
      %dma_wait3A_259 = arith.constant 0 : i32
      %dma_wait3A_260 = arith.constant 0 : i32
      %dma_wait3A_261 = arith.constant 0 : i32
      %dma_wait3A_262 = arith.constant 0 : i32
      %dma_wait3A_263 = arith.constant 0 : i32
      %dma_wait3A_264 = tpu.memref_slice %arg7[%dma_wait3A_260, %dma_wait3A_262, %dma_wait3A_263] : memref<2x128x128xf32, #tpu.memory_space<vmem>> -> memref<1x128x128xf32, #tpu.memory_space<vmem>>
      %dma_wait3A_265 = tpu.memref_squeeze %dma_wait3A_264 : memref<1x128x128xf32, #tpu.memory_space<vmem>> -> memref<128x128xf32, #tpu.memory_space<vmem>>
      %dma_wait3A_266 = arith.constant 0 : i32
      %dma_wait3A_267 = tpu.memref_slice %arg6[%dma_wait3A_258, %dma_wait3A_259, %dma_wait3A_266] : memref<8x2x128xi32, #tpu.memory_space<vmem>> -> memref<1x1x128xi32, #tpu.memory_space<vmem>>
      %dma_wait3A_268 = tpu.memref_squeeze %dma_wait3A_267 : memref<1x1x128xi32, #tpu.memory_space<vmem>> -> memref<128xi32, #tpu.memory_space<vmem>>
      %dma_wait3A_269 = arith.constant 0 : i32
      %dma_wait3A_270 = arith.constant 0 : i32
      %dma_wait3A_271 = tpu.memref_slice %arg2[%dma_wait3A_269, %dma_wait3A_270] : memref<10240x128xf32, #tpu.memory_space<hbm>> -> memref<10240x128xf32, #tpu.memory_space<hbm>>
      %dma_wait3A_272 = tpu.memref_slice %arg10[%dma_wait3A_261] : memref<2x!tpu.dma_semaphore, #tpu.memory_space<semaphore_mem>> -> memref<1x!tpu.dma_semaphore, #tpu.memory_space<semaphore_mem>>
      %dma_wait3A_273 = tpu.memref_squeeze %dma_wait3A_272 : memref<1x!tpu.dma_semaphore, #tpu.memory_space<semaphore_mem>> -> memref<!tpu.dma_semaphore, #tpu.memory_space<semaphore_mem>>
      tpu.wait_indirect_dma semaphore(%dma_wait3A_273 : memref<!tpu.dma_semaphore, #tpu.memory_space<semaphore_mem>>) src(%dma_wait3A_271 : memref<10240x128xf32, #tpu.memory_space<hbm>>) dst(%dma_wait3A_265 : memref<128x128xf32, #tpu.memory_space<vmem>>)
      %run_scoped3A = arith.constant 0 : i32
      %run_scoped3A_274 = arith.constant 0 : i32
      %run_scoped3A_275 = arith.constant 1 : i32
      "tpu.region"() ({
        %run_scoped3A_546 = tpu.sem_alloc : memref<!tpu.dma_semaphore, #tpu.memory_space<semaphore_mem>>
        %dma_start3A_547 = arith.constant 0 : i32
        %dma_start3A_548 = arith.constant 0 : i32
        %dma_start3A_549 = tpu.memref_slice %arg7[%run_scoped3A, %dma_start3A_547, %dma_start3A_548] : memref<2x128x128xf32, #tpu.memory_space<vmem>> -> memref<1x128x128xf32, #tpu.memory_space<vmem>>
        %dma_start3A_550 = tpu.memref_squeeze %dma_start3A_549 : memref<1x128x128xf32, #tpu.memory_space<vmem>> -> memref<128x128xf32, #tpu.memory_space<vmem>>
        %dma_start3A_551 = arith.constant 0 : i32
        %dma_start3A_552 = tpu.memref_slice %arg6[%run_scoped3A_274, %run_scoped3A_275, %dma_start3A_551] : memref<8x2x128xi32, #tpu.memory_space<vmem>> -> memref<1x1x128xi32, #tpu.memory_space<vmem>>
        %dma_start3A_553 = tpu.memref_squeeze %dma_start3A_552 : memref<1x1x128xi32, #tpu.memory_space<vmem>> -> memref<128xi32, #tpu.memory_space<vmem>>
        %dma_start3A_554 = arith.constant 0 : i32
        %dma_start3A_555 = arith.constant 0 : i32
        %dma_start3A_556 = tpu.memref_slice %arg8[%dma_start3A_554, %dma_start3A_555] : memref<10240x128xf32, #tpu.memory_space<vmem_shared>> -> memref<10240x128xf32, #tpu.memory_space<vmem_shared>>
        tpu.enqueue_indirect_dma source(%dma_start3A_550 : memref<128x128xf32, #tpu.memory_space<vmem>>) target(%dma_start3A_556 : memref<10240x128xf32, #tpu.memory_space<vmem_shared>>) offsets(%dma_start3A_553 : memref<128xi32, #tpu.memory_space<vmem>>) semaphore(%run_scoped3A_546 : memref<!tpu.dma_semaphore, #tpu.memory_space<semaphore_mem>>) {add = true}
        %dma_wait3A_557 = arith.constant 0 : i32
        %dma_wait3A_558 = arith.constant 0 : i32
        %dma_wait3A_559 = tpu.memref_slice %arg7[%run_scoped3A, %dma_wait3A_557, %dma_wait3A_558] : memref<2x128x128xf32, #tpu.memory_space<vmem>> -> memref<1x128x128xf32, #tpu.memory_space<vmem>>
        %dma_wait3A_560 = tpu.memref_squeeze %dma_wait3A_559 : memref<1x128x128xf32, #tpu.memory_space<vmem>> -> memref<128x128xf32, #tpu.memory_space<vmem>>
        %dma_wait3A_561 = arith.constant 0 : i32
        %dma_wait3A_562 = tpu.memref_slice %arg6[%run_scoped3A_274, %run_scoped3A_275, %dma_wait3A_561] : memref<8x2x128xi32, #tpu.memory_space<vmem>> -> memref<1x1x128xi32, #tpu.memory_space<vmem>>
        %dma_wait3A_563 = tpu.memref_squeeze %dma_wait3A_562 : memref<1x1x128xi32, #tpu.memory_space<vmem>> -> memref<128xi32, #tpu.memory_space<vmem>>
        %dma_wait3A_564 = arith.constant 0 : i32
        %dma_wait3A_565 = arith.constant 0 : i32
        %dma_wait3A_566 = tpu.memref_slice %arg8[%dma_wait3A_564, %dma_wait3A_565] : memref<10240x128xf32, #tpu.memory_space<vmem_shared>> -> memref<10240x128xf32, #tpu.memory_space<vmem_shared>>
        tpu.wait_indirect_dma semaphore(%run_scoped3A_546 : memref<!tpu.dma_semaphore, #tpu.memory_space<semaphore_mem>>) src(%dma_wait3A_560 : memref<128x128xf32, #tpu.memory_space<vmem>>) dst(%dma_wait3A_566 : memref<10240x128xf32, #tpu.memory_space<vmem_shared>>)
        tpu.yield
      }) : () -> ()
      %add3A_276 = arith.constant 2 : i32
      %add3A_277 = arith.addi %add3A_257, %add3A_276 : i32
      %lt3A = arith.constant 80 : i32
      %lt3A_278 = arith.cmpi slt, %add3A_277, %lt3A : i32
      %convert_element_type3A = arith.extui %lt3A_278 : i1 to i32
      %cond3A = arith.constant 0 : i32
      %cond3A_279 = arith.cmpi ne, %convert_element_type3A, %cond3A : i32
      scf.if %cond3A_279 {
        %dma_wait3A_546 = arith.constant 2 : i32
        %dma_wait3A_547 = arith.constant 2 : i32
        %dma_wait3A_548 = arith.constant 2 : i32
        %dma_wait3A_549 = arith.constant 0 : i32
        %dma_wait3A_550 = arith.constant 0 : i32
        %dma_wait3A_551 = tpu.memref_slice %arg6[%dma_wait3A_547, %dma_wait3A_549, %dma_wait3A_550] : memref<8x2x128xi32, #tpu.memory_space<vmem>> -> memref<1x2x128xi32, #tpu.memory_space<vmem>>
        %dma_wait3A_552 = tpu.memref_squeeze %dma_wait3A_551 : memref<1x2x128xi32, #tpu.memory_space<vmem>> -> memref<2x128xi32, #tpu.memory_space<vmem>>
        %dma_wait3A_553 = arith.constant 0 : i32
        %dma_wait3A_554 = arith.constant 0 : i32
        %dma_wait3A_555 = tpu.memref_slice %arg3[%add3A, %dma_wait3A_546, %dma_wait3A_553, %dma_wait3A_554] : memref<32x80x2x128xi32, #tpu.memory_space<hbm>> -> memref<1x1x2x128xi32, #tpu.memory_space<hbm>>
        %dma_wait3A_556 = tpu.memref_squeeze %dma_wait3A_555 : memref<1x1x2x128xi32, #tpu.memory_space<hbm>> -> memref<2x128xi32, #tpu.memory_space<hbm>>
        %dma_wait3A_557 = tpu.memref_slice %arg9[%dma_wait3A_548] : memref<8x!tpu.dma_semaphore, #tpu.memory_space<semaphore_mem>> -> memref<1x!tpu.dma_semaphore, #tpu.memory_space<semaphore_mem>>
        %dma_wait3A_558 = tpu.memref_squeeze %dma_wait3A_557 : memref<1x!tpu.dma_semaphore, #tpu.memory_space<semaphore_mem>> -> memref<!tpu.dma_semaphore, #tpu.memory_space<semaphore_mem>>
        %dma_wait3A_559 = arith.constant 0 : i32
        %dma_wait3A_560 = arith.constant 0 : i32
        %dma_wait3A_561 = tpu.memref_slice %arg6[%dma_wait3A_547, %dma_wait3A_559, %dma_wait3A_560] : memref<8x2x128xi32, #tpu.memory_space<vmem>> -> memref<1x2x128xi32, #tpu.memory_space<vmem>>
        %dma_wait3A_562 = tpu.memref_squeeze %dma_wait3A_561 : memref<1x2x128xi32, #tpu.memory_space<vmem>> -> memref<2x128xi32, #tpu.memory_space<vmem>>
        %dma_wait3A_563 = arith.constant 0 : i32
        %dma_wait3A_564 = arith.constant 0 : i32
        %dma_wait3A_565 = tpu.memref_slice %arg3[%add3A, %dma_wait3A_546, %dma_wait3A_563, %dma_wait3A_564] : memref<32x80x2x128xi32, #tpu.memory_space<hbm>> -> memref<1x1x2x128xi32, #tpu.memory_space<hbm>>
        %dma_wait3A_566 = tpu.memref_squeeze %dma_wait3A_565 : memref<1x1x2x128xi32, #tpu.memory_space<hbm>> -> memref<2x128xi32, #tpu.memory_space<hbm>>
        tpu.wait_dma2 semaphore(%dma_wait3A_558 : memref<!tpu.dma_semaphore, #tpu.memory_space<semaphore_mem>>) src(%dma_wait3A_566 : memref<2x128xi32, #tpu.memory_space<hbm>>) dst(%dma_wait3A_562 : memref<2x128xi32, #tpu.memory_space<vmem>>)
        %dma_start3A_567 = arith.constant 2 : i32
        %dma_start3A_568 = arith.constant 0 : i32
        %dma_start3A_569 = arith.constant 0 : i32
        %dma_start3A_570 = arith.constant 0 : i32
        %dma_start3A_571 = arith.constant 0 : i32
        %dma_start3A_572 = arith.constant 0 : i32
        %dma_start3A_573 = tpu.memref_slice %arg7[%dma_start3A_569, %dma_start3A_571, %dma_start3A_572] : memref<2x128x128xf32, #tpu.memory_space<vmem>> -> memref<1x128x128xf32, #tpu.memory_space<vmem>>
        %dma_start3A_574 = tpu.memref_squeeze %dma_start3A_573 : memref<1x128x128xf32, #tpu.memory_space<vmem>> -> memref<128x128xf32, #tpu.memory_space<vmem>>
        %dma_start3A_575 = arith.constant 0 : i32
        %dma_start3A_576 = tpu.memref_slice %arg6[%dma_start3A_567, %dma_start3A_568, %dma_start3A_575] : memref<8x2x128xi32, #tpu.memory_space<vmem>> -> memref<1x1x128xi32, #tpu.memory_space<vmem>>
        %dma_start3A_577 = tpu.memref_squeeze %dma_start3A_576 : memref<1x1x128xi32, #tpu.memory_space<vmem>> -> memref<128xi32, #tpu.memory_space<vmem>>
        %dma_start3A_578 = arith.constant 0 : i32
        %dma_start3A_579 = arith.constant 0 : i32
        %dma_start3A_580 = tpu.memref_slice %arg2[%dma_start3A_578, %dma_start3A_579] : memref<10240x128xf32, #tpu.memory_space<hbm>> -> memref<10240x128xf32, #tpu.memory_space<hbm>>
        %dma_start3A_581 = tpu.memref_slice %arg10[%dma_start3A_570] : memref<2x!tpu.dma_semaphore, #tpu.memory_space<semaphore_mem>> -> memref<1x!tpu.dma_semaphore, #tpu.memory_space<semaphore_mem>>
        %dma_start3A_582 = tpu.memref_squeeze %dma_start3A_581 : memref<1x!tpu.dma_semaphore, #tpu.memory_space<semaphore_mem>> -> memref<!tpu.dma_semaphore, #tpu.memory_space<semaphore_mem>>
        tpu.enqueue_indirect_dma source(%dma_start3A_580 : memref<10240x128xf32, #tpu.memory_space<hbm>>) target(%dma_start3A_574 : memref<128x128xf32, #tpu.memory_space<vmem>>) offsets(%dma_start3A_577 : memref<128xi32, #tpu.memory_space<vmem>>) semaphore(%dma_start3A_582 : memref<!tpu.dma_semaphore, #tpu.memory_space<semaphore_mem>>)
      } else {
      }
      %add3A_280 = arith.constant 8 : i32
      %add3A_281 = arith.addi %add3A_257, %add3A_280 : i32
      %lt3A_282 = arith.constant 80 : i32
      %lt3A_283 = arith.cmpi slt, %add3A_281, %lt3A_282 : i32
      %convert_element_type3A_284 = arith.extui %lt3A_283 : i1 to i32
      %cond3A_285 = arith.constant 0 : i32
      %cond3A_286 = arith.cmpi ne, %convert_element_type3A_284, %cond3A_285 : i32
      scf.if %cond3A_286 {
        %add3A_546 = arith.constant 8 : i32
        %add3A_547 = arith.addi %add3A_257, %add3A_546 : i32
        %dma_start3A_548 = arith.constant 0 : i32
        %dma_start3A_549 = arith.constant 0 : i32
        %dma_start3A_550 = arith.constant 0 : i32
        %dma_start3A_551 = arith.constant 0 : i32
        %dma_start3A_552 = tpu.memref_slice %arg6[%dma_start3A_548, %dma_start3A_550, %dma_start3A_551] : memref<8x2x128xi32, #tpu.memory_space<vmem>> -> memref<1x2x128xi32, #tpu.memory_space<vmem>>
        %dma_start3A_553 = tpu.memref_squeeze %dma_start3A_552 : memref<1x2x128xi32, #tpu.memory_space<vmem>> -> memref<2x128xi32, #tpu.memory_space<vmem>>
        %dma_start3A_554 = arith.constant 0 : i32
        %dma_start3A_555 = arith.constant 0 : i32
        %dma_start3A_556 = tpu.memref_slice %arg3[%add3A, %add3A_547, %dma_start3A_554, %dma_start3A_555] : memref<32x80x2x128xi32, #tpu.memory_space<hbm>> -> memref<1x1x2x128xi32, #tpu.memory_space<hbm>>
        %dma_start3A_557 = tpu.memref_squeeze %dma_start3A_556 : memref<1x1x2x128xi32, #tpu.memory_space<hbm>> -> memref<2x128xi32, #tpu.memory_space<hbm>>
        %dma_start3A_558 = tpu.memref_slice %arg9[%dma_start3A_549] : memref<8x!tpu.dma_semaphore, #tpu.memory_space<semaphore_mem>> -> memref<1x!tpu.dma_semaphore, #tpu.memory_space<semaphore_mem>>
        %dma_start3A_559 = tpu.memref_squeeze %dma_start3A_558 : memref<1x!tpu.dma_semaphore, #tpu.memory_space<semaphore_mem>> -> memref<!tpu.dma_semaphore, #tpu.memory_space<semaphore_mem>>
        %dma_start3A_560 = arith.constant 0 : i32
        %dma_start3A_561 = arith.constant 0 : i32
        %dma_start3A_562 = tpu.memref_slice %arg6[%dma_start3A_548, %dma_start3A_560, %dma_start3A_561] : memref<8x2x128xi32, #tpu.memory_space<vmem>> -> memref<1x2x128xi32, #tpu.memory_space<vmem>>
        %dma_start3A_563 = tpu.memref_squeeze %dma_start3A_562 : memref<1x2x128xi32, #tpu.memory_space<vmem>> -> memref<2x128xi32, #tpu.memory_space<vmem>>
        %dma_start3A_564 = arith.constant 0 : i32
        %dma_start3A_565 = arith.constant 0 : i32
        %dma_start3A_566 = tpu.memref_slice %arg3[%add3A, %add3A_547, %dma_start3A_564, %dma_start3A_565] : memref<32x80x2x128xi32, #tpu.memory_space<hbm>> -> memref<1x1x2x128xi32, #tpu.memory_space<hbm>>
        %dma_start3A_567 = tpu.memref_squeeze %dma_start3A_566 : memref<1x1x2x128xi32, #tpu.memory_space<hbm>> -> memref<2x128xi32, #tpu.memory_space<hbm>>
        tpu.enqueue_dma source(%dma_start3A_567 : memref<2x128xi32, #tpu.memory_space<hbm>>) target(%dma_start3A_563 : memref<2x128xi32, #tpu.memory_space<vmem>>) target_semaphore(%dma_start3A_559 : memref<!tpu.dma_semaphore, #tpu.memory_space<semaphore_mem>>)
      } else {
      }
      %mul3A_287 = arith.constant 8 : i32
      %mul3A_288 = arith.muli %scan3A_253, %mul3A_287 : i32
      %add3A_289 = arith.constant 1 : i32
      %add3A_290 = arith.addi %mul3A_288, %add3A_289 : i32
      %dma_wait3A_291 = arith.constant 1 : i32
      %dma_wait3A_292 = arith.constant 0 : i32
      %dma_wait3A_293 = arith.constant 1 : i32
      %dma_wait3A_294 = arith.constant 1 : i32
      %dma_wait3A_295 = arith.constant 0 : i32
      %dma_wait3A_296 = arith.constant 0 : i32
      %dma_wait3A_297 = tpu.memref_slice %arg7[%dma_wait3A_293, %dma_wait3A_295, %dma_wait3A_296] : memref<2x128x128xf32, #tpu.memory_space<vmem>> -> memref<1x128x128xf32, #tpu.memory_space<vmem>>
      %dma_wait3A_298 = tpu.memref_squeeze %dma_wait3A_297 : memref<1x128x128xf32, #tpu.memory_space<vmem>> -> memref<128x128xf32, #tpu.memory_space<vmem>>
      %dma_wait3A_299 = arith.constant 0 : i32
      %dma_wait3A_300 = tpu.memref_slice %arg6[%dma_wait3A_291, %dma_wait3A_292, %dma_wait3A_299] : memref<8x2x128xi32, #tpu.memory_space<vmem>> -> memref<1x1x128xi32, #tpu.memory_space<vmem>>
      %dma_wait3A_301 = tpu.memref_squeeze %dma_wait3A_300 : memref<1x1x128xi32, #tpu.memory_space<vmem>> -> memref<128xi32, #tpu.memory_space<vmem>>
      %dma_wait3A_302 = arith.constant 0 : i32
      %dma_wait3A_303 = arith.constant 0 : i32
      %dma_wait3A_304 = tpu.memref_slice %arg2[%dma_wait3A_302, %dma_wait3A_303] : memref<10240x128xf32, #tpu.memory_space<hbm>> -> memref<10240x128xf32, #tpu.memory_space<hbm>>
      %dma_wait3A_305 = tpu.memref_slice %arg10[%dma_wait3A_294] : memref<2x!tpu.dma_semaphore, #tpu.memory_space<semaphore_mem>> -> memref<1x!tpu.dma_semaphore, #tpu.memory_space<semaphore_mem>>
      %dma_wait3A_306 = tpu.memref_squeeze %dma_wait3A_305 : memref<1x!tpu.dma_semaphore, #tpu.memory_space<semaphore_mem>> -> memref<!tpu.dma_semaphore, #tpu.memory_space<semaphore_mem>>
      tpu.wait_indirect_dma semaphore(%dma_wait3A_306 : memref<!tpu.dma_semaphore, #tpu.memory_space<semaphore_mem>>) src(%dma_wait3A_304 : memref<10240x128xf32, #tpu.memory_space<hbm>>) dst(%dma_wait3A_298 : memref<128x128xf32, #tpu.memory_space<vmem>>)
      %run_scoped3A_307 = arith.constant 1 : i32
      %run_scoped3A_308 = arith.constant 1 : i32
      %run_scoped3A_309 = arith.constant 1 : i32
      "tpu.region"() ({
        %run_scoped3A_546 = tpu.sem_alloc : memref<!tpu.dma_semaphore, #tpu.memory_space<semaphore_mem>>
        %dma_start3A_547 = arith.constant 0 : i32
        %dma_start3A_548 = arith.constant 0 : i32
        %dma_start3A_549 = tpu.memref_slice %arg7[%run_scoped3A_307, %dma_start3A_547, %dma_start3A_548] : memref<2x128x128xf32, #tpu.memory_space<vmem>> -> memref<1x128x128xf32, #tpu.memory_space<vmem>>
        %dma_start3A_550 = tpu.memref_squeeze %dma_start3A_549 : memref<1x128x128xf32, #tpu.memory_space<vmem>> -> memref<128x128xf32, #tpu.memory_space<vmem>>
        %dma_start3A_551 = arith.constant 0 : i32
        %dma_start3A_552 = tpu.memref_slice %arg6[%run_scoped3A_308, %run_scoped3A_309, %dma_start3A_551] : memref<8x2x128xi32, #tpu.memory_space<vmem>> -> memref<1x1x128xi32, #tpu.memory_space<vmem>>
        %dma_start3A_553 = tpu.memref_squeeze %dma_start3A_552 : memref<1x1x128xi32, #tpu.memory_space<vmem>> -> memref<128xi32, #tpu.memory_space<vmem>>
        %dma_start3A_554 = arith.constant 0 : i32
        %dma_start3A_555 = arith.constant 0 : i32
        %dma_start3A_556 = tpu.memref_slice %arg8[%dma_start3A_554, %dma_start3A_555] : memref<10240x128xf32, #tpu.memory_space<vmem_shared>> -> memref<10240x128xf32, #tpu.memory_space<vmem_shared>>
        tpu.enqueue_indirect_dma source(%dma_start3A_550 : memref<128x128xf32, #tpu.memory_space<vmem>>) target(%dma_start3A_556 : memref<10240x128xf32, #tpu.memory_space<vmem_shared>>) offsets(%dma_start3A_553 : memref<128xi32, #tpu.memory_space<vmem>>) semaphore(%run_scoped3A_546 : memref<!tpu.dma_semaphore, #tpu.memory_space<semaphore_mem>>) {add = true}
        %dma_wait3A_557 = arith.constant 0 : i32
        %dma_wait3A_558 = arith.constant 0 : i32
        %dma_wait3A_559 = tpu.memref_slice %arg7[%run_scoped3A_307, %dma_wait3A_557, %dma_wait3A_558] : memref<2x128x128xf32, #tpu.memory_space<vmem>> -> memref<1x128x128xf32, #tpu.memory_space<vmem>>
        %dma_wait3A_560 = tpu.memref_squeeze %dma_wait3A_559 : memref<1x128x128xf32, #tpu.memory_space<vmem>> -> memref<128x128xf32, #tpu.memory_space<vmem>>
        %dma_wait3A_561 = arith.constant 0 : i32
        %dma_wait3A_562 = tpu.memref_slice %arg6[%run_scoped3A_308, %run_scoped3A_309, %dma_wait3A_561] : memref<8x2x128xi32, #tpu.memory_space<vmem>> -> memref<1x1x128xi32, #tpu.memory_space<vmem>>
        %dma_wait3A_563 = tpu.memref_squeeze %dma_wait3A_562 : memref<1x1x128xi32, #tpu.memory_space<vmem>> -> memref<128xi32, #tpu.memory_space<vmem>>
        %dma_wait3A_564 = arith.constant 0 : i32
        %dma_wait3A_565 = arith.constant 0 : i32
        %dma_wait3A_566 = tpu.memref_slice %arg8[%dma_wait3A_564, %dma_wait3A_565] : memref<10240x128xf32, #tpu.memory_space<vmem_shared>> -> memref<10240x128xf32, #tpu.memory_space<vmem_shared>>
        tpu.wait_indirect_dma semaphore(%run_scoped3A_546 : memref<!tpu.dma_semaphore, #tpu.memory_space<semaphore_mem>>) src(%dma_wait3A_560 : memref<128x128xf32, #tpu.memory_space<vmem>>) dst(%dma_wait3A_566 : memref<10240x128xf32, #tpu.memory_space<vmem_shared>>)
        tpu.yield
      }) : () -> ()
      %add3A_310 = arith.constant 2 : i32
      %add3A_311 = arith.addi %add3A_290, %add3A_310 : i32
      %lt3A_312 = arith.constant 80 : i32
      %lt3A_313 = arith.cmpi slt, %add3A_311, %lt3A_312 : i32
      %convert_element_type3A_314 = arith.extui %lt3A_313 : i1 to i32
      %cond3A_315 = arith.constant 0 : i32
      %cond3A_316 = arith.cmpi ne, %convert_element_type3A_314, %cond3A_315 : i32
      scf.if %cond3A_316 {
        %dma_wait3A_546 = arith.constant 3 : i32
        %dma_wait3A_547 = arith.constant 3 : i32
        %dma_wait3A_548 = arith.constant 3 : i32
        %dma_wait3A_549 = arith.constant 0 : i32
        %dma_wait3A_550 = arith.constant 0 : i32
        %dma_wait3A_551 = tpu.memref_slice %arg6[%dma_wait3A_547, %dma_wait3A_549, %dma_wait3A_550] : memref<8x2x128xi32, #tpu.memory_space<vmem>> -> memref<1x2x128xi32, #tpu.memory_space<vmem>>
        %dma_wait3A_552 = tpu.memref_squeeze %dma_wait3A_551 : memref<1x2x128xi32, #tpu.memory_space<vmem>> -> memref<2x128xi32, #tpu.memory_space<vmem>>
        %dma_wait3A_553 = arith.constant 0 : i32
        %dma_wait3A_554 = arith.constant 0 : i32
        %dma_wait3A_555 = tpu.memref_slice %arg3[%add3A, %dma_wait3A_546, %dma_wait3A_553, %dma_wait3A_554] : memref<32x80x2x128xi32, #tpu.memory_space<hbm>> -> memref<1x1x2x128xi32, #tpu.memory_space<hbm>>
        %dma_wait3A_556 = tpu.memref_squeeze %dma_wait3A_555 : memref<1x1x2x128xi32, #tpu.memory_space<hbm>> -> memref<2x128xi32, #tpu.memory_space<hbm>>
        %dma_wait3A_557 = tpu.memref_slice %arg9[%dma_wait3A_548] : memref<8x!tpu.dma_semaphore, #tpu.memory_space<semaphore_mem>> -> memref<1x!tpu.dma_semaphore, #tpu.memory_space<semaphore_mem>>
        %dma_wait3A_558 = tpu.memref_squeeze %dma_wait3A_557 : memref<1x!tpu.dma_semaphore, #tpu.memory_space<semaphore_mem>> -> memref<!tpu.dma_semaphore, #tpu.memory_space<semaphore_mem>>
        %dma_wait3A_559 = arith.constant 0 : i32
        %dma_wait3A_560 = arith.constant 0 : i32
        %dma_wait3A_561 = tpu.memref_slice %arg6[%dma_wait3A_547, %dma_wait3A_559, %dma_wait3A_560] : memref<8x2x128xi32, #tpu.memory_space<vmem>> -> memref<1x2x128xi32, #tpu.memory_space<vmem>>
        %dma_wait3A_562 = tpu.memref_squeeze %dma_wait3A_561 : memref<1x2x128xi32, #tpu.memory_space<vmem>> -> memref<2x128xi32, #tpu.memory_space<vmem>>
        %dma_wait3A_563 = arith.constant 0 : i32
        %dma_wait3A_564 = arith.constant 0 : i32
        %dma_wait3A_565 = tpu.memref_slice %arg3[%add3A, %dma_wait3A_546, %dma_wait3A_563, %dma_wait3A_564] : memref<32x80x2x128xi32, #tpu.memory_space<hbm>> -> memref<1x1x2x128xi32, #tpu.memory_space<hbm>>
        %dma_wait3A_566 = tpu.memref_squeeze %dma_wait3A_565 : memref<1x1x2x128xi32, #tpu.memory_space<hbm>> -> memref<2x128xi32, #tpu.memory_space<hbm>>
        tpu.wait_dma2 semaphore(%dma_wait3A_558 : memref<!tpu.dma_semaphore, #tpu.memory_space<semaphore_mem>>) src(%dma_wait3A_566 : memref<2x128xi32, #tpu.memory_space<hbm>>) dst(%dma_wait3A_562 : memref<2x128xi32, #tpu.memory_space<vmem>>)
        %dma_start3A_567 = arith.constant 3 : i32
        %dma_start3A_568 = arith.constant 0 : i32
        %dma_start3A_569 = arith.constant 1 : i32
        %dma_start3A_570 = arith.constant 1 : i32
        %dma_start3A_571 = arith.constant 0 : i32
        %dma_start3A_572 = arith.constant 0 : i32
        %dma_start3A_573 = tpu.memref_slice %arg7[%dma_start3A_569, %dma_start3A_571, %dma_start3A_572] : memref<2x128x128xf32, #tpu.memory_space<vmem>> -> memref<1x128x128xf32, #tpu.memory_space<vmem>>
        %dma_start3A_574 = tpu.memref_squeeze %dma_start3A_573 : memref<1x128x128xf32, #tpu.memory_space<vmem>> -> memref<128x128xf32, #tpu.memory_space<vmem>>
        %dma_start3A_575 = arith.constant 0 : i32
        %dma_start3A_576 = tpu.memref_slice %arg6[%dma_start3A_567, %dma_start3A_568, %dma_start3A_575] : memref<8x2x128xi32, #tpu.memory_space<vmem>> -> memref<1x1x128xi32, #tpu.memory_space<vmem>>
        %dma_start3A_577 = tpu.memref_squeeze %dma_start3A_576 : memref<1x1x128xi32, #tpu.memory_space<vmem>> -> memref<128xi32, #tpu.memory_space<vmem>>
        %dma_start3A_578 = arith.constant 0 : i32
        %dma_start3A_579 = arith.constant 0 : i32
        %dma_start3A_580 = tpu.memref_slice %arg2[%dma_start3A_578, %dma_start3A_579] : memref<10240x128xf32, #tpu.memory_space<hbm>> -> memref<10240x128xf32, #tpu.memory_space<hbm>>
        %dma_start3A_581 = tpu.memref_slice %arg10[%dma_start3A_570] : memref<2x!tpu.dma_semaphore, #tpu.memory_space<semaphore_mem>> -> memref<1x!tpu.dma_semaphore, #tpu.memory_space<semaphore_mem>>
        %dma_start3A_582 = tpu.memref_squeeze %dma_start3A_581 : memref<1x!tpu.dma_semaphore, #tpu.memory_space<semaphore_mem>> -> memref<!tpu.dma_semaphore, #tpu.memory_space<semaphore_mem>>
        tpu.enqueue_indirect_dma source(%dma_start3A_580 : memref<10240x128xf32, #tpu.memory_space<hbm>>) target(%dma_start3A_574 : memref<128x128xf32, #tpu.memory_space<vmem>>) offsets(%dma_start3A_577 : memref<128xi32, #tpu.memory_space<vmem>>) semaphore(%dma_start3A_582 : memref<!tpu.dma_semaphore, #tpu.memory_space<semaphore_mem>>)
      } else {
      }
      %add3A_317 = arith.constant 8 : i32
      %add3A_318 = arith.addi %add3A_290, %add3A_317 : i32
      %lt3A_319 = arith.constant 80 : i32
      %lt3A_320 = arith.cmpi slt, %add3A_318, %lt3A_319 : i32
      %convert_element_type3A_321 = arith.extui %lt3A_320 : i1 to i32
      %cond3A_322 = arith.constant 0 : i32
      %cond3A_323 = arith.cmpi ne, %convert_element_type3A_321, %cond3A_322 : i32
      scf.if %cond3A_323 {
        %add3A_546 = arith.constant 8 : i32
        %add3A_547 = arith.addi %add3A_290, %add3A_546 : i32
        %dma_start3A_548 = arith.constant 1 : i32
        %dma_start3A_549 = arith.constant 1 : i32
        %dma_start3A_550 = arith.constant 0 : i32
        %dma_start3A_551 = arith.constant 0 : i32
        %dma_start3A_552 = tpu.memref_slice %arg6[%dma_start3A_548, %dma_start3A_550, %dma_start3A_551] : memref<8x2x128xi32, #tpu.memory_space<vmem>> -> memref<1x2x128xi32, #tpu.memory_space<vmem>>
        %dma_start3A_553 = tpu.memref_squeeze %dma_start3A_552 : memref<1x2x128xi32, #tpu.memory_space<vmem>> -> memref<2x128xi32, #tpu.memory_space<vmem>>
        %dma_start3A_554 = arith.constant 0 : i32
        %dma_start3A_555 = arith.constant 0 : i32
        %dma_start3A_556 = tpu.memref_slice %arg3[%add3A, %add3A_547, %dma_start3A_554, %dma_start3A_555] : memref<32x80x2x128xi32, #tpu.memory_space<hbm>> -> memref<1x1x2x128xi32, #tpu.memory_space<hbm>>
        %dma_start3A_557 = tpu.memref_squeeze %dma_start3A_556 : memref<1x1x2x128xi32, #tpu.memory_space<hbm>> -> memref<2x128xi32, #tpu.memory_space<hbm>>
        %dma_start3A_558 = tpu.memref_slice %arg9[%dma_start3A_549] : memref<8x!tpu.dma_semaphore, #tpu.memory_space<semaphore_mem>> -> memref<1x!tpu.dma_semaphore, #tpu.memory_space<semaphore_mem>>
        %dma_start3A_559 = tpu.memref_squeeze %dma_start3A_558 : memref<1x!tpu.dma_semaphore, #tpu.memory_space<semaphore_mem>> -> memref<!tpu.dma_semaphore, #tpu.memory_space<semaphore_mem>>
        %dma_start3A_560 = arith.constant 0 : i32
        %dma_start3A_561 = arith.constant 0 : i32
        %dma_start3A_562 = tpu.memref_slice %arg6[%dma_start3A_548, %dma_start3A_560, %dma_start3A_561] : memref<8x2x128xi32, #tpu.memory_space<vmem>> -> memref<1x2x128xi32, #tpu.memory_space<vmem>>
        %dma_start3A_563 = tpu.memref_squeeze %dma_start3A_562 : memref<1x2x128xi32, #tpu.memory_space<vmem>> -> memref<2x128xi32, #tpu.memory_space<vmem>>
        %dma_start3A_564 = arith.constant 0 : i32
        %dma_start3A_565 = arith.constant 0 : i32
        %dma_start3A_566 = tpu.memref_slice %arg3[%add3A, %add3A_547, %dma_start3A_564, %dma_start3A_565] : memref<32x80x2x128xi32, #tpu.memory_space<hbm>> -> memref<1x1x2x128xi32, #tpu.memory_space<hbm>>
        %dma_start3A_567 = tpu.memref_squeeze %dma_start3A_566 : memref<1x1x2x128xi32, #tpu.memory_space<hbm>> -> memref<2x128xi32, #tpu.memory_space<hbm>>
        tpu.enqueue_dma source(%dma_start3A_567 : memref<2x128xi32, #tpu.memory_space<hbm>>) target(%dma_start3A_563 : memref<2x128xi32, #tpu.memory_space<vmem>>) target_semaphore(%dma_start3A_559 : memref<!tpu.dma_semaphore, #tpu.memory_space<semaphore_mem>>)
      } else {
      }
      %mul3A_324 = arith.constant 8 : i32
      %mul3A_325 = arith.muli %scan3A_253, %mul3A_324 : i32
      %add3A_326 = arith.constant 2 : i32
      %add3A_327 = arith.addi %mul3A_325, %add3A_326 : i32
      %dma_wait3A_328 = arith.constant 2 : i32
      %dma_wait3A_329 = arith.constant 0 : i32
      %dma_wait3A_330 = arith.constant 0 : i32
      %dma_wait3A_331 = arith.constant 0 : i32
      %dma_wait3A_332 = arith.constant 0 : i32
      %dma_wait3A_333 = arith.constant 0 : i32
      %dma_wait3A_334 = tpu.memref_slice %arg7[%dma_wait3A_330, %dma_wait3A_332, %dma_wait3A_333] : memref<2x128x128xf32, #tpu.memory_space<vmem>> -> memref<1x128x128xf32, #tpu.memory_space<vmem>>
      %dma_wait3A_335 = tpu.memref_squeeze %dma_wait3A_334 : memref<1x128x128xf32, #tpu.memory_space<vmem>> -> memref<128x128xf32, #tpu.memory_space<vmem>>
      %dma_wait3A_336 = arith.constant 0 : i32
      %dma_wait3A_337 = tpu.memref_slice %arg6[%dma_wait3A_328, %dma_wait3A_329, %dma_wait3A_336] : memref<8x2x128xi32, #tpu.memory_space<vmem>> -> memref<1x1x128xi32, #tpu.memory_space<vmem>>
      %dma_wait3A_338 = tpu.memref_squeeze %dma_wait3A_337 : memref<1x1x128xi32, #tpu.memory_space<vmem>> -> memref<128xi32, #tpu.memory_space<vmem>>
      %dma_wait3A_339 = arith.constant 0 : i32
      %dma_wait3A_340 = arith.constant 0 : i32
      %dma_wait3A_341 = tpu.memref_slice %arg2[%dma_wait3A_339, %dma_wait3A_340] : memref<10240x128xf32, #tpu.memory_space<hbm>> -> memref<10240x128xf32, #tpu.memory_space<hbm>>
      %dma_wait3A_342 = tpu.memref_slice %arg10[%dma_wait3A_331] : memref<2x!tpu.dma_semaphore, #tpu.memory_space<semaphore_mem>> -> memref<1x!tpu.dma_semaphore, #tpu.memory_space<semaphore_mem>>
      %dma_wait3A_343 = tpu.memref_squeeze %dma_wait3A_342 : memref<1x!tpu.dma_semaphore, #tpu.memory_space<semaphore_mem>> -> memref<!tpu.dma_semaphore, #tpu.memory_space<semaphore_mem>>
      tpu.wait_indirect_dma semaphore(%dma_wait3A_343 : memref<!tpu.dma_semaphore, #tpu.memory_space<semaphore_mem>>) src(%dma_wait3A_341 : memref<10240x128xf32, #tpu.memory_space<hbm>>) dst(%dma_wait3A_335 : memref<128x128xf32, #tpu.memory_space<vmem>>)
      %run_scoped3A_344 = arith.constant 0 : i32
      %run_scoped3A_345 = arith.constant 2 : i32
      %run_scoped3A_346 = arith.constant 1 : i32
      "tpu.region"() ({
        %run_scoped3A_546 = tpu.sem_alloc : memref<!tpu.dma_semaphore, #tpu.memory_space<semaphore_mem>>
        %dma_start3A_547 = arith.constant 0 : i32
        %dma_start3A_548 = arith.constant 0 : i32
        %dma_start3A_549 = tpu.memref_slice %arg7[%run_scoped3A_344, %dma_start3A_547, %dma_start3A_548] : memref<2x128x128xf32, #tpu.memory_space<vmem>> -> memref<1x128x128xf32, #tpu.memory_space<vmem>>
        %dma_start3A_550 = tpu.memref_squeeze %dma_start3A_549 : memref<1x128x128xf32, #tpu.memory_space<vmem>> -> memref<128x128xf32, #tpu.memory_space<vmem>>
        %dma_start3A_551 = arith.constant 0 : i32
        %dma_start3A_552 = tpu.memref_slice %arg6[%run_scoped3A_345, %run_scoped3A_346, %dma_start3A_551] : memref<8x2x128xi32, #tpu.memory_space<vmem>> -> memref<1x1x128xi32, #tpu.memory_space<vmem>>
        %dma_start3A_553 = tpu.memref_squeeze %dma_start3A_552 : memref<1x1x128xi32, #tpu.memory_space<vmem>> -> memref<128xi32, #tpu.memory_space<vmem>>
        %dma_start3A_554 = arith.constant 0 : i32
        %dma_start3A_555 = arith.constant 0 : i32
        %dma_start3A_556 = tpu.memref_slice %arg8[%dma_start3A_554, %dma_start3A_555] : memref<10240x128xf32, #tpu.memory_space<vmem_shared>> -> memref<10240x128xf32, #tpu.memory_space<vmem_shared>>
        tpu.enqueue_indirect_dma source(%dma_start3A_550 : memref<128x128xf32, #tpu.memory_space<vmem>>) target(%dma_start3A_556 : memref<10240x128xf32, #tpu.memory_space<vmem_shared>>) offsets(%dma_start3A_553 : memref<128xi32, #tpu.memory_space<vmem>>) semaphore(%run_scoped3A_546 : memref<!tpu.dma_semaphore, #tpu.memory_space<semaphore_mem>>) {add = true}
        %dma_wait3A_557 = arith.constant 0 : i32
        %dma_wait3A_558 = arith.constant 0 : i32
        %dma_wait3A_559 = tpu.memref_slice %arg7[%run_scoped3A_344, %dma_wait3A_557, %dma_wait3A_558] : memref<2x128x128xf32, #tpu.memory_space<vmem>> -> memref<1x128x128xf32, #tpu.memory_space<vmem>>
        %dma_wait3A_560 = tpu.memref_squeeze %dma_wait3A_559 : memref<1x128x128xf32, #tpu.memory_space<vmem>> -> memref<128x128xf32, #tpu.memory_space<vmem>>
        %dma_wait3A_561 = arith.constant 0 : i32
        %dma_wait3A_562 = tpu.memref_slice %arg6[%run_scoped3A_345, %run_scoped3A_346, %dma_wait3A_561] : memref<8x2x128xi32, #tpu.memory_space<vmem>> -> memref<1x1x128xi32, #tpu.memory_space<vmem>>
        %dma_wait3A_563 = tpu.memref_squeeze %dma_wait3A_562 : memref<1x1x128xi32, #tpu.memory_space<vmem>> -> memref<128xi32, #tpu.memory_space<vmem>>
        %dma_wait3A_564 = arith.constant 0 : i32
        %dma_wait3A_565 = arith.constant 0 : i32
        %dma_wait3A_566 = tpu.memref_slice %arg8[%dma_wait3A_564, %dma_wait3A_565] : memref<10240x128xf32, #tpu.memory_space<vmem_shared>> -> memref<10240x128xf32, #tpu.memory_space<vmem_shared>>
        tpu.wait_indirect_dma semaphore(%run_scoped3A_546 : memref<!tpu.dma_semaphore, #tpu.memory_space<semaphore_mem>>) src(%dma_wait3A_560 : memref<128x128xf32, #tpu.memory_space<vmem>>) dst(%dma_wait3A_566 : memref<10240x128xf32, #tpu.memory_space<vmem_shared>>)
        tpu.yield
      }) : () -> ()
      %add3A_347 = arith.constant 2 : i32
      %add3A_348 = arith.addi %add3A_327, %add3A_347 : i32
      %lt3A_349 = arith.constant 80 : i32
      %lt3A_350 = arith.cmpi slt, %add3A_348, %lt3A_349 : i32
      %convert_element_type3A_351 = arith.extui %lt3A_350 : i1 to i32
      %cond3A_352 = arith.constant 0 : i32
      %cond3A_353 = arith.cmpi ne, %convert_element_type3A_351, %cond3A_352 : i32
      scf.if %cond3A_353 {
        %dma_wait3A_546 = arith.constant 4 : i32
        %dma_wait3A_547 = arith.constant 4 : i32
        %dma_wait3A_548 = arith.constant 4 : i32
        %dma_wait3A_549 = arith.constant 0 : i32
        %dma_wait3A_550 = arith.constant 0 : i32
        %dma_wait3A_551 = tpu.memref_slice %arg6[%dma_wait3A_547, %dma_wait3A_549, %dma_wait3A_550] : memref<8x2x128xi32, #tpu.memory_space<vmem>> -> memref<1x2x128xi32, #tpu.memory_space<vmem>>
        %dma_wait3A_552 = tpu.memref_squeeze %dma_wait3A_551 : memref<1x2x128xi32, #tpu.memory_space<vmem>> -> memref<2x128xi32, #tpu.memory_space<vmem>>
        %dma_wait3A_553 = arith.constant 0 : i32
        %dma_wait3A_554 = arith.constant 0 : i32
        %dma_wait3A_555 = tpu.memref_slice %arg3[%add3A, %dma_wait3A_546, %dma_wait3A_553, %dma_wait3A_554] : memref<32x80x2x128xi32, #tpu.memory_space<hbm>> -> memref<1x1x2x128xi32, #tpu.memory_space<hbm>>
        %dma_wait3A_556 = tpu.memref_squeeze %dma_wait3A_555 : memref<1x1x2x128xi32, #tpu.memory_space<hbm>> -> memref<2x128xi32, #tpu.memory_space<hbm>>
        %dma_wait3A_557 = tpu.memref_slice %arg9[%dma_wait3A_548] : memref<8x!tpu.dma_semaphore, #tpu.memory_space<semaphore_mem>> -> memref<1x!tpu.dma_semaphore, #tpu.memory_space<semaphore_mem>>
        %dma_wait3A_558 = tpu.memref_squeeze %dma_wait3A_557 : memref<1x!tpu.dma_semaphore, #tpu.memory_space<semaphore_mem>> -> memref<!tpu.dma_semaphore, #tpu.memory_space<semaphore_mem>>
        %dma_wait3A_559 = arith.constant 0 : i32
        %dma_wait3A_560 = arith.constant 0 : i32
        %dma_wait3A_561 = tpu.memref_slice %arg6[%dma_wait3A_547, %dma_wait3A_559, %dma_wait3A_560] : memref<8x2x128xi32, #tpu.memory_space<vmem>> -> memref<1x2x128xi32, #tpu.memory_space<vmem>>
        %dma_wait3A_562 = tpu.memref_squeeze %dma_wait3A_561 : memref<1x2x128xi32, #tpu.memory_space<vmem>> -> memref<2x128xi32, #tpu.memory_space<vmem>>
        %dma_wait3A_563 = arith.constant 0 : i32
        %dma_wait3A_564 = arith.constant 0 : i32
        %dma_wait3A_565 = tpu.memref_slice %arg3[%add3A, %dma_wait3A_546, %dma_wait3A_563, %dma_wait3A_564] : memref<32x80x2x128xi32, #tpu.memory_space<hbm>> -> memref<1x1x2x128xi32, #tpu.memory_space<hbm>>
        %dma_wait3A_566 = tpu.memref_squeeze %dma_wait3A_565 : memref<1x1x2x128xi32, #tpu.memory_space<hbm>> -> memref<2x128xi32, #tpu.memory_space<hbm>>
        tpu.wait_dma2 semaphore(%dma_wait3A_558 : memref<!tpu.dma_semaphore, #tpu.memory_space<semaphore_mem>>) src(%dma_wait3A_566 : memref<2x128xi32, #tpu.memory_space<hbm>>) dst(%dma_wait3A_562 : memref<2x128xi32, #tpu.memory_space<vmem>>)
        %dma_start3A_567 = arith.constant 4 : i32
        %dma_start3A_568 = arith.constant 0 : i32
        %dma_start3A_569 = arith.constant 0 : i32
        %dma_start3A_570 = arith.constant 0 : i32
        %dma_start3A_571 = arith.constant 0 : i32
        %dma_start3A_572 = arith.constant 0 : i32
        %dma_start3A_573 = tpu.memref_slice %arg7[%dma_start3A_569, %dma_start3A_571, %dma_start3A_572] : memref<2x128x128xf32, #tpu.memory_space<vmem>> -> memref<1x128x128xf32, #tpu.memory_space<vmem>>
        %dma_start3A_574 = tpu.memref_squeeze %dma_start3A_573 : memref<1x128x128xf32, #tpu.memory_space<vmem>> -> memref<128x128xf32, #tpu.memory_space<vmem>>
        %dma_start3A_575 = arith.constant 0 : i32
        %dma_start3A_576 = tpu.memref_slice %arg6[%dma_start3A_567, %dma_start3A_568, %dma_start3A_575] : memref<8x2x128xi32, #tpu.memory_space<vmem>> -> memref<1x1x128xi32, #tpu.memory_space<vmem>>
        %dma_start3A_577 = tpu.memref_squeeze %dma_start3A_576 : memref<1x1x128xi32, #tpu.memory_space<vmem>> -> memref<128xi32, #tpu.memory_space<vmem>>
        %dma_start3A_578 = arith.constant 0 : i32
        %dma_start3A_579 = arith.constant 0 : i32
        %dma_start3A_580 = tpu.memref_slice %arg2[%dma_start3A_578, %dma_start3A_579] : memref<10240x128xf32, #tpu.memory_space<hbm>> -> memref<10240x128xf32, #tpu.memory_space<hbm>>
        %dma_start3A_581 = tpu.memref_slice %arg10[%dma_start3A_570] : memref<2x!tpu.dma_semaphore, #tpu.memory_space<semaphore_mem>> -> memref<1x!tpu.dma_semaphore, #tpu.memory_space<semaphore_mem>>
        %dma_start3A_582 = tpu.memref_squeeze %dma_start3A_581 : memref<1x!tpu.dma_semaphore, #tpu.memory_space<semaphore_mem>> -> memref<!tpu.dma_semaphore, #tpu.memory_space<semaphore_mem>>
        tpu.enqueue_indirect_dma source(%dma_start3A_580 : memref<10240x128xf32, #tpu.memory_space<hbm>>) target(%dma_start3A_574 : memref<128x128xf32, #tpu.memory_space<vmem>>) offsets(%dma_start3A_577 : memref<128xi32, #tpu.memory_space<vmem>>) semaphore(%dma_start3A_582 : memref<!tpu.dma_semaphore, #tpu.memory_space<semaphore_mem>>)
      } else {
      }
      %add3A_354 = arith.constant 8 : i32
      %add3A_355 = arith.addi %add3A_327, %add3A_354 : i32
      %lt3A_356 = arith.constant 80 : i32
      %lt3A_357 = arith.cmpi slt, %add3A_355, %lt3A_356 : i32
      %convert_element_type3A_358 = arith.extui %lt3A_357 : i1 to i32
      %cond3A_359 = arith.constant 0 : i32
      %cond3A_360 = arith.cmpi ne, %convert_element_type3A_358, %cond3A_359 : i32
      scf.if %cond3A_360 {
        %add3A_546 = arith.constant 8 : i32
        %add3A_547 = arith.addi %add3A_327, %add3A_546 : i32
        %dma_start3A_548 = arith.constant 2 : i32
        %dma_start3A_549 = arith.constant 2 : i32
        %dma_start3A_550 = arith.constant 0 : i32
        %dma_start3A_551 = arith.constant 0 : i32
        %dma_start3A_552 = tpu.memref_slice %arg6[%dma_start3A_548, %dma_start3A_550, %dma_start3A_551] : memref<8x2x128xi32, #tpu.memory_space<vmem>> -> memref<1x2x128xi32, #tpu.memory_space<vmem>>
        %dma_start3A_553 = tpu.memref_squeeze %dma_start3A_552 : memref<1x2x128xi32, #tpu.memory_space<vmem>> -> memref<2x128xi32, #tpu.memory_space<vmem>>
        %dma_start3A_554 = arith.constant 0 : i32
        %dma_start3A_555 = arith.constant 0 : i32
        %dma_start3A_556 = tpu.memref_slice %arg3[%add3A, %add3A_547, %dma_start3A_554, %dma_start3A_555] : memref<32x80x2x128xi32, #tpu.memory_space<hbm>> -> memref<1x1x2x128xi32, #tpu.memory_space<hbm>>
        %dma_start3A_557 = tpu.memref_squeeze %dma_start3A_556 : memref<1x1x2x128xi32, #tpu.memory_space<hbm>> -> memref<2x128xi32, #tpu.memory_space<hbm>>
        %dma_start3A_558 = tpu.memref_slice %arg9[%dma_start3A_549] : memref<8x!tpu.dma_semaphore, #tpu.memory_space<semaphore_mem>> -> memref<1x!tpu.dma_semaphore, #tpu.memory_space<semaphore_mem>>
        %dma_start3A_559 = tpu.memref_squeeze %dma_start3A_558 : memref<1x!tpu.dma_semaphore, #tpu.memory_space<semaphore_mem>> -> memref<!tpu.dma_semaphore, #tpu.memory_space<semaphore_mem>>
        %dma_start3A_560 = arith.constant 0 : i32
        %dma_start3A_561 = arith.constant 0 : i32
        %dma_start3A_562 = tpu.memref_slice %arg6[%dma_start3A_548, %dma_start3A_560, %dma_start3A_561] : memref<8x2x128xi32, #tpu.memory_space<vmem>> -> memref<1x2x128xi32, #tpu.memory_space<vmem>>
        %dma_start3A_563 = tpu.memref_squeeze %dma_start3A_562 : memref<1x2x128xi32, #tpu.memory_space<vmem>> -> memref<2x128xi32, #tpu.memory_space<vmem>>
        %dma_start3A_564 = arith.constant 0 : i32
        %dma_start3A_565 = arith.constant 0 : i32
        %dma_start3A_566 = tpu.memref_slice %arg3[%add3A, %add3A_547, %dma_start3A_564, %dma_start3A_565] : memref<32x80x2x128xi32, #tpu.memory_space<hbm>> -> memref<1x1x2x128xi32, #tpu.memory_space<hbm>>
        %dma_start3A_567 = tpu.memref_squeeze %dma_start3A_566 : memref<1x1x2x128xi32, #tpu.memory_space<hbm>> -> memref<2x128xi32, #tpu.memory_space<hbm>>
        tpu.enqueue_dma source(%dma_start3A_567 : memref<2x128xi32, #tpu.memory_space<hbm>>) target(%dma_start3A_563 : memref<2x128xi32, #tpu.memory_space<vmem>>) target_semaphore(%dma_start3A_559 : memref<!tpu.dma_semaphore, #tpu.memory_space<semaphore_mem>>)
      } else {
      }
      %mul3A_361 = arith.constant 8 : i32
      %mul3A_362 = arith.muli %scan3A_253, %mul3A_361 : i32
      %add3A_363 = arith.constant 3 : i32
      %add3A_364 = arith.addi %mul3A_362, %add3A_363 : i32
      %dma_wait3A_365 = arith.constant 3 : i32
      %dma_wait3A_366 = arith.constant 0 : i32
      %dma_wait3A_367 = arith.constant 1 : i32
      %dma_wait3A_368 = arith.constant 1 : i32
      %dma_wait3A_369 = arith.constant 0 : i32
      %dma_wait3A_370 = arith.constant 0 : i32
      %dma_wait3A_371 = tpu.memref_slice %arg7[%dma_wait3A_367, %dma_wait3A_369, %dma_wait3A_370] : memref<2x128x128xf32, #tpu.memory_space<vmem>> -> memref<1x128x128xf32, #tpu.memory_space<vmem>>
      %dma_wait3A_372 = tpu.memref_squeeze %dma_wait3A_371 : memref<1x128x128xf32, #tpu.memory_space<vmem>> -> memref<128x128xf32, #tpu.memory_space<vmem>>
      %dma_wait3A_373 = arith.constant 0 : i32
      %dma_wait3A_374 = tpu.memref_slice %arg6[%dma_wait3A_365, %dma_wait3A_366, %dma_wait3A_373] : memref<8x2x128xi32, #tpu.memory_space<vmem>> -> memref<1x1x128xi32, #tpu.memory_space<vmem>>
      %dma_wait3A_375 = tpu.memref_squeeze %dma_wait3A_374 : memref<1x1x128xi32, #tpu.memory_space<vmem>> -> memref<128xi32, #tpu.memory_space<vmem>>
      %dma_wait3A_376 = arith.constant 0 : i32
      %dma_wait3A_377 = arith.constant 0 : i32
      %dma_wait3A_378 = tpu.memref_slice %arg2[%dma_wait3A_376, %dma_wait3A_377] : memref<10240x128xf32, #tpu.memory_space<hbm>> -> memref<10240x128xf32, #tpu.memory_space<hbm>>
      %dma_wait3A_379 = tpu.memref_slice %arg10[%dma_wait3A_368] : memref<2x!tpu.dma_semaphore, #tpu.memory_space<semaphore_mem>> -> memref<1x!tpu.dma_semaphore, #tpu.memory_space<semaphore_mem>>
      %dma_wait3A_380 = tpu.memref_squeeze %dma_wait3A_379 : memref<1x!tpu.dma_semaphore, #tpu.memory_space<semaphore_mem>> -> memref<!tpu.dma_semaphore, #tpu.memory_space<semaphore_mem>>
      tpu.wait_indirect_dma semaphore(%dma_wait3A_380 : memref<!tpu.dma_semaphore, #tpu.memory_space<semaphore_mem>>) src(%dma_wait3A_378 : memref<10240x128xf32, #tpu.memory_space<hbm>>) dst(%dma_wait3A_372 : memref<128x128xf32, #tpu.memory_space<vmem>>)
      %run_scoped3A_381 = arith.constant 1 : i32
      %run_scoped3A_382 = arith.constant 3 : i32
      %run_scoped3A_383 = arith.constant 1 : i32
      "tpu.region"() ({
        %run_scoped3A_546 = tpu.sem_alloc : memref<!tpu.dma_semaphore, #tpu.memory_space<semaphore_mem>>
        %dma_start3A_547 = arith.constant 0 : i32
        %dma_start3A_548 = arith.constant 0 : i32
        %dma_start3A_549 = tpu.memref_slice %arg7[%run_scoped3A_381, %dma_start3A_547, %dma_start3A_548] : memref<2x128x128xf32, #tpu.memory_space<vmem>> -> memref<1x128x128xf32, #tpu.memory_space<vmem>>
        %dma_start3A_550 = tpu.memref_squeeze %dma_start3A_549 : memref<1x128x128xf32, #tpu.memory_space<vmem>> -> memref<128x128xf32, #tpu.memory_space<vmem>>
        %dma_start3A_551 = arith.constant 0 : i32
        %dma_start3A_552 = tpu.memref_slice %arg6[%run_scoped3A_382, %run_scoped3A_383, %dma_start3A_551] : memref<8x2x128xi32, #tpu.memory_space<vmem>> -> memref<1x1x128xi32, #tpu.memory_space<vmem>>
        %dma_start3A_553 = tpu.memref_squeeze %dma_start3A_552 : memref<1x1x128xi32, #tpu.memory_space<vmem>> -> memref<128xi32, #tpu.memory_space<vmem>>
        %dma_start3A_554 = arith.constant 0 : i32
        %dma_start3A_555 = arith.constant 0 : i32
        %dma_start3A_556 = tpu.memref_slice %arg8[%dma_start3A_554, %dma_start3A_555] : memref<10240x128xf32, #tpu.memory_space<vmem_shared>> -> memref<10240x128xf32, #tpu.memory_space<vmem_shared>>
        tpu.enqueue_indirect_dma source(%dma_start3A_550 : memref<128x128xf32, #tpu.memory_space<vmem>>) target(%dma_start3A_556 : memref<10240x128xf32, #tpu.memory_space<vmem_shared>>) offsets(%dma_start3A_553 : memref<128xi32, #tpu.memory_space<vmem>>) semaphore(%run_scoped3A_546 : memref<!tpu.dma_semaphore, #tpu.memory_space<semaphore_mem>>) {add = true}
        %dma_wait3A_557 = arith.constant 0 : i32
        %dma_wait3A_558 = arith.constant 0 : i32
        %dma_wait3A_559 = tpu.memref_slice %arg7[%run_scoped3A_381, %dma_wait3A_557, %dma_wait3A_558] : memref<2x128x128xf32, #tpu.memory_space<vmem>> -> memref<1x128x128xf32, #tpu.memory_space<vmem>>
        %dma_wait3A_560 = tpu.memref_squeeze %dma_wait3A_559 : memref<1x128x128xf32, #tpu.memory_space<vmem>> -> memref<128x128xf32, #tpu.memory_space<vmem>>
        %dma_wait3A_561 = arith.constant 0 : i32
        %dma_wait3A_562 = tpu.memref_slice %arg6[%run_scoped3A_382, %run_scoped3A_383, %dma_wait3A_561] : memref<8x2x128xi32, #tpu.memory_space<vmem>> -> memref<1x1x128xi32, #tpu.memory_space<vmem>>
        %dma_wait3A_563 = tpu.memref_squeeze %dma_wait3A_562 : memref<1x1x128xi32, #tpu.memory_space<vmem>> -> memref<128xi32, #tpu.memory_space<vmem>>
        %dma_wait3A_564 = arith.constant 0 : i32
        %dma_wait3A_565 = arith.constant 0 : i32
        %dma_wait3A_566 = tpu.memref_slice %arg8[%dma_wait3A_564, %dma_wait3A_565] : memref<10240x128xf32, #tpu.memory_space<vmem_shared>> -> memref<10240x128xf32, #tpu.memory_space<vmem_shared>>
        tpu.wait_indirect_dma semaphore(%run_scoped3A_546 : memref<!tpu.dma_semaphore, #tpu.memory_space<semaphore_mem>>) src(%dma_wait3A_560 : memref<128x128xf32, #tpu.memory_space<vmem>>) dst(%dma_wait3A_566 : memref<10240x128xf32, #tpu.memory_space<vmem_shared>>)
        tpu.yield
      }) : () -> ()
      %add3A_384 = arith.constant 2 : i32
      %add3A_385 = arith.addi %add3A_364, %add3A_384 : i32
      %lt3A_386 = arith.constant 80 : i32
      %lt3A_387 = arith.cmpi slt, %add3A_385, %lt3A_386 : i32
      %convert_element_type3A_388 = arith.extui %lt3A_387 : i1 to i32
      %cond3A_389 = arith.constant 0 : i32
      %cond3A_390 = arith.cmpi ne, %convert_element_type3A_388, %cond3A_389 : i32
      scf.if %cond3A_390 {
        %dma_wait3A_546 = arith.constant 5 : i32
        %dma_wait3A_547 = arith.constant 5 : i32
        %dma_wait3A_548 = arith.constant 5 : i32
        %dma_wait3A_549 = arith.constant 0 : i32
        %dma_wait3A_550 = arith.constant 0 : i32
        %dma_wait3A_551 = tpu.memref_slice %arg6[%dma_wait3A_547, %dma_wait3A_549, %dma_wait3A_550] : memref<8x2x128xi32, #tpu.memory_space<vmem>> -> memref<1x2x128xi32, #tpu.memory_space<vmem>>
        %dma_wait3A_552 = tpu.memref_squeeze %dma_wait3A_551 : memref<1x2x128xi32, #tpu.memory_space<vmem>> -> memref<2x128xi32, #tpu.memory_space<vmem>>
        %dma_wait3A_553 = arith.constant 0 : i32
        %dma_wait3A_554 = arith.constant 0 : i32
        %dma_wait3A_555 = tpu.memref_slice %arg3[%add3A, %dma_wait3A_546, %dma_wait3A_553, %dma_wait3A_554] : memref<32x80x2x128xi32, #tpu.memory_space<hbm>> -> memref<1x1x2x128xi32, #tpu.memory_space<hbm>>
        %dma_wait3A_556 = tpu.memref_squeeze %dma_wait3A_555 : memref<1x1x2x128xi32, #tpu.memory_space<hbm>> -> memref<2x128xi32, #tpu.memory_space<hbm>>
        %dma_wait3A_557 = tpu.memref_slice %arg9[%dma_wait3A_548] : memref<8x!tpu.dma_semaphore, #tpu.memory_space<semaphore_mem>> -> memref<1x!tpu.dma_semaphore, #tpu.memory_space<semaphore_mem>>
        %dma_wait3A_558 = tpu.memref_squeeze %dma_wait3A_557 : memref<1x!tpu.dma_semaphore, #tpu.memory_space<semaphore_mem>> -> memref<!tpu.dma_semaphore, #tpu.memory_space<semaphore_mem>>
        %dma_wait3A_559 = arith.constant 0 : i32
        %dma_wait3A_560 = arith.constant 0 : i32
        %dma_wait3A_561 = tpu.memref_slice %arg6[%dma_wait3A_547, %dma_wait3A_559, %dma_wait3A_560] : memref<8x2x128xi32, #tpu.memory_space<vmem>> -> memref<1x2x128xi32, #tpu.memory_space<vmem>>
        %dma_wait3A_562 = tpu.memref_squeeze %dma_wait3A_561 : memref<1x2x128xi32, #tpu.memory_space<vmem>> -> memref<2x128xi32, #tpu.memory_space<vmem>>
        %dma_wait3A_563 = arith.constant 0 : i32
        %dma_wait3A_564 = arith.constant 0 : i32
        %dma_wait3A_565 = tpu.memref_slice %arg3[%add3A, %dma_wait3A_546, %dma_wait3A_563, %dma_wait3A_564] : memref<32x80x2x128xi32, #tpu.memory_space<hbm>> -> memref<1x1x2x128xi32, #tpu.memory_space<hbm>>
        %dma_wait3A_566 = tpu.memref_squeeze %dma_wait3A_565 : memref<1x1x2x128xi32, #tpu.memory_space<hbm>> -> memref<2x128xi32, #tpu.memory_space<hbm>>
        tpu.wait_dma2 semaphore(%dma_wait3A_558 : memref<!tpu.dma_semaphore, #tpu.memory_space<semaphore_mem>>) src(%dma_wait3A_566 : memref<2x128xi32, #tpu.memory_space<hbm>>) dst(%dma_wait3A_562 : memref<2x128xi32, #tpu.memory_space<vmem>>)
        %dma_start3A_567 = arith.constant 5 : i32
        %dma_start3A_568 = arith.constant 0 : i32
        %dma_start3A_569 = arith.constant 1 : i32
        %dma_start3A_570 = arith.constant 1 : i32
        %dma_start3A_571 = arith.constant 0 : i32
        %dma_start3A_572 = arith.constant 0 : i32
        %dma_start3A_573 = tpu.memref_slice %arg7[%dma_start3A_569, %dma_start3A_571, %dma_start3A_572] : memref<2x128x128xf32, #tpu.memory_space<vmem>> -> memref<1x128x128xf32, #tpu.memory_space<vmem>>
        %dma_start3A_574 = tpu.memref_squeeze %dma_start3A_573 : memref<1x128x128xf32, #tpu.memory_space<vmem>> -> memref<128x128xf32, #tpu.memory_space<vmem>>
        %dma_start3A_575 = arith.constant 0 : i32
        %dma_start3A_576 = tpu.memref_slice %arg6[%dma_start3A_567, %dma_start3A_568, %dma_start3A_575] : memref<8x2x128xi32, #tpu.memory_space<vmem>> -> memref<1x1x128xi32, #tpu.memory_space<vmem>>
        %dma_start3A_577 = tpu.memref_squeeze %dma_start3A_576 : memref<1x1x128xi32, #tpu.memory_space<vmem>> -> memref<128xi32, #tpu.memory_space<vmem>>
        %dma_start3A_578 = arith.constant 0 : i32
        %dma_start3A_579 = arith.constant 0 : i32
        %dma_start3A_580 = tpu.memref_slice %arg2[%dma_start3A_578, %dma_start3A_579] : memref<10240x128xf32, #tpu.memory_space<hbm>> -> memref<10240x128xf32, #tpu.memory_space<hbm>>
        %dma_start3A_581 = tpu.memref_slice %arg10[%dma_start3A_570] : memref<2x!tpu.dma_semaphore, #tpu.memory_space<semaphore_mem>> -> memref<1x!tpu.dma_semaphore, #tpu.memory_space<semaphore_mem>>
        %dma_start3A_582 = tpu.memref_squeeze %dma_start3A_581 : memref<1x!tpu.dma_semaphore, #tpu.memory_space<semaphore_mem>> -> memref<!tpu.dma_semaphore, #tpu.memory_space<semaphore_mem>>
        tpu.enqueue_indirect_dma source(%dma_start3A_580 : memref<10240x128xf32, #tpu.memory_space<hbm>>) target(%dma_start3A_574 : memref<128x128xf32, #tpu.memory_space<vmem>>) offsets(%dma_start3A_577 : memref<128xi32, #tpu.memory_space<vmem>>) semaphore(%dma_start3A_582 : memref<!tpu.dma_semaphore, #tpu.memory_space<semaphore_mem>>)
      } else {
      }
      %add3A_391 = arith.constant 8 : i32
      %add3A_392 = arith.addi %add3A_364, %add3A_391 : i32
      %lt3A_393 = arith.constant 80 : i32
      %lt3A_394 = arith.cmpi slt, %add3A_392, %lt3A_393 : i32
      %convert_element_type3A_395 = arith.extui %lt3A_394 : i1 to i32
      %cond3A_396 = arith.constant 0 : i32
      %cond3A_397 = arith.cmpi ne, %convert_element_type3A_395, %cond3A_396 : i32
      scf.if %cond3A_397 {
        %add3A_546 = arith.constant 8 : i32
        %add3A_547 = arith.addi %add3A_364, %add3A_546 : i32
        %dma_start3A_548 = arith.constant 3 : i32
        %dma_start3A_549 = arith.constant 3 : i32
        %dma_start3A_550 = arith.constant 0 : i32
        %dma_start3A_551 = arith.constant 0 : i32
        %dma_start3A_552 = tpu.memref_slice %arg6[%dma_start3A_548, %dma_start3A_550, %dma_start3A_551] : memref<8x2x128xi32, #tpu.memory_space<vmem>> -> memref<1x2x128xi32, #tpu.memory_space<vmem>>
        %dma_start3A_553 = tpu.memref_squeeze %dma_start3A_552 : memref<1x2x128xi32, #tpu.memory_space<vmem>> -> memref<2x128xi32, #tpu.memory_space<vmem>>
        %dma_start3A_554 = arith.constant 0 : i32
        %dma_start3A_555 = arith.constant 0 : i32
        %dma_start3A_556 = tpu.memref_slice %arg3[%add3A, %add3A_547, %dma_start3A_554, %dma_start3A_555] : memref<32x80x2x128xi32, #tpu.memory_space<hbm>> -> memref<1x1x2x128xi32, #tpu.memory_space<hbm>>
        %dma_start3A_557 = tpu.memref_squeeze %dma_start3A_556 : memref<1x1x2x128xi32, #tpu.memory_space<hbm>> -> memref<2x128xi32, #tpu.memory_space<hbm>>
        %dma_start3A_558 = tpu.memref_slice %arg9[%dma_start3A_549] : memref<8x!tpu.dma_semaphore, #tpu.memory_space<semaphore_mem>> -> memref<1x!tpu.dma_semaphore, #tpu.memory_space<semaphore_mem>>
        %dma_start3A_559 = tpu.memref_squeeze %dma_start3A_558 : memref<1x!tpu.dma_semaphore, #tpu.memory_space<semaphore_mem>> -> memref<!tpu.dma_semaphore, #tpu.memory_space<semaphore_mem>>
        %dma_start3A_560 = arith.constant 0 : i32
        %dma_start3A_561 = arith.constant 0 : i32
        %dma_start3A_562 = tpu.memref_slice %arg6[%dma_start3A_548, %dma_start3A_560, %dma_start3A_561] : memref<8x2x128xi32, #tpu.memory_space<vmem>> -> memref<1x2x128xi32, #tpu.memory_space<vmem>>
        %dma_start3A_563 = tpu.memref_squeeze %dma_start3A_562 : memref<1x2x128xi32, #tpu.memory_space<vmem>> -> memref<2x128xi32, #tpu.memory_space<vmem>>
        %dma_start3A_564 = arith.constant 0 : i32
        %dma_start3A_565 = arith.constant 0 : i32
        %dma_start3A_566 = tpu.memref_slice %arg3[%add3A, %add3A_547, %dma_start3A_564, %dma_start3A_565] : memref<32x80x2x128xi32, #tpu.memory_space<hbm>> -> memref<1x1x2x128xi32, #tpu.memory_space<hbm>>
        %dma_start3A_567 = tpu.memref_squeeze %dma_start3A_566 : memref<1x1x2x128xi32, #tpu.memory_space<hbm>> -> memref<2x128xi32, #tpu.memory_space<hbm>>
        tpu.enqueue_dma source(%dma_start3A_567 : memref<2x128xi32, #tpu.memory_space<hbm>>) target(%dma_start3A_563 : memref<2x128xi32, #tpu.memory_space<vmem>>) target_semaphore(%dma_start3A_559 : memref<!tpu.dma_semaphore, #tpu.memory_space<semaphore_mem>>)
      } else {
      }
      %mul3A_398 = arith.constant 8 : i32
      %mul3A_399 = arith.muli %scan3A_253, %mul3A_398 : i32
      %add3A_400 = arith.constant 4 : i32
      %add3A_401 = arith.addi %mul3A_399, %add3A_400 : i32
      %dma_wait3A_402 = arith.constant 4 : i32
      %dma_wait3A_403 = arith.constant 0 : i32
      %dma_wait3A_404 = arith.constant 0 : i32
      %dma_wait3A_405 = arith.constant 0 : i32
      %dma_wait3A_406 = arith.constant 0 : i32
      %dma_wait3A_407 = arith.constant 0 : i32
      %dma_wait3A_408 = tpu.memref_slice %arg7[%dma_wait3A_404, %dma_wait3A_406, %dma_wait3A_407] : memref<2x128x128xf32, #tpu.memory_space<vmem>> -> memref<1x128x128xf32, #tpu.memory_space<vmem>>
      %dma_wait3A_409 = tpu.memref_squeeze %dma_wait3A_408 : memref<1x128x128xf32, #tpu.memory_space<vmem>> -> memref<128x128xf32, #tpu.memory_space<vmem>>
      %dma_wait3A_410 = arith.constant 0 : i32
      %dma_wait3A_411 = tpu.memref_slice %arg6[%dma_wait3A_402, %dma_wait3A_403, %dma_wait3A_410] : memref<8x2x128xi32, #tpu.memory_space<vmem>> -> memref<1x1x128xi32, #tpu.memory_space<vmem>>
      %dma_wait3A_412 = tpu.memref_squeeze %dma_wait3A_411 : memref<1x1x128xi32, #tpu.memory_space<vmem>> -> memref<128xi32, #tpu.memory_space<vmem>>
      %dma_wait3A_413 = arith.constant 0 : i32
      %dma_wait3A_414 = arith.constant 0 : i32
      %dma_wait3A_415 = tpu.memref_slice %arg2[%dma_wait3A_413, %dma_wait3A_414] : memref<10240x128xf32, #tpu.memory_space<hbm>> -> memref<10240x128xf32, #tpu.memory_space<hbm>>
      %dma_wait3A_416 = tpu.memref_slice %arg10[%dma_wait3A_405] : memref<2x!tpu.dma_semaphore, #tpu.memory_space<semaphore_mem>> -> memref<1x!tpu.dma_semaphore, #tpu.memory_space<semaphore_mem>>
      %dma_wait3A_417 = tpu.memref_squeeze %dma_wait3A_416 : memref<1x!tpu.dma_semaphore, #tpu.memory_space<semaphore_mem>> -> memref<!tpu.dma_semaphore, #tpu.memory_space<semaphore_mem>>
      tpu.wait_indirect_dma semaphore(%dma_wait3A_417 : memref<!tpu.dma_semaphore, #tpu.memory_space<semaphore_mem>>) src(%dma_wait3A_415 : memref<10240x128xf32, #tpu.memory_space<hbm>>) dst(%dma_wait3A_409 : memref<128x128xf32, #tpu.memory_space<vmem>>)
      %run_scoped3A_418 = arith.constant 0 : i32
      %run_scoped3A_419 = arith.constant 4 : i32
      %run_scoped3A_420 = arith.constant 1 : i32
      "tpu.region"() ({
        %run_scoped3A_546 = tpu.sem_alloc : memref<!tpu.dma_semaphore, #tpu.memory_space<semaphore_mem>>
        %dma_start3A_547 = arith.constant 0 : i32
        %dma_start3A_548 = arith.constant 0 : i32
        %dma_start3A_549 = tpu.memref_slice %arg7[%run_scoped3A_418, %dma_start3A_547, %dma_start3A_548] : memref<2x128x128xf32, #tpu.memory_space<vmem>> -> memref<1x128x128xf32, #tpu.memory_space<vmem>>
        %dma_start3A_550 = tpu.memref_squeeze %dma_start3A_549 : memref<1x128x128xf32, #tpu.memory_space<vmem>> -> memref<128x128xf32, #tpu.memory_space<vmem>>
        %dma_start3A_551 = arith.constant 0 : i32
        %dma_start3A_552 = tpu.memref_slice %arg6[%run_scoped3A_419, %run_scoped3A_420, %dma_start3A_551] : memref<8x2x128xi32, #tpu.memory_space<vmem>> -> memref<1x1x128xi32, #tpu.memory_space<vmem>>
        %dma_start3A_553 = tpu.memref_squeeze %dma_start3A_552 : memref<1x1x128xi32, #tpu.memory_space<vmem>> -> memref<128xi32, #tpu.memory_space<vmem>>
        %dma_start3A_554 = arith.constant 0 : i32
        %dma_start3A_555 = arith.constant 0 : i32
        %dma_start3A_556 = tpu.memref_slice %arg8[%dma_start3A_554, %dma_start3A_555] : memref<10240x128xf32, #tpu.memory_space<vmem_shared>> -> memref<10240x128xf32, #tpu.memory_space<vmem_shared>>
        tpu.enqueue_indirect_dma source(%dma_start3A_550 : memref<128x128xf32, #tpu.memory_space<vmem>>) target(%dma_start3A_556 : memref<10240x128xf32, #tpu.memory_space<vmem_shared>>) offsets(%dma_start3A_553 : memref<128xi32, #tpu.memory_space<vmem>>) semaphore(%run_scoped3A_546 : memref<!tpu.dma_semaphore, #tpu.memory_space<semaphore_mem>>) {add = true}
        %dma_wait3A_557 = arith.constant 0 : i32
        %dma_wait3A_558 = arith.constant 0 : i32
        %dma_wait3A_559 = tpu.memref_slice %arg7[%run_scoped3A_418, %dma_wait3A_557, %dma_wait3A_558] : memref<2x128x128xf32, #tpu.memory_space<vmem>> -> memref<1x128x128xf32, #tpu.memory_space<vmem>>
        %dma_wait3A_560 = tpu.memref_squeeze %dma_wait3A_559 : memref<1x128x128xf32, #tpu.memory_space<vmem>> -> memref<128x128xf32, #tpu.memory_space<vmem>>
        %dma_wait3A_561 = arith.constant 0 : i32
        %dma_wait3A_562 = tpu.memref_slice %arg6[%run_scoped3A_419, %run_scoped3A_420, %dma_wait3A_561] : memref<8x2x128xi32, #tpu.memory_space<vmem>> -> memref<1x1x128xi32, #tpu.memory_space<vmem>>
        %dma_wait3A_563 = tpu.memref_squeeze %dma_wait3A_562 : memref<1x1x128xi32, #tpu.memory_space<vmem>> -> memref<128xi32, #tpu.memory_space<vmem>>
        %dma_wait3A_564 = arith.constant 0 : i32
        %dma_wait3A_565 = arith.constant 0 : i32
        %dma_wait3A_566 = tpu.memref_slice %arg8[%dma_wait3A_564, %dma_wait3A_565] : memref<10240x128xf32, #tpu.memory_space<vmem_shared>> -> memref<10240x128xf32, #tpu.memory_space<vmem_shared>>
        tpu.wait_indirect_dma semaphore(%run_scoped3A_546 : memref<!tpu.dma_semaphore, #tpu.memory_space<semaphore_mem>>) src(%dma_wait3A_560 : memref<128x128xf32, #tpu.memory_space<vmem>>) dst(%dma_wait3A_566 : memref<10240x128xf32, #tpu.memory_space<vmem_shared>>)
        tpu.yield
      }) : () -> ()
      %add3A_421 = arith.constant 2 : i32
      %add3A_422 = arith.addi %add3A_401, %add3A_421 : i32
      %lt3A_423 = arith.constant 80 : i32
      %lt3A_424 = arith.cmpi slt, %add3A_422, %lt3A_423 : i32
      %convert_element_type3A_425 = arith.extui %lt3A_424 : i1 to i32
      %cond3A_426 = arith.constant 0 : i32
      %cond3A_427 = arith.cmpi ne, %convert_element_type3A_425, %cond3A_426 : i32
      scf.if %cond3A_427 {
        %dma_wait3A_546 = arith.constant 6 : i32
        %dma_wait3A_547 = arith.constant 6 : i32
        %dma_wait3A_548 = arith.constant 6 : i32
        %dma_wait3A_549 = arith.constant 0 : i32
        %dma_wait3A_550 = arith.constant 0 : i32
        %dma_wait3A_551 = tpu.memref_slice %arg6[%dma_wait3A_547, %dma_wait3A_549, %dma_wait3A_550] : memref<8x2x128xi32, #tpu.memory_space<vmem>> -> memref<1x2x128xi32, #tpu.memory_space<vmem>>
        %dma_wait3A_552 = tpu.memref_squeeze %dma_wait3A_551 : memref<1x2x128xi32, #tpu.memory_space<vmem>> -> memref<2x128xi32, #tpu.memory_space<vmem>>
        %dma_wait3A_553 = arith.constant 0 : i32
        %dma_wait3A_554 = arith.constant 0 : i32
        %dma_wait3A_555 = tpu.memref_slice %arg3[%add3A, %dma_wait3A_546, %dma_wait3A_553, %dma_wait3A_554] : memref<32x80x2x128xi32, #tpu.memory_space<hbm>> -> memref<1x1x2x128xi32, #tpu.memory_space<hbm>>
        %dma_wait3A_556 = tpu.memref_squeeze %dma_wait3A_555 : memref<1x1x2x128xi32, #tpu.memory_space<hbm>> -> memref<2x128xi32, #tpu.memory_space<hbm>>
        %dma_wait3A_557 = tpu.memref_slice %arg9[%dma_wait3A_548] : memref<8x!tpu.dma_semaphore, #tpu.memory_space<semaphore_mem>> -> memref<1x!tpu.dma_semaphore, #tpu.memory_space<semaphore_mem>>
        %dma_wait3A_558 = tpu.memref_squeeze %dma_wait3A_557 : memref<1x!tpu.dma_semaphore, #tpu.memory_space<semaphore_mem>> -> memref<!tpu.dma_semaphore, #tpu.memory_space<semaphore_mem>>
        %dma_wait3A_559 = arith.constant 0 : i32
        %dma_wait3A_560 = arith.constant 0 : i32
        %dma_wait3A_561 = tpu.memref_slice %arg6[%dma_wait3A_547, %dma_wait3A_559, %dma_wait3A_560] : memref<8x2x128xi32, #tpu.memory_space<vmem>> -> memref<1x2x128xi32, #tpu.memory_space<vmem>>
        %dma_wait3A_562 = tpu.memref_squeeze %dma_wait3A_561 : memref<1x2x128xi32, #tpu.memory_space<vmem>> -> memref<2x128xi32, #tpu.memory_space<vmem>>
        %dma_wait3A_563 = arith.constant 0 : i32
        %dma_wait3A_564 = arith.constant 0 : i32
        %dma_wait3A_565 = tpu.memref_slice %arg3[%add3A, %dma_wait3A_546, %dma_wait3A_563, %dma_wait3A_564] : memref<32x80x2x128xi32, #tpu.memory_space<hbm>> -> memref<1x1x2x128xi32, #tpu.memory_space<hbm>>
        %dma_wait3A_566 = tpu.memref_squeeze %dma_wait3A_565 : memref<1x1x2x128xi32, #tpu.memory_space<hbm>> -> memref<2x128xi32, #tpu.memory_space<hbm>>
        tpu.wait_dma2 semaphore(%dma_wait3A_558 : memref<!tpu.dma_semaphore, #tpu.memory_space<semaphore_mem>>) src(%dma_wait3A_566 : memref<2x128xi32, #tpu.memory_space<hbm>>) dst(%dma_wait3A_562 : memref<2x128xi32, #tpu.memory_space<vmem>>)
        %dma_start3A_567 = arith.constant 6 : i32
        %dma_start3A_568 = arith.constant 0 : i32
        %dma_start3A_569 = arith.constant 0 : i32
        %dma_start3A_570 = arith.constant 0 : i32
        %dma_start3A_571 = arith.constant 0 : i32
        %dma_start3A_572 = arith.constant 0 : i32
        %dma_start3A_573 = tpu.memref_slice %arg7[%dma_start3A_569, %dma_start3A_571, %dma_start3A_572] : memref<2x128x128xf32, #tpu.memory_space<vmem>> -> memref<1x128x128xf32, #tpu.memory_space<vmem>>
        %dma_start3A_574 = tpu.memref_squeeze %dma_start3A_573 : memref<1x128x128xf32, #tpu.memory_space<vmem>> -> memref<128x128xf32, #tpu.memory_space<vmem>>
        %dma_start3A_575 = arith.constant 0 : i32
        %dma_start3A_576 = tpu.memref_slice %arg6[%dma_start3A_567, %dma_start3A_568, %dma_start3A_575] : memref<8x2x128xi32, #tpu.memory_space<vmem>> -> memref<1x1x128xi32, #tpu.memory_space<vmem>>
        %dma_start3A_577 = tpu.memref_squeeze %dma_start3A_576 : memref<1x1x128xi32, #tpu.memory_space<vmem>> -> memref<128xi32, #tpu.memory_space<vmem>>
        %dma_start3A_578 = arith.constant 0 : i32
        %dma_start3A_579 = arith.constant 0 : i32
        %dma_start3A_580 = tpu.memref_slice %arg2[%dma_start3A_578, %dma_start3A_579] : memref<10240x128xf32, #tpu.memory_space<hbm>> -> memref<10240x128xf32, #tpu.memory_space<hbm>>
        %dma_start3A_581 = tpu.memref_slice %arg10[%dma_start3A_570] : memref<2x!tpu.dma_semaphore, #tpu.memory_space<semaphore_mem>> -> memref<1x!tpu.dma_semaphore, #tpu.memory_space<semaphore_mem>>
        %dma_start3A_582 = tpu.memref_squeeze %dma_start3A_581 : memref<1x!tpu.dma_semaphore, #tpu.memory_space<semaphore_mem>> -> memref<!tpu.dma_semaphore, #tpu.memory_space<semaphore_mem>>
        tpu.enqueue_indirect_dma source(%dma_start3A_580 : memref<10240x128xf32, #tpu.memory_space<hbm>>) target(%dma_start3A_574 : memref<128x128xf32, #tpu.memory_space<vmem>>) offsets(%dma_start3A_577 : memref<128xi32, #tpu.memory_space<vmem>>) semaphore(%dma_start3A_582 : memref<!tpu.dma_semaphore, #tpu.memory_space<semaphore_mem>>)
      } else {
      }
      %add3A_428 = arith.constant 8 : i32
      %add3A_429 = arith.addi %add3A_401, %add3A_428 : i32
      %lt3A_430 = arith.constant 80 : i32
      %lt3A_431 = arith.cmpi slt, %add3A_429, %lt3A_430 : i32
      %convert_element_type3A_432 = arith.extui %lt3A_431 : i1 to i32
      %cond3A_433 = arith.constant 0 : i32
      %cond3A_434 = arith.cmpi ne, %convert_element_type3A_432, %cond3A_433 : i32
      scf.if %cond3A_434 {
        %add3A_546 = arith.constant 8 : i32
        %add3A_547 = arith.addi %add3A_401, %add3A_546 : i32
        %dma_start3A_548 = arith.constant 4 : i32
        %dma_start3A_549 = arith.constant 4 : i32
        %dma_start3A_550 = arith.constant 0 : i32
        %dma_start3A_551 = arith.constant 0 : i32
        %dma_start3A_552 = tpu.memref_slice %arg6[%dma_start3A_548, %dma_start3A_550, %dma_start3A_551] : memref<8x2x128xi32, #tpu.memory_space<vmem>> -> memref<1x2x128xi32, #tpu.memory_space<vmem>>
        %dma_start3A_553 = tpu.memref_squeeze %dma_start3A_552 : memref<1x2x128xi32, #tpu.memory_space<vmem>> -> memref<2x128xi32, #tpu.memory_space<vmem>>
        %dma_start3A_554 = arith.constant 0 : i32
        %dma_start3A_555 = arith.constant 0 : i32
        %dma_start3A_556 = tpu.memref_slice %arg3[%add3A, %add3A_547, %dma_start3A_554, %dma_start3A_555] : memref<32x80x2x128xi32, #tpu.memory_space<hbm>> -> memref<1x1x2x128xi32, #tpu.memory_space<hbm>>
        %dma_start3A_557 = tpu.memref_squeeze %dma_start3A_556 : memref<1x1x2x128xi32, #tpu.memory_space<hbm>> -> memref<2x128xi32, #tpu.memory_space<hbm>>
        %dma_start3A_558 = tpu.memref_slice %arg9[%dma_start3A_549] : memref<8x!tpu.dma_semaphore, #tpu.memory_space<semaphore_mem>> -> memref<1x!tpu.dma_semaphore, #tpu.memory_space<semaphore_mem>>
        %dma_start3A_559 = tpu.memref_squeeze %dma_start3A_558 : memref<1x!tpu.dma_semaphore, #tpu.memory_space<semaphore_mem>> -> memref<!tpu.dma_semaphore, #tpu.memory_space<semaphore_mem>>
        %dma_start3A_560 = arith.constant 0 : i32
        %dma_start3A_561 = arith.constant 0 : i32
        %dma_start3A_562 = tpu.memref_slice %arg6[%dma_start3A_548, %dma_start3A_560, %dma_start3A_561] : memref<8x2x128xi32, #tpu.memory_space<vmem>> -> memref<1x2x128xi32, #tpu.memory_space<vmem>>
        %dma_start3A_563 = tpu.memref_squeeze %dma_start3A_562 : memref<1x2x128xi32, #tpu.memory_space<vmem>> -> memref<2x128xi32, #tpu.memory_space<vmem>>
        %dma_start3A_564 = arith.constant 0 : i32
        %dma_start3A_565 = arith.constant 0 : i32
        %dma_start3A_566 = tpu.memref_slice %arg3[%add3A, %add3A_547, %dma_start3A_564, %dma_start3A_565] : memref<32x80x2x128xi32, #tpu.memory_space<hbm>> -> memref<1x1x2x128xi32, #tpu.memory_space<hbm>>
        %dma_start3A_567 = tpu.memref_squeeze %dma_start3A_566 : memref<1x1x2x128xi32, #tpu.memory_space<hbm>> -> memref<2x128xi32, #tpu.memory_space<hbm>>
        tpu.enqueue_dma source(%dma_start3A_567 : memref<2x128xi32, #tpu.memory_space<hbm>>) target(%dma_start3A_563 : memref<2x128xi32, #tpu.memory_space<vmem>>) target_semaphore(%dma_start3A_559 : memref<!tpu.dma_semaphore, #tpu.memory_space<semaphore_mem>>)
      } else {
      }
      %mul3A_435 = arith.constant 8 : i32
      %mul3A_436 = arith.muli %scan3A_253, %mul3A_435 : i32
      %add3A_437 = arith.constant 5 : i32
      %add3A_438 = arith.addi %mul3A_436, %add3A_437 : i32
      %dma_wait3A_439 = arith.constant 5 : i32
      %dma_wait3A_440 = arith.constant 0 : i32
      %dma_wait3A_441 = arith.constant 1 : i32
      %dma_wait3A_442 = arith.constant 1 : i32
      %dma_wait3A_443 = arith.constant 0 : i32
      %dma_wait3A_444 = arith.constant 0 : i32
      %dma_wait3A_445 = tpu.memref_slice %arg7[%dma_wait3A_441, %dma_wait3A_443, %dma_wait3A_444] : memref<2x128x128xf32, #tpu.memory_space<vmem>> -> memref<1x128x128xf32, #tpu.memory_space<vmem>>
      %dma_wait3A_446 = tpu.memref_squeeze %dma_wait3A_445 : memref<1x128x128xf32, #tpu.memory_space<vmem>> -> memref<128x128xf32, #tpu.memory_space<vmem>>
      %dma_wait3A_447 = arith.constant 0 : i32
      %dma_wait3A_448 = tpu.memref_slice %arg6[%dma_wait3A_439, %dma_wait3A_440, %dma_wait3A_447] : memref<8x2x128xi32, #tpu.memory_space<vmem>> -> memref<1x1x128xi32, #tpu.memory_space<vmem>>
      %dma_wait3A_449 = tpu.memref_squeeze %dma_wait3A_448 : memref<1x1x128xi32, #tpu.memory_space<vmem>> -> memref<128xi32, #tpu.memory_space<vmem>>
      %dma_wait3A_450 = arith.constant 0 : i32
      %dma_wait3A_451 = arith.constant 0 : i32
      %dma_wait3A_452 = tpu.memref_slice %arg2[%dma_wait3A_450, %dma_wait3A_451] : memref<10240x128xf32, #tpu.memory_space<hbm>> -> memref<10240x128xf32, #tpu.memory_space<hbm>>
      %dma_wait3A_453 = tpu.memref_slice %arg10[%dma_wait3A_442] : memref<2x!tpu.dma_semaphore, #tpu.memory_space<semaphore_mem>> -> memref<1x!tpu.dma_semaphore, #tpu.memory_space<semaphore_mem>>
      %dma_wait3A_454 = tpu.memref_squeeze %dma_wait3A_453 : memref<1x!tpu.dma_semaphore, #tpu.memory_space<semaphore_mem>> -> memref<!tpu.dma_semaphore, #tpu.memory_space<semaphore_mem>>
      tpu.wait_indirect_dma semaphore(%dma_wait3A_454 : memref<!tpu.dma_semaphore, #tpu.memory_space<semaphore_mem>>) src(%dma_wait3A_452 : memref<10240x128xf32, #tpu.memory_space<hbm>>) dst(%dma_wait3A_446 : memref<128x128xf32, #tpu.memory_space<vmem>>)
      %run_scoped3A_455 = arith.constant 1 : i32
      %run_scoped3A_456 = arith.constant 5 : i32
      %run_scoped3A_457 = arith.constant 1 : i32
      "tpu.region"() ({
        %run_scoped3A_546 = tpu.sem_alloc : memref<!tpu.dma_semaphore, #tpu.memory_space<semaphore_mem>>
        %dma_start3A_547 = arith.constant 0 : i32
        %dma_start3A_548 = arith.constant 0 : i32
        %dma_start3A_549 = tpu.memref_slice %arg7[%run_scoped3A_455, %dma_start3A_547, %dma_start3A_548] : memref<2x128x128xf32, #tpu.memory_space<vmem>> -> memref<1x128x128xf32, #tpu.memory_space<vmem>>
        %dma_start3A_550 = tpu.memref_squeeze %dma_start3A_549 : memref<1x128x128xf32, #tpu.memory_space<vmem>> -> memref<128x128xf32, #tpu.memory_space<vmem>>
        %dma_start3A_551 = arith.constant 0 : i32
        %dma_start3A_552 = tpu.memref_slice %arg6[%run_scoped3A_456, %run_scoped3A_457, %dma_start3A_551] : memref<8x2x128xi32, #tpu.memory_space<vmem>> -> memref<1x1x128xi32, #tpu.memory_space<vmem>>
        %dma_start3A_553 = tpu.memref_squeeze %dma_start3A_552 : memref<1x1x128xi32, #tpu.memory_space<vmem>> -> memref<128xi32, #tpu.memory_space<vmem>>
        %dma_start3A_554 = arith.constant 0 : i32
        %dma_start3A_555 = arith.constant 0 : i32
        %dma_start3A_556 = tpu.memref_slice %arg8[%dma_start3A_554, %dma_start3A_555] : memref<10240x128xf32, #tpu.memory_space<vmem_shared>> -> memref<10240x128xf32, #tpu.memory_space<vmem_shared>>
        tpu.enqueue_indirect_dma source(%dma_start3A_550 : memref<128x128xf32, #tpu.memory_space<vmem>>) target(%dma_start3A_556 : memref<10240x128xf32, #tpu.memory_space<vmem_shared>>) offsets(%dma_start3A_553 : memref<128xi32, #tpu.memory_space<vmem>>) semaphore(%run_scoped3A_546 : memref<!tpu.dma_semaphore, #tpu.memory_space<semaphore_mem>>) {add = true}
        %dma_wait3A_557 = arith.constant 0 : i32
        %dma_wait3A_558 = arith.constant 0 : i32
        %dma_wait3A_559 = tpu.memref_slice %arg7[%run_scoped3A_455, %dma_wait3A_557, %dma_wait3A_558] : memref<2x128x128xf32, #tpu.memory_space<vmem>> -> memref<1x128x128xf32, #tpu.memory_space<vmem>>
        %dma_wait3A_560 = tpu.memref_squeeze %dma_wait3A_559 : memref<1x128x128xf32, #tpu.memory_space<vmem>> -> memref<128x128xf32, #tpu.memory_space<vmem>>
        %dma_wait3A_561 = arith.constant 0 : i32
        %dma_wait3A_562 = tpu.memref_slice %arg6[%run_scoped3A_456, %run_scoped3A_457, %dma_wait3A_561] : memref<8x2x128xi32, #tpu.memory_space<vmem>> -> memref<1x1x128xi32, #tpu.memory_space<vmem>>
        %dma_wait3A_563 = tpu.memref_squeeze %dma_wait3A_562 : memref<1x1x128xi32, #tpu.memory_space<vmem>> -> memref<128xi32, #tpu.memory_space<vmem>>
        %dma_wait3A_564 = arith.constant 0 : i32
        %dma_wait3A_565 = arith.constant 0 : i32
        %dma_wait3A_566 = tpu.memref_slice %arg8[%dma_wait3A_564, %dma_wait3A_565] : memref<10240x128xf32, #tpu.memory_space<vmem_shared>> -> memref<10240x128xf32, #tpu.memory_space<vmem_shared>>
        tpu.wait_indirect_dma semaphore(%run_scoped3A_546 : memref<!tpu.dma_semaphore, #tpu.memory_space<semaphore_mem>>) src(%dma_wait3A_560 : memref<128x128xf32, #tpu.memory_space<vmem>>) dst(%dma_wait3A_566 : memref<10240x128xf32, #tpu.memory_space<vmem_shared>>)
        tpu.yield
      }) : () -> ()
      %add3A_458 = arith.constant 2 : i32
      %add3A_459 = arith.addi %add3A_438, %add3A_458 : i32
      %lt3A_460 = arith.constant 80 : i32
      %lt3A_461 = arith.cmpi slt, %add3A_459, %lt3A_460 : i32
      %convert_element_type3A_462 = arith.extui %lt3A_461 : i1 to i32
      %cond3A_463 = arith.constant 0 : i32
      %cond3A_464 = arith.cmpi ne, %convert_element_type3A_462, %cond3A_463 : i32
      scf.if %cond3A_464 {
        %dma_wait3A_546 = arith.constant 7 : i32
        %dma_wait3A_547 = arith.constant 7 : i32
        %dma_wait3A_548 = arith.constant 7 : i32
        %dma_wait3A_549 = arith.constant 0 : i32
        %dma_wait3A_550 = arith.constant 0 : i32
        %dma_wait3A_551 = tpu.memref_slice %arg6[%dma_wait3A_547, %dma_wait3A_549, %dma_wait3A_550] : memref<8x2x128xi32, #tpu.memory_space<vmem>> -> memref<1x2x128xi32, #tpu.memory_space<vmem>>
        %dma_wait3A_552 = tpu.memref_squeeze %dma_wait3A_551 : memref<1x2x128xi32, #tpu.memory_space<vmem>> -> memref<2x128xi32, #tpu.memory_space<vmem>>
        %dma_wait3A_553 = arith.constant 0 : i32
        %dma_wait3A_554 = arith.constant 0 : i32
        %dma_wait3A_555 = tpu.memref_slice %arg3[%add3A, %dma_wait3A_546, %dma_wait3A_553, %dma_wait3A_554] : memref<32x80x2x128xi32, #tpu.memory_space<hbm>> -> memref<1x1x2x128xi32, #tpu.memory_space<hbm>>
        %dma_wait3A_556 = tpu.memref_squeeze %dma_wait3A_555 : memref<1x1x2x128xi32, #tpu.memory_space<hbm>> -> memref<2x128xi32, #tpu.memory_space<hbm>>
        %dma_wait3A_557 = tpu.memref_slice %arg9[%dma_wait3A_548] : memref<8x!tpu.dma_semaphore, #tpu.memory_space<semaphore_mem>> -> memref<1x!tpu.dma_semaphore, #tpu.memory_space<semaphore_mem>>
        %dma_wait3A_558 = tpu.memref_squeeze %dma_wait3A_557 : memref<1x!tpu.dma_semaphore, #tpu.memory_space<semaphore_mem>> -> memref<!tpu.dma_semaphore, #tpu.memory_space<semaphore_mem>>
        %dma_wait3A_559 = arith.constant 0 : i32
        %dma_wait3A_560 = arith.constant 0 : i32
        %dma_wait3A_561 = tpu.memref_slice %arg6[%dma_wait3A_547, %dma_wait3A_559, %dma_wait3A_560] : memref<8x2x128xi32, #tpu.memory_space<vmem>> -> memref<1x2x128xi32, #tpu.memory_space<vmem>>
        %dma_wait3A_562 = tpu.memref_squeeze %dma_wait3A_561 : memref<1x2x128xi32, #tpu.memory_space<vmem>> -> memref<2x128xi32, #tpu.memory_space<vmem>>
        %dma_wait3A_563 = arith.constant 0 : i32
        %dma_wait3A_564 = arith.constant 0 : i32
        %dma_wait3A_565 = tpu.memref_slice %arg3[%add3A, %dma_wait3A_546, %dma_wait3A_563, %dma_wait3A_564] : memref<32x80x2x128xi32, #tpu.memory_space<hbm>> -> memref<1x1x2x128xi32, #tpu.memory_space<hbm>>
        %dma_wait3A_566 = tpu.memref_squeeze %dma_wait3A_565 : memref<1x1x2x128xi32, #tpu.memory_space<hbm>> -> memref<2x128xi32, #tpu.memory_space<hbm>>
        tpu.wait_dma2 semaphore(%dma_wait3A_558 : memref<!tpu.dma_semaphore, #tpu.memory_space<semaphore_mem>>) src(%dma_wait3A_566 : memref<2x128xi32, #tpu.memory_space<hbm>>) dst(%dma_wait3A_562 : memref<2x128xi32, #tpu.memory_space<vmem>>)
        %dma_start3A_567 = arith.constant 7 : i32
        %dma_start3A_568 = arith.constant 0 : i32
        %dma_start3A_569 = arith.constant 1 : i32
        %dma_start3A_570 = arith.constant 1 : i32
        %dma_start3A_571 = arith.constant 0 : i32
        %dma_start3A_572 = arith.constant 0 : i32
        %dma_start3A_573 = tpu.memref_slice %arg7[%dma_start3A_569, %dma_start3A_571, %dma_start3A_572] : memref<2x128x128xf32, #tpu.memory_space<vmem>> -> memref<1x128x128xf32, #tpu.memory_space<vmem>>
        %dma_start3A_574 = tpu.memref_squeeze %dma_start3A_573 : memref<1x128x128xf32, #tpu.memory_space<vmem>> -> memref<128x128xf32, #tpu.memory_space<vmem>>
        %dma_start3A_575 = arith.constant 0 : i32
        %dma_start3A_576 = tpu.memref_slice %arg6[%dma_start3A_567, %dma_start3A_568, %dma_start3A_575] : memref<8x2x128xi32, #tpu.memory_space<vmem>> -> memref<1x1x128xi32, #tpu.memory_space<vmem>>
        %dma_start3A_577 = tpu.memref_squeeze %dma_start3A_576 : memref<1x1x128xi32, #tpu.memory_space<vmem>> -> memref<128xi32, #tpu.memory_space<vmem>>
        %dma_start3A_578 = arith.constant 0 : i32
        %dma_start3A_579 = arith.constant 0 : i32
        %dma_start3A_580 = tpu.memref_slice %arg2[%dma_start3A_578, %dma_start3A_579] : memref<10240x128xf32, #tpu.memory_space<hbm>> -> memref<10240x128xf32, #tpu.memory_space<hbm>>
        %dma_start3A_581 = tpu.memref_slice %arg10[%dma_start3A_570] : memref<2x!tpu.dma_semaphore, #tpu.memory_space<semaphore_mem>> -> memref<1x!tpu.dma_semaphore, #tpu.memory_space<semaphore_mem>>
        %dma_start3A_582 = tpu.memref_squeeze %dma_start3A_581 : memref<1x!tpu.dma_semaphore, #tpu.memory_space<semaphore_mem>> -> memref<!tpu.dma_semaphore, #tpu.memory_space<semaphore_mem>>
        tpu.enqueue_indirect_dma source(%dma_start3A_580 : memref<10240x128xf32, #tpu.memory_space<hbm>>) target(%dma_start3A_574 : memref<128x128xf32, #tpu.memory_space<vmem>>) offsets(%dma_start3A_577 : memref<128xi32, #tpu.memory_space<vmem>>) semaphore(%dma_start3A_582 : memref<!tpu.dma_semaphore, #tpu.memory_space<semaphore_mem>>)
      } else {
      }
      %add3A_465 = arith.constant 8 : i32
      %add3A_466 = arith.addi %add3A_438, %add3A_465 : i32
      %lt3A_467 = arith.constant 80 : i32
      %lt3A_468 = arith.cmpi slt, %add3A_466, %lt3A_467 : i32
      %convert_element_type3A_469 = arith.extui %lt3A_468 : i1 to i32
      %cond3A_470 = arith.constant 0 : i32
      %cond3A_471 = arith.cmpi ne, %convert_element_type3A_469, %cond3A_470 : i32
      scf.if %cond3A_471 {
        %add3A_546 = arith.constant 8 : i32
        %add3A_547 = arith.addi %add3A_438, %add3A_546 : i32
        %dma_start3A_548 = arith.constant 5 : i32
        %dma_start3A_549 = arith.constant 5 : i32
        %dma_start3A_550 = arith.constant 0 : i32
        %dma_start3A_551 = arith.constant 0 : i32
        %dma_start3A_552 = tpu.memref_slice %arg6[%dma_start3A_548, %dma_start3A_550, %dma_start3A_551] : memref<8x2x128xi32, #tpu.memory_space<vmem>> -> memref<1x2x128xi32, #tpu.memory_space<vmem>>
        %dma_start3A_553 = tpu.memref_squeeze %dma_start3A_552 : memref<1x2x128xi32, #tpu.memory_space<vmem>> -> memref<2x128xi32, #tpu.memory_space<vmem>>
        %dma_start3A_554 = arith.constant 0 : i32
        %dma_start3A_555 = arith.constant 0 : i32
        %dma_start3A_556 = tpu.memref_slice %arg3[%add3A, %add3A_547, %dma_start3A_554, %dma_start3A_555] : memref<32x80x2x128xi32, #tpu.memory_space<hbm>> -> memref<1x1x2x128xi32, #tpu.memory_space<hbm>>
        %dma_start3A_557 = tpu.memref_squeeze %dma_start3A_556 : memref<1x1x2x128xi32, #tpu.memory_space<hbm>> -> memref<2x128xi32, #tpu.memory_space<hbm>>
        %dma_start3A_558 = tpu.memref_slice %arg9[%dma_start3A_549] : memref<8x!tpu.dma_semaphore, #tpu.memory_space<semaphore_mem>> -> memref<1x!tpu.dma_semaphore, #tpu.memory_space<semaphore_mem>>
        %dma_start3A_559 = tpu.memref_squeeze %dma_start3A_558 : memref<1x!tpu.dma_semaphore, #tpu.memory_space<semaphore_mem>> -> memref<!tpu.dma_semaphore, #tpu.memory_space<semaphore_mem>>
        %dma_start3A_560 = arith.constant 0 : i32
        %dma_start3A_561 = arith.constant 0 : i32
        %dma_start3A_562 = tpu.memref_slice %arg6[%dma_start3A_548, %dma_start3A_560, %dma_start3A_561] : memref<8x2x128xi32, #tpu.memory_space<vmem>> -> memref<1x2x128xi32, #tpu.memory_space<vmem>>
        %dma_start3A_563 = tpu.memref_squeeze %dma_start3A_562 : memref<1x2x128xi32, #tpu.memory_space<vmem>> -> memref<2x128xi32, #tpu.memory_space<vmem>>
        %dma_start3A_564 = arith.constant 0 : i32
        %dma_start3A_565 = arith.constant 0 : i32
        %dma_start3A_566 = tpu.memref_slice %arg3[%add3A, %add3A_547, %dma_start3A_564, %dma_start3A_565] : memref<32x80x2x128xi32, #tpu.memory_space<hbm>> -> memref<1x1x2x128xi32, #tpu.memory_space<hbm>>
        %dma_start3A_567 = tpu.memref_squeeze %dma_start3A_566 : memref<1x1x2x128xi32, #tpu.memory_space<hbm>> -> memref<2x128xi32, #tpu.memory_space<hbm>>
        tpu.enqueue_dma source(%dma_start3A_567 : memref<2x128xi32, #tpu.memory_space<hbm>>) target(%dma_start3A_563 : memref<2x128xi32, #tpu.memory_space<vmem>>) target_semaphore(%dma_start3A_559 : memref<!tpu.dma_semaphore, #tpu.memory_space<semaphore_mem>>)
      } else {
      }
      %mul3A_472 = arith.constant 8 : i32
      %mul3A_473 = arith.muli %scan3A_253, %mul3A_472 : i32
      %add3A_474 = arith.constant 6 : i32
      %add3A_475 = arith.addi %mul3A_473, %add3A_474 : i32
      %dma_wait3A_476 = arith.constant 6 : i32
      %dma_wait3A_477 = arith.constant 0 : i32
      %dma_wait3A_478 = arith.constant 0 : i32
      %dma_wait3A_479 = arith.constant 0 : i32
      %dma_wait3A_480 = arith.constant 0 : i32
      %dma_wait3A_481 = arith.constant 0 : i32
      %dma_wait3A_482 = tpu.memref_slice %arg7[%dma_wait3A_478, %dma_wait3A_480, %dma_wait3A_481] : memref<2x128x128xf32, #tpu.memory_space<vmem>> -> memref<1x128x128xf32, #tpu.memory_space<vmem>>
      %dma_wait3A_483 = tpu.memref_squeeze %dma_wait3A_482 : memref<1x128x128xf32, #tpu.memory_space<vmem>> -> memref<128x128xf32, #tpu.memory_space<vmem>>
      %dma_wait3A_484 = arith.constant 0 : i32
      %dma_wait3A_485 = tpu.memref_slice %arg6[%dma_wait3A_476, %dma_wait3A_477, %dma_wait3A_484] : memref<8x2x128xi32, #tpu.memory_space<vmem>> -> memref<1x1x128xi32, #tpu.memory_space<vmem>>
      %dma_wait3A_486 = tpu.memref_squeeze %dma_wait3A_485 : memref<1x1x128xi32, #tpu.memory_space<vmem>> -> memref<128xi32, #tpu.memory_space<vmem>>
      %dma_wait3A_487 = arith.constant 0 : i32
      %dma_wait3A_488 = arith.constant 0 : i32
      %dma_wait3A_489 = tpu.memref_slice %arg2[%dma_wait3A_487, %dma_wait3A_488] : memref<10240x128xf32, #tpu.memory_space<hbm>> -> memref<10240x128xf32, #tpu.memory_space<hbm>>
      %dma_wait3A_490 = tpu.memref_slice %arg10[%dma_wait3A_479] : memref<2x!tpu.dma_semaphore, #tpu.memory_space<semaphore_mem>> -> memref<1x!tpu.dma_semaphore, #tpu.memory_space<semaphore_mem>>
      %dma_wait3A_491 = tpu.memref_squeeze %dma_wait3A_490 : memref<1x!tpu.dma_semaphore, #tpu.memory_space<semaphore_mem>> -> memref<!tpu.dma_semaphore, #tpu.memory_space<semaphore_mem>>
      tpu.wait_indirect_dma semaphore(%dma_wait3A_491 : memref<!tpu.dma_semaphore, #tpu.memory_space<semaphore_mem>>) src(%dma_wait3A_489 : memref<10240x128xf32, #tpu.memory_space<hbm>>) dst(%dma_wait3A_483 : memref<128x128xf32, #tpu.memory_space<vmem>>)
      %run_scoped3A_492 = arith.constant 0 : i32
      %run_scoped3A_493 = arith.constant 6 : i32
      %run_scoped3A_494 = arith.constant 1 : i32
      "tpu.region"() ({
        %run_scoped3A_546 = tpu.sem_alloc : memref<!tpu.dma_semaphore, #tpu.memory_space<semaphore_mem>>
        %dma_start3A_547 = arith.constant 0 : i32
        %dma_start3A_548 = arith.constant 0 : i32
        %dma_start3A_549 = tpu.memref_slice %arg7[%run_scoped3A_492, %dma_start3A_547, %dma_start3A_548] : memref<2x128x128xf32, #tpu.memory_space<vmem>> -> memref<1x128x128xf32, #tpu.memory_space<vmem>>
        %dma_start3A_550 = tpu.memref_squeeze %dma_start3A_549 : memref<1x128x128xf32, #tpu.memory_space<vmem>> -> memref<128x128xf32, #tpu.memory_space<vmem>>
        %dma_start3A_551 = arith.constant 0 : i32
        %dma_start3A_552 = tpu.memref_slice %arg6[%run_scoped3A_493, %run_scoped3A_494, %dma_start3A_551] : memref<8x2x128xi32, #tpu.memory_space<vmem>> -> memref<1x1x128xi32, #tpu.memory_space<vmem>>
        %dma_start3A_553 = tpu.memref_squeeze %dma_start3A_552 : memref<1x1x128xi32, #tpu.memory_space<vmem>> -> memref<128xi32, #tpu.memory_space<vmem>>
        %dma_start3A_554 = arith.constant 0 : i32
        %dma_start3A_555 = arith.constant 0 : i32
        %dma_start3A_556 = tpu.memref_slice %arg8[%dma_start3A_554, %dma_start3A_555] : memref<10240x128xf32, #tpu.memory_space<vmem_shared>> -> memref<10240x128xf32, #tpu.memory_space<vmem_shared>>
        tpu.enqueue_indirect_dma source(%dma_start3A_550 : memref<128x128xf32, #tpu.memory_space<vmem>>) target(%dma_start3A_556 : memref<10240x128xf32, #tpu.memory_space<vmem_shared>>) offsets(%dma_start3A_553 : memref<128xi32, #tpu.memory_space<vmem>>) semaphore(%run_scoped3A_546 : memref<!tpu.dma_semaphore, #tpu.memory_space<semaphore_mem>>) {add = true}
        %dma_wait3A_557 = arith.constant 0 : i32
        %dma_wait3A_558 = arith.constant 0 : i32
        %dma_wait3A_559 = tpu.memref_slice %arg7[%run_scoped3A_492, %dma_wait3A_557, %dma_wait3A_558] : memref<2x128x128xf32, #tpu.memory_space<vmem>> -> memref<1x128x128xf32, #tpu.memory_space<vmem>>
        %dma_wait3A_560 = tpu.memref_squeeze %dma_wait3A_559 : memref<1x128x128xf32, #tpu.memory_space<vmem>> -> memref<128x128xf32, #tpu.memory_space<vmem>>
        %dma_wait3A_561 = arith.constant 0 : i32
        %dma_wait3A_562 = tpu.memref_slice %arg6[%run_scoped3A_493, %run_scoped3A_494, %dma_wait3A_561] : memref<8x2x128xi32, #tpu.memory_space<vmem>> -> memref<1x1x128xi32, #tpu.memory_space<vmem>>
        %dma_wait3A_563 = tpu.memref_squeeze %dma_wait3A_562 : memref<1x1x128xi32, #tpu.memory_space<vmem>> -> memref<128xi32, #tpu.memory_space<vmem>>
        %dma_wait3A_564 = arith.constant 0 : i32
        %dma_wait3A_565 = arith.constant 0 : i32
        %dma_wait3A_566 = tpu.memref_slice %arg8[%dma_wait3A_564, %dma_wait3A_565] : memref<10240x128xf32, #tpu.memory_space<vmem_shared>> -> memref<10240x128xf32, #tpu.memory_space<vmem_shared>>
        tpu.wait_indirect_dma semaphore(%run_scoped3A_546 : memref<!tpu.dma_semaphore, #tpu.memory_space<semaphore_mem>>) src(%dma_wait3A_560 : memref<128x128xf32, #tpu.memory_space<vmem>>) dst(%dma_wait3A_566 : memref<10240x128xf32, #tpu.memory_space<vmem_shared>>)
        tpu.yield
      }) : () -> ()
      %add3A_495 = arith.constant 2 : i32
      %add3A_496 = arith.addi %add3A_475, %add3A_495 : i32
      %lt3A_497 = arith.constant 80 : i32
      %lt3A_498 = arith.cmpi slt, %add3A_496, %lt3A_497 : i32
      %convert_element_type3A_499 = arith.extui %lt3A_498 : i1 to i32
      %cond3A_500 = arith.constant 0 : i32
      %cond3A_501 = arith.cmpi ne, %convert_element_type3A_499, %cond3A_500 : i32
      scf.if %cond3A_501 {
        %dma_wait3A_546 = arith.constant 0 : i32
        %dma_wait3A_547 = arith.constant 0 : i32
        %dma_wait3A_548 = arith.constant 0 : i32
        %dma_wait3A_549 = arith.constant 0 : i32
        %dma_wait3A_550 = arith.constant 0 : i32
        %dma_wait3A_551 = tpu.memref_slice %arg6[%dma_wait3A_547, %dma_wait3A_549, %dma_wait3A_550] : memref<8x2x128xi32, #tpu.memory_space<vmem>> -> memref<1x2x128xi32, #tpu.memory_space<vmem>>
        %dma_wait3A_552 = tpu.memref_squeeze %dma_wait3A_551 : memref<1x2x128xi32, #tpu.memory_space<vmem>> -> memref<2x128xi32, #tpu.memory_space<vmem>>
        %dma_wait3A_553 = arith.constant 0 : i32
        %dma_wait3A_554 = arith.constant 0 : i32
        %dma_wait3A_555 = tpu.memref_slice %arg3[%add3A, %dma_wait3A_546, %dma_wait3A_553, %dma_wait3A_554] : memref<32x80x2x128xi32, #tpu.memory_space<hbm>> -> memref<1x1x2x128xi32, #tpu.memory_space<hbm>>
        %dma_wait3A_556 = tpu.memref_squeeze %dma_wait3A_555 : memref<1x1x2x128xi32, #tpu.memory_space<hbm>> -> memref<2x128xi32, #tpu.memory_space<hbm>>
        %dma_wait3A_557 = tpu.memref_slice %arg9[%dma_wait3A_548] : memref<8x!tpu.dma_semaphore, #tpu.memory_space<semaphore_mem>> -> memref<1x!tpu.dma_semaphore, #tpu.memory_space<semaphore_mem>>
        %dma_wait3A_558 = tpu.memref_squeeze %dma_wait3A_557 : memref<1x!tpu.dma_semaphore, #tpu.memory_space<semaphore_mem>> -> memref<!tpu.dma_semaphore, #tpu.memory_space<semaphore_mem>>
        %dma_wait3A_559 = arith.constant 0 : i32
        %dma_wait3A_560 = arith.constant 0 : i32
        %dma_wait3A_561 = tpu.memref_slice %arg6[%dma_wait3A_547, %dma_wait3A_559, %dma_wait3A_560] : memref<8x2x128xi32, #tpu.memory_space<vmem>> -> memref<1x2x128xi32, #tpu.memory_space<vmem>>
        %dma_wait3A_562 = tpu.memref_squeeze %dma_wait3A_561 : memref<1x2x128xi32, #tpu.memory_space<vmem>> -> memref<2x128xi32, #tpu.memory_space<vmem>>
        %dma_wait3A_563 = arith.constant 0 : i32
        %dma_wait3A_564 = arith.constant 0 : i32
        %dma_wait3A_565 = tpu.memref_slice %arg3[%add3A, %dma_wait3A_546, %dma_wait3A_563, %dma_wait3A_564] : memref<32x80x2x128xi32, #tpu.memory_space<hbm>> -> memref<1x1x2x128xi32, #tpu.memory_space<hbm>>
        %dma_wait3A_566 = tpu.memref_squeeze %dma_wait3A_565 : memref<1x1x2x128xi32, #tpu.memory_space<hbm>> -> memref<2x128xi32, #tpu.memory_space<hbm>>
        tpu.wait_dma2 semaphore(%dma_wait3A_558 : memref<!tpu.dma_semaphore, #tpu.memory_space<semaphore_mem>>) src(%dma_wait3A_566 : memref<2x128xi32, #tpu.memory_space<hbm>>) dst(%dma_wait3A_562 : memref<2x128xi32, #tpu.memory_space<vmem>>)
        %dma_start3A_567 = arith.constant 0 : i32
        %dma_start3A_568 = arith.constant 0 : i32
        %dma_start3A_569 = arith.constant 0 : i32
        %dma_start3A_570 = arith.constant 0 : i32
        %dma_start3A_571 = arith.constant 0 : i32
        %dma_start3A_572 = arith.constant 0 : i32
        %dma_start3A_573 = tpu.memref_slice %arg7[%dma_start3A_569, %dma_start3A_571, %dma_start3A_572] : memref<2x128x128xf32, #tpu.memory_space<vmem>> -> memref<1x128x128xf32, #tpu.memory_space<vmem>>
        %dma_start3A_574 = tpu.memref_squeeze %dma_start3A_573 : memref<1x128x128xf32, #tpu.memory_space<vmem>> -> memref<128x128xf32, #tpu.memory_space<vmem>>
        %dma_start3A_575 = arith.constant 0 : i32
        %dma_start3A_576 = tpu.memref_slice %arg6[%dma_start3A_567, %dma_start3A_568, %dma_start3A_575] : memref<8x2x128xi32, #tpu.memory_space<vmem>> -> memref<1x1x128xi32, #tpu.memory_space<vmem>>
        %dma_start3A_577 = tpu.memref_squeeze %dma_start3A_576 : memref<1x1x128xi32, #tpu.memory_space<vmem>> -> memref<128xi32, #tpu.memory_space<vmem>>
        %dma_start3A_578 = arith.constant 0 : i32
        %dma_start3A_579 = arith.constant 0 : i32
        %dma_start3A_580 = tpu.memref_slice %arg2[%dma_start3A_578, %dma_start3A_579] : memref<10240x128xf32, #tpu.memory_space<hbm>> -> memref<10240x128xf32, #tpu.memory_space<hbm>>
        %dma_start3A_581 = tpu.memref_slice %arg10[%dma_start3A_570] : memref<2x!tpu.dma_semaphore, #tpu.memory_space<semaphore_mem>> -> memref<1x!tpu.dma_semaphore, #tpu.memory_space<semaphore_mem>>
        %dma_start3A_582 = tpu.memref_squeeze %dma_start3A_581 : memref<1x!tpu.dma_semaphore, #tpu.memory_space<semaphore_mem>> -> memref<!tpu.dma_semaphore, #tpu.memory_space<semaphore_mem>>
        tpu.enqueue_indirect_dma source(%dma_start3A_580 : memref<10240x128xf32, #tpu.memory_space<hbm>>) target(%dma_start3A_574 : memref<128x128xf32, #tpu.memory_space<vmem>>) offsets(%dma_start3A_577 : memref<128xi32, #tpu.memory_space<vmem>>) semaphore(%dma_start3A_582 : memref<!tpu.dma_semaphore, #tpu.memory_space<semaphore_mem>>)
      } else {
      }
      %add3A_502 = arith.constant 8 : i32
      %add3A_503 = arith.addi %add3A_475, %add3A_502 : i32
      %lt3A_504 = arith.constant 80 : i32
      %lt3A_505 = arith.cmpi slt, %add3A_503, %lt3A_504 : i32
      %convert_element_type3A_506 = arith.extui %lt3A_505 : i1 to i32
      %cond3A_507 = arith.constant 0 : i32
      %cond3A_508 = arith.cmpi ne, %convert_element_type3A_506, %cond3A_507 : i32
      scf.if %cond3A_508 {
        %add3A_546 = arith.constant 8 : i32
        %add3A_547 = arith.addi %add3A_475, %add3A_546 : i32
        %dma_start3A_548 = arith.constant 6 : i32
        %dma_start3A_549 = arith.constant 6 : i32
        %dma_start3A_550 = arith.constant 0 : i32
        %dma_start3A_551 = arith.constant 0 : i32
        %dma_start3A_552 = tpu.memref_slice %arg6[%dma_start3A_548, %dma_start3A_550, %dma_start3A_551] : memref<8x2x128xi32, #tpu.memory_space<vmem>> -> memref<1x2x128xi32, #tpu.memory_space<vmem>>
        %dma_start3A_553 = tpu.memref_squeeze %dma_start3A_552 : memref<1x2x128xi32, #tpu.memory_space<vmem>> -> memref<2x128xi32, #tpu.memory_space<vmem>>
        %dma_start3A_554 = arith.constant 0 : i32
        %dma_start3A_555 = arith.constant 0 : i32
        %dma_start3A_556 = tpu.memref_slice %arg3[%add3A, %add3A_547, %dma_start3A_554, %dma_start3A_555] : memref<32x80x2x128xi32, #tpu.memory_space<hbm>> -> memref<1x1x2x128xi32, #tpu.memory_space<hbm>>
        %dma_start3A_557 = tpu.memref_squeeze %dma_start3A_556 : memref<1x1x2x128xi32, #tpu.memory_space<hbm>> -> memref<2x128xi32, #tpu.memory_space<hbm>>
        %dma_start3A_558 = tpu.memref_slice %arg9[%dma_start3A_549] : memref<8x!tpu.dma_semaphore, #tpu.memory_space<semaphore_mem>> -> memref<1x!tpu.dma_semaphore, #tpu.memory_space<semaphore_mem>>
        %dma_start3A_559 = tpu.memref_squeeze %dma_start3A_558 : memref<1x!tpu.dma_semaphore, #tpu.memory_space<semaphore_mem>> -> memref<!tpu.dma_semaphore, #tpu.memory_space<semaphore_mem>>
        %dma_start3A_560 = arith.constant 0 : i32
        %dma_start3A_561 = arith.constant 0 : i32
        %dma_start3A_562 = tpu.memref_slice %arg6[%dma_start3A_548, %dma_start3A_560, %dma_start3A_561] : memref<8x2x128xi32, #tpu.memory_space<vmem>> -> memref<1x2x128xi32, #tpu.memory_space<vmem>>
        %dma_start3A_563 = tpu.memref_squeeze %dma_start3A_562 : memref<1x2x128xi32, #tpu.memory_space<vmem>> -> memref<2x128xi32, #tpu.memory_space<vmem>>
        %dma_start3A_564 = arith.constant 0 : i32
        %dma_start3A_565 = arith.constant 0 : i32
        %dma_start3A_566 = tpu.memref_slice %arg3[%add3A, %add3A_547, %dma_start3A_564, %dma_start3A_565] : memref<32x80x2x128xi32, #tpu.memory_space<hbm>> -> memref<1x1x2x128xi32, #tpu.memory_space<hbm>>
        %dma_start3A_567 = tpu.memref_squeeze %dma_start3A_566 : memref<1x1x2x128xi32, #tpu.memory_space<hbm>> -> memref<2x128xi32, #tpu.memory_space<hbm>>
        tpu.enqueue_dma source(%dma_start3A_567 : memref<2x128xi32, #tpu.memory_space<hbm>>) target(%dma_start3A_563 : memref<2x128xi32, #tpu.memory_space<vmem>>) target_semaphore(%dma_start3A_559 : memref<!tpu.dma_semaphore, #tpu.memory_space<semaphore_mem>>)
      } else {
      }
      %mul3A_509 = arith.constant 8 : i32
      %mul3A_510 = arith.muli %scan3A_253, %mul3A_509 : i32
      %add3A_511 = arith.constant 7 : i32
      %add3A_512 = arith.addi %mul3A_510, %add3A_511 : i32
      %dma_wait3A_513 = arith.constant 7 : i32
      %dma_wait3A_514 = arith.constant 0 : i32
      %dma_wait3A_515 = arith.constant 1 : i32
      %dma_wait3A_516 = arith.constant 1 : i32
      %dma_wait3A_517 = arith.constant 0 : i32
      %dma_wait3A_518 = arith.constant 0 : i32
      %dma_wait3A_519 = tpu.memref_slice %arg7[%dma_wait3A_515, %dma_wait3A_517, %dma_wait3A_518] : memref<2x128x128xf32, #tpu.memory_space<vmem>> -> memref<1x128x128xf32, #tpu.memory_space<vmem>>
      %dma_wait3A_520 = tpu.memref_squeeze %dma_wait3A_519 : memref<1x128x128xf32, #tpu.memory_space<vmem>> -> memref<128x128xf32, #tpu.memory_space<vmem>>
      %dma_wait3A_521 = arith.constant 0 : i32
      %dma_wait3A_522 = tpu.memref_slice %arg6[%dma_wait3A_513, %dma_wait3A_514, %dma_wait3A_521] : memref<8x2x128xi32, #tpu.memory_space<vmem>> -> memref<1x1x128xi32, #tpu.memory_space<vmem>>
      %dma_wait3A_523 = tpu.memref_squeeze %dma_wait3A_522 : memref<1x1x128xi32, #tpu.memory_space<vmem>> -> memref<128xi32, #tpu.memory_space<vmem>>
      %dma_wait3A_524 = arith.constant 0 : i32
      %dma_wait3A_525 = arith.constant 0 : i32
      %dma_wait3A_526 = tpu.memref_slice %arg2[%dma_wait3A_524, %dma_wait3A_525] : memref<10240x128xf32, #tpu.memory_space<hbm>> -> memref<10240x128xf32, #tpu.memory_space<hbm>>
      %dma_wait3A_527 = tpu.memref_slice %arg10[%dma_wait3A_516] : memref<2x!tpu.dma_semaphore, #tpu.memory_space<semaphore_mem>> -> memref<1x!tpu.dma_semaphore, #tpu.memory_space<semaphore_mem>>
      %dma_wait3A_528 = tpu.memref_squeeze %dma_wait3A_527 : memref<1x!tpu.dma_semaphore, #tpu.memory_space<semaphore_mem>> -> memref<!tpu.dma_semaphore, #tpu.memory_space<semaphore_mem>>
      tpu.wait_indirect_dma semaphore(%dma_wait3A_528 : memref<!tpu.dma_semaphore, #tpu.memory_space<semaphore_mem>>) src(%dma_wait3A_526 : memref<10240x128xf32, #tpu.memory_space<hbm>>) dst(%dma_wait3A_520 : memref<128x128xf32, #tpu.memory_space<vmem>>)
      %run_scoped3A_529 = arith.constant 1 : i32
      %run_scoped3A_530 = arith.constant 7 : i32
      %run_scoped3A_531 = arith.constant 1 : i32
      "tpu.region"() ({
        %run_scoped3A_546 = tpu.sem_alloc : memref<!tpu.dma_semaphore, #tpu.memory_space<semaphore_mem>>
        %dma_start3A_547 = arith.constant 0 : i32
        %dma_start3A_548 = arith.constant 0 : i32
        %dma_start3A_549 = tpu.memref_slice %arg7[%run_scoped3A_529, %dma_start3A_547, %dma_start3A_548] : memref<2x128x128xf32, #tpu.memory_space<vmem>> -> memref<1x128x128xf32, #tpu.memory_space<vmem>>
        %dma_start3A_550 = tpu.memref_squeeze %dma_start3A_549 : memref<1x128x128xf32, #tpu.memory_space<vmem>> -> memref<128x128xf32, #tpu.memory_space<vmem>>
        %dma_start3A_551 = arith.constant 0 : i32
        %dma_start3A_552 = tpu.memref_slice %arg6[%run_scoped3A_530, %run_scoped3A_531, %dma_start3A_551] : memref<8x2x128xi32, #tpu.memory_space<vmem>> -> memref<1x1x128xi32, #tpu.memory_space<vmem>>
        %dma_start3A_553 = tpu.memref_squeeze %dma_start3A_552 : memref<1x1x128xi32, #tpu.memory_space<vmem>> -> memref<128xi32, #tpu.memory_space<vmem>>
        %dma_start3A_554 = arith.constant 0 : i32
        %dma_start3A_555 = arith.constant 0 : i32
        %dma_start3A_556 = tpu.memref_slice %arg8[%dma_start3A_554, %dma_start3A_555] : memref<10240x128xf32, #tpu.memory_space<vmem_shared>> -> memref<10240x128xf32, #tpu.memory_space<vmem_shared>>
        tpu.enqueue_indirect_dma source(%dma_start3A_550 : memref<128x128xf32, #tpu.memory_space<vmem>>) target(%dma_start3A_556 : memref<10240x128xf32, #tpu.memory_space<vmem_shared>>) offsets(%dma_start3A_553 : memref<128xi32, #tpu.memory_space<vmem>>) semaphore(%run_scoped3A_546 : memref<!tpu.dma_semaphore, #tpu.memory_space<semaphore_mem>>) {add = true}
        %dma_wait3A_557 = arith.constant 0 : i32
        %dma_wait3A_558 = arith.constant 0 : i32
        %dma_wait3A_559 = tpu.memref_slice %arg7[%run_scoped3A_529, %dma_wait3A_557, %dma_wait3A_558] : memref<2x128x128xf32, #tpu.memory_space<vmem>> -> memref<1x128x128xf32, #tpu.memory_space<vmem>>
        %dma_wait3A_560 = tpu.memref_squeeze %dma_wait3A_559 : memref<1x128x128xf32, #tpu.memory_space<vmem>> -> memref<128x128xf32, #tpu.memory_space<vmem>>
        %dma_wait3A_561 = arith.constant 0 : i32
        %dma_wait3A_562 = tpu.memref_slice %arg6[%run_scoped3A_530, %run_scoped3A_531, %dma_wait3A_561] : memref<8x2x128xi32, #tpu.memory_space<vmem>> -> memref<1x1x128xi32, #tpu.memory_space<vmem>>
        %dma_wait3A_563 = tpu.memref_squeeze %dma_wait3A_562 : memref<1x1x128xi32, #tpu.memory_space<vmem>> -> memref<128xi32, #tpu.memory_space<vmem>>
        %dma_wait3A_564 = arith.constant 0 : i32
        %dma_wait3A_565 = arith.constant 0 : i32
        %dma_wait3A_566 = tpu.memref_slice %arg8[%dma_wait3A_564, %dma_wait3A_565] : memref<10240x128xf32, #tpu.memory_space<vmem_shared>> -> memref<10240x128xf32, #tpu.memory_space<vmem_shared>>
        tpu.wait_indirect_dma semaphore(%run_scoped3A_546 : memref<!tpu.dma_semaphore, #tpu.memory_space<semaphore_mem>>) src(%dma_wait3A_560 : memref<128x128xf32, #tpu.memory_space<vmem>>) dst(%dma_wait3A_566 : memref<10240x128xf32, #tpu.memory_space<vmem_shared>>)
        tpu.yield
      }) : () -> ()
      %add3A_532 = arith.constant 2 : i32
      %add3A_533 = arith.addi %add3A_512, %add3A_532 : i32
      %lt3A_534 = arith.constant 80 : i32
      %lt3A_535 = arith.cmpi slt, %add3A_533, %lt3A_534 : i32
      %convert_element_type3A_536 = arith.extui %lt3A_535 : i1 to i32
      %cond3A_537 = arith.constant 0 : i32
      %cond3A_538 = arith.cmpi ne, %convert_element_type3A_536, %cond3A_537 : i32
      scf.if %cond3A_538 {
        %dma_wait3A_546 = arith.constant 1 : i32
        %dma_wait3A_547 = arith.constant 1 : i32
        %dma_wait3A_548 = arith.constant 1 : i32
        %dma_wait3A_549 = arith.constant 0 : i32
        %dma_wait3A_550 = arith.constant 0 : i32
        %dma_wait3A_551 = tpu.memref_slice %arg6[%dma_wait3A_547, %dma_wait3A_549, %dma_wait3A_550] : memref<8x2x128xi32, #tpu.memory_space<vmem>> -> memref<1x2x128xi32, #tpu.memory_space<vmem>>
        %dma_wait3A_552 = tpu.memref_squeeze %dma_wait3A_551 : memref<1x2x128xi32, #tpu.memory_space<vmem>> -> memref<2x128xi32, #tpu.memory_space<vmem>>
        %dma_wait3A_553 = arith.constant 0 : i32
        %dma_wait3A_554 = arith.constant 0 : i32
        %dma_wait3A_555 = tpu.memref_slice %arg3[%add3A, %dma_wait3A_546, %dma_wait3A_553, %dma_wait3A_554] : memref<32x80x2x128xi32, #tpu.memory_space<hbm>> -> memref<1x1x2x128xi32, #tpu.memory_space<hbm>>
        %dma_wait3A_556 = tpu.memref_squeeze %dma_wait3A_555 : memref<1x1x2x128xi32, #tpu.memory_space<hbm>> -> memref<2x128xi32, #tpu.memory_space<hbm>>
        %dma_wait3A_557 = tpu.memref_slice %arg9[%dma_wait3A_548] : memref<8x!tpu.dma_semaphore, #tpu.memory_space<semaphore_mem>> -> memref<1x!tpu.dma_semaphore, #tpu.memory_space<semaphore_mem>>
        %dma_wait3A_558 = tpu.memref_squeeze %dma_wait3A_557 : memref<1x!tpu.dma_semaphore, #tpu.memory_space<semaphore_mem>> -> memref<!tpu.dma_semaphore, #tpu.memory_space<semaphore_mem>>
        %dma_wait3A_559 = arith.constant 0 : i32
        %dma_wait3A_560 = arith.constant 0 : i32
        %dma_wait3A_561 = tpu.memref_slice %arg6[%dma_wait3A_547, %dma_wait3A_559, %dma_wait3A_560] : memref<8x2x128xi32, #tpu.memory_space<vmem>> -> memref<1x2x128xi32, #tpu.memory_space<vmem>>
        %dma_wait3A_562 = tpu.memref_squeeze %dma_wait3A_561 : memref<1x2x128xi32, #tpu.memory_space<vmem>> -> memref<2x128xi32, #tpu.memory_space<vmem>>
        %dma_wait3A_563 = arith.constant 0 : i32
        %dma_wait3A_564 = arith.constant 0 : i32
        %dma_wait3A_565 = tpu.memref_slice %arg3[%add3A, %dma_wait3A_546, %dma_wait3A_563, %dma_wait3A_564] : memref<32x80x2x128xi32, #tpu.memory_space<hbm>> -> memref<1x1x2x128xi32, #tpu.memory_space<hbm>>
        %dma_wait3A_566 = tpu.memref_squeeze %dma_wait3A_565 : memref<1x1x2x128xi32, #tpu.memory_space<hbm>> -> memref<2x128xi32, #tpu.memory_space<hbm>>
        tpu.wait_dma2 semaphore(%dma_wait3A_558 : memref<!tpu.dma_semaphore, #tpu.memory_space<semaphore_mem>>) src(%dma_wait3A_566 : memref<2x128xi32, #tpu.memory_space<hbm>>) dst(%dma_wait3A_562 : memref<2x128xi32, #tpu.memory_space<vmem>>)
        %dma_start3A_567 = arith.constant 1 : i32
        %dma_start3A_568 = arith.constant 0 : i32
        %dma_start3A_569 = arith.constant 1 : i32
        %dma_start3A_570 = arith.constant 1 : i32
        %dma_start3A_571 = arith.constant 0 : i32
        %dma_start3A_572 = arith.constant 0 : i32
        %dma_start3A_573 = tpu.memref_slice %arg7[%dma_start3A_569, %dma_start3A_571, %dma_start3A_572] : memref<2x128x128xf32, #tpu.memory_space<vmem>> -> memref<1x128x128xf32, #tpu.memory_space<vmem>>
        %dma_start3A_574 = tpu.memref_squeeze %dma_start3A_573 : memref<1x128x128xf32, #tpu.memory_space<vmem>> -> memref<128x128xf32, #tpu.memory_space<vmem>>
        %dma_start3A_575 = arith.constant 0 : i32
        %dma_start3A_576 = tpu.memref_slice %arg6[%dma_start3A_567, %dma_start3A_568, %dma_start3A_575] : memref<8x2x128xi32, #tpu.memory_space<vmem>> -> memref<1x1x128xi32, #tpu.memory_space<vmem>>
        %dma_start3A_577 = tpu.memref_squeeze %dma_start3A_576 : memref<1x1x128xi32, #tpu.memory_space<vmem>> -> memref<128xi32, #tpu.memory_space<vmem>>
        %dma_start3A_578 = arith.constant 0 : i32
        %dma_start3A_579 = arith.constant 0 : i32
        %dma_start3A_580 = tpu.memref_slice %arg2[%dma_start3A_578, %dma_start3A_579] : memref<10240x128xf32, #tpu.memory_space<hbm>> -> memref<10240x128xf32, #tpu.memory_space<hbm>>
        %dma_start3A_581 = tpu.memref_slice %arg10[%dma_start3A_570] : memref<2x!tpu.dma_semaphore, #tpu.memory_space<semaphore_mem>> -> memref<1x!tpu.dma_semaphore, #tpu.memory_space<semaphore_mem>>
        %dma_start3A_582 = tpu.memref_squeeze %dma_start3A_581 : memref<1x!tpu.dma_semaphore, #tpu.memory_space<semaphore_mem>> -> memref<!tpu.dma_semaphore, #tpu.memory_space<semaphore_mem>>
        tpu.enqueue_indirect_dma source(%dma_start3A_580 : memref<10240x128xf32, #tpu.memory_space<hbm>>) target(%dma_start3A_574 : memref<128x128xf32, #tpu.memory_space<vmem>>) offsets(%dma_start3A_577 : memref<128xi32, #tpu.memory_space<vmem>>) semaphore(%dma_start3A_582 : memref<!tpu.dma_semaphore, #tpu.memory_space<semaphore_mem>>)
      } else {
      }
      %add3A_539 = arith.constant 8 : i32
      %add3A_540 = arith.addi %add3A_512, %add3A_539 : i32
      %lt3A_541 = arith.constant 80 : i32
      %lt3A_542 = arith.cmpi slt, %add3A_540, %lt3A_541 : i32
      %convert_element_type3A_543 = arith.extui %lt3A_542 : i1 to i32
      %cond3A_544 = arith.constant 0 : i32
      %cond3A_545 = arith.cmpi ne, %convert_element_type3A_543, %cond3A_544 : i32
      scf.if %cond3A_545 {
        %add3A_546 = arith.constant 8 : i32
        %add3A_547 = arith.addi %add3A_512, %add3A_546 : i32
        %dma_start3A_548 = arith.constant 7 : i32
        %dma_start3A_549 = arith.constant 7 : i32
        %dma_start3A_550 = arith.constant 0 : i32
        %dma_start3A_551 = arith.constant 0 : i32
        %dma_start3A_552 = tpu.memref_slice %arg6[%dma_start3A_548, %dma_start3A_550, %dma_start3A_551] : memref<8x2x128xi32, #tpu.memory_space<vmem>> -> memref<1x2x128xi32, #tpu.memory_space<vmem>>
        %dma_start3A_553 = tpu.memref_squeeze %dma_start3A_552 : memref<1x2x128xi32, #tpu.memory_space<vmem>> -> memref<2x128xi32, #tpu.memory_space<vmem>>
        %dma_start3A_554 = arith.constant 0 : i32
        %dma_start3A_555 = arith.constant 0 : i32
        %dma_start3A_556 = tpu.memref_slice %arg3[%add3A, %add3A_547, %dma_start3A_554, %dma_start3A_555] : memref<32x80x2x128xi32, #tpu.memory_space<hbm>> -> memref<1x1x2x128xi32, #tpu.memory_space<hbm>>
        %dma_start3A_557 = tpu.memref_squeeze %dma_start3A_556 : memref<1x1x2x128xi32, #tpu.memory_space<hbm>> -> memref<2x128xi32, #tpu.memory_space<hbm>>
        %dma_start3A_558 = tpu.memref_slice %arg9[%dma_start3A_549] : memref<8x!tpu.dma_semaphore, #tpu.memory_space<semaphore_mem>> -> memref<1x!tpu.dma_semaphore, #tpu.memory_space<semaphore_mem>>
        %dma_start3A_559 = tpu.memref_squeeze %dma_start3A_558 : memref<1x!tpu.dma_semaphore, #tpu.memory_space<semaphore_mem>> -> memref<!tpu.dma_semaphore, #tpu.memory_space<semaphore_mem>>
        %dma_start3A_560 = arith.constant 0 : i32
        %dma_start3A_561 = arith.constant 0 : i32
        %dma_start3A_562 = tpu.memref_slice %arg6[%dma_start3A_548, %dma_start3A_560, %dma_start3A_561] : memref<8x2x128xi32, #tpu.memory_space<vmem>> -> memref<1x2x128xi32, #tpu.memory_space<vmem>>
        %dma_start3A_563 = tpu.memref_squeeze %dma_start3A_562 : memref<1x2x128xi32, #tpu.memory_space<vmem>> -> memref<2x128xi32, #tpu.memory_space<vmem>>
        %dma_start3A_564 = arith.constant 0 : i32
        %dma_start3A_565 = arith.constant 0 : i32
        %dma_start3A_566 = tpu.memref_slice %arg3[%add3A, %add3A_547, %dma_start3A_564, %dma_start3A_565] : memref<32x80x2x128xi32, #tpu.memory_space<hbm>> -> memref<1x1x2x128xi32, #tpu.memory_space<hbm>>
        %dma_start3A_567 = tpu.memref_squeeze %dma_start3A_566 : memref<1x1x2x128xi32, #tpu.memory_space<hbm>> -> memref<2x128xi32, #tpu.memory_space<hbm>>
        tpu.enqueue_dma source(%dma_start3A_567 : memref<2x128xi32, #tpu.memory_space<hbm>>) target(%dma_start3A_563 : memref<2x128xi32, #tpu.memory_space<vmem>>) target_semaphore(%dma_start3A_559 : memref<!tpu.dma_semaphore, #tpu.memory_space<semaphore_mem>>)
      } else {
      }
    }
    %scan3A_247 = arith.constant 10 : i32
    %barrier3A_248 = arith.constant 0 : index
    tpu.barrier barrier_id(%barrier3A_248)
    %mul3A_249 = arith.constant 640 : i32
    %mul3A_250 = arith.muli %arg1, %mul3A_249 : i32
    %mul3A_251 = arith.constant 640 : i32
    %mul3A_252 = arith.muli %arg1, %mul3A_251 : i32
    "tpu.region"() ({
      %run_scoped3A = tpu.sem_alloc : memref<!tpu.dma_semaphore, #tpu.memory_space<semaphore_mem>>
      %dma_start3A_253 = arith.constant 0 : i32
      %dma_start3A_254 = tpu.memref_slice %arg5[%arg0, %mul3A_252, %dma_start3A_253] : memref<2x10240x128xf32, #tpu.memory_space<hbm>> -> memref<1x640x128xf32, #tpu.memory_space<hbm>>
      %dma_start3A_255 = tpu.memref_squeeze %dma_start3A_254 : memref<1x640x128xf32, #tpu.memory_space<hbm>> -> memref<640x128xf32, #tpu.memory_space<hbm>>
      %dma_start3A_256 = arith.constant 0 : i32
      %dma_start3A_257 = tpu.memref_slice %arg8[%mul3A_250, %dma_start3A_256] : memref<10240x128xf32, #tpu.memory_space<vmem_shared>> -> memref<640x128xf32, #tpu.memory_space<vmem_shared>>
      tpu.enqueue_dma source(%dma_start3A_257 : memref<640x128xf32, #tpu.memory_space<vmem_shared>>) target(%dma_start3A_255 : memref<640x128xf32, #tpu.memory_space<hbm>>) target_semaphore(%run_scoped3A : memref<!tpu.dma_semaphore, #tpu.memory_space<semaphore_mem>>)
      %dma_wait3A_258 = arith.constant 0 : i32
      %dma_wait3A_259 = tpu.memref_slice %arg5[%arg0, %mul3A_252, %dma_wait3A_258] : memref<2x10240x128xf32, #tpu.memory_space<hbm>> -> memref<1x640x128xf32, #tpu.memory_space<hbm>>
      %dma_wait3A_260 = tpu.memref_squeeze %dma_wait3A_259 : memref<1x640x128xf32, #tpu.memory_space<hbm>> -> memref<640x128xf32, #tpu.memory_space<hbm>>
      %dma_wait3A_261 = arith.constant 0 : i32
      %dma_wait3A_262 = tpu.memref_slice %arg8[%mul3A_250, %dma_wait3A_261] : memref<10240x128xf32, #tpu.memory_space<vmem_shared>> -> memref<640x128xf32, #tpu.memory_space<vmem_shared>>
      tpu.wait_dma2 semaphore(%run_scoped3A : memref<!tpu.dma_semaphore, #tpu.memory_space<semaphore_mem>>) src(%dma_wait3A_262 : memref<640x128xf32, #tpu.memory_space<vmem_shared>>) dst(%dma_wait3A_260 : memref<640x128xf32, #tpu.memory_space<hbm>>)
      tpu.yield
    }) : () -> ()
    return
  }
}

module attributes {stable_mosaic.version = 14 : i64} {
  func.func @_t1_body(%arg0: i32, %arg1: memref<512x128xf32, #tpu.memory_space<vmem>>, %arg2: memref<128x128xf32, #tpu.memory_space<vmem>>, %arg3: memref<512x128xf32, #tpu.memory_space<vmem>>) attributes {dimension_semantics = [#tpu.dimension_semantics<arbitrary>], iteration_bounds = array<i64: 20>, scalar_prefetch = 0 : i64, scratch_operands = 0 : i64, tpu.core_type = #tpu.core_type<tc>, window_params = [{transform_indices = @transform_0, window_bounds = array<i64: 512, 128>}, {pipeline_mode = #tpu.pipeline_mode<synchronous>, transform_indices = @transform_1, window_bounds = array<i64: 128, 128>}, {transform_indices = @transform_2, window_bounds = array<i64: 512, 128>}]} {
    %get3A = arith.constant 0 : index
    %get3A_0 = arith.constant 0 : index
    %get3A_1 = vector.load %arg1[%get3A, %get3A_0] : memref<512x128xf32, #tpu.memory_space<vmem>>, vector<512x128xf32>
    %get3A_2 = arith.constant 0 : index
    %get3A_3 = arith.constant 0 : index
    %get3A_4 = vector.load %arg2[%get3A_2, %get3A_3] : memref<128x128xf32, #tpu.memory_space<vmem>>, vector<128x128xf32>
    %dot_general3A = arith.constant dense<0.000000e+00> : vector<512x128xf32>
    %dot_general3A_5 = tpu.matmul %get3A_1, %get3A_4, %dot_general3A {dimension_numbers = #tpu.dot_dimension_numbers<[1], [0], [0], [1], [0, 0, 1, 1], [], []>, transpose_lhs_hint = false} : vector<512x128xf32>, vector<128x128xf32>, vector<512x128xf32> -> vector<512x128xf32>
    %swap3A = arith.constant 0 : index
    %swap3A_6 = arith.constant 0 : index
    %swap3A_7 = vector.load %arg3[%swap3A, %swap3A_6] : memref<512x128xf32, #tpu.memory_space<vmem>>, vector<512x128xf32>
    tpu.vector_store %arg3[%swap3A, %swap3A_6], %dot_general3A_5 {strides = array<i32>} : memref<512x128xf32, #tpu.memory_space<vmem>>, vector<512x128xf32>,
    return
  }
  func.func @transform_0(%arg0: i32) -> (i32, i32) {
    %c0_i32 = arith.constant 0 : i32
    %c0_i32_0 = arith.constant 0 : i32
    return %arg0, %c0_i32 : i32, i32
  }
  func.func @transform_1(%arg0: i32) -> (i32, i32) {
    %c0_i32 = arith.constant 0 : i32
    %c0_i32_0 = arith.constant 0 : i32
    %c0_i32_1 = arith.constant 0 : i32
    return %c0_i32, %c0_i32_0 : i32, i32
  }
  func.func @transform_2(%arg0: i32) -> (i32, i32) {
    %c0_i32 = arith.constant 0 : i32
    %c0_i32_0 = arith.constant 0 : i32
    return %arg0, %c0_i32 : i32, i32
  }
}

module attributes {stable_mosaic.version = 14 : i64} {
  func.func @_t1b_body(%arg0: i32, %arg1: memref<512x128xf32, #tpu.memory_space<vmem>>, %arg2: memref<2x512x128xf32, #tpu.memory_space<vmem>>, %arg3: memref<512x128xf32, #tpu.memory_space<vmem>>) attributes {dimension_semantics = [#tpu.dimension_semantics<arbitrary>], iteration_bounds = array<i64: 20>, scalar_prefetch = 0 : i64, scratch_operands = 0 : i64, tpu.core_type = #tpu.core_type<tc>, window_params = [{transform_indices = @transform_0, window_bounds = array<i64: 512, 128>}, {transform_indices = @transform_1, window_bounds = array<i64: 2, 512, 128>}, {transform_indices = @transform_2, window_bounds = array<i64: 512, 128>}]} {
    %get3A = arith.constant 0 : index
    %get3A_0 = arith.constant 0 : index
    %get3A_1 = arith.constant 0 : index
    %get3A_2 = vector.load %arg2[%get3A, %get3A_0, %get3A_1] : memref<2x512x128xf32, #tpu.memory_space<vmem>>, vector<1x512x1xf32>
    %get3A_3 = vector.shape_cast %get3A_2 : vector<1x512x1xf32> to vector<512x1xf32>
    %get3A_4 = arith.constant 1 : index
    %get3A_5 = arith.constant 0 : index
    %get3A_6 = arith.constant 0 : index
    %get3A_7 = vector.load %arg2[%get3A_4, %get3A_5, %get3A_6] : memref<2x512x128xf32, #tpu.memory_space<vmem>>, vector<1x512x1xf32>
    %get3A_8 = vector.shape_cast %get3A_7 : vector<1x512x1xf32> to vector<512x1xf32>
    %add3A = arith.addf %get3A_3, %get3A_8 : vector<512x1xf32>
    %add3A_9 = arith.constant 1.000000e+00 : f32
    %add3A_10 = vector.broadcast %add3A_9 : f32 to vector<512x1xf32>
    %add3A_11 = arith.addf %add3A, %add3A_10 : vector<512x1xf32>
    %rsqrt3A = math.rsqrt %add3A_11 : vector<512x1xf32>
    %get3A_12 = arith.constant 0 : index
    %get3A_13 = arith.constant 0 : index
    %get3A_14 = vector.load %arg1[%get3A_12, %get3A_13] : memref<512x128xf32, #tpu.memory_space<vmem>>, vector<512x128xf32>
    %mul3A = vector.broadcast %rsqrt3A : vector<512x1xf32> to vector<512x128xf32>
    %mul3A_15 = arith.mulf %mul3A, %get3A_14 : vector<512x128xf32>
    %swap3A = arith.constant 0 : index
    %swap3A_16 = arith.constant 0 : index
    %swap3A_17 = vector.load %arg3[%swap3A, %swap3A_16] : memref<512x128xf32, #tpu.memory_space<vmem>>, vector<512x128xf32>
    tpu.vector_store %arg3[%swap3A, %swap3A_16], %mul3A_15 {strides = array<i32>} : memref<512x128xf32, #tpu.memory_space<vmem>>, vector<512x128xf32>,
    return
  }
  func.func @transform_0(%arg0: i32) -> (i32, i32) {
    %c0_i32 = arith.constant 0 : i32
    %c0_i32_0 = arith.constant 0 : i32
    return %arg0, %c0_i32 : i32, i32
  }
  func.func @transform_1(%arg0: i32) -> (i32, i32, i32) {
    %c0_i32 = arith.constant 0 : i32
    %c0_i32_0 = arith.constant 0 : i32
    %c0_i32_1 = arith.constant 0 : i32
    return %c0_i32, %arg0, %c0_i32_0 : i32, i32, i32
  }
  func.func @transform_2(%arg0: i32) -> (i32, i32) {
    %c0_i32 = arith.constant 0 : i32
    %c0_i32_0 = arith.constant 0 : i32
    return %arg0, %c0_i32 : i32, i32
  }
}

module attributes {stable_mosaic.version = 14 : i64} {
  func.func @_t2_body(%arg0: i32, %arg1: memref<2x512x128xf32, #tpu.memory_space<vmem>>, %arg2: memref<512x128xf32, #tpu.memory_space<vmem>>, %arg3: memref<2x512x128xf32, #tpu.memory_space<vmem>>, %arg4: memref<1x128xf32, #tpu.memory_space<vmem>>, %arg5: memref<128x128xf32, #tpu.memory_space<vmem>>, %arg6: memref<512x128xf32, #tpu.memory_space<vmem>>) attributes {dimension_semantics = [#tpu.dimension_semantics<arbitrary>], iteration_bounds = array<i64: 20>, scalar_prefetch = 0 : i64, scratch_operands = 0 : i64, tpu.core_type = #tpu.core_type<tc>, window_params = [{transform_indices = @transform_0, window_bounds = array<i64: 2, 512, 128>}, {transform_indices = @transform_1, window_bounds = array<i64: 512, 128>}, {transform_indices = @transform_2, window_bounds = array<i64: 2, 512, 128>}, {pipeline_mode = #tpu.pipeline_mode<synchronous>, transform_indices = @transform_3, window_bounds = array<i64: 1, 128>}, {pipeline_mode = #tpu.pipeline_mode<synchronous>, transform_indices = @transform_4, window_bounds = array<i64: 128, 128>}, {transform_indices = @transform_5, window_bounds = array<i64: 512, 128>}]} {
    %get3A = arith.constant 0 : index
    %get3A_0 = arith.constant 0 : index
    %get3A_1 = arith.constant 0 : index
    %get3A_2 = vector.load %arg3[%get3A, %get3A_0, %get3A_1] : memref<2x512x128xf32, #tpu.memory_space<vmem>>, vector<1x512x1xf32>
    %get3A_3 = vector.shape_cast %get3A_2 : vector<1x512x1xf32> to vector<512x1xf32>
    %get3A_4 = arith.constant 1 : index
    %get3A_5 = arith.constant 0 : index
    %get3A_6 = arith.constant 0 : index
    %get3A_7 = vector.load %arg3[%get3A_4, %get3A_5, %get3A_6] : memref<2x512x128xf32, #tpu.memory_space<vmem>>, vector<1x512x1xf32>
    %get3A_8 = vector.shape_cast %get3A_7 : vector<1x512x1xf32> to vector<512x1xf32>
    %add3A = arith.addf %get3A_3, %get3A_8 : vector<512x1xf32>
    %add3A_9 = arith.constant 1.000000e+00 : f32
    %add3A_10 = vector.broadcast %add3A_9 : f32 to vector<512x1xf32>
    %add3A_11 = arith.addf %add3A, %add3A_10 : vector<512x1xf32>
    %rsqrt3A = math.rsqrt %add3A_11 : vector<512x1xf32>
    %get3A_12 = arith.constant 0 : index
    %get3A_13 = arith.constant 0 : index
    %get3A_14 = arith.constant 0 : index
    %get3A_15 = vector.load %arg1[%get3A_12, %get3A_13, %get3A_14] : memref<2x512x128xf32, #tpu.memory_space<vmem>>, vector<1x512x128xf32>
    %get3A_16 = vector.shape_cast %get3A_15 : vector<1x512x128xf32> to vector<512x128xf32>
    %get3A_17 = arith.constant 1 : index
    %get3A_18 = arith.constant 0 : index
    %get3A_19 = arith.constant 0 : index
    %get3A_20 = vector.load %arg1[%get3A_17, %get3A_18, %get3A_19] : memref<2x512x128xf32, #tpu.memory_space<vmem>>, vector<1x512x128xf32>
    %get3A_21 = vector.shape_cast %get3A_20 : vector<1x512x128xf32> to vector<512x128xf32>
    %add3A_22 = arith.addf %get3A_16, %get3A_21 : vector<512x128xf32>
    %get3A_23 = arith.constant 0 : index
    %get3A_24 = arith.constant 0 : index
    %get3A_25 = vector.load %arg2[%get3A_23, %get3A_24] : memref<512x128xf32, #tpu.memory_space<vmem>>, vector<512x128xf32>
    %add3A_26 = arith.addf %add3A_22, %get3A_25 : vector<512x128xf32>
    %mul3A = vector.broadcast %rsqrt3A : vector<512x1xf32> to vector<512x128xf32>
    %mul3A_27 = arith.mulf %mul3A, %add3A_26 : vector<512x128xf32>
    %get3A_28 = arith.constant 0 : index
    %get3A_29 = arith.constant 0 : index
    %get3A_30 = vector.load %arg4[%get3A_28, %get3A_29] : memref<1x128xf32, #tpu.memory_space<vmem>>, vector<1x128xf32>
    %add3A_31 = vector.broadcast %get3A_30 : vector<1x128xf32> to vector<512x128xf32>
    %add3A_32 = arith.addf %mul3A_27, %add3A_31 : vector<512x128xf32>
    %gt3A = arith.constant 0.000000e+00 : f32
    %gt3A_33 = vector.broadcast %gt3A : f32 to vector<512x128xf32>
    %gt3A_34 = arith.cmpf ogt, %add3A_32, %gt3A_33 : vector<512x128xf32>
    %min3A = arith.constant 0.000000e+00 : f32
    %min3A_35 = vector.broadcast %min3A : f32 to vector<512x128xf32>
    %min3A_36 = arith.minimumf %add3A_32, %min3A_35 : vector<512x128xf32>
    %exp3A = math.exp %min3A_36 : vector<512x128xf32>
    %sub3A = arith.constant 1.000000e+00 : f32
    %sub3A_37 = vector.broadcast %sub3A : f32 to vector<512x128xf32>
    %sub3A_38 = arith.subf %exp3A, %sub3A_37 : vector<512x128xf32>
    %select_n3A = arith.select %gt3A_34, %add3A_32, %sub3A_38 : vector<512x128xi1>, vector<512x128xf32>
    %get3A_39 = arith.constant 0 : index
    %get3A_40 = arith.constant 0 : index
    %get3A_41 = vector.load %arg5[%get3A_39, %get3A_40] : memref<128x128xf32, #tpu.memory_space<vmem>>, vector<128x128xf32>
    %dot_general3A = arith.constant dense<0.000000e+00> : vector<512x128xf32>
    %dot_general3A_42 = tpu.matmul %select_n3A, %get3A_41, %dot_general3A {dimension_numbers = #tpu.dot_dimension_numbers<[1], [0], [0], [1], [0, 0, 1, 1], [], []>, transpose_lhs_hint = false} : vector<512x128xf32>, vector<128x128xf32>, vector<512x128xf32> -> vector<512x128xf32>
    %mul3A_43 = vector.broadcast %rsqrt3A : vector<512x1xf32> to vector<512x128xf32>
    %mul3A_44 = arith.mulf %mul3A_43, %dot_general3A_42 : vector<512x128xf32>
    %swap3A = arith.constant 0 : index
    %swap3A_45 = arith.constant 0 : index
    %swap3A_46 = vector.load %arg6[%swap3A, %swap3A_45] : memref<512x128xf32, #tpu.memory_space<vmem>>, vector<512x128xf32>
    tpu.vector_store %arg6[%swap3A, %swap3A_45], %mul3A_44 {strides = array<i32>} : memref<512x128xf32, #tpu.memory_space<vmem>>, vector<512x128xf32>,
    return
  }
  func.func @transform_0(%arg0: i32) -> (i32, i32, i32) {
    %c0_i32 = arith.constant 0 : i32
    %c0_i32_0 = arith.constant 0 : i32
    %c0_i32_1 = arith.constant 0 : i32
    return %c0_i32, %arg0, %c0_i32_0 : i32, i32, i32
  }
  func.func @transform_1(%arg0: i32) -> (i32, i32) {
    %c0_i32 = arith.constant 0 : i32
    %c0_i32_0 = arith.constant 0 : i32
    return %arg0, %c0_i32 : i32, i32
  }
  func.func @transform_2(%arg0: i32) -> (i32, i32, i32) {
    %c0_i32 = arith.constant 0 : i32
    %c0_i32_0 = arith.constant 0 : i32
    %c0_i32_1 = arith.constant 0 : i32
    return %c0_i32, %arg0, %c0_i32_0 : i32, i32, i32
  }
  func.func @transform_3(%arg0: i32) -> (i32, i32) {
    %c0_i32 = arith.constant 0 : i32
    %c0_i32_0 = arith.constant 0 : i32
    %c0_i32_1 = arith.constant 0 : i32
    return %c0_i32, %c0_i32_0 : i32, i32
  }
  func.func @transform_4(%arg0: i32) -> (i32, i32) {
    %c0_i32 = arith.constant 0 : i32
    %c0_i32_0 = arith.constant 0 : i32
    %c0_i32_1 = arith.constant 0 : i32
    return %c0_i32, %c0_i32_0 : i32, i32
  }
  func.func @transform_5(%arg0: i32) -> (i32, i32) {
    %c0_i32 = arith.constant 0 : i32
    %c0_i32_0 = arith.constant 0 : i32
    return %arg0, %c0_i32 : i32, i32
  }
}

module attributes {stable_mosaic.version = 14 : i64} {
  func.func @_t3_body(%arg0: i32, %arg1: memref<2x512x128xf32, #tpu.memory_space<vmem>>, %arg2: memref<512x128xf32, #tpu.memory_space<vmem>>, %arg3: memref<2x512x128xf32, #tpu.memory_space<vmem>>, %arg4: memref<1x128xf32, #tpu.memory_space<vmem>>, %arg5: memref<512x1xi32, #tpu.memory_space<vmem>>, %arg6: memref<128x128xf32, #tpu.memory_space<vmem>>, %arg7: memref<1x128xf32, #tpu.memory_space<vmem>>, %arg8: memref<128x128xf32, #tpu.memory_space<vmem>>, %arg9: memref<1x128xf32, #tpu.memory_space<vmem>>, %arg10: memref<128x128xf32, #tpu.memory_space<vmem>>, %arg11: memref<128x128xf32, #tpu.memory_space<vmem>>, %arg12: memref<128x1xf32, #tpu.memory_space<vmem>>) attributes {dimension_semantics = [#tpu.dimension_semantics<arbitrary>], iteration_bounds = array<i64: 20>, scalar_prefetch = 0 : i64, scratch_operands = 2 : i64, tpu.core_type = #tpu.core_type<tc>, window_params = [{transform_indices = @transform_0, window_bounds = array<i64: 2, 512, 128>}, {transform_indices = @transform_1, window_bounds = array<i64: 512, 128>}, {transform_indices = @transform_2, window_bounds = array<i64: 2, 512, 128>}, {pipeline_mode = #tpu.pipeline_mode<synchronous>, transform_indices = @transform_3, window_bounds = array<i64: 1, 128>}, {transform_indices = @transform_4, window_bounds = array<i64: 512, 1>}, {pipeline_mode = #tpu.pipeline_mode<synchronous>, transform_indices = @transform_5, window_bounds = array<i64: 128, 128>}, {pipeline_mode = #tpu.pipeline_mode<synchronous>, transform_indices = @transform_6, window_bounds = array<i64: 1, 128>}, {pipeline_mode = #tpu.pipeline_mode<synchronous>, transform_indices = @transform_7, window_bounds = array<i64: 128, 128>}, {pipeline_mode = #tpu.pipeline_mode<synchronous>, transform_indices = @transform_8, window_bounds = array<i64: 1, 128>}, {pipeline_mode = #tpu.pipeline_mode<synchronous>, transform_indices = @transform_9, window_bounds = array<i64: 128, 128>}]} {
    %eq3A = arith.constant 0 : i32
    %eq3A_0 = arith.cmpi eq, %arg0, %eq3A : i32
    %convert_element_type3A = arith.extui %eq3A_0 : i1 to i32
    %cond3A = arith.constant 0 : i32
    %cond3A_1 = arith.cmpi ne, %convert_element_type3A, %cond3A : i32
    scf.if %cond3A_1 {
      %broadcast_in_dim3A_64 = arith.constant 0.000000e+00 : f32
      %broadcast_in_dim3A_65 = vector.broadcast %broadcast_in_dim3A_64 : f32 to vector<128x128xf32>
      %swap3A_66 = arith.constant 0 : index
      %swap3A_67 = arith.constant 0 : index
      %swap3A_68 = vector.load %arg11[%swap3A_66, %swap3A_67] : memref<128x128xf32, #tpu.memory_space<vmem>>, vector<128x128xf32>
      tpu.vector_store %arg11[%swap3A_66, %swap3A_67], %broadcast_in_dim3A_65 {strides = array<i32>} : memref<128x128xf32, #tpu.memory_space<vmem>>, vector<128x128xf32>,
      %broadcast_in_dim3A_69 = arith.constant 0.000000e+00 : f32
      %broadcast_in_dim3A_70 = vector.broadcast %broadcast_in_dim3A_69 : f32 to vector<128x1xf32>
      %swap3A_71 = arith.constant 0 : index
      %swap3A_72 = arith.constant 0 : index
      %swap3A_73 = vector.load %arg12[%swap3A_71, %swap3A_72] : memref<128x1xf32, #tpu.memory_space<vmem>>, vector<128x1xf32>
      tpu.vector_store %arg12[%swap3A_71, %swap3A_72], %broadcast_in_dim3A_70 {strides = array<i32>} : memref<128x1xf32, #tpu.memory_space<vmem>>, vector<128x1xf32>,
    } else {
    }
    %get3A = arith.constant 0 : index
    %get3A_2 = arith.constant 0 : index
    %get3A_3 = arith.constant 0 : index
    %get3A_4 = vector.load %arg3[%get3A, %get3A_2, %get3A_3] : memref<2x512x128xf32, #tpu.memory_space<vmem>>, vector<1x512x1xf32>
    %get3A_5 = vector.shape_cast %get3A_4 : vector<1x512x1xf32> to vector<512x1xf32>
    %get3A_6 = arith.constant 1 : index
    %get3A_7 = arith.constant 0 : index
    %get3A_8 = arith.constant 0 : index
    %get3A_9 = vector.load %arg3[%get3A_6, %get3A_7, %get3A_8] : memref<2x512x128xf32, #tpu.memory_space<vmem>>, vector<1x512x1xf32>
    %get3A_10 = vector.shape_cast %get3A_9 : vector<1x512x1xf32> to vector<512x1xf32>
    %add3A = arith.addf %get3A_5, %get3A_10 : vector<512x1xf32>
    %add3A_11 = arith.constant 1.000000e+00 : f32
    %add3A_12 = vector.broadcast %add3A_11 : f32 to vector<512x1xf32>
    %add3A_13 = arith.addf %add3A, %add3A_12 : vector<512x1xf32>
    %rsqrt3A = math.rsqrt %add3A_13 : vector<512x1xf32>
    %get3A_14 = arith.constant 0 : index
    %get3A_15 = arith.constant 0 : index
    %get3A_16 = arith.constant 0 : index
    %get3A_17 = vector.load %arg1[%get3A_14, %get3A_15, %get3A_16] : memref<2x512x128xf32, #tpu.memory_space<vmem>>, vector<1x512x128xf32>
    %get3A_18 = vector.shape_cast %get3A_17 : vector<1x512x128xf32> to vector<512x128xf32>
    %get3A_19 = arith.constant 1 : index
    %get3A_20 = arith.constant 0 : index
    %get3A_21 = arith.constant 0 : index
    %get3A_22 = vector.load %arg1[%get3A_19, %get3A_20, %get3A_21] : memref<2x512x128xf32, #tpu.memory_space<vmem>>, vector<1x512x128xf32>
    %get3A_23 = vector.shape_cast %get3A_22 : vector<1x512x128xf32> to vector<512x128xf32>
    %add3A_24 = arith.addf %get3A_18, %get3A_23 : vector<512x128xf32>
    %get3A_25 = arith.constant 0 : index
    %get3A_26 = arith.constant 0 : index
    %get3A_27 = vector.load %arg2[%get3A_25, %get3A_26] : memref<512x128xf32, #tpu.memory_space<vmem>>, vector<512x128xf32>
    %add3A_28 = arith.addf %add3A_24, %get3A_27 : vector<512x128xf32>
    %mul3A = vector.broadcast %rsqrt3A : vector<512x1xf32> to vector<512x128xf32>
    %mul3A_29 = arith.mulf %mul3A, %add3A_28 : vector<512x128xf32>
    %get3A_30 = arith.constant 0 : index
    %get3A_31 = arith.constant 0 : index
    %get3A_32 = vector.load %arg4[%get3A_30, %get3A_31] : memref<1x128xf32, #tpu.memory_space<vmem>>, vector<1x128xf32>
    %add3A_33 = vector.broadcast %get3A_32 : vector<1x128xf32> to vector<512x128xf32>
    %add3A_34 = arith.addf %mul3A_29, %add3A_33 : vector<512x128xf32>
    %iota3A = tpu.iota {dimensions = array<i32: 1>} : vector<512x128xi32>
    %get3A_35 = arith.constant 0 : index
    %get3A_36 = arith.constant 0 : index
    %get3A_37 = vector.load %arg5[%get3A_35, %get3A_36] : memref<512x1xi32, #tpu.memory_space<vmem>>, vector<512x1xi32>
    %eq3A_38 = vector.broadcast %get3A_37 : vector<512x1xi32> to vector<512x128xi32>
    %eq3A_39 = arith.cmpi eq, %eq3A_38, %iota3A : vector<512x128xi32>
    %convert_element_type3A_40 = arith.extui %eq3A_39 : vector<512x128xi1> to vector<512x128xi32>
    %convert_element_type3A_41 = arith.sitofp %convert_element_type3A_40 : vector<512x128xi32> to vector<512x128xf32>
    %get3A_42 = arith.constant 0 : index
    %get3A_43 = arith.constant 0 : index
    %get3A_44 = vector.load %arg11[%get3A_42, %get3A_43] : memref<128x128xf32, #tpu.memory_space<vmem>>, vector<128x128xf32>
    %dot_general3A = arith.constant dense<0.000000e+00> : vector<128x128xf32>
    %dot_general3A_45 = tpu.matmul %convert_element_type3A_41, %add3A_34, %dot_general3A {dimension_numbers = #tpu.dot_dimension_numbers<[0], [0], [1], [1], [0, 1, 1, 1], [], []>, transpose_lhs_hint = false} : vector<512x128xf32>, vector<512x128xf32>, vector<128x128xf32> -> vector<128x128xf32>
    %add3A_46 = arith.addf %get3A_44, %dot_general3A_45 : vector<128x128xf32>
    %swap3A = arith.constant 0 : index
    %swap3A_47 = arith.constant 0 : index
    %swap3A_48 = vector.load %arg11[%swap3A, %swap3A_47] : memref<128x128xf32, #tpu.memory_space<vmem>>, vector<128x128xf32>
    tpu.vector_store %arg11[%swap3A, %swap3A_47], %add3A_46 {strides = array<i32>} : memref<128x128xf32, #tpu.memory_space<vmem>>, vector<128x128xf32>,
    %get3A_49 = arith.constant 0 : index
    %get3A_50 = arith.constant 0 : index
    %get3A_51 = vector.load %arg12[%get3A_49, %get3A_50] : memref<128x1xf32, #tpu.memory_space<vmem>>, vector<128x1xf32>
    %broadcast_in_dim3A = arith.constant 1.000000e+00 : f32
    %broadcast_in_dim3A_52 = vector.broadcast %broadcast_in_dim3A : f32 to vector<512x1xf32>
    %dot_general3A_53 = arith.constant dense<0.000000e+00> : vector<128x1xf32>
    %dot_general3A_54 = tpu.matmul %convert_element_type3A_41, %broadcast_in_dim3A_52, %dot_general3A_53 {dimension_numbers = #tpu.dot_dimension_numbers<[0], [0], [1], [1], [0, 1, 1, 1], [], []>, transpose_lhs_hint = false} : vector<512x128xf32>, vector<512x1xf32>, vector<128x1xf32> -> vector<128x1xf32>
    %add3A_55 = arith.addf %get3A_51, %dot_general3A_54 : vector<128x1xf32>
    %swap3A_56 = arith.constant 0 : index
    %swap3A_57 = arith.constant 0 : index
    %swap3A_58 = vector.load %arg12[%swap3A_56, %swap3A_57] : memref<128x1xf32, #tpu.memory_space<vmem>>, vector<128x1xf32>
    tpu.vector_store %arg12[%swap3A_56, %swap3A_57], %add3A_55 {strides = array<i32>} : memref<128x1xf32, #tpu.memory_space<vmem>>, vector<128x1xf32>,
    %eq3A_59 = arith.constant 19 : i32
    %eq3A_60 = arith.cmpi eq, %arg0, %eq3A_59 : i32
    %convert_element_type3A_61 = arith.extui %eq3A_60 : i1 to i32
    %cond3A_62 = arith.constant 0 : i32
    %cond3A_63 = arith.cmpi ne, %convert_element_type3A_61, %cond3A_62 : i32
    scf.if %cond3A_63 {
      %get3A_64 = arith.constant 0 : index
      %get3A_65 = arith.constant 0 : index
      %get3A_66 = vector.load %arg11[%get3A_64, %get3A_65] : memref<128x128xf32, #tpu.memory_space<vmem>>, vector<128x128xf32>
      %get3A_67 = arith.constant 0 : index
      %get3A_68 = arith.constant 0 : index
      %get3A_69 = vector.load %arg12[%get3A_67, %get3A_68] : memref<128x1xf32, #tpu.memory_space<vmem>>, vector<128x1xf32>
      %max3A = arith.constant 1.000000e+00 : f32
      %max3A_70 = vector.broadcast %max3A : f32 to vector<128x1xf32>
      %max3A_71 = arith.maximumf %get3A_69, %max3A_70 : vector<128x1xf32>
      %div3A = vector.broadcast %max3A_71 : vector<128x1xf32> to vector<128x128xf32>
      %div3A_72 = arith.divf %get3A_66, %div3A : vector<128x128xf32>
      %get3A_73 = arith.constant 0 : index
      %get3A_74 = arith.constant 0 : index
      %get3A_75 = vector.load %arg6[%get3A_73, %get3A_74] : memref<128x128xf32, #tpu.memory_space<vmem>>, vector<128x128xf32>
      %dot_general3A_76 = arith.constant dense<0.000000e+00> : vector<128x128xf32>
      %dot_general3A_77 = tpu.matmul %div3A_72, %get3A_75, %dot_general3A_76 {dimension_numbers = #tpu.dot_dimension_numbers<[1], [0], [0], [1], [0, 0, 1, 1], [], []>, transpose_lhs_hint = false} : vector<128x128xf32>, vector<128x128xf32>, vector<128x128xf32> -> vector<128x128xf32>
      %get3A_78 = arith.constant 0 : index
      %get3A_79 = arith.constant 0 : index
      %get3A_80 = vector.load %arg7[%get3A_78, %get3A_79] : memref<1x128xf32, #tpu.memory_space<vmem>>, vector<1x128xf32>
      %add3A_81 = vector.broadcast %get3A_80 : vector<1x128xf32> to vector<128x128xf32>
      %add3A_82 = arith.addf %dot_general3A_77, %add3A_81 : vector<128x128xf32>
      %max3A_83 = arith.constant 0.000000e+00 : f32
      %max3A_84 = vector.broadcast %max3A_83 : f32 to vector<128x128xf32>
      %max3A_85 = arith.maximumf %add3A_82, %max3A_84 : vector<128x128xf32>
      %get3A_86 = arith.constant 0 : index
      %get3A_87 = arith.constant 0 : index
      %get3A_88 = vector.load %arg8[%get3A_86, %get3A_87] : memref<128x128xf32, #tpu.memory_space<vmem>>, vector<128x128xf32>
      %dot_general3A_89 = arith.constant dense<0.000000e+00> : vector<128x128xf32>
      %dot_general3A_90 = tpu.matmul %max3A_85, %get3A_88, %dot_general3A_89 {dimension_numbers = #tpu.dot_dimension_numbers<[1], [0], [0], [1], [0, 0, 1, 1], [], []>, transpose_lhs_hint = false} : vector<128x128xf32>, vector<128x128xf32>, vector<128x128xf32> -> vector<128x128xf32>
      %get3A_91 = arith.constant 0 : index
      %get3A_92 = arith.constant 0 : index
      %get3A_93 = vector.load %arg9[%get3A_91, %get3A_92] : memref<1x128xf32, #tpu.memory_space<vmem>>, vector<1x128xf32>
      %add3A_94 = vector.broadcast %get3A_93 : vector<1x128xf32> to vector<128x128xf32>
      %add3A_95 = arith.addf %dot_general3A_90, %add3A_94 : vector<128x128xf32>
      %iota3A_96 = tpu.iota {dimensions = array<i32: 1>} : vector<128x128xi32>
      %lt3A = arith.constant 10 : i32
      %lt3A_97 = vector.broadcast %lt3A : i32 to vector<128x128xi32>
      %lt3A_98 = arith.cmpi slt, %iota3A_96, %lt3A_97 : vector<128x128xi32>
      %jit3A = arith.constant -1.000000e+30 : f32
      %broadcast_in_dim3A_99 = vector.broadcast %jit3A : f32 to vector<128x128xf32>
      %select_n3A = arith.select %lt3A_98, %add3A_95, %broadcast_in_dim3A_99 : vector<128x128xi1>, vector<128x128xf32>
      %reduce_max3A = arith.constant dense<0xFF800000> : vector<128xf32>
      %reduce_max3A_100 = vector.multi_reduction <maximumf>, %select_n3A, %reduce_max3A [1] : vector<128x128xf32> to vector<128xf32>
      %broadcast_in_dim3A_101 = vector.shape_cast %reduce_max3A_100 : vector<128xf32> to vector<128x1xf32>
      %sub3A = vector.broadcast %broadcast_in_dim3A_101 : vector<128x1xf32> to vector<128x128xf32>
      %sub3A_102 = arith.subf %select_n3A, %sub3A : vector<128x128xf32>
      %exp3A = math.exp %sub3A_102 : vector<128x128xf32>
      %jit3A_103 = arith.constant 0.000000e+00 : f32
      %broadcast_in_dim3A_104 = vector.broadcast %jit3A_103 : f32 to vector<128x128xf32>
      %select_n3A_105 = arith.select %lt3A_98, %exp3A, %broadcast_in_dim3A_104 : vector<128x128xi1>, vector<128x128xf32>
      %reduce_sum3A = arith.constant dense<0.000000e+00> : vector<128xf32>
      %reduce_sum3A_106 = vector.multi_reduction <add>, %select_n3A_105, %reduce_sum3A [1] : vector<128x128xf32> to vector<128xf32>
      %broadcast_in_dim3A_107 = vector.shape_cast %reduce_sum3A_106 : vector<128xf32> to vector<128x1xf32>
      %sub3A_108 = vector.broadcast %broadcast_in_dim3A_101 : vector<128x1xf32> to vector<128x128xf32>
      %sub3A_109 = arith.subf %add3A_95, %sub3A_108 : vector<128x128xf32>
      %log3A = math.log %broadcast_in_dim3A_107 : vector<128x1xf32>
      %sub3A_110 = vector.broadcast %log3A : vector<128x1xf32> to vector<128x128xf32>
      %sub3A_111 = arith.subf %sub3A_109, %sub3A_110 : vector<128x128xf32>
      %swap3A_112 = arith.constant 0 : index
      %swap3A_113 = arith.constant 0 : index
      %swap3A_114 = vector.load %arg10[%swap3A_112, %swap3A_113] : memref<128x128xf32, #tpu.memory_space<vmem>>, vector<128x128xf32>
      tpu.vector_store %arg10[%swap3A_112, %swap3A_113], %sub3A_111 {strides = array<i32>} : memref<128x128xf32, #tpu.memory_space<vmem>>, vector<128x128xf32>,
    } else {
    }
    return
  }
  func.func @transform_0(%arg0: i32) -> (i32, i32, i32) {
    %c0_i32 = arith.constant 0 : i32
    %c0_i32_0 = arith.constant 0 : i32
    %c0_i32_1 = arith.constant 0 : i32
    return %c0_i32, %arg0, %c0_i32_0 : i32, i32, i32
  }
  func.func @transform_1(%arg0: i32) -> (i32, i32) {
    %c0_i32 = arith.constant 0 : i32
    %c0_i32_0 = arith.constant 0 : i32
    return %arg0, %c0_i32 : i32, i32
  }
  func.func @transform_2(%arg0: i32) -> (i32, i32, i32) {
    %c0_i32 = arith.constant 0 : i32
    %c0_i32_0 = arith.constant 0 : i32
    %c0_i32_1 = arith.constant 0 : i32
    return %c0_i32, %arg0, %c0_i32_0 : i32, i32, i32
  }
  func.func @transform_3(%arg0: i32) -> (i32, i32) {
    %c0_i32 = arith.constant 0 : i32
    %c0_i32_0 = arith.constant 0 : i32
    %c0_i32_1 = arith.constant 0 : i32
    return %c0_i32, %c0_i32_0 : i32, i32
  }
  func.func @transform_4(%arg0: i32) -> (i32, i32) {
    %c0_i32 = arith.constant 0 : i32
    %c0_i32_0 = arith.constant 0 : i32
    return %arg0, %c0_i32 : i32, i32
  }
  func.func @transform_5(%arg0: i32) -> (i32, i32) {
    %c0_i32 = arith.constant 0 : i32
    %c0_i32_0 = arith.constant 0 : i32
    %c0_i32_1 = arith.constant 0 : i32
    return %c0_i32, %c0_i32_0 : i32, i32
  }
  func.func @transform_6(%arg0: i32) -> (i32, i32) {
    %c0_i32 = arith.constant 0 : i32
    %c0_i32_0 = arith.constant 0 : i32
    %c0_i32_1 = arith.constant 0 : i32
    return %c0_i32, %c0_i32_0 : i32, i32
  }
  func.func @transform_7(%arg0: i32) -> (i32, i32) {
    %c0_i32 = arith.constant 0 : i32
    %c0_i32_0 = arith.constant 0 : i32
    %c0_i32_1 = arith.constant 0 : i32
    return %c0_i32, %c0_i32_0 : i32, i32
  }
  func.func @transform_8(%arg0: i32) -> (i32, i32) {
    %c0_i32 = arith.constant 0 : i32
    %c0_i32_0 = arith.constant 0 : i32
    %c0_i32_1 = arith.constant 0 : i32
    return %c0_i32, %c0_i32_0 : i32, i32
  }
  func.func @transform_9(%arg0: i32) -> (i32, i32) {
    %c0_i32 = arith.constant 0 : i32
    %c0_i32_0 = arith.constant 0 : i32
    %c0_i32_1 = arith.constant 0 : i32
    return %c0_i32, %c0_i32_0 : i32, i32
  }
}

</mosaic_0001>

<sc_bundles>
// kernel: kernel.12.cloned.1.call-start
scs
__scs_entry_jumppad:
0x0: {  	(pc) =	sbr.rel $0x88, $3  }
0x1: {  	(tag) =	ssettag $0x0;
	lr =	simm.s32 $0x1  }
0x2: {  	[smem:$0x3F96] =	sst lr;
	_ =	strace $0xD0000000  }
0x3: {  	_ = 	snop  }
0x4: {  	_ = 	snop  }
0x5: {  	_ = 	snop  }
0x6: {  	_ = 	snop  }
0x7: {  	_ = 	snop  }
__scs_overlays_trampoline_lowered:
0x8: {  	[smem:$0x3FA5] =	sst s0  }
0x9: {  	[smem:$0x3FA6] =	sst s1  }
0xa: {  	[smem:$0x3FA7] =	sst s2  }
0xb: {  	[smem:$0x3FA8] =	sst s3  }
0xc: {  	[smem:$0x3FA9] =	sst s4  }
0xd: {  	[smem:$0x3FAA] =	sst s5  }
0xe: {  	[smem:$0x3FAB] =	sst s6  }
0xf: {  	[smem:$0x3FAC] =	sst s7  }
0x10: {  	[smem:$0x3FAD] =	sst s8  }
0x11: {  	[smem:$0x3FAE] =	sst s9;
	s0 =	simm.s32 @!p0 $0x0  }
0x12: {  	s1 =	sld [smem:$0x3F94];
	s0 =	simm.s32 @p0 $0x1  }
0x13: {  	[smem:$0x3FAF] =	sst s0;
	s0 =	simm.s32 @!p1 $0x0  }
0x14: {  	s2 =	sld [smem:$0x3F93];
	s0 =	simm.s32 @p1 $0x1  }
0x15: {  	[smem:$0x3FB0] =	sst s0;
	s0 =	simm.s32 @!p2 $0x0  }
0x16: {  	s3 =	sld [smem:$0x3FDB];
	s0 =	simm.s32 @p2 $0x1  }
0x17: {  	s4 =	simm.s32 $0x1BF5;
	[smem:$0x3FB2] =	sst s0  }
0x18: {  	s0 =	sld [smem:$0x3F95];
	_ =	swait.ge [sflag:s4], $0x0  }
0x19: {  	s7 =	sld [smem:$0x3F96]  }
0x1a: {  	s8 =	sadd.s32 $0xFFFFE003, lr  }
0x1b: {  	s9 =	sadd.s32 $0xFFFFFEF7, lr;
	s5 =	simm.s32 $0xFFFFFFFF;
	p2 =	slt.u32 s8, $0xFFFFF086  }
0x1c: {  	p1 =	slt.u32 s9, $0xF7A;
	s5 =	simm.s32 @!p2 $0x0  }
0x1d: {  	s5 =	simm.s32 @p1 $0x1;
	p0 =	seq.s32 s7, s2  }
0x1e: {  	s7 =	smul.u32 @!p0 $0xF7A, s2;
	p2 =	seq.s32 @!p0 s5, $0x0  }
0x1f: {  	s9 =	smul.u32 $0xF7A, s1;
	s8 =	simm.s32 @!p0 $0x1BF5;
	p2 =	por !p2, p0  }
0x20: {  	[sflag:s8] =	ssyncset.s32 @!p0 $0xFFFFF086;
	s6 =	sadd.s32 @!p0 s3, s7;
	s7 =	simm.s32 @!p0 $0x108  }
0x21: {  	s3 =	sadd.s32 s3, s9;
	s6 =	sadd.s32 @!p0 $0x88, s6;
	s7 =	simm.s32 @p2 $0x1082  }
0x22: {  	[simem:s7], [sflag:s8] =	dma.local @!p0 [hbm:s6], $0xF7A  }
0x23: {  	s9 =	sor.u32 $0xD0000000, s2;
	s6 =	simm.s32 $0x108;
	_ =	swait.ge @!p0 [sflag:s8], $0x0  }
0x24: {  	s3 =	sadd.s32 $0x88, s3;
	s6 =	simm.s32 @!p1 $0x1082;
	[sflag:s4] =	ssyncset.s32 $0xFFFFF086  }
0x25: {  	[simem:s6], [sflag:s4] =	dma.local [hbm:s3], $0xF7A  }
0x26: {  	[smem:$0x3F96] =	sst s1;
	(tag) =	ssettag s2;
	_ =	strace s9  }
0x27: {  	s1 =	sld [smem:$0x3FA6]  }
0x28: {  	s2 =	sld [smem:$0x3FA7]  }
0x29: {  	s4 =	sld [smem:$0x3FA9]  }
0x2a: {  	p0 =	seq.s32 s5, $0x0;
	s5 =	sld [smem:$0x3FAA]  }
0x2b: {  	s6 =	sld [smem:$0x3FAB]  }
0x2c: {  	s7 =	sld [smem:$0x3FAC]  }
0x2d: {  	s3 =	simm.s32 $0x108;
	s8 =	sld [smem:$0x3FAD]  }
0x2e: {  	s3 =	simm.s32 @!p0 $0x1082;
	s9 =	sld [smem:$0x3FAE]  }
0x2f: {  	lr =	sadd.s32 s0, s3;
	s0 =	sld [smem:$0x3FA5]  }
0x30: {  	s3 =	sld [smem:$0x3FA8]  }
0x31: {  	[smem:$0x3FB1] =	sst s10  }
0x32: {  	s10 =	sld [smem:$0x3FAF];
	_ =	sdelay $0x3  }
0x33: {  	p0 =	seq.s32 s10, $0x1;
	s10 =	sld [smem:$0x3FB1];
	_ =	sdelay $0x3  }
0x34: {  	[smem:$0x3FB1] =	sst s10  }
0x35: {  	s10 =	sld [smem:$0x3FB0];
	_ =	sdelay $0x3  }
0x36: {  	p1 =	seq.s32 s10, $0x1;
	s10 =	sld [smem:$0x3FB1];
	_ =	sdelay $0x3  }
0x37: {  	[smem:$0x3FB1] =	sst s10  }
0x38: {  	s10 =	sld [smem:$0x3FB2]  }
0x39: {  	_ = 	snop;
	(pc) =	sbr.ind lr, $3  }
0x3a: {  	_ = 	snop  }
0x3b: {  	_ = 	snop  }
0x3c: {  	p2 =	seq.s32 s10, $0x1;
	s10 =	sld [smem:$0x3FB1]  }
0x3d: {  	_ =	shalt  }
0x3e: {  	_ =	shalt  }
0x3f: {  	_ =	shalt  }
0x40: {  	_ =	shalt  }
0x41: {  	_ =	shalt  }
0x42: {  	_ =	shalt  }
0x43: {  	_ =	shalt  }
0x44: {  	_ =	shalt  }
0x45: {  	_ =	shalt  }
0x46: {  	_ =	shalt  }
0x47: {  	_ =	shalt  }
0x48: {  	_ =	shalt  }
0x49: {  	_ =	shalt  }
0x4a: {  	_ =	shalt  }
0x4b: {  	_ =	shalt  }
0x4c: {  	_ =	shalt  }
0x4d: {  	_ =	shalt  }
0x4e: {  	_ =	shalt  }
0x4f: {  	_ =	shalt  }
0x50: {  	_ =	shalt  }
0x51: {  	_ =	shalt  }
0x52: {  	_ =	shalt  }
0x53: {  	_ =	shalt  }
0x54: {  	_ =	shalt  }
0x55: {  	_ =	shalt  }
0x56: {  	_ =	shalt  }
0x57: {  	_ =	shalt  }
0x58: {  	_ =	shalt  }
0x59: {  	_ =	shalt  }
0x5a: {  	_ =	shalt  }
0x5b: {  	_ =	shalt  }
0x5c: {  	_ =	shalt  }
0x5d: {  	_ =	shalt  }
0x5e: {  	_ =	shalt  }
0x5f: {  	_ =	shalt  }
0x60: {  	_ =	shalt  }
0x61: {  	_ =	shalt  }
0x62: {  	_ =	shalt  }
0x63: {  	_ =	shalt  }
0x64: {  	_ =	shalt  }
0x65: {  	_ =	shalt  }
0x66: {  	_ =	shalt  }
0x67: {  	_ =	shalt  }
0x68: {  	_ =	shalt  }
0x69: {  	_ =	shalt  }
0x6a: {  	_ =	shalt  }
0x6b: {  	_ =	shalt  }
0x6c: {  	_ =	shalt  }
0x6d: {  	_ =	shalt  }
0x6e: {  	_ =	shalt  }
0x6f: {  	_ =	shalt  }
0x70: {  	_ =	shalt  }
0x71: {  	_ =	shalt  }
0x72: {  	_ =	shalt  }
0x73: {  	_ =	shalt  }
0x74: {  	_ =	shalt  }
0x75: {  	_ =	shalt  }
0x76: {  	_ =	shalt  }
0x77: {  	_ =	shalt  }
0x78: {  	_ =	shalt  }
0x79: {  	_ =	shalt  }
0x7a: {  	_ =	shalt  }
0x7b: {  	_ =	shalt  }
0x7c: {  	_ =	shalt  }
0x7d: {  	_ =	shalt  }
0x7e: {  	_ =	shalt  }
0x7f: {  	_ =	shalt  }
0x80: {  	_ =	shalt  }
0x81: {  	_ =	shalt  }
0x82: {  	_ =	shalt  }
0x83: {  	_ =	shalt  }
0x84: {  	_ =	shalt  }
0x85: {  	_ =	shalt  }
0x86: {  	_ =	shalt  }
0x87: {  	_ =	shalt  }
.Lfunc_end0:
.L_simem_size_0:
called_computation.1_lowered:
.L_overlay_start_0:
0x88: {  	s2 =	sld [smem:$0x3FD9]  }
0x89: {  	s3 =	sld [smem:$0x3FFE];
	_ =	sdelay $0x1  }
0x8a: {  	s1 =	srdreg.scid  }
0x8b: {  	s0 =	sand.u32 $0x1, s1  }
0x8c: {  	s16 =	sshll.u32 s0, $0xA;
	s2 =	sadd.s32 s3, s2  }
0x8d: {  	s2 =	sadd.s32 s2, s16  }
0x8e: {  	[smem:$0x3FBD] =	sst s2  }
0x8f: {  	_ = 	snop  }
0x90: {  	(tm) =	ssettm $0x1  }
0x91: {  	s17 =	sld [smem:$0x3FFB];
	_ =	sdelay $0x3  }
0x92: {  	_ =	strace s17  }
0x93: {  	s2 =	sld [smem:$0x3FFC];
	_ =	sdelay $0x3  }
0x94: {  	_ =	strace s2  }
0x95: {  	s2 =	sld [smem:$0x3FFD];
	_ =	sdelay $0x3  }
0x96: {  	_ =	strace s2  }
0x97: {  	_ =	strace $0x8FFFFFFF  }
0x98: {  	s18 =	sld [smem:$0x3FDB];
	_ =	sdelay $0x1  }
0x99: {  	s19 =	simm.s32 $_scs_section_size  }
0x9a: {  	s4 =	simm.s32 $_size__tile_overlayer_lowered;
	s5 =	simm.s32 $_tile_overlayer_lowered  }
0x9b: {  	s22 =	simm.s32 $0x1BFF;
	s21 =	sshll.u32 s5, $0x1;
	s2 =	sadd.s32 s19, s18  }
0x9c: {  	s6 =	simm.s32 $0x0;
	s20 =	sshll.u32 s4, $0x1;
	s4 =	sadd.s32 s21, s2  }
0x9d: {  	[timem:s6], [sflag:s22] =	dma.local [hbm:s4], s20  }
0x9e: {  	_ =	swait.ge [sflag:s22], s20  }
0x9f: {  	s3 =	ssub.s32 $0x0, s20;
	[sflag:s22] =	ssyncset.done $0x0  }
0xa0: {  	[sflag:s22] =	ssyncadd.s32 s3;
	_ =	sdelay $0x1  }
0xa1: {  	s23 =	simm.s32 $0x1B8B  }
0xa2: {  	_ =	swait.ge [sflag:s23], $0x1  }
0xa3: {  	[sflag:s23] =	ssyncset.done $0x0  }
0xa4: {  	s25 =	simm.s32 $0x1B8E;
	s24 =	sld [smem:$0x3FFE];
	[sflag:s23] =	ssyncadd.s32 $0xFFFFFFFF  }
0xa5: {  	s26 =	simm.s32 $execute0_lowered;
	[smem:$0x3FD2] =	sst s25  }
0xa6: {  	s4 =	sshll.u32 s26, $0x1;
	_ =	strace $0x80000049;
	[dreg:$0x1] =	wrdreg $0xFFFFFFFF  }
0xa7: {  	s28 =	simm.s32 $_size_execute0_lowered;
	s2 =	sadd.s32 s2, s4;
	[dreg:$0x0] =	wrdreg $0x0  }
0xa8: {  	s4 =	sshll.u32 s28, $0x1;
	[dreg:$0x2] =	wrdreg s2  }
0xa9: {  	[dreg:$0x3] =	wrdreg s4  }
0xaa: {  	[dreg:$0x4] =	wrdreg $0xC0  }
0xab: {  	_ =	task [dreg:s6], $0x5FFFF  }
0xac: {  	[dreg:$0x1] =	wrdreg $0xFFFFFFFF  }
0xad: {  	[dreg:$0x0] =	wrdreg $0x60  }
0xae: {  	[dreg:$0x2] =	wrdreg s24  }
0xaf: {  	[dreg:$0x3] =	wrdreg $0x88000  }
0xb0: {  	[dreg:$0x4] =	wrdreg $0x9  }
0xb1: {  	_ =	task.clear_ibuf [dreg:s6], $0x5FFFF;
	_ =	strace $0x90000049  }
0xb2: {  	s29 =	simm.s32 $0x9;
	_ =	strace $0x8000004B  }
0xb3: {  	_ =	swait.ge [sflag:s29], $0x1  }
0xb4: {  	[sflag:s29] =	ssyncadd.s32 $0xFFFFFFFF  }
0xb5: {  	_ =	strace $0x9000004B  }
0xb6: {  	_ =	sfence  }
0xb7: {  	s30 =	sld [smem:$0x0];
	_ =	sdelay $0x2  }
0xb8: {  	s31 =	sshll.u32 s1, $0xD;
	s1 =	sshrl.u32 s1, $0x2  }
0xb9: {  	s3 =	sand.u32 $0x4000, s31;
	s1 =	sadd.s32 s1, s30  }
0xba: {  	s0 =	sor.u32 s3, s0;
	s1 =	sshll.u32 s1, $0x11  }
0xbb: {  	s0 =	sor.u32 s1, s0  }
0xbc: {  	s0 =	sadd.s32 $0x8F2B, s0  }
0xbd: {  	[sflag:s0] =	ssyncadd.remote.s32 $0x1  }
0xbe: {  	_ =	sfence.sel $0xFFFF  }
0xbf: {  	[dreg:$0x0] =	wrdreg $0xFFFFFFFF;
	(pc) =	sbr.abs _section_cstart, $3  }
0xc0: {  	[dreg:$0x1] =	wrdreg $0xFFFFFFFF  }
0xc1: {  	_ =	task.clear_ibuf [dreg:s6], $0x2FFFF;
	_ =	strace $0x9FFFFFFF  }
0xc2: {  	(tm) =	ssettm $0x7FFFFFFF  }
0xc3: {  	_ =	shalt  }
tec
execute0_lowered:
.L_overlay_start_1:
0x0: {  	(tag) =	ssettag $0x1  }
0x1: {  	s0 =	rddreg [dreg:$0x0]  }
0x2: {  	s1 =	rddreg [dreg:$0x1]  }
0x3: {  	s2 =	srdreg.scid;
	s4 =	simm.s32 $0x0;
	s10 =	stileid.u32  }
0x4: {  	s29 =	simm.s32 $0x7;
	s31 =	simm.s32 $0x8;
	s30 =	simm.s32 $0x0  }
0x5: {  	s2 =	sand.u32 $0x1, s2;
	[smem:$0x7FF] =	sst s4;
	s5 =	smul.u32 $0x14000, s10  }
0x6: {  	s4 =	sadd.s32 $0x73800, s0;
	s6 =	sadd.s32 $0x5F800, s0;
	s8 =	smul.u32 $0x50000, s10  }
0x7: {  	s7 =	sadd.s32 $0xD000, s0;
	s24 =	sshll.u32 s10, $0x1;
	s28 =	smul.u32 $0xA000, s10  }
0x8: {  	s3 =	smul.u32 $0x140000, s2;
	_ =	strace $0x8000004A;
	s25 =	ssub.s32 $0x2, s2  }
0x9: {  	[dreg:$0x3] =	wrdreg s7;
	s9 =	sshrl.u32 s25, $0x1;
	s26 =	sshrl.u32 s8, $0x2  }
0xa: {  	s3 =	sadd.s32 s5, s3;
	s5 =	sor.u32 s2, s24;
	s2 =	smul.u32 $0x5000, s2  }
0xb: {  	s7 =	sadd.s32 s26, s1;
	s3 =	sshrl.u32 s3, $0x3;
	s5 =	smul.u32 $0x5000, s5  }
0xc: {  	[dreg:$0x4] =	wrdreg s7;
	s0 =	sadd.s32 s3, s0;
	s3 =	ssub.s32 s25, s9  }
0xd: {  	s9 =	sshll.u32 s10, $0x6;
	s2 =	sadd.s32 s2, s28;
	s5 =	sshrl.u32 s5, $0x3  }
0xe: {  	s24 =	sor.u32 $0x1C0B, s9;
	s15 =	sor.u32 $0xF00, s2;
	s7 =	sor.u32 $0xE00, s2  }
0xf: {  	s17 =	sor.u32 $0xD00, s2;
	s18 =	sor.u32 $0xC00, s2;
	s19 =	sor.u32 $0xB00, s2  }
0x10: {  	s22 =	sor.u32 $0xA00, s2;
	s23 =	sor.u32 $0x900, s2;
	s2 =	sor.u32 $0x800, s2  }
0x11: {  	s0 =	sadd.s32 $0x9B800, s0;
	s28 =	smax.u32 s3, $0x1;
	s9 =	simm.s32 $0x80  }
0x12: {  	s3 =	simm.s32 $0x6;
	s10 =	sadd.s32 s6, s5;
	s7 =	sshrl.u32 s7, $0x3  }
0x13: {  	s20 =	sshrl.u32 s18, $0x3;
	s21 =	sshrl.u32 s19, $0x3;
	[dreg:$0xe] =	wrdreg s0  }
0x14: {  	s25 =	sshrl.u32 s23, $0x3;
	s2 =	sshrl.u32 s2, $0x3;
	[dreg:$0xf] =	wrdreg s28  }
0x15: {  	s23 =	simm.s32 $0xA;
	s0 =	simm.s32 $0x0;
	[dreg:$0x6] =	wrdreg s24  }
0x16: {  	s5 =	sadd.s32 $0x20, s10;
	s11 =	sadd.s32 $0x40, s10;
	[dreg:$0x5] =	wrdreg s10  }
0x17: {  	s12 =	sadd.s32 $0x60, s10;
	s13 =	sadd.s32 $0x80, s10;
	[dreg:$0x7] =	wrdreg s5  }
0x18: {  	s14 =	sadd.s32 $0xA0, s10;
	s16 =	sadd.s32 $0xC0, s10;
	[dreg:$0x8] =	wrdreg s11  }
0x19: {  	s18 =	sadd.s32 s20, s6;
	s19 =	sadd.s32 s21, s6;
	[dreg:$0x9] =	wrdreg s12  }
0x1a: {  	s21 =	sadd.s32 s25, s6;
	s26 =	sadd.s32 $0xE0, s10;
	[dreg:$0xa] =	wrdreg s13  }
0x1b: {  	s10 =	simm.s32 $0x800;
	s25 =	simm.s32 $0x4;
	[dreg:$0xb] =	wrdreg s14  }
0x1c: {  	[dreg:$0xc] =	wrdreg s16;
	s5 =	sshrl.u32 s15, $0x3;
	s16 =	sadd.s32 s7, s6  }
.Ltmp0:
0x1d: {  	[dreg:$0xd] =	wrdreg s26;
	s26 =	simm.s32 $0xB;
	(pc) =	sbr.rel .LBB2_1-.Ltmp0, $4  }
0x1e: {  	s11 =	simm.s32 $0x2;
	s12 =	simm.s32 $0x4800;
	s13 =	simm.s32 $0x9  }
0x1f: {  	s14 =	simm.s32 $0x3;
	s15 =	sadd.s32 s5, s6;
	s5 =	sshrl.u32 s17, $0x3  }
0x20: {  	s17 =	sadd.s32 s5, s6;
	s5 =	sshrl.u32 s22, $0x3;
	s22 =	sadd.s32 s2, s6  }
0x21: {  	s20 =	sadd.s32 s5, s6;
	s5 =	simm.s32 $0x700;
	s6 =	simm.s32 $0x5  }
.LBB2_4:
0x22: {  	[bflag:$0x0] =	sbarrier.arrive $0xFFFF  }
0x23: {  	s24 =	rddreg [dreg:$0x6]  }
0x24: {  	s2 =	rddreg [dreg:$0xe]  }
0x25: {  	s0 =	rddreg [dreg:$0x11]  }
0x26: {  	[hbm:s2], [sflag:s24] =	dma.local [spmem:s0], $0x2800  }
0x27: {  	_ =	swait.ge [sflag:s26], $0x2800  }
0x28: {  	s8 =	rddreg [dreg:$0x10]  }
0x29: {  	s28 =	rddreg [dreg:$0xf];
	s0 =	sadd.s32 $0x1, s8  }
0x2a: {  	p0 =	sne.s32 s0, s28  }
.Ltmp1:
0x2b: {  	_ = 	snop;
	(pc) =	sbr.rel @!p0 .LBB2_5-.Ltmp1, $3  }
0x2c: {  	_ =	sdelay $0x1  }
0x2d: {  	[sflag:s26] =	ssyncset.done $0x0  }
0x2e: {  	[sflag:s26] =	ssyncadd.s32 $0xFFFFD800  }
.LBB2_1:
0x2f: {  	[dreg:$0x10] =	wrdreg s0  }
0x30: {  	s2 =	rddreg [dreg:$0x4]  }
0x31: {  	s28 =	rddreg [dreg:$0x3];
	s8 =	sshrl.u32 s2, $0x3  }
0x32: {  	[dreg:$0x11] =	wrdreg s8  }
0x33: {  	[spmem:s8], [sflag:s24] =	dma.local [hbm:s28], $0x2800  }
0x34: {  	_ =	swait.ge [sflag:s26], $0x2800  }
0x35: {  	[sflag:s26] =	ssyncset.done $0x0  }
0x36: {  	s2 =	simm.s32 $0x0;
	s7 =	rddreg [dreg:$0x5];
	[sflag:s26] =	ssyncadd.s32 $0xFFFFD800  }
0x37: {  	[tilespmem:s2], [sflag:$0x1] =	stream.linear.gather [hbm4b:s7+s2], $0x100, $0x38;
	[tilespmem:$0x1C800] =	vst v63  }
0x38: {  	s8 =	simm.s32 $0x100;
	s0 =	rddreg [dreg:$0x7]  }
0x39: {  	[tilespmem:s8], [sflag:$0x2] =	stream.linear.gather [hbm4b:s0+s2], $0x100, $0x38;
	[tilespmem:$0x1C800] =	vst v63  }
0x3a: {  	s28 =	simm.s32 $0x200;
	s24 =	rddreg [dreg:$0x8]  }
0x3b: {  	[tilespmem:s28], [sflag:$0x3] =	stream.linear.gather [hbm4b:s24+s2], $0x100, $0x38;
	[tilespmem:$0x1C800] =	vst v63  }
0x3c: {  	s24 =	rddreg [dreg:$0x9];
	s28 =	simm.s32 $0x300  }
0x3d: {  	[tilespmem:s28], [sflag:$0x4] =	stream.linear.gather [hbm4b:s24+s2], $0x100, $0x38;
	[tilespmem:$0x1C800] =	vst v63  }
0x3e: {  	s24 =	rddreg [dreg:$0xa];
	s28 =	simm.s32 $0x400  }
0x3f: {  	[tilespmem:s28], [sflag:$0x5] =	stream.linear.gather [hbm4b:s24+s2], $0x100, $0x38;
	[tilespmem:$0x1C800] =	vst v63  }
0x40: {  	s24 =	rddreg [dreg:$0xb];
	s28 =	simm.s32 $0x500  }
0x41: {  	[tilespmem:s28], [sflag:$0x6] =	stream.linear.gather [hbm4b:s24+s2], $0x100, $0x38;
	[tilespmem:$0x1C800] =	vst v63  }
0x42: {  	s24 =	rddreg [dreg:$0xc];
	s28 =	simm.s32 $0x600  }
0x43: {  	[tilespmem:s28], [sflag:$0x7] =	stream.linear.gather [hbm4b:s24+s2], $0x100, $0x38;
	[tilespmem:$0x1C800] =	vst v63  }
0x44: {  	s24 =	rddreg [dreg:$0xd]  }
0x45: {  	[tilespmem:s5], [sflag:$0x8] =	stream.linear.gather [hbm4b:s24+s2], $0x100, $0x38;
	[tilespmem:$0x1C800] =	vst v63  }
0x46: {  	s28 =	simm.s32 $0x1;
	[bflag:$0x0] =	sbarrier.arrive $0xFFFF  }
0x47: {  	_ =	swait.ge [sflag:s28], $0x100  }
0x48: {  	[sflag:s28] =	ssyncset.done $0x0  }
0x49: {  	[sflag:s28] =	ssyncadd.s32 $0xFFFFFF00  }
0x4a: {  	[tilespmem:s10], [sflag:$0x9] =	stream.indirect.gather [hbm4b:s4+s9], $0x80, s2, s9, $0xb8;
	[tilespmem:$0x1C800] =	vst v63  }
0x4b: {  	_ =	swait.ge [sflag:s11], $0x100  }
0x4c: {  	[sflag:s11] =	ssyncset.done $0x0  }
0x4d: {  	s0 =	simm.s32 $0x100;
	s2 =	simm.s32 $0x0;
	[sflag:s11] =	ssyncadd.s32 $0xFFFFFF00  }
0x4e: {  	[tilespmem:s12], [sflag:$0xA] =	stream.indirect.gather [hbm4b:s4+s9], $0x80, s8, s9, $0xb8;
	[tilespmem:$0x1C800] =	vst v63  }
.LBB2_2:
0x4f: {  	_ =	swait.ge [sflag:s13], $0x4000  }
0x50: {  	[sflag:s13] =	ssyncset.done $0x0  }
0x51: {  	[sflag:s13] =	ssyncadd.s32 $0xFFFFC000  }
0x52: {  	[spmem:s1] =	stream.indirect.scatter.add.f32 [tilespmem:s10], [sflag:$0xB], $0x80, s9, s9, $0xb8;
	[tilespmem:$0x1C800] =	vst v63  }
0x53: {  	_ =	swait.ge [sflag:s26], $0x4000  }
0x54: {  	[sflag:s26] =	ssyncset.done $0x0  }
0x55: {  	[sflag:s26] =	ssyncadd.s32 $0xFFFFC000  }
0x56: {  	_ =	swait.ge [sflag:s14], $0x100  }
0x57: {  	[sflag:s14] =	ssyncset.done $0x0  }
0x58: {  	s7 =	simm.s32 $0x200;
	p0 =	seq.s32 s2, $0x900;
	[sflag:s14] =	ssyncadd.s32 $0xFFFFFF00  }
0x59: {  	[tilespmem:s10], [sflag:$0x9] =	stream.indirect.gather [hbm4b:s4+s9], $0x80, s7, s9, $0xb8;
	[tilespmem:$0x1C800] =	vst v63  }
0x5a: {  	s24 =	simm.s32 @!p0 $0x0;
	s7 =	sadd.s32 @!p0 s2, s22  }
0x5b: {  	[tilespmem:s24], [sflag:$0x1] =	stream.linear.gather @!p0 [hbm4b:s7+s24], $0x100, $0x38;
	[tilespmem:$0x1C800] =	vst v63  }
0x5c: {  	_ =	swait.ge [sflag:s23], $0x4000  }
0x5d: {  	[sflag:s23] =	ssyncset.done $0x0  }
0x5e: {  	s8 =	simm.s32 $0x180;
	[sflag:s23] =	ssyncadd.s32 $0xFFFFC000  }
0x5f: {  	[spmem:s1] =	stream.indirect.scatter.add.f32 [tilespmem:s12], [sflag:$0xB], $0x80, s8, s9, $0xb8;
	[tilespmem:$0x1C800] =	vst v63  }
0x60: {  	_ =	swait.ge [sflag:s26], $0x4000  }
0x61: {  	[sflag:s26] =	ssyncset.done $0x0  }
0x62: {  	[sflag:s26] =	ssyncadd.s32 $0xFFFFC000  }
0x63: {  	_ =	swait.ge [sflag:s25], $0x100  }
0x64: {  	[sflag:s25] =	ssyncset.done $0x0  }
0x65: {  	s28 =	simm.s32 $0x300;
	[sflag:s25] =	ssyncadd.s32 $0xFFFFFF00  }
0x66: {  	[tilespmem:s12], [sflag:$0xA] =	stream.indirect.gather [hbm4b:s4+s9], $0x80, s28, s9, $0xb8;
	[tilespmem:$0x1C800] =	vst v63  }
0x67: {  	s7 =	sadd.s32 @!p0 s2, s21;
	s8 =	simm.s32 @!p0 $0x100  }
0x68: {  	[tilespmem:s8], [sflag:$0x2] =	stream.linear.gather @!p0 [hbm4b:s7+s24], $0x100, $0x38;
	[tilespmem:$0x1C800] =	vst v63  }
0x69: {  	_ =	swait.ge [sflag:s13], $0x4000  }
0x6a: {  	[sflag:s13] =	ssyncset.done $0x0  }
0x6b: {  	s8 =	simm.s32 $0x280;
	[sflag:s13] =	ssyncadd.s32 $0xFFFFC000  }
0x6c: {  	[spmem:s1] =	stream.indirect.scatter.add.f32 [tilespmem:s10], [sflag:$0xB], $0x80, s8, s9, $0xb8;
	[tilespmem:$0x1C800] =	vst v63  }
0x6d: {  	_ =	swait.ge [sflag:s26], $0x4000  }
0x6e: {  	[sflag:s26] =	ssyncset.done $0x0  }
0x6f: {  	[sflag:s26] =	ssyncadd.s32 $0xFFFFC000  }
0x70: {  	_ =	swait.ge [sflag:s6], $0x100  }
0x71: {  	[sflag:s6] =	ssyncset.done $0x0  }
0x72: {  	s28 =	simm.s32 $0x400;
	[sflag:s6] =	ssyncadd.s32 $0xFFFFFF00  }
0x73: {  	[tilespmem:s10], [sflag:$0x9] =	stream.indirect.gather [hbm4b:s4+s9], $0x80, s28, s9, $0xb8;
	[tilespmem:$0x1C800] =	vst v63  }
0x74: {  	s7 =	sadd.s32 @!p0 s2, s20;
	s8 =	simm.s32 @!p0 $0x200  }
0x75: {  	[tilespmem:s8], [sflag:$0x3] =	stream.linear.gather @!p0 [hbm4b:s7+s24], $0x100, $0x38;
	[tilespmem:$0x1C800] =	vst v63  }
0x76: {  	_ =	swait.ge [sflag:s23], $0x4000  }
0x77: {  	[sflag:s23] =	ssyncset.done $0x0  }
0x78: {  	s8 =	simm.s32 $0x380;
	[sflag:s23] =	ssyncadd.s32 $0xFFFFC000  }
0x79: {  	[spmem:s1] =	stream.indirect.scatter.add.f32 [tilespmem:s12], [sflag:$0xB], $0x80, s8, s9, $0xb8;
	[tilespmem:$0x1C800] =	vst v63  }
0x7a: {  	_ =	swait.ge [sflag:s26], $0x4000  }
0x7b: {  	[sflag:s26] =	ssyncset.done $0x0  }
0x7c: {  	[sflag:s26] =	ssyncadd.s32 $0xFFFFC000  }
0x7d: {  	_ =	swait.ge [sflag:s3], $0x100  }
0x7e: {  	[sflag:s3] =	ssyncset.done $0x0  }
0x7f: {  	s28 =	simm.s32 $0x500;
	[sflag:s3] =	ssyncadd.s32 $0xFFFFFF00  }
0x80: {  	[tilespmem:s12], [sflag:$0xA] =	stream.indirect.gather [hbm4b:s4+s9], $0x80, s28, s9, $0xb8;
	[tilespmem:$0x1C800] =	vst v63  }
0x81: {  	s7 =	sadd.s32 @!p0 s2, s19;
	s8 =	simm.s32 @!p0 $0x300  }
0x82: {  	[tilespmem:s8], [sflag:$0x4] =	stream.linear.gather @!p0 [hbm4b:s7+s24], $0x100, $0x38;
	[tilespmem:$0x1C800] =	vst v63  }
0x83: {  	_ =	swait.ge [sflag:s13], $0x4000  }
0x84: {  	[sflag:s13] =	ssyncset.done $0x0  }
0x85: {  	s8 =	simm.s32 $0x480;
	[sflag:s13] =	ssyncadd.s32 $0xFFFFC000  }
0x86: {  	[spmem:s1] =	stream.indirect.scatter.add.f32 [tilespmem:s10], [sflag:$0xB], $0x80, s8, s9, $0xb8;
	[tilespmem:$0x1C800] =	vst v63  }
0x87: {  	_ =	swait.ge [sflag:s26], $0x4000  }
0x88: {  	[sflag:s26] =	ssyncset.done $0x0  }
0x89: {  	[sflag:s26] =	ssyncadd.s32 $0xFFFFC000  }
0x8a: {  	_ =	swait.ge [sflag:s29], $0x100  }
0x8b: {  	[sflag:s29] =	ssyncset.done $0x0  }
0x8c: {  	s28 =	simm.s32 $0x600;
	[sflag:s29] =	ssyncadd.s32 $0xFFFFFF00  }
0x8d: {  	[tilespmem:s10], [sflag:$0x9] =	stream.indirect.gather [hbm4b:s4+s9], $0x80, s28, s9, $0xb8;
	[tilespmem:$0x1C800] =	vst v63  }
0x8e: {  	s7 =	sadd.s32 @!p0 s2, s18;
	s8 =	simm.s32 @!p0 $0x400  }
0x8f: {  	[tilespmem:s8], [sflag:$0x5] =	stream.linear.gather @!p0 [hbm4b:s7+s24], $0x100, $0x38;
	[tilespmem:$0x1C800] =	vst v63  }
0x90: {  	_ =	swait.ge [sflag:s23], $0x4000  }
0x91: {  	[sflag:s23] =	ssyncset.done $0x0  }
0x92: {  	s8 =	simm.s32 $0x580;
	[sflag:s23] =	ssyncadd.s32 $0xFFFFC000  }
0x93: {  	[spmem:s1] =	stream.indirect.scatter.add.f32 [tilespmem:s12], [sflag:$0xB], $0x80, s8, s9, $0xb8;
	[tilespmem:$0x1C800] =	vst v63  }
0x94: {  	_ =	swait.ge [sflag:s26], $0x4000  }
0x95: {  	[sflag:s26] =	ssyncset.done $0x0  }
0x96: {  	[sflag:s26] =	ssyncadd.s32 $0xFFFFC000  }
0x97: {  	_ =	swait.ge [sflag:s31], $0x100  }
0x98: {  	[sflag:s31] =	ssyncset.done $0x0  }
0x99: {  	s7 =	simm.s32 @p0 $0x9;
	[sflag:s31] =	ssyncadd.s32 $0xFFFFFF00  }
0x9a: {  	[tilespmem:s12], [sflag:$0xA] =	stream.indirect.gather [hbm4b:s4+s9], $0x80, s5, s9, $0xb8;
	[tilespmem:$0x1C800] =	vst v63  }
0x9b: {  	_ =	swait.ge @p0 [sflag:s7], $0x4000  }
0x9c: {  	s28 =	simm.s32 @p0 $0x800;
	[sflag:s7] =	ssyncset.done @p0 $0x0  }
0x9d: {  	s8 =	simm.s32 @p0 $0x680;
	[sflag:s7] =	ssyncadd.s32 @p0 $0xFFFFC000;
	s7 =	simm.s32 @p0 $0x80  }
0x9e: {  	[spmem:s1] =	stream.indirect.scatter.add.f32 @p0 [tilespmem:s28], [sflag:$0xB], $0x80, s8, s7, $0xb8;
	[tilespmem:$0x1C800] =	vst v63  }
0x9f: {  	s7 =	simm.s32 @p0 $0xB  }
0xa0: {  	_ =	swait.ge @p0 [sflag:s7], $0x4000  }
0xa1: {  	[sflag:s7] =	ssyncset.done @p0 $0x0  }
0xa2: {  	s8 =	simm.s32 @!p0 $0x500;
	[sflag:s7] =	ssyncadd.s32 @p0 $0xFFFFC000;
	s7 =	sadd.s32 @!p0 s2, s17  }
0xa3: {  	[tilespmem:s8], [sflag:$0x6] =	stream.linear.gather @!p0 [hbm4b:s7+s24], $0x100, $0x38;
	[tilespmem:$0x1C800] =	vst v63  }
0xa4: {  	s7 =	simm.s32 @!p0 $0x9  }
0xa5: {  	_ =	swait.ge @!p0 [sflag:s7], $0x4000  }
0xa6: {  	s28 =	simm.s32 @!p0 $0x800;
	[sflag:s7] =	ssyncset.done @!p0 $0x0  }
0xa7: {  	s8 =	simm.s32 @!p0 $0x680;
	[sflag:s7] =	ssyncadd.s32 @!p0 $0xFFFFC000;
	s7 =	simm.s32 @!p0 $0x80  }
0xa8: {  	[spmem:s1] =	stream.indirect.scatter.add.f32 @!p0 [tilespmem:s28], [sflag:$0xB], $0x80, s8, s7, $0xb8;
	[tilespmem:$0x1C800] =	vst v63  }
0xa9: {  	s8 =	simm.s32 @!p0 $0xB  }
0xaa: {  	_ =	swait.ge @!p0 [sflag:s8], $0x4000  }
0xab: {  	[sflag:s8] =	ssyncset.done @!p0 $0x0  }
0xac: {  	[sflag:s8] =	ssyncadd.s32 @!p0 $0xFFFFC000;
	s8 =	simm.s32 @!p0 $0x1  }
0xad: {  	_ =	swait.ge @!p0 [sflag:s8], $0x100  }
0xae: {  	[sflag:s8] =	ssyncset.done @!p0 $0x0  }
0xaf: {  	[sflag:s8] =	ssyncadd.s32 @!p0 $0xFFFFFF00  }
0xb0: {  	[tilespmem:s28], [sflag:$0x9] =	stream.indirect.gather @!p0 [hbm4b:s4+s7], $0x80, s24, s7, $0xb8;
	[tilespmem:$0x1C800] =	vst v63  }
0xb1: {  	s8 =	simm.s32 @!p0 $0x600;
	s7 =	sadd.s32 @!p0 s2, s16  }
0xb2: {  	[tilespmem:s8], [sflag:$0x7] =	stream.linear.gather @!p0 [hbm4b:s7+s24], $0x100, $0x38;
	[tilespmem:$0x1C800] =	vst v63  }
0xb3: {  	_ =	swait.ge [sflag:s23], $0x4000  }
0xb4: {  	[sflag:s23] =	ssyncset.done $0x0  }
.Ltmp2:
0xb5: {  	s28 =	simm.s32 $0x780;
	[sflag:s23] =	ssyncadd.s32 $0xFFFFC000;
	(pc) =	sbr.rel @p0 .LBB2_4-.Ltmp2, $4  }
0xb6: {  	[spmem:s1] =	stream.indirect.scatter.add.f32 [tilespmem:s12], [sflag:$0xB], $0x80, s28, s9, $0xb8;
	[tilespmem:$0x1C800] =	vst v63  }
0xb7: {  	_ =	swait.ge [sflag:s26], $0x4000  }
0xb8: {  	[sflag:s26] =	ssyncset.done $0x0  }
0xb9: {  	[sflag:s26] =	ssyncadd.s32 $0xFFFFC000  }
0xba: {  	_ =	swait.ge [sflag:s11], $0x100  }
.Ltmp3:
0xbb: {  	[sflag:s11] =	ssyncset.done $0x0;
	(pc) =	sbr.rel .LBB2_2-.Ltmp3, $4  }
0xbc: {  	[sflag:s11] =	ssyncadd.s32 $0xFFFFFF00  }
0xbd: {  	[tilespmem:s12], [sflag:$0xA] =	stream.indirect.gather [hbm4b:s4+s9], $0x80, s0, s9, $0xb8;
	[tilespmem:$0x1C800] =	vst v63  }
0xbe: {  	s7 =	sadd.s32 s2, s15;
	s2 =	sadd.s32 $0x100, s2  }
0xbf: {  	[tilespmem:s5], [sflag:$0x8] =	stream.linear.gather [hbm4b:s7+s30], $0x100, $0x38;
	[tilespmem:$0x1C800] =	vst v63  }
.LBB2_5:
0xc0: {  	_ =	sfence.sel $0x180000  }
0xc1: {  	[bflag:$0x0] =	sbarrier.arrive $0xFFFF  }
0xc2: {  	_ =	strace $0x9000004A  }
0xc3: {  	s0 =	stileid.u32;
	[bflag:$0x2] =	sbarrier.arrive $0xFFFF  }
0xc4: {  	p0 =	sne.s32 s0, $0x0;
	s0 =	rddreg [dreg:$0x2]  }
0xc5: {  	s0 =	sadd.s32 @!p0 $0x100000, s0  }
0xc6: {  	[sflag:s0] =	ssyncadd.tile.s32 @!p0 $0x1;
	_ =	shalt  }
.Lfunc_end2:
_tile_overlayer_lowered:
.L_overlay_start_2:
0xc7: {  	(tag) =	ssettag $0x2  }
0xc8: {  	s0 =	rddreg [dreg:$0x0];
	s2 =	stileid.u32  }
0xc9: {  	s1 =	rddreg [dreg:$0x1];
	p0 =	sne.s32 s2, $0x0  }
0xca: {  	s3 =	rddreg [dreg:$0x2];
	[bflag:$0x3] =	sbarrier.arrive $0xFFFF;
	s2 =	simm.s32 @!p0 $0x1C0B  }
0xcb: {  	[timem:s3], [sflag:s2] =	dma.local @!p0 [hbm:s0], s1  }
0xcc: {  	s0 =	simm.s32 @!p0 $0xB  }
0xcd: {  	_ =	swait.ge @!p0 [sflag:s0], s1  }
0xce: {  	s1 =	ssub.s32 @!p0 $0x0, s1;
	[sflag:s0] =	ssyncset.done @!p0 $0x0  }
0xcf: {  	[sflag:s0] =	ssyncadd.s32 @!p0 s1  }
0xd0: {  	[bflag:$0x3] =	sbarrier.arrive $0xFFFF  }
0xd1: {  	_ =	shalt  }

// kernel: kernel.15.cloned.1.call-start
scs
__scs_entry_jumppad:
0x0: {  	(pc) =	sbr.rel $0x88, $3  }
0x1: {  	(tag) =	ssettag $0x0;
	lr =	simm.s32 $0x1  }
0x2: {  	[smem:$0x3F96] =	sst lr;
	_ =	strace $0xD0000000  }
0x3: {  	_ = 	snop  }
0x4: {  	_ = 	snop  }
0x5: {  	_ = 	snop  }
0x6: {  	_ = 	snop  }
0x7: {  	_ = 	snop  }
__scs_overlays_trampoline_lowered:
0x8: {  	[smem:$0x3FA5] =	sst s0  }
0x9: {  	[smem:$0x3FA6] =	sst s1  }
0xa: {  	[smem:$0x3FA7] =	sst s2  }
0xb: {  	[smem:$0x3FA8] =	sst s3  }
0xc: {  	[smem:$0x3FA9] =	sst s4  }
0xd: {  	[smem:$0x3FAA] =	sst s5  }
0xe: {  	[smem:$0x3FAB] =	sst s6  }
0xf: {  	[smem:$0x3FAC] =	sst s7  }
0x10: {  	[smem:$0x3FAD] =	sst s8  }
0x11: {  	[smem:$0x3FAE] =	sst s9;
	s0 =	simm.s32 @!p0 $0x0  }
0x12: {  	s1 =	sld [smem:$0x3F94];
	s0 =	simm.s32 @p0 $0x1  }
0x13: {  	[smem:$0x3FAF] =	sst s0;
	s0 =	simm.s32 @!p1 $0x0  }
0x14: {  	s2 =	sld [smem:$0x3F93];
	s0 =	simm.s32 @p1 $0x1  }
0x15: {  	[smem:$0x3FB0] =	sst s0;
	s0 =	simm.s32 @!p2 $0x0  }
0x16: {  	s3 =	sld [smem:$0x3FDB];
	s0 =	simm.s32 @p2 $0x1  }
0x17: {  	s4 =	simm.s32 $0x1BF5;
	[smem:$0x3FB2] =	sst s0  }
0x18: {  	s0 =	sld [smem:$0x3F95];
	_ =	swait.ge [sflag:s4], $0x0  }
0x19: {  	s7 =	sld [smem:$0x3F96]  }
0x1a: {  	s8 =	sadd.s32 $0xFFFFE003, lr  }
0x1b: {  	s9 =	sadd.s32 $0xFFFFFEF7, lr;
	s5 =	simm.s32 $0xFFFFFFFF;
	p2 =	slt.u32 s8, $0xFFFFF086  }
0x1c: {  	p1 =	slt.u32 s9, $0xF7A;
	s5 =	simm.s32 @!p2 $0x0  }
0x1d: {  	s5 =	simm.s32 @p1 $0x1;
	p0 =	seq.s32 s7, s2  }
0x1e: {  	s7 =	smul.u32 @!p0 $0xF7A, s2;
	p2 =	seq.s32 @!p0 s5, $0x0  }
0x1f: {  	s9 =	smul.u32 $0xF7A, s1;
	s8 =	simm.s32 @!p0 $0x1BF5;
	p2 =	por !p2, p0  }
0x20: {  	[sflag:s8] =	ssyncset.s32 @!p0 $0xFFFFF086;
	s6 =	sadd.s32 @!p0 s3, s7;
	s7 =	simm.s32 @!p0 $0x108  }
0x21: {  	s3 =	sadd.s32 s3, s9;
	s6 =	sadd.s32 @!p0 $0x88, s6;
	s7 =	simm.s32 @p2 $0x1082  }
0x22: {  	[simem:s7], [sflag:s8] =	dma.local @!p0 [hbm:s6], $0xF7A  }
0x23: {  	s9 =	sor.u32 $0xD0000000, s2;
	s6 =	simm.s32 $0x108;
	_ =	swait.ge @!p0 [sflag:s8], $0x0  }
0x24: {  	s3 =	sadd.s32 $0x88, s3;
	s6 =	simm.s32 @!p1 $0x1082;
	[sflag:s4] =	ssyncset.s32 $0xFFFFF086  }
0x25: {  	[simem:s6], [sflag:s4] =	dma.local [hbm:s3], $0xF7A  }
0x26: {  	[smem:$0x3F96] =	sst s1;
	(tag) =	ssettag s2;
	_ =	strace s9  }
0x27: {  	s1 =	sld [smem:$0x3FA6]  }
0x28: {  	s2 =	sld [smem:$0x3FA7]  }
0x29: {  	s4 =	sld [smem:$0x3FA9]  }
0x2a: {  	p0 =	seq.s32 s5, $0x0;
	s5 =	sld [smem:$0x3FAA]  }
0x2b: {  	s6 =	sld [smem:$0x3FAB]  }
0x2c: {  	s7 =	sld [smem:$0x3FAC]  }
0x2d: {  	s3 =	simm.s32 $0x108;
	s8 =	sld [smem:$0x3FAD]  }
0x2e: {  	s3 =	simm.s32 @!p0 $0x1082;
	s9 =	sld [smem:$0x3FAE]  }
0x2f: {  	lr =	sadd.s32 s0, s3;
	s0 =	sld [smem:$0x3FA5]  }
0x30: {  	s3 =	sld [smem:$0x3FA8]  }
0x31: {  	[smem:$0x3FB1] =	sst s10  }
0x32: {  	s10 =	sld [smem:$0x3FAF];
	_ =	sdelay $0x3  }
0x33: {  	p0 =	seq.s32 s10, $0x1;
	s10 =	sld [smem:$0x3FB1];
	_ =	sdelay $0x3  }
0x34: {  	[smem:$0x3FB1] =	sst s10  }
0x35: {  	s10 =	sld [smem:$0x3FB0];
	_ =	sdelay $0x3  }
0x36: {  	p1 =	seq.s32 s10, $0x1;
	s10 =	sld [smem:$0x3FB1];
	_ =	sdelay $0x3  }
0x37: {  	[smem:$0x3FB1] =	sst s10  }
0x38: {  	s10 =	sld [smem:$0x3FB2]  }
0x39: {  	_ = 	snop;
	(pc) =	sbr.ind lr, $3  }
0x3a: {  	_ = 	snop  }
0x3b: {  	_ = 	snop  }
0x3c: {  	p2 =	seq.s32 s10, $0x1;
	s10 =	sld [smem:$0x3FB1]  }
0x3d: {  	_ =	shalt  }
0x3e: {  	_ =	shalt  }
0x3f: {  	_ =	shalt  }
0x40: {  	_ =	shalt  }
0x41: {  	_ =	shalt  }
0x42: {  	_ =	shalt  }
0x43: {  	_ =	shalt  }
0x44: {  	_ =	shalt  }
0x45: {  	_ =	shalt  }
0x46: {  	_ =	shalt  }
0x47: {  	_ =	shalt  }
0x48: {  	_ =	shalt  }
0x49: {  	_ =	shalt  }
0x4a: {  	_ =	shalt  }
0x4b: {  	_ =	shalt  }
0x4c: {  	_ =	shalt  }
0x4d: {  	_ =	shalt  }
0x4e: {  	_ =	shalt  }
0x4f: {  	_ =	shalt  }
0x50: {  	_ =	shalt  }
0x51: {  	_ =	shalt  }
0x52: {  	_ =	shalt  }
0x53: {  	_ =	shalt  }
0x54: {  	_ =	shalt  }
0x55: {  	_ =	shalt  }
0x56: {  	_ =	shalt  }
0x57: {  	_ =	shalt  }
0x58: {  	_ =	shalt  }
0x59: {  	_ =	shalt  }
0x5a: {  	_ =	shalt  }
0x5b: {  	_ =	shalt  }
0x5c: {  	_ =	shalt  }
0x5d: {  	_ =	shalt  }
0x5e: {  	_ =	shalt  }
0x5f: {  	_ =	shalt  }
0x60: {  	_ =	shalt  }
0x61: {  	_ =	shalt  }
0x62: {  	_ =	shalt  }
0x63: {  	_ =	shalt  }
0x64: {  	_ =	shalt  }
0x65: {  	_ =	shalt  }
0x66: {  	_ =	shalt  }
0x67: {  	_ =	shalt  }
0x68: {  	_ =	shalt  }
0x69: {  	_ =	shalt  }
0x6a: {  	_ =	shalt  }
0x6b: {  	_ =	shalt  }
0x6c: {  	_ =	shalt  }
0x6d: {  	_ =	shalt  }
0x6e: {  	_ =	shalt  }
0x6f: {  	_ =	shalt  }
0x70: {  	_ =	shalt  }
0x71: {  	_ =	shalt  }
0x72: {  	_ =	shalt  }
0x73: {  	_ =	shalt  }
0x74: {  	_ =	shalt  }
0x75: {  	_ =	shalt  }
0x76: {  	_ =	shalt  }
0x77: {  	_ =	shalt  }
0x78: {  	_ =	shalt  }
0x79: {  	_ =	shalt  }
0x7a: {  	_ =	shalt  }
0x7b: {  	_ =	shalt  }
0x7c: {  	_ =	shalt  }
0x7d: {  	_ =	shalt  }
0x7e: {  	_ =	shalt  }
0x7f: {  	_ =	shalt  }
0x80: {  	_ =	shalt  }
0x81: {  	_ =	shalt  }
0x82: {  	_ =	shalt  }
0x83: {  	_ =	shalt  }
0x84: {  	_ =	shalt  }
0x85: {  	_ =	shalt  }
0x86: {  	_ =	shalt  }
0x87: {  	_ =	shalt  }
.Lfunc_end0:
.L_simem_size_0:
called_computation.2_lowered:
.L_overlay_start_0:
0x88: {  	s2 =	sld [smem:$0x3FD9]  }
0x89: {  	s3 =	sld [smem:$0x3FFE];
	_ =	sdelay $0x1  }
0x8a: {  	s1 =	srdreg.scid  }
0x8b: {  	s0 =	sand.u32 $0x1, s1  }
0x8c: {  	s16 =	sshll.u32 s0, $0xA;
	s2 =	sadd.s32 s3, s2  }
0x8d: {  	s2 =	sadd.s32 s2, s16  }
0x8e: {  	[smem:$0x3FBD] =	sst s2  }
0x8f: {  	_ = 	snop  }
0x90: {  	(tm) =	ssettm $0x1  }
0x91: {  	s17 =	sld [smem:$0x3FFB];
	_ =	sdelay $0x3  }
0x92: {  	_ =	strace s17  }
0x93: {  	s2 =	sld [smem:$0x3FFC];
	_ =	sdelay $0x3  }
0x94: {  	_ =	strace s2  }
0x95: {  	s2 =	sld [smem:$0x3FFD];
	_ =	sdelay $0x3  }
0x96: {  	_ =	strace s2  }
0x97: {  	_ =	strace $0x8FFFFFFF  }
0x98: {  	s18 =	sld [smem:$0x3FDB];
	_ =	sdelay $0x1  }
0x99: {  	s19 =	simm.s32 $_scs_section_size  }
0x9a: {  	s4 =	simm.s32 $_size__tile_overlayer_lowered;
	s5 =	simm.s32 $_tile_overlayer_lowered  }
0x9b: {  	s22 =	simm.s32 $0x1BFF;
	s21 =	sshll.u32 s5, $0x1;
	s2 =	sadd.s32 s19, s18  }
0x9c: {  	s6 =	simm.s32 $0x0;
	s20 =	sshll.u32 s4, $0x1;
	s4 =	sadd.s32 s21, s2  }
0x9d: {  	[timem:s6], [sflag:s22] =	dma.local [hbm:s4], s20  }
0x9e: {  	_ =	swait.ge [sflag:s22], s20  }
0x9f: {  	s3 =	ssub.s32 $0x0, s20;
	[sflag:s22] =	ssyncset.done $0x0  }
0xa0: {  	[sflag:s22] =	ssyncadd.s32 s3;
	_ =	sdelay $0x1  }
0xa1: {  	s23 =	simm.s32 $0x1B8B  }
0xa2: {  	_ =	swait.ge [sflag:s23], $0x1  }
0xa3: {  	[sflag:s23] =	ssyncset.done $0x0  }
0xa4: {  	s25 =	simm.s32 $0x1B8E;
	s24 =	sld [smem:$0x3FFE];
	[sflag:s23] =	ssyncadd.s32 $0xFFFFFFFF  }
0xa5: {  	s26 =	simm.s32 $execute0_lowered;
	[smem:$0x3FD2] =	sst s25  }
0xa6: {  	s4 =	sshll.u32 s26, $0x1;
	_ =	strace $0x8000004C;
	[dreg:$0x1] =	wrdreg $0xFFFFFFFF  }
0xa7: {  	s28 =	simm.s32 $_size_execute0_lowered;
	s2 =	sadd.s32 s2, s4;
	[dreg:$0x0] =	wrdreg $0x0  }
0xa8: {  	s4 =	sshll.u32 s28, $0x1;
	[dreg:$0x2] =	wrdreg s2  }
0xa9: {  	[dreg:$0x3] =	wrdreg s4  }
0xaa: {  	[dreg:$0x4] =	wrdreg $0xC0  }
0xab: {  	_ =	task [dreg:s6], $0x5FFFF  }
0xac: {  	[dreg:$0x1] =	wrdreg $0xFFFFFFFF  }
0xad: {  	[dreg:$0x0] =	wrdreg $0x60  }
0xae: {  	[dreg:$0x2] =	wrdreg s24  }
0xaf: {  	[dreg:$0x3] =	wrdreg $0x88000  }
0xb0: {  	[dreg:$0x4] =	wrdreg $0x9  }
0xb1: {  	_ =	task.clear_ibuf [dreg:s6], $0x5FFFF;
	_ =	strace $0x9000004C  }
0xb2: {  	s29 =	simm.s32 $0x9;
	_ =	strace $0x8000004E  }
0xb3: {  	_ =	swait.ge [sflag:s29], $0x1  }
0xb4: {  	[sflag:s29] =	ssyncadd.s32 $0xFFFFFFFF  }
0xb5: {  	_ =	strace $0x9000004E  }
0xb6: {  	_ =	sfence  }
0xb7: {  	s30 =	sld [smem:$0x0];
	_ =	sdelay $0x2  }
0xb8: {  	s31 =	sshll.u32 s1, $0xD;
	s1 =	sshrl.u32 s1, $0x2  }
0xb9: {  	s3 =	sand.u32 $0x4000, s31;
	s1 =	sadd.s32 s1, s30  }
0xba: {  	s0 =	sor.u32 s3, s0;
	s1 =	sshll.u32 s1, $0x11  }
0xbb: {  	s0 =	sor.u32 s1, s0  }
0xbc: {  	s0 =	sadd.s32 $0x8F2B, s0  }
0xbd: {  	[sflag:s0] =	ssyncadd.remote.s32 $0x1  }
0xbe: {  	_ =	sfence.sel $0xFFFF  }
0xbf: {  	[dreg:$0x0] =	wrdreg $0xFFFFFFFF;
	(pc) =	sbr.abs _section_cstart, $3  }
0xc0: {  	[dreg:$0x1] =	wrdreg $0xFFFFFFFF  }
0xc1: {  	_ =	task.clear_ibuf [dreg:s6], $0x2FFFF;
	_ =	strace $0x9FFFFFFF  }
0xc2: {  	(tm) =	ssettm $0x7FFFFFFF  }
0xc3: {  	_ =	shalt  }
tec
execute0_lowered:
.L_overlay_start_1:
0x0: {  	(tag) =	ssettag $0x1  }
0x1: {  	s0 =	rddreg [dreg:$0x0]  }
0x2: {  	s1 =	rddreg [dreg:$0x1]  }
0x3: {  	s2 =	srdreg.scid;
	s4 =	simm.s32 $0x0;
	s10 =	stileid.u32  }
0x4: {  	s29 =	simm.s32 $0x7;
	s31 =	simm.s32 $0x8;
	s30 =	simm.s32 $0x0  }
0x5: {  	s2 =	sand.u32 $0x1, s2;
	[smem:$0x7FF] =	sst s4;
	s5 =	smul.u32 $0x14000, s10  }
0x6: {  	s4 =	sadd.s32 $0x73800, s0;
	s6 =	sadd.s32 $0x5F800, s0;
	s8 =	smul.u32 $0x50000, s10  }
0x7: {  	s7 =	sadd.s32 $0xD000, s0;
	s24 =	sshll.u32 s10, $0x1;
	s28 =	smul.u32 $0xA000, s10  }
0x8: {  	s3 =	smul.u32 $0x140000, s2;
	_ =	strace $0x8000004D;
	s25 =	ssub.s32 $0x2, s2  }
0x9: {  	[dreg:$0x3] =	wrdreg s7;
	s9 =	sshrl.u32 s25, $0x1;
	s26 =	sshrl.u32 s8, $0x2  }
0xa: {  	s3 =	sadd.s32 s5, s3;
	s5 =	sor.u32 s2, s24;
	s2 =	smul.u32 $0x5000, s2  }
0xb: {  	s7 =	sadd.s32 s26, s1;
	s3 =	sshrl.u32 s3, $0x3;
	s5 =	smul.u32 $0x5000, s5  }
0xc: {  	[dreg:$0x4] =	wrdreg s7;
	s0 =	sadd.s32 s3, s0;
	s3 =	ssub.s32 s25, s9  }
0xd: {  	s9 =	sshll.u32 s10, $0x6;
	s2 =	sadd.s32 s2, s28;
	s5 =	sshrl.u32 s5, $0x3  }
0xe: {  	s24 =	sor.u32 $0x1C0B, s9;
	s15 =	sor.u32 $0xF00, s2;
	s7 =	sor.u32 $0xE00, s2  }
0xf: {  	s17 =	sor.u32 $0xD00, s2;
	s18 =	sor.u32 $0xC00, s2;
	s19 =	sor.u32 $0xB00, s2  }
0x10: {  	s22 =	sor.u32 $0xA00, s2;
	s23 =	sor.u32 $0x900, s2;
	s2 =	sor.u32 $0x800, s2  }
0x11: {  	s0 =	sadd.s32 $0x9B800, s0;
	s28 =	smax.u32 s3, $0x1;
	s9 =	simm.s32 $0x80  }
0x12: {  	s3 =	simm.s32 $0x6;
	s10 =	sadd.s32 s6, s5;
	s7 =	sshrl.u32 s7, $0x3  }
0x13: {  	s20 =	sshrl.u32 s18, $0x3;
	s21 =	sshrl.u32 s19, $0x3;
	[dreg:$0xe] =	wrdreg s0  }
0x14: {  	s25 =	sshrl.u32 s23, $0x3;
	s2 =	sshrl.u32 s2, $0x3;
	[dreg:$0xf] =	wrdreg s28  }
0x15: {  	s23 =	simm.s32 $0xA;
	s0 =	simm.s32 $0x0;
	[dreg:$0x6] =	wrdreg s24  }
0x16: {  	s5 =	sadd.s32 $0x20, s10;
	s11 =	sadd.s32 $0x40, s10;
	[dreg:$0x5] =	wrdreg s10  }
0x17: {  	s12 =	sadd.s32 $0x60, s10;
	s13 =	sadd.s32 $0x80, s10;
	[dreg:$0x7] =	wrdreg s5  }
0x18: {  	s14 =	sadd.s32 $0xA0, s10;
	s16 =	sadd.s32 $0xC0, s10;
	[dreg:$0x8] =	wrdreg s11  }
0x19: {  	s18 =	sadd.s32 s20, s6;
	s19 =	sadd.s32 s21, s6;
	[dreg:$0x9] =	wrdreg s12  }
0x1a: {  	s21 =	sadd.s32 s25, s6;
	s26 =	sadd.s32 $0xE0, s10;
	[dreg:$0xa] =	wrdreg s13  }
0x1b: {  	s10 =	simm.s32 $0x800;
	s25 =	simm.s32 $0x4;
	[dreg:$0xb] =	wrdreg s14  }
0x1c: {  	[dreg:$0xc] =	wrdreg s16;
	s5 =	sshrl.u32 s15, $0x3;
	s16 =	sadd.s32 s7, s6  }
.Ltmp0:
0x1d: {  	[dreg:$0xd] =	wrdreg s26;
	s26 =	simm.s32 $0xB;
	(pc) =	sbr.rel .LBB2_1-.Ltmp0, $4  }
0x1e: {  	s11 =	simm.s32 $0x2;
	s12 =	simm.s32 $0x4800;
	s13 =	simm.s32 $0x9  }
0x1f: {  	s14 =	simm.s32 $0x3;
	s15 =	sadd.s32 s5, s6;
	s5 =	sshrl.u32 s17, $0x3  }
0x20: {  	s17 =	sadd.s32 s5, s6;
	s5 =	sshrl.u32 s22, $0x3;
	s22 =	sadd.s32 s2, s6  }
0x21: {  	s20 =	sadd.s32 s5, s6;
	s5 =	simm.s32 $0x700;
	s6 =	simm.s32 $0x5  }
.LBB2_4:
0x22: {  	[bflag:$0x0] =	sbarrier.arrive $0xFFFF  }
0x23: {  	s24 =	rddreg [dreg:$0x6]  }
0x24: {  	s2 =	rddreg [dreg:$0xe]  }
0x25: {  	s0 =	rddreg [dreg:$0x11]  }
0x26: {  	[hbm:s2], [sflag:s24] =	dma.local [spmem:s0], $0x2800  }
0x27: {  	_ =	swait.ge [sflag:s26], $0x2800  }
0x28: {  	s8 =	rddreg [dreg:$0x10]  }
0x29: {  	s28 =	rddreg [dreg:$0xf];
	s0 =	sadd.s32 $0x1, s8  }
0x2a: {  	p0 =	sne.s32 s0, s28  }
.Ltmp1:
0x2b: {  	_ = 	snop;
	(pc) =	sbr.rel @!p0 .LBB2_5-.Ltmp1, $3  }
0x2c: {  	_ =	sdelay $0x1  }
0x2d: {  	[sflag:s26] =	ssyncset.done $0x0  }
0x2e: {  	[sflag:s26] =	ssyncadd.s32 $0xFFFFD800  }
.LBB2_1:
0x2f: {  	[dreg:$0x10] =	wrdreg s0  }
0x30: {  	s2 =	rddreg [dreg:$0x4]  }
0x31: {  	s28 =	rddreg [dreg:$0x3];
	s8 =	sshrl.u32 s2, $0x3  }
0x32: {  	[dreg:$0x11] =	wrdreg s8  }
0x33: {  	[spmem:s8], [sflag:s24] =	dma.local [hbm:s28], $0x2800  }
0x34: {  	_ =	swait.ge [sflag:s26], $0x2800  }
0x35: {  	[sflag:s26] =	ssyncset.done $0x0  }
0x36: {  	s2 =	simm.s32 $0x0;
	s7 =	rddreg [dreg:$0x5];
	[sflag:s26] =	ssyncadd.s32 $0xFFFFD800  }
0x37: {  	[tilespmem:s2], [sflag:$0x1] =	stream.linear.gather [hbm4b:s7+s2], $0x100, $0x38;
	[tilespmem:$0x1C800] =	vst v63  }
0x38: {  	s8 =	simm.s32 $0x100;
	s0 =	rddreg [dreg:$0x7]  }
0x39: {  	[tilespmem:s8], [sflag:$0x2] =	stream.linear.gather [hbm4b:s0+s2], $0x100, $0x38;
	[tilespmem:$0x1C800] =	vst v63  }
0x3a: {  	s28 =	simm.s32 $0x200;
	s24 =	rddreg [dreg:$0x8]  }
0x3b: {  	[tilespmem:s28], [sflag:$0x3] =	stream.linear.gather [hbm4b:s24+s2], $0x100, $0x38;
	[tilespmem:$0x1C800] =	vst v63  }
0x3c: {  	s24 =	rddreg [dreg:$0x9];
	s28 =	simm.s32 $0x300  }
0x3d: {  	[tilespmem:s28], [sflag:$0x4] =	stream.linear.gather [hbm4b:s24+s2], $0x100, $0x38;
	[tilespmem:$0x1C800] =	vst v63  }
0x3e: {  	s24 =	rddreg [dreg:$0xa];
	s28 =	simm.s32 $0x400  }
0x3f: {  	[tilespmem:s28], [sflag:$0x5] =	stream.linear.gather [hbm4b:s24+s2], $0x100, $0x38;
	[tilespmem:$0x1C800] =	vst v63  }
0x40: {  	s24 =	rddreg [dreg:$0xb];
	s28 =	simm.s32 $0x500  }
0x41: {  	[tilespmem:s28], [sflag:$0x6] =	stream.linear.gather [hbm4b:s24+s2], $0x100, $0x38;
	[tilespmem:$0x1C800] =	vst v63  }
0x42: {  	s24 =	rddreg [dreg:$0xc];
	s28 =	simm.s32 $0x600  }
0x43: {  	[tilespmem:s28], [sflag:$0x7] =	stream.linear.gather [hbm4b:s24+s2], $0x100, $0x38;
	[tilespmem:$0x1C800] =	vst v63  }
0x44: {  	s24 =	rddreg [dreg:$0xd]  }
0x45: {  	[tilespmem:s5], [sflag:$0x8] =	stream.linear.gather [hbm4b:s24+s2], $0x100, $0x38;
	[tilespmem:$0x1C800] =	vst v63  }
0x46: {  	s28 =	simm.s32 $0x1;
	[bflag:$0x0] =	sbarrier.arrive $0xFFFF  }
0x47: {  	_ =	swait.ge [sflag:s28], $0x100  }
0x48: {  	[sflag:s28] =	ssyncset.done $0x0  }
0x49: {  	[sflag:s28] =	ssyncadd.s32 $0xFFFFFF00  }
0x4a: {  	[tilespmem:s10], [sflag:$0x9] =	stream.indirect.gather [hbm4b:s4+s9], $0x80, s2, s9, $0xb8;
	[tilespmem:$0x1C800] =	vst v63  }
0x4b: {  	_ =	swait.ge [sflag:s11], $0x100  }
0x4c: {  	[sflag:s11] =	ssyncset.done $0x0  }
0x4d: {  	s0 =	simm.s32 $0x100;
	s2 =	simm.s32 $0x0;
	[sflag:s11] =	ssyncadd.s32 $0xFFFFFF00  }
0x4e: {  	[tilespmem:s12], [sflag:$0xA] =	stream.indirect.gather [hbm4b:s4+s9], $0x80, s8, s9, $0xb8;
	[tilespmem:$0x1C800] =	vst v63  }
.LBB2_2:
0x4f: {  	_ =	swait.ge [sflag:s13], $0x4000  }
0x50: {  	[sflag:s13] =	ssyncset.done $0x0  }
0x51: {  	[sflag:s13] =	ssyncadd.s32 $0xFFFFC000  }
0x52: {  	[spmem:s1] =	stream.indirect.scatter.add.f32 [tilespmem:s10], [sflag:$0xB], $0x80, s9, s9, $0xb8;
	[tilespmem:$0x1C800] =	vst v63  }
0x53: {  	_ =	swait.ge [sflag:s26], $0x4000  }
0x54: {  	[sflag:s26] =	ssyncset.done $0x0  }
0x55: {  	[sflag:s26] =	ssyncadd.s32 $0xFFFFC000  }
0x56: {  	_ =	swait.ge [sflag:s14], $0x100  }
0x57: {  	[sflag:s14] =	ssyncset.done $0x0  }
0x58: {  	s7 =	simm.s32 $0x200;
	p0 =	seq.s32 s2, $0x900;
	[sflag:s14] =	ssyncadd.s32 $0xFFFFFF00  }
0x59: {  	[tilespmem:s10], [sflag:$0x9] =	stream.indirect.gather [hbm4b:s4+s9], $0x80, s7, s9, $0xb8;
	[tilespmem:$0x1C800] =	vst v63  }
0x5a: {  	s24 =	simm.s32 @!p0 $0x0;
	s7 =	sadd.s32 @!p0 s2, s22  }
0x5b: {  	[tilespmem:s24], [sflag:$0x1] =	stream.linear.gather @!p0 [hbm4b:s7+s24], $0x100, $0x38;
	[tilespmem:$0x1C800] =	vst v63  }
0x5c: {  	_ =	swait.ge [sflag:s23], $0x4000  }
0x5d: {  	[sflag:s23] =	ssyncset.done $0x0  }
0x5e: {  	s8 =	simm.s32 $0x180;
	[sflag:s23] =	ssyncadd.s32 $0xFFFFC000  }
0x5f: {  	[spmem:s1] =	stream.indirect.scatter.add.f32 [tilespmem:s12], [sflag:$0xB], $0x80, s8, s9, $0xb8;
	[tilespmem:$0x1C800] =	vst v63  }
0x60: {  	_ =	swait.ge [sflag:s26], $0x4000  }
0x61: {  	[sflag:s26] =	ssyncset.done $0x0  }
0x62: {  	[sflag:s26] =	ssyncadd.s32 $0xFFFFC000  }
0x63: {  	_ =	swait.ge [sflag:s25], $0x100  }
0x64: {  	[sflag:s25] =	ssyncset.done $0x0  }
0x65: {  	s28 =	simm.s32 $0x300;
	[sflag:s25] =	ssyncadd.s32 $0xFFFFFF00  }
0x66: {  	[tilespmem:s12], [sflag:$0xA] =	stream.indirect.gather [hbm4b:s4+s9], $0x80, s28, s9, $0xb8;
	[tilespmem:$0x1C800] =	vst v63  }
0x67: {  	s7 =	sadd.s32 @!p0 s2, s21;
	s8 =	simm.s32 @!p0 $0x100  }
0x68: {  	[tilespmem:s8], [sflag:$0x2] =	stream.linear.gather @!p0 [hbm4b:s7+s24], $0x100, $0x38;
	[tilespmem:$0x1C800] =	vst v63  }
0x69: {  	_ =	swait.ge [sflag:s13], $0x4000  }
0x6a: {  	[sflag:s13] =	ssyncset.done $0x0  }
0x6b: {  	s8 =	simm.s32 $0x280;
	[sflag:s13] =	ssyncadd.s32 $0xFFFFC000  }
0x6c: {  	[spmem:s1] =	stream.indirect.scatter.add.f32 [tilespmem:s10], [sflag:$0xB], $0x80, s8, s9, $0xb8;
	[tilespmem:$0x1C800] =	vst v63  }
0x6d: {  	_ =	swait.ge [sflag:s26], $0x4000  }
0x6e: {  	[sflag:s26] =	ssyncset.done $0x0  }
0x6f: {  	[sflag:s26] =	ssyncadd.s32 $0xFFFFC000  }
0x70: {  	_ =	swait.ge [sflag:s6], $0x100  }
0x71: {  	[sflag:s6] =	ssyncset.done $0x0  }
0x72: {  	s28 =	simm.s32 $0x400;
	[sflag:s6] =	ssyncadd.s32 $0xFFFFFF00  }
0x73: {  	[tilespmem:s10], [sflag:$0x9] =	stream.indirect.gather [hbm4b:s4+s9], $0x80, s28, s9, $0xb8;
	[tilespmem:$0x1C800] =	vst v63  }
0x74: {  	s7 =	sadd.s32 @!p0 s2, s20;
	s8 =	simm.s32 @!p0 $0x200  }
0x75: {  	[tilespmem:s8], [sflag:$0x3] =	stream.linear.gather @!p0 [hbm4b:s7+s24], $0x100, $0x38;
	[tilespmem:$0x1C800] =	vst v63  }
0x76: {  	_ =	swait.ge [sflag:s23], $0x4000  }
0x77: {  	[sflag:s23] =	ssyncset.done $0x0  }
0x78: {  	s8 =	simm.s32 $0x380;
	[sflag:s23] =	ssyncadd.s32 $0xFFFFC000  }
0x79: {  	[spmem:s1] =	stream.indirect.scatter.add.f32 [tilespmem:s12], [sflag:$0xB], $0x80, s8, s9, $0xb8;
	[tilespmem:$0x1C800] =	vst v63  }
0x7a: {  	_ =	swait.ge [sflag:s26], $0x4000  }
0x7b: {  	[sflag:s26] =	ssyncset.done $0x0  }
0x7c: {  	[sflag:s26] =	ssyncadd.s32 $0xFFFFC000  }
0x7d: {  	_ =	swait.ge [sflag:s3], $0x100  }
0x7e: {  	[sflag:s3] =	ssyncset.done $0x0  }
0x7f: {  	s28 =	simm.s32 $0x500;
	[sflag:s3] =	ssyncadd.s32 $0xFFFFFF00  }
0x80: {  	[tilespmem:s12], [sflag:$0xA] =	stream.indirect.gather [hbm4b:s4+s9], $0x80, s28, s9, $0xb8;
	[tilespmem:$0x1C800] =	vst v63  }
0x81: {  	s7 =	sadd.s32 @!p0 s2, s19;
	s8 =	simm.s32 @!p0 $0x300  }
0x82: {  	[tilespmem:s8], [sflag:$0x4] =	stream.linear.gather @!p0 [hbm4b:s7+s24], $0x100, $0x38;
	[tilespmem:$0x1C800] =	vst v63  }
0x83: {  	_ =	swait.ge [sflag:s13], $0x4000  }
0x84: {  	[sflag:s13] =	ssyncset.done $0x0  }
0x85: {  	s8 =	simm.s32 $0x480;
	[sflag:s13] =	ssyncadd.s32 $0xFFFFC000  }
0x86: {  	[spmem:s1] =	stream.indirect.scatter.add.f32 [tilespmem:s10], [sflag:$0xB], $0x80, s8, s9, $0xb8;
	[tilespmem:$0x1C800] =	vst v63  }
0x87: {  	_ =	swait.ge [sflag:s26], $0x4000  }
0x88: {  	[sflag:s26] =	ssyncset.done $0x0  }
0x89: {  	[sflag:s26] =	ssyncadd.s32 $0xFFFFC000  }
0x8a: {  	_ =	swait.ge [sflag:s29], $0x100  }
0x8b: {  	[sflag:s29] =	ssyncset.done $0x0  }
0x8c: {  	s28 =	simm.s32 $0x600;
	[sflag:s29] =	ssyncadd.s32 $0xFFFFFF00  }
0x8d: {  	[tilespmem:s10], [sflag:$0x9] =	stream.indirect.gather [hbm4b:s4+s9], $0x80, s28, s9, $0xb8;
	[tilespmem:$0x1C800] =	vst v63  }
0x8e: {  	s7 =	sadd.s32 @!p0 s2, s18;
	s8 =	simm.s32 @!p0 $0x400  }
0x8f: {  	[tilespmem:s8], [sflag:$0x5] =	stream.linear.gather @!p0 [hbm4b:s7+s24], $0x100, $0x38;
	[tilespmem:$0x1C800] =	vst v63  }
0x90: {  	_ =	swait.ge [sflag:s23], $0x4000  }
0x91: {  	[sflag:s23] =	ssyncset.done $0x0  }
0x92: {  	s8 =	simm.s32 $0x580;
	[sflag:s23] =	ssyncadd.s32 $0xFFFFC000  }
0x93: {  	[spmem:s1] =	stream.indirect.scatter.add.f32 [tilespmem:s12], [sflag:$0xB], $0x80, s8, s9, $0xb8;
	[tilespmem:$0x1C800] =	vst v63  }
0x94: {  	_ =	swait.ge [sflag:s26], $0x4000  }
0x95: {  	[sflag:s26] =	ssyncset.done $0x0  }
0x96: {  	[sflag:s26] =	ssyncadd.s32 $0xFFFFC000  }
0x97: {  	_ =	swait.ge [sflag:s31], $0x100  }
0x98: {  	[sflag:s31] =	ssyncset.done $0x0  }
0x99: {  	s7 =	simm.s32 @p0 $0x9;
	[sflag:s31] =	ssyncadd.s32 $0xFFFFFF00  }
0x9a: {  	[tilespmem:s12], [sflag:$0xA] =	stream.indirect.gather [hbm4b:s4+s9], $0x80, s5, s9, $0xb8;
	[tilespmem:$0x1C800] =	vst v63  }
0x9b: {  	_ =	swait.ge @p0 [sflag:s7], $0x4000  }
0x9c: {  	s28 =	simm.s32 @p0 $0x800;
	[sflag:s7] =	ssyncset.done @p0 $0x0  }
0x9d: {  	s8 =	simm.s32 @p0 $0x680;
	[sflag:s7] =	ssyncadd.s32 @p0 $0xFFFFC000;
	s7 =	simm.s32 @p0 $0x80  }
0x9e: {  	[spmem:s1] =	stream.indirect.scatter.add.f32 @p0 [tilespmem:s28], [sflag:$0xB], $0x80, s8, s7, $0xb8;
	[tilespmem:$0x1C800] =	vst v63  }
0x9f: {  	s7 =	simm.s32 @p0 $0xB  }
0xa0: {  	_ =	swait.ge @p0 [sflag:s7], $0x4000  }
0xa1: {  	[sflag:s7] =	ssyncset.done @p0 $0x0  }
0xa2: {  	s8 =	simm.s32 @!p0 $0x500;
	[sflag:s7] =	ssyncadd.s32 @p0 $0xFFFFC000;
	s7 =	sadd.s32 @!p0 s2, s17  }
0xa3: {  	[tilespmem:s8], [sflag:$0x6] =	stream.linear.gather @!p0 [hbm4b:s7+s24], $0x100, $0x38;
	[tilespmem:$0x1C800] =	vst v63  }
0xa4: {  	s7 =	simm.s32 @!p0 $0x9  }
0xa5: {  	_ =	swait.ge @!p0 [sflag:s7], $0x4000  }
0xa6: {  	s28 =	simm.s32 @!p0 $0x800;
	[sflag:s7] =	ssyncset.done @!p0 $0x0  }
0xa7: {  	s8 =	simm.s32 @!p0 $0x680;
	[sflag:s7] =	ssyncadd.s32 @!p0 $0xFFFFC000;
	s7 =	simm.s32 @!p0 $0x80  }
0xa8: {  	[spmem:s1] =	stream.indirect.scatter.add.f32 @!p0 [tilespmem:s28], [sflag:$0xB], $0x80, s8, s7, $0xb8;
	[tilespmem:$0x1C800] =	vst v63  }
0xa9: {  	s8 =	simm.s32 @!p0 $0xB  }
0xaa: {  	_ =	swait.ge @!p0 [sflag:s8], $0x4000  }
0xab: {  	[sflag:s8] =	ssyncset.done @!p0 $0x0  }
0xac: {  	[sflag:s8] =	ssyncadd.s32 @!p0 $0xFFFFC000;
	s8 =	simm.s32 @!p0 $0x1  }
0xad: {  	_ =	swait.ge @!p0 [sflag:s8], $0x100  }
0xae: {  	[sflag:s8] =	ssyncset.done @!p0 $0x0  }
0xaf: {  	[sflag:s8] =	ssyncadd.s32 @!p0 $0xFFFFFF00  }
0xb0: {  	[tilespmem:s28], [sflag:$0x9] =	stream.indirect.gather @!p0 [hbm4b:s4+s7], $0x80, s24, s7, $0xb8;
	[tilespmem:$0x1C800] =	vst v63  }
0xb1: {  	s8 =	simm.s32 @!p0 $0x600;
	s7 =	sadd.s32 @!p0 s2, s16  }
0xb2: {  	[tilespmem:s8], [sflag:$0x7] =	stream.linear.gather @!p0 [hbm4b:s7+s24], $0x100, $0x38;
	[tilespmem:$0x1C800] =	vst v63  }
0xb3: {  	_ =	swait.ge [sflag:s23], $0x4000  }
0xb4: {  	[sflag:s23] =	ssyncset.done $0x0  }
.Ltmp2:
0xb5: {  	s28 =	simm.s32 $0x780;
	[sflag:s23] =	ssyncadd.s32 $0xFFFFC000;
	(pc) =	sbr.rel @p0 .LBB2_4-.Ltmp2, $4  }
0xb6: {  	[spmem:s1] =	stream.indirect.scatter.add.f32 [tilespmem:s12], [sflag:$0xB], $0x80, s28, s9, $0xb8;
	[tilespmem:$0x1C800] =	vst v63  }
0xb7: {  	_ =	swait.ge [sflag:s26], $0x4000  }
0xb8: {  	[sflag:s26] =	ssyncset.done $0x0  }
0xb9: {  	[sflag:s26] =	ssyncadd.s32 $0xFFFFC000  }
0xba: {  	_ =	swait.ge [sflag:s11], $0x100  }
.Ltmp3:
0xbb: {  	[sflag:s11] =	ssyncset.done $0x0;
	(pc) =	sbr.rel .LBB2_2-.Ltmp3, $4  }
0xbc: {  	[sflag:s11] =	ssyncadd.s32 $0xFFFFFF00  }
0xbd: {  	[tilespmem:s12], [sflag:$0xA] =	stream.indirect.gather [hbm4b:s4+s9], $0x80, s0, s9, $0xb8;
	[tilespmem:$0x1C800] =	vst v63  }
0xbe: {  	s7 =	sadd.s32 s2, s15;
	s2 =	sadd.s32 $0x100, s2  }
0xbf: {  	[tilespmem:s5], [sflag:$0x8] =	stream.linear.gather [hbm4b:s7+s30], $0x100, $0x38;
	[tilespmem:$0x1C800] =	vst v63  }
.LBB2_5:
0xc0: {  	_ =	sfence.sel $0x180000  }
0xc1: {  	[bflag:$0x0] =	sbarrier.arrive $0xFFFF  }
0xc2: {  	_ =	strace $0x9000004D  }
0xc3: {  	s0 =	stileid.u32;
	[bflag:$0x2] =	sbarrier.arrive $0xFFFF  }
0xc4: {  	p0 =	sne.s32 s0, $0x0;
	s0 =	rddreg [dreg:$0x2]  }
0xc5: {  	s0 =	sadd.s32 @!p0 $0x100000, s0  }
0xc6: {  	[sflag:s0] =	ssyncadd.tile.s32 @!p0 $0x1;
	_ =	shalt  }
.Lfunc_end2:
_tile_overlayer_lowered:
.L_overlay_start_2:
0xc7: {  	(tag) =	ssettag $0x2  }
0xc8: {  	s0 =	rddreg [dreg:$0x0];
	s2 =	stileid.u32  }
0xc9: {  	s1 =	rddreg [dreg:$0x1];
	p0 =	sne.s32 s2, $0x0  }
0xca: {  	s3 =	rddreg [dreg:$0x2];
	[bflag:$0x3] =	sbarrier.arrive $0xFFFF;
	s2 =	simm.s32 @!p0 $0x1C0B  }
0xcb: {  	[timem:s3], [sflag:s2] =	dma.local @!p0 [hbm:s0], s1  }
0xcc: {  	s0 =	simm.s32 @!p0 $0xB  }
0xcd: {  	_ =	swait.ge @!p0 [sflag:s0], s1  }
0xce: {  	s1 =	ssub.s32 @!p0 $0x0, s1;
	[sflag:s0] =	ssyncset.done @!p0 $0x0  }
0xcf: {  	[sflag:s0] =	ssyncadd.s32 @!p0 s1  }
0xd0: {  	[bflag:$0x3] =	sbarrier.arrive $0xFFFF  }
0xd1: {  	_ =	shalt  }

// kernel: kernel.9.cloned.1.call-start
scs
__scs_entry_jumppad:
0x0: {  	(pc) =	sbr.rel $0x88, $3  }
0x1: {  	(tag) =	ssettag $0x0;
	lr =	simm.s32 $0x1  }
0x2: {  	[smem:$0x3F96] =	sst lr;
	_ =	strace $0xD0000000  }
0x3: {  	_ = 	snop  }
0x4: {  	_ = 	snop  }
0x5: {  	_ = 	snop  }
0x6: {  	_ = 	snop  }
0x7: {  	_ = 	snop  }
__scs_overlays_trampoline_lowered:
0x8: {  	[smem:$0x3FA5] =	sst s0  }
0x9: {  	[smem:$0x3FA6] =	sst s1  }
0xa: {  	[smem:$0x3FA7] =	sst s2  }
0xb: {  	[smem:$0x3FA8] =	sst s3  }
0xc: {  	[smem:$0x3FA9] =	sst s4  }
0xd: {  	[smem:$0x3FAA] =	sst s5  }
0xe: {  	[smem:$0x3FAB] =	sst s6  }
0xf: {  	[smem:$0x3FAC] =	sst s7  }
0x10: {  	[smem:$0x3FAD] =	sst s8  }
0x11: {  	[smem:$0x3FAE] =	sst s9;
	s0 =	simm.s32 @!p0 $0x0  }
0x12: {  	s1 =	sld [smem:$0x3F94];
	s0 =	simm.s32 @p0 $0x1  }
0x13: {  	[smem:$0x3FAF] =	sst s0;
	s0 =	simm.s32 @!p1 $0x0  }
0x14: {  	s2 =	sld [smem:$0x3F93];
	s0 =	simm.s32 @p1 $0x1  }
0x15: {  	[smem:$0x3FB0] =	sst s0;
	s0 =	simm.s32 @!p2 $0x0  }
0x16: {  	s3 =	sld [smem:$0x3FDB];
	s0 =	simm.s32 @p2 $0x1  }
0x17: {  	s4 =	simm.s32 $0x1BF5;
	[smem:$0x3FB2] =	sst s0  }
0x18: {  	s0 =	sld [smem:$0x3F95];
	_ =	swait.ge [sflag:s4], $0x0  }
0x19: {  	s7 =	sld [smem:$0x3F96]  }
0x1a: {  	s8 =	sadd.s32 $0xFFFFE003, lr  }
0x1b: {  	s9 =	sadd.s32 $0xFFFFFEF7, lr;
	s5 =	simm.s32 $0xFFFFFFFF;
	p2 =	slt.u32 s8, $0xFFFFF086  }
0x1c: {  	p1 =	slt.u32 s9, $0xF7A;
	s5 =	simm.s32 @!p2 $0x0  }
0x1d: {  	s5 =	simm.s32 @p1 $0x1;
	p0 =	seq.s32 s7, s2  }
0x1e: {  	s7 =	smul.u32 @!p0 $0xF7A, s2;
	p2 =	seq.s32 @!p0 s5, $0x0  }
0x1f: {  	s9 =	smul.u32 $0xF7A, s1;
	s8 =	simm.s32 @!p0 $0x1BF5;
	p2 =	por !p2, p0  }
0x20: {  	[sflag:s8] =	ssyncset.s32 @!p0 $0xFFFFF086;
	s6 =	sadd.s32 @!p0 s3, s7;
	s7 =	simm.s32 @!p0 $0x108  }
0x21: {  	s3 =	sadd.s32 s3, s9;
	s6 =	sadd.s32 @!p0 $0x88, s6;
	s7 =	simm.s32 @p2 $0x1082  }
0x22: {  	[simem:s7], [sflag:s8] =	dma.local @!p0 [hbm:s6], $0xF7A  }
0x23: {  	s9 =	sor.u32 $0xD0000000, s2;
	s6 =	simm.s32 $0x108;
	_ =	swait.ge @!p0 [sflag:s8], $0x0  }
0x24: {  	s3 =	sadd.s32 $0x88, s3;
	s6 =	simm.s32 @!p1 $0x1082;
	[sflag:s4] =	ssyncset.s32 $0xFFFFF086  }
0x25: {  	[simem:s6], [sflag:s4] =	dma.local [hbm:s3], $0xF7A  }
0x26: {  	[smem:$0x3F96] =	sst s1;
	(tag) =	ssettag s2;
	_ =	strace s9  }
0x27: {  	s1 =	sld [smem:$0x3FA6]  }
0x28: {  	s2 =	sld [smem:$0x3FA7]  }
0x29: {  	s4 =	sld [smem:$0x3FA9]  }
0x2a: {  	p0 =	seq.s32 s5, $0x0;
	s5 =	sld [smem:$0x3FAA]  }
0x2b: {  	s6 =	sld [smem:$0x3FAB]  }
0x2c: {  	s7 =	sld [smem:$0x3FAC]  }
0x2d: {  	s3 =	simm.s32 $0x108;
	s8 =	sld [smem:$0x3FAD]  }
0x2e: {  	s3 =	simm.s32 @!p0 $0x1082;
	s9 =	sld [smem:$0x3FAE]  }
0x2f: {  	lr =	sadd.s32 s0, s3;
	s0 =	sld [smem:$0x3FA5]  }
0x30: {  	s3 =	sld [smem:$0x3FA8]  }
0x31: {  	[smem:$0x3FB1] =	sst s10  }
0x32: {  	s10 =	sld [smem:$0x3FAF];
	_ =	sdelay $0x3  }
0x33: {  	p0 =	seq.s32 s10, $0x1;
	s10 =	sld [smem:$0x3FB1];
	_ =	sdelay $0x3  }
0x34: {  	[smem:$0x3FB1] =	sst s10  }
0x35: {  	s10 =	sld [smem:$0x3FB0];
	_ =	sdelay $0x3  }
0x36: {  	p1 =	seq.s32 s10, $0x1;
	s10 =	sld [smem:$0x3FB1];
	_ =	sdelay $0x3  }
0x37: {  	[smem:$0x3FB1] =	sst s10  }
0x38: {  	s10 =	sld [smem:$0x3FB2]  }
0x39: {  	_ = 	snop;
	(pc) =	sbr.ind lr, $3  }
0x3a: {  	_ = 	snop  }
0x3b: {  	_ = 	snop  }
0x3c: {  	p2 =	seq.s32 s10, $0x1;
	s10 =	sld [smem:$0x3FB1]  }
0x3d: {  	_ =	shalt  }
0x3e: {  	_ =	shalt  }
0x3f: {  	_ =	shalt  }
0x40: {  	_ =	shalt  }
0x41: {  	_ =	shalt  }
0x42: {  	_ =	shalt  }
0x43: {  	_ =	shalt  }
0x44: {  	_ =	shalt  }
0x45: {  	_ =	shalt  }
0x46: {  	_ =	shalt  }
0x47: {  	_ =	shalt  }
0x48: {  	_ =	shalt  }
0x49: {  	_ =	shalt  }
0x4a: {  	_ =	shalt  }
0x4b: {  	_ =	shalt  }
0x4c: {  	_ =	shalt  }
0x4d: {  	_ =	shalt  }
0x4e: {  	_ =	shalt  }
0x4f: {  	_ =	shalt  }
0x50: {  	_ =	shalt  }
0x51: {  	_ =	shalt  }
0x52: {  	_ =	shalt  }
0x53: {  	_ =	shalt  }
0x54: {  	_ =	shalt  }
0x55: {  	_ =	shalt  }
0x56: {  	_ =	shalt  }
0x57: {  	_ =	shalt  }
0x58: {  	_ =	shalt  }
0x59: {  	_ =	shalt  }
0x5a: {  	_ =	shalt  }
0x5b: {  	_ =	shalt  }
0x5c: {  	_ =	shalt  }
0x5d: {  	_ =	shalt  }
0x5e: {  	_ =	shalt  }
0x5f: {  	_ =	shalt  }
0x60: {  	_ =	shalt  }
0x61: {  	_ =	shalt  }
0x62: {  	_ =	shalt  }
0x63: {  	_ =	shalt  }
0x64: {  	_ =	shalt  }
0x65: {  	_ =	shalt  }
0x66: {  	_ =	shalt  }
0x67: {  	_ =	shalt  }
0x68: {  	_ =	shalt  }
0x69: {  	_ =	shalt  }
0x6a: {  	_ =	shalt  }
0x6b: {  	_ =	shalt  }
0x6c: {  	_ =	shalt  }
0x6d: {  	_ =	shalt  }
0x6e: {  	_ =	shalt  }
0x6f: {  	_ =	shalt  }
0x70: {  	_ =	shalt  }
0x71: {  	_ =	shalt  }
0x72: {  	_ =	shalt  }
0x73: {  	_ =	shalt  }
0x74: {  	_ =	shalt  }
0x75: {  	_ =	shalt  }
0x76: {  	_ =	shalt  }
0x77: {  	_ =	shalt  }
0x78: {  	_ =	shalt  }
0x79: {  	_ =	shalt  }
0x7a: {  	_ =	shalt  }
0x7b: {  	_ =	shalt  }
0x7c: {  	_ =	shalt  }
0x7d: {  	_ =	shalt  }
0x7e: {  	_ =	shalt  }
0x7f: {  	_ =	shalt  }
0x80: {  	_ =	shalt  }
0x81: {  	_ =	shalt  }
0x82: {  	_ =	shalt  }
0x83: {  	_ =	shalt  }
0x84: {  	_ =	shalt  }
0x85: {  	_ =	shalt  }
0x86: {  	_ =	shalt  }
0x87: {  	_ =	shalt  }
.Lfunc_end0:
.L_simem_size_0:
called_computation_lowered:
.L_overlay_start_0:
0x88: {  	s2 =	sld [smem:$0x3FD9]  }
0x89: {  	s3 =	sld [smem:$0x3FFE];
	_ =	sdelay $0x1  }
0x8a: {  	s1 =	srdreg.scid  }
0x8b: {  	s0 =	sand.u32 $0x1, s1  }
0x8c: {  	s16 =	sshll.u32 s0, $0xA;
	s2 =	sadd.s32 s3, s2  }
0x8d: {  	s2 =	sadd.s32 s2, s16  }
0x8e: {  	[smem:$0x3FBD] =	sst s2  }
0x8f: {  	_ = 	snop  }
0x90: {  	(tm) =	ssettm $0x1  }
0x91: {  	s17 =	sld [smem:$0x3FFB];
	_ =	sdelay $0x3  }
0x92: {  	_ =	strace s17  }
0x93: {  	s2 =	sld [smem:$0x3FFC];
	_ =	sdelay $0x3  }
0x94: {  	_ =	strace s2  }
0x95: {  	s2 =	sld [smem:$0x3FFD];
	_ =	sdelay $0x3  }
0x96: {  	_ =	strace s2  }
0x97: {  	_ =	strace $0x8FFFFFFF  }
0x98: {  	s18 =	sld [smem:$0x3FDB];
	_ =	sdelay $0x1  }
0x99: {  	s19 =	simm.s32 $_scs_section_size  }
0x9a: {  	s4 =	simm.s32 $_size__tile_overlayer_lowered;
	s5 =	simm.s32 $_tile_overlayer_lowered  }
0x9b: {  	s22 =	simm.s32 $0x1BFF;
	s21 =	sshll.u32 s5, $0x1;
	s2 =	sadd.s32 s19, s18  }
0x9c: {  	s6 =	simm.s32 $0x0;
	s20 =	sshll.u32 s4, $0x1;
	s4 =	sadd.s32 s21, s2  }
0x9d: {  	[timem:s6], [sflag:s22] =	dma.local [hbm:s4], s20  }
0x9e: {  	_ =	swait.ge [sflag:s22], s20  }
0x9f: {  	s3 =	ssub.s32 $0x0, s20;
	[sflag:s22] =	ssyncset.done $0x0  }
0xa0: {  	[sflag:s22] =	ssyncadd.s32 s3;
	_ =	sdelay $0x1  }
0xa1: {  	s23 =	simm.s32 $0x1B8B  }
0xa2: {  	_ =	swait.ge [sflag:s23], $0x1  }
0xa3: {  	[sflag:s23] =	ssyncset.done $0x0  }
0xa4: {  	s25 =	simm.s32 $0x1B8E;
	s24 =	sld [smem:$0x3FFE];
	[sflag:s23] =	ssyncadd.s32 $0xFFFFFFFF  }
0xa5: {  	s26 =	simm.s32 $execute0_lowered;
	[smem:$0x3FD2] =	sst s25  }
0xa6: {  	s4 =	sshll.u32 s26, $0x1;
	_ =	strace $0x80000046;
	[dreg:$0x1] =	wrdreg $0xFFFFFFFF  }
0xa7: {  	s28 =	simm.s32 $_size_execute0_lowered;
	s2 =	sadd.s32 s2, s4;
	[dreg:$0x0] =	wrdreg $0x0  }
0xa8: {  	s4 =	sshll.u32 s28, $0x1;
	[dreg:$0x2] =	wrdreg s2  }
0xa9: {  	[dreg:$0x3] =	wrdreg s4  }
0xaa: {  	[dreg:$0x4] =	wrdreg $0xC0  }
0xab: {  	_ =	task [dreg:s6], $0x5FFFF  }
0xac: {  	[dreg:$0x1] =	wrdreg $0xFFFFFFFF  }
0xad: {  	[dreg:$0x0] =	wrdreg $0x60  }
0xae: {  	[dreg:$0x2] =	wrdreg s24  }
0xaf: {  	[dreg:$0x3] =	wrdreg $0x68000  }
0xb0: {  	[dreg:$0x4] =	wrdreg $0x9  }
0xb1: {  	_ =	task.clear_ibuf [dreg:s6], $0x5FFFF;
	_ =	strace $0x90000046  }
0xb2: {  	s29 =	simm.s32 $0x9;
	_ =	strace $0x80000048  }
0xb3: {  	_ =	swait.ge [sflag:s29], $0x1  }
0xb4: {  	[sflag:s29] =	ssyncadd.s32 $0xFFFFFFFF  }
0xb5: {  	_ =	strace $0x90000048  }
0xb6: {  	_ =	sfence  }
0xb7: {  	s30 =	sld [smem:$0x0];
	_ =	sdelay $0x2  }
0xb8: {  	s31 =	sshll.u32 s1, $0xD;
	s1 =	sshrl.u32 s1, $0x2  }
0xb9: {  	s3 =	sand.u32 $0x4000, s31;
	s1 =	sadd.s32 s1, s30  }
0xba: {  	s0 =	sor.u32 s3, s0;
	s1 =	sshll.u32 s1, $0x11  }
0xbb: {  	s0 =	sor.u32 s1, s0  }
0xbc: {  	s0 =	sadd.s32 $0x8F2B, s0  }
0xbd: {  	[sflag:s0] =	ssyncadd.remote.s32 $0x1  }
0xbe: {  	_ =	sfence.sel $0xFFFF  }
0xbf: {  	[dreg:$0x0] =	wrdreg $0xFFFFFFFF;
	(pc) =	sbr.abs _section_cstart, $3  }
0xc0: {  	[dreg:$0x1] =	wrdreg $0xFFFFFFFF  }
0xc1: {  	_ =	task.clear_ibuf [dreg:s6], $0x2FFFF;
	_ =	strace $0x9FFFFFFF  }
0xc2: {  	(tm) =	ssettm $0x7FFFFFFF  }
0xc3: {  	_ =	shalt  }
tec
execute0_lowered:
.L_overlay_start_1:
0x0: {  	(tag) =	ssettag $0x1  }
0x1: {  	s1 =	srdreg.scid  }
0x2: {  	s0 =	stileid.u32;
	s7 =	rddreg [dreg:$0x0]  }
0x3: {  	s2 =	rddreg [dreg:$0x1];
	s3 =	simm.s32 $0x0;
	s12 =	simm.s32 $0x2800  }
0x4: {  	s13 =	simm.s32 $0x80;
	s14 =	simm.s32 $0x0;
	s8 =	smul.u32 $0x14000, s0  }
0x5: {  	s6 =	sand.u32 $0x1, s1;
	s29 =	sshll.u32 s0, $0x1;
	s10 =	smul.u32 $0x50000, s0  }
0x6: {  	[smem:$0x7FF] =	sst s3;
	s1 =	sor.u32 s6, s29;
	s5 =	smul.u32 $0x140000, s6  }
0x7: {  	s31 =	sshll.u32 s0, $0x6;
	s6 =	ssub.s32 $0x2, s6;
	s4 =	smul.u32 $0x500, s1  }
0x8: {  	s1 =	rddreg [dreg:$0x2];
	_ =	strace $0x80000047;
	s30 =	sshrl.u32 s6, $0x1  }
0x9: {  	s10 =	sshrl.u32 s10, $0x2;
	s8 =	sadd.s32 s8, s5;
	s5 =	sadd.s32 $0xD000, s7  }
0xa: {  	s11 =	ssub.s32 s6, s30;
	s10 =	sadd.s32 s10, s2;
	s6 =	sor.u32 $0x1C01, s31  }
0xb: {  	s9 =	sadd.s32 s4, s7;
	s4 =	sadd.s32 $0xC800, s7;
	s8 =	sshrl.u32 s8, $0x3  }
0xc: {  	s10 =	sshrl.u32 s10, $0x3;
	s8 =	sadd.s32 s8, s7;
	s7 =	sadd.s32 $0x2800, s9  }
0xd: {  	s9 =	smax.u32 s11, $0x1;
	s11 =	simm.s32 $0x1;
	s8 =	sadd.s32 $0xF800, s8  }
.LBB2_1:
0xe: {  	[spmem:s10], [sflag:s6] =	dma.local [hbm:s5], $0x2800  }
0xf: {  	_ =	swait.ge [sflag:s11], $0x2800  }
0x10: {  	[sflag:s11] =	ssyncset.done $0x0  }
0x11: {  	[sflag:s11] =	ssyncadd.s32 $0xFFFFD800  }
0x12: {  	[tilespmem:s3], [sflag:$0x1] =	stream.linear.gather [hbm4b:s7+s3], $0x2800, $0x38;
	[tilespmem:$0x1A800] =	vst v63  }
0x13: {  	_ =	swait.ge [sflag:s11], $0x2800  }
0x14: {  	[sflag:s11] =	ssyncset.done $0x0  }
0x15: {  	[sflag:s11] =	ssyncadd.s32 $0xFFFFD800  }
0x16: {  	[tilespmem:s12], [sflag:$0x1] =	stream.linear.gather [hbm4b:s4+s3], $0x4000, $0x38;
	[tilespmem:$0x1A800] =	vst v63  }
0x17: {  	_ =	swait.ge [sflag:s11], $0x4000  }
0x18: {  	[sflag:s11] =	ssyncset.done $0x0  }
0x19: {  	[sflag:s11] =	ssyncadd.s32 $0xFFFFC000  }
0x1a: {  	s15 =	simm.s32 $0x0;
	[bflag:$0x0] =	sbarrier.arrive $0xFFFF  }
0x1b: {  	[spmem:s2] =	stream.indirect.scatter.add.f32 [tilespmem:s12], [sflag:$0x1], $0x80, s15, s13, $0xb8;
	[tilespmem:$0x1A800] =	vst v63  }
0x1c: {  	_ =	swait.ge [sflag:s11], $0x4000  }
0x1d: {  	s15 =	simm.s32 $0x200;
	[sflag:s11] =	ssyncset.done $0x0  }
.LBB2_2:
0x1e: {  	s16 =	sshra.s32 s15, $0x2;
	[sflag:s11] =	ssyncadd.s32 $0xFFFFC000;
	p0 =	sne.s32 s15, $0x9E00  }
0x1f: {  	[spmem:s2] =	stream.indirect.scatter.add.f32 [tilespmem:s12], [sflag:$0x1], $0x80, s16, s13, $0xb8;
	[tilespmem:$0x1A800] =	vst v63  }
.Ltmp0:
0x20: {  	_ = 	snop;
	(pc) =	sbr.rel @p0 .LBB2_2-.Ltmp0, $4  }
0x21: {  	_ = 	snop  }
0x22: {  	s15 =	sadd.s32 $0x200, s15  }
0x23: {  	_ =	swait.ge [sflag:s11], $0x4000  }
0x24: {  	[sflag:s11] =	ssyncset.done $0x0  }
0x25: {  	s14 =	sadd.s32 $0x1, s14  }
0x26: {  	[sflag:s11] =	ssyncadd.s32 $0xFFFFC000;
	p0 =	sne.s32 s14, s9  }
.Ltmp1:
0x27: {  	[bflag:$0x0] =	sbarrier.arrive $0xFFFF;
	(pc) =	sbr.rel @p0 .LBB2_1-.Ltmp1, $4  }
0x28: {  	[hbm:s8], [sflag:s6] =	dma.local [spmem:s10], $0x2800  }
0x29: {  	_ =	swait.ge [sflag:s11], $0x2800  }
0x2a: {  	[sflag:s11] =	ssyncset.done $0x0  }
0x2b: {  	[sflag:s11] =	ssyncadd.s32 $0xFFFFD800  }
0x2c: {  	_ =	sfence.sel $0x180000  }
0x2d: {  	[bflag:$0x0] =	sbarrier.arrive $0xFFFF  }
0x2e: {  	p0 =	sne.s32 s0, $0x0;
	_ =	strace $0x90000047  }
0x2f: {  	s0 =	sadd.s32 @!p0 $0x100000, s1;
	[bflag:$0x2] =	sbarrier.arrive $0xFFFF  }
0x30: {  	[sflag:s0] =	ssyncadd.tile.s32 @!p0 $0x1;
	_ =	shalt  }
.Lfunc_end2:
_tile_overlayer_lowered:
.L_overlay_start_2:
0x31: {  	(tag) =	ssettag $0x2  }
0x32: {  	s0 =	rddreg [dreg:$0x0];
	s2 =	stileid.u32  }
0x33: {  	s1 =	rddreg [dreg:$0x1];
	p0 =	sne.s32 s2, $0x0  }
0x34: {  	s3 =	rddreg [dreg:$0x2];
	[bflag:$0x3] =	sbarrier.arrive $0xFFFF;
	s2 =	simm.s32 @!p0 $0x1C01  }
0x35: {  	[timem:s3], [sflag:s2] =	dma.local @!p0 [hbm:s0], s1  }
0x36: {  	s0 =	simm.s32 @!p0 $0x1  }
0x37: {  	_ =	swait.ge @!p0 [sflag:s0], s1  }
0x38: {  	s1 =	ssub.s32 @!p0 $0x0, s1;
	[sflag:s0] =	ssyncset.done @!p0 $0x0  }
0x39: {  	[sflag:s0] =	ssyncadd.s32 @!p0 s1  }
0x3a: {  	[bflag:$0x3] =	sbarrier.arrive $0xFFFF  }
0x3b: {  	_ =	shalt  }

</sc_bundles>
